<compile_context>
chip_gen: v7x
topology: tpu7x:2x2x1
jax: 0.10.2.dev20260603
libtpu: 0.0.44.dev20260713+nightly
codegen_flags: <defaults>
</compile_context>

<pallas_src>
import functools

import jax
import jax.numpy as jnp
from jax import lax
from jax.experimental import pallas as pl
from jax.experimental.pallas import tpu as pltpu
from jax.experimental.pallas import tpu_sc as plsc

N = 10000
E = 320000
D = 128
NC = 2
NS = 16
DH = D // NC
C = 100
NB = 4
TILE_EDGES = E // NS
CHUNKS = TILE_EDGES // C
NPAD = 10240
ROWS_PER_TILE = NPAD // NS
ZC = 80
DEGW = 16
BR = 1000



def _make_sc_body(with_deg):
  def body(*refs):
    if with_deg:
        (hw_hbm, src_hbm, dst_hbm, p_hbm, deg_hbm,
         src_idx, dst_idx, rows, zbuf, ones_v, zeros_v,
         acc, dacc, gsem, ssem, isem, dsem) = refs
    else:
        (hw_hbm, src_hbm, dst_hbm, p_hbm,
         src_idx, dst_idx, rows, zbuf,
         acc, gsem, ssem, isem) = refs
    cid = lax.axis_index("c")
    sid = lax.axis_index("s")

    pltpu.async_copy(src_hbm.at[sid], src_idx, isem)
    pltpu.async_copy(dst_hbm.at[sid], dst_idx, isem)

    @pl.loop(0, ZC)
    def _fillz(i):
        for j in range(DH // 16):
            zbuf[i, pl.ds(j * 16, 16)] = jnp.zeros((16,), jnp.float32)

    if with_deg:
        @pl.loop(0, C)
        def _fill1(i):
            ones_v[i, :] = jnp.ones((DEGW,), jnp.float32)

        @pl.loop(0, ZC)
        def _fill0(i):
            zeros_v[i, :] = jnp.zeros((DEGW,), jnp.float32)

    base = sid * ROWS_PER_TILE

    @pl.loop(0, ROWS_PER_TILE // ZC)
    def _zero(k):
        pltpu.sync_copy(zbuf, acc.at[pl.ds(base + k * ZC, ZC)])
        if with_deg:
            pltpu.sync_copy(zeros_v, dacc.at[pl.ds(base + k * ZC, ZC)])

    pltpu.make_async_copy(src_hbm.at[sid], src_idx, isem).wait()
    pltpu.make_async_copy(dst_hbm.at[sid], dst_idx, isem).wait()

    plsc.subcore_barrier()

    hw_half = hw_hbm.at[cid]

    def start_gather(j, b):
        pltpu.async_copy(hw_half.at[src_idx.at[j]], rows.at[b], gsem.at[b])

    def wait_gather(b):
        pltpu.make_async_copy(hw_half.at[src_idx.at[0]], rows.at[b],
                              gsem.at[b]).wait()

    def start_scatter(j, b):
        pltpu.async_copy(rows.at[b], acc.at[dst_idx.at[j]], ssem.at[b],
                         add=True)
        if with_deg:
            @pl.when(cid == 0)
            def _deg():
                pltpu.async_copy(ones_v, dacc.at[dst_idx.at[j]], dsem.at[b],
                                 add=True)

    def wait_scatter(b):
        pltpu.make_async_copy(rows.at[b], acc.at[dst_idx.at[0]],
                              ssem.at[b]).wait()
        if with_deg:
            @pl.when(cid == 0)
            def _deg():
                pltpu.make_async_copy(ones_v, dacc.at[dst_idx.at[0]],
                                      dsem.at[b]).wait()

    for b in range(NB):
        start_gather(b, b)

    @pl.loop(0, CHUNKS - NB, step=NB)
    def _main(j):
        for b in range(NB):
            wait_gather(b)
            start_scatter(j + b, b)
        for b in range(NB):
            wait_scatter(b)
            start_gather(j + NB + b, b)

    for b in range(NB):
        wait_gather(b)
        start_scatter(CHUNKS - NB + b, b)
    for b in range(NB):
        wait_scatter(b)

    plsc.subcore_barrier()
    pltpu.sync_copy(acc.at[pl.ds(base, ROWS_PER_TILE)],
                    p_hbm.at[cid, pl.ds(base, ROWS_PER_TILE)])

    if with_deg:
        @pl.when(cid == 0)
        def _deg_out():
            pltpu.sync_copy(dacc.at[pl.ds(base, ROWS_PER_TILE)],
                            deg_hbm.at[pl.ds(base, ROWS_PER_TILE)])

  return body


@functools.cache
def _get_sc_agg(with_deg):
  out_type = [jax.ShapeDtypeStruct((NC, NPAD, DH), jnp.float32)]
  scratch = [
      pltpu.VMEM((CHUNKS, C), jnp.int32),
      pltpu.VMEM((CHUNKS, C), jnp.int32),
      pltpu.VMEM((NB, C, DH), jnp.float32),
      pltpu.VMEM((ZC, DH), jnp.float32),
  ]
  if with_deg:
      out_type.append(jax.ShapeDtypeStruct((NPAD, DEGW), jnp.float32))
      scratch.append(pltpu.VMEM((C, DEGW), jnp.float32))
      scratch.append(pltpu.VMEM((ZC, DEGW), jnp.float32))
  scratch.append(pltpu.VMEM_SHARED((NPAD, DH), jnp.float32))
  if with_deg:
      scratch.append(pltpu.VMEM_SHARED((NPAD, DEGW), jnp.float32))
  scratch.append(pltpu.SemaphoreType.DMA((NB,)))
  scratch.append(pltpu.SemaphoreType.DMA((NB,)))
  scratch.append(pltpu.SemaphoreType.DMA)
  if with_deg:
      scratch.append(pltpu.SemaphoreType.DMA((NB,)))
  return pl.kernel(
      _make_sc_body(with_deg),
      out_type=tuple(out_type) if with_deg else out_type[0],
      mesh=plsc.VectorSubcoreMesh(core_axis_name="c", subcore_axis_name="s",
                                  num_cores=NC, num_subcores=NS),
      compiler_params=pltpu.CompilerParams(use_tc_tiling_on_sc=False),
      scratch_types=scratch,
  )



def _dot_t(a, w):
    return lax.dot_general(a, w, (((1,), (1,)), ((), ())),
                           preferred_element_type=jnp.float32)


def _split_store(hw_ref, t):
    hw_ref[0] = t[:, :DH]
    hw_ref[1] = t[:, DH:]


def _emb_body(x_ref, wemb_ref, bemb_ref, wl_ref, h_ref, hw_ref):
    h = _dot_t(x_ref[...], wemb_ref[...]) + bemb_ref[...]
    h_ref[...] = h
    _split_store(hw_ref, _dot_t(h, wl_ref[...]))


_emb = pl.pallas_call(
    _emb_body,
    grid=(N // BR,),
    in_specs=[pl.BlockSpec((BR, D), lambda i: (i, 0)),
              pl.BlockSpec((D, D), lambda i: (0, 0)),
              pl.BlockSpec((1, D), lambda i: (0, 0)),
              pl.BlockSpec((D, D), lambda i: (0, 0))],
    out_specs=[pl.BlockSpec((BR, D), lambda i: (i, 0)),
               pl.BlockSpec((NC, BR, DH), lambda i: (0, i, 0))],
    out_shape=[jax.ShapeDtypeStruct((N, D), jnp.float32),
               jax.ShapeDtypeStruct((NC, N, DH), jnp.float32)],
)


def _make_combine(with_relu, with_next):
    def body(*refs):
        if with_next:
            (p_ref, d_ref, h_ref, wr_ref, bl_ref, wl_ref,
             out_ref, hw_ref) = refs
        else:
            p_ref, d_ref, h_ref, wr_ref, bl_ref, out_ref = refs
        deg = d_ref[:, 0]
        scale = 1.0 / jnp.maximum(deg, 1.0)
        agg = jnp.concatenate([p_ref[0], p_ref[1]], axis=1)
        t = agg * scale[:, None]
        t = t + _dot_t(h_ref[...], wr_ref[...]) + bl_ref[...]
        if with_relu:
            t = jnp.maximum(t, 0.0)
        out_ref[...] = t
        if with_next:
            _split_store(hw_ref, _dot_t(t, wl_ref[...]))

    in_specs = [pl.BlockSpec((NC, BR, DH), lambda i: (0, i, 0)),
                pl.BlockSpec((BR, DEGW), lambda i: (i, 0)),
                pl.BlockSpec((BR, D), lambda i: (i, 0)),
                pl.BlockSpec((D, D), lambda i: (0, 0)),
                pl.BlockSpec((1, D), lambda i: (0, 0))]
    out_specs = [pl.BlockSpec((BR, D), lambda i: (i, 0))]
    out_shape = [jax.ShapeDtypeStruct((N, D), jnp.float32)]
    if with_next:
        in_specs.append(pl.BlockSpec((D, D), lambda i: (0, 0)))
        out_specs = out_specs + [pl.BlockSpec((NC, BR, DH), lambda i: (0, i, 0))]
        out_shape = out_shape + [jax.ShapeDtypeStruct((NC, N, DH), jnp.float32)]
    return pl.pallas_call(
        body, grid=(N // BR,),
        in_specs=in_specs, out_specs=out_specs, out_shape=out_shape)


_combine_next = _make_combine(True, True)
_combine_last = _make_combine(False, False)


def kernel(x, edge_index, W_emb, b_emb, Wl0, bl0, Wr0, Wl1, bl1, Wr1, Wl2, bl2, Wr2):
    src2 = edge_index[0].reshape(NS, CHUNKS, C)
    dst2 = edge_index[1].reshape(NS, CHUNKS, C)
    b_emb2 = b_emb.reshape(1, D)
    bl0_2 = bl0.reshape(1, D)
    bl1_2 = bl1.reshape(1, D)
    bl2_2 = bl2.reshape(1, D)

    sc_deg = _get_sc_agg(True)
    sc_plain = _get_sc_agg(False)
    h0, hw0 = _emb(x, W_emb, b_emb2, Wl0)
    p, degp = sc_deg(hw0, src2, dst2)
    h1, hw1 = _combine_next(p, degp, h0, Wr0, bl0_2, Wl1)
    p = sc_plain(hw1, src2, dst2)
    h2, hw2 = _combine_next(p, degp, h1, Wr1, bl1_2, Wl2)
    p = sc_plain(hw2, src2, dst2)
    out, = _combine_last(p, degp, h2, Wr2, bl2_2)
    return out

# --- scband reference (transcript-rebuilt; emitter-appended) ---
"""Pipeline reference for scband-graph-sage-81423989997900 (READ-ONLY COPY).

The authoritative reference and input builder live on the scoring server;
editing this copy changes nothing except your own understanding.
"""

import jax, jax.numpy as jnp
import numpy as np

N = 10000
E = 320000
D = 128


def setup_inputs(seed: int = 0) -> dict:
    key = jax.random.key(seed)
    ks = jax.random.split(key, 16)
    inp = {}
    inp["x"] = jax.random.normal(ks[0], (N, D), dtype=jnp.float32)
    inp["edge_index"] = jax.random.randint(ks[1], (2, E), 0, N, dtype=jnp.int32)
    # node_embedding Linear(in_channels=128, hidden=128)
    inp["W_emb"] = jax.random.normal(ks[2], (D, D), dtype=jnp.float32) * 0.05
    inp["b_emb"] = jax.random.normal(ks[3], (D,), dtype=jnp.float32) * 0.05
    # 3 SAGEConv layers: lin_l (with bias) applied to mean-aggregated neighbors, lin_r (no bias) applied to root
    inp["Wl0"] = jax.random.normal(ks[4], (D, D), dtype=jnp.float32) * 0.05
    inp["bl0"] = jax.random.normal(ks[5], (D,), dtype=jnp.float32) * 0.05
    inp["Wr0"] = jax.random.normal(ks[6], (D, D), dtype=jnp.float32) * 0.05
    inp["Wl1"] = jax.random.normal(ks[7], (D, D), dtype=jnp.float32) * 0.05
    inp["bl1"] = jax.random.normal(ks[8], (D,), dtype=jnp.float32) * 0.05
    inp["Wr1"] = jax.random.normal(ks[9], (D, D), dtype=jnp.float32) * 0.05
    inp["Wl2"] = jax.random.normal(ks[10], (D, D), dtype=jnp.float32) * 0.05
    inp["bl2"] = jax.random.normal(ks[11], (D,), dtype=jnp.float32) * 0.05
    inp["Wr2"] = jax.random.normal(ks[12], (D, D), dtype=jnp.float32) * 0.05
    return inp


def _sage_conv(x, edge_index, Wl, bl, Wr):
    src = edge_index[0]
    dst = edge_index[1]
    msg = jnp.take(x, src, axis=0)                      # gather source node features
    agg = jax.ops.segment_sum(msg, dst, num_segments=x.shape[0])  # scatter-add to dst
    deg = jax.ops.segment_sum(jnp.ones((edge_index.shape[1],), x.dtype), dst,
                              num_segments=x.shape[0])
    mean = agg / jnp.maximum(deg, 1.0)[:, None]
    return mean @ Wl.T + bl + x @ Wr.T


def reference(x, edge_index, W_emb, b_emb, Wl0, bl0, Wr0, Wl1, bl1, Wr1, Wl2, bl2, Wr2):
    # node_embedding
    h = x @ W_emb.T + b_emb
    # layer 0 (relu; dropout is identity in eval mode)
    h = _sage_conv(h, edge_index, Wl0, bl0, Wr0)
    h = jax.nn.relu(h)
    # layer 1
    h = _sage_conv(h, edge_index, Wl1, bl1, Wr1)
    h = jax.nn.relu(h)
    # layer 2 (output layer, no activation)
    h = _sage_conv(h, edge_index, Wl2, bl2, Wr2)
    return h

if __name__ == "__main__":
    import jax
    _d = setup_inputs()
    print(jax.jit(kernel)(*tuple(_d.values())))

</pallas_src>

<mosaic_0001>
#map = affine_map<(d0, d1) -> (0, 0, 0)>
#map1 = affine_map<(d0, d1) -> (0, 0)>
module attributes {stable_mosaic.version = 14 : i64} {
  func.func @body(%arg0: i32, %arg1: i32, %arg2: memref<2x10000x64xf32, #tpu.memory_space<hbm>>, %arg3: memref<16x200x100xi32, #tpu.memory_space<hbm>>, %arg4: memref<16x200x100xi32, #tpu.memory_space<hbm>>, %arg5: memref<2x10240x64xf32, #tpu.memory_space<hbm>>, %arg6: memref<10240x16xf32, #tpu.memory_space<hbm>>, %arg7: memref<200x100xi32, #tpu.memory_space<vmem>>, %arg8: memref<200x100xi32, #tpu.memory_space<vmem>>, %arg9: memref<4x100x64xf32, #tpu.memory_space<vmem>>, %arg10: memref<80x64xf32, #tpu.memory_space<vmem>>, %arg11: memref<100x16xf32, #tpu.memory_space<vmem>>, %arg12: memref<80x16xf32, #tpu.memory_space<vmem>>, %arg13: memref<10240x64xf32, #tpu.memory_space<vmem_shared>>, %arg14: memref<10240x16xf32, #tpu.memory_space<vmem_shared>>, %arg15: memref<4x!tpu.dma_semaphore, #tpu.memory_space<semaphore_mem>>, %arg16: memref<4x!tpu.dma_semaphore, #tpu.memory_space<semaphore_mem>>, %arg17: memref<!tpu.dma_semaphore, #tpu.memory_space<semaphore_mem>>, %arg18: memref<4x!tpu.dma_semaphore, #tpu.memory_space<semaphore_mem>>) attributes {dimension_semantics = [#tpu.dimension_semantics<core_parallel>, #tpu.dimension_semantics<subcore_parallel>], iteration_bounds = array<i64: 2, 16>, scalar_prefetch = 0 : i64, scratch_operands = 12 : i64, tpu.core_type = #tpu.core_type<sc_vector_subcore>, window_params = [{transform_indices = #map}, {transform_indices = #map}, {transform_indices = #map}, {transform_indices = #map}, {transform_indices = #map1}]} {
    %dma_start3A = arith.constant 0 : i32
    %dma_start3A_0 = arith.constant 0 : i32
    %dma_start3A_1 = tpu.memref_slice %arg3[%arg1, %dma_start3A, %dma_start3A_0] : memref<16x200x100xi32, #tpu.memory_space<hbm>> -> memref<1x200x100xi32, #tpu.memory_space<hbm>>
    %dma_start3A_2 = tpu.memref_squeeze %dma_start3A_1 : memref<1x200x100xi32, #tpu.memory_space<hbm>> -> memref<200x100xi32, #tpu.memory_space<hbm>>
    %dma_start3A_3 = arith.constant 0 : i32
    %dma_start3A_4 = arith.constant 0 : i32
    %dma_start3A_5 = tpu.memref_slice %arg3[%arg1, %dma_start3A_3, %dma_start3A_4] : memref<16x200x100xi32, #tpu.memory_space<hbm>> -> memref<1x200x100xi32, #tpu.memory_space<hbm>>
    %dma_start3A_6 = tpu.memref_squeeze %dma_start3A_5 : memref<1x200x100xi32, #tpu.memory_space<hbm>> -> memref<200x100xi32, #tpu.memory_space<hbm>>
    tpu.enqueue_dma source(%dma_start3A_6 : memref<200x100xi32, #tpu.memory_space<hbm>>) target(%arg7 : memref<200x100xi32, #tpu.memory_space<vmem>>) target_semaphore(%arg17 : memref<!tpu.dma_semaphore, #tpu.memory_space<semaphore_mem>>)
    %dma_start3A_7 = arith.constant 0 : i32
    %dma_start3A_8 = arith.constant 0 : i32
    %dma_start3A_9 = tpu.memref_slice %arg4[%arg1, %dma_start3A_7, %dma_start3A_8] : memref<16x200x100xi32, #tpu.memory_space<hbm>> -> memref<1x200x100xi32, #tpu.memory_space<hbm>>
    %dma_start3A_10 = tpu.memref_squeeze %dma_start3A_9 : memref<1x200x100xi32, #tpu.memory_space<hbm>> -> memref<200x100xi32, #tpu.memory_space<hbm>>
    %dma_start3A_11 = arith.constant 0 : i32
    %dma_start3A_12 = arith.constant 0 : i32
    %dma_start3A_13 = tpu.memref_slice %arg4[%arg1, %dma_start3A_11, %dma_start3A_12] : memref<16x200x100xi32, #tpu.memory_space<hbm>> -> memref<1x200x100xi32, #tpu.memory_space<hbm>>
    %dma_start3A_14 = tpu.memref_squeeze %dma_start3A_13 : memref<1x200x100xi32, #tpu.memory_space<hbm>> -> memref<200x100xi32, #tpu.memory_space<hbm>>
    tpu.enqueue_dma source(%dma_start3A_14 : memref<200x100xi32, #tpu.memory_space<hbm>>) target(%arg8 : memref<200x100xi32, #tpu.memory_space<vmem>>) target_semaphore(%arg17 : memref<!tpu.dma_semaphore, #tpu.memory_space<semaphore_mem>>)
    %scan3A = arith.constant 0 : i32
    %scan3A_15 = arith.constant 80 : i32
    %scan3A_16 = arith.addi %scan3A, %scan3A_15 : i32
    %scan3A_17 = arith.constant 1 : i32
    scf.for %scan3A_370 = %scan3A to %scan3A_16 step %scan3A_17  : i32 {
      %mul3A_371 = arith.constant 1 : i32
      %mul3A_372 = arith.muli %scan3A_370, %mul3A_371 : i32
      %add3A = arith.constant 0 : i32
      %add3A_373 = arith.addi %add3A, %mul3A_372 : i32
      %broadcast_in_dim3A = arith.constant 0.000000e+00 : f32
      %broadcast_in_dim3A_374 = vector.broadcast %broadcast_in_dim3A : f32 to vector<16xf32>
      %swap3A = arith.index_cast %add3A_373 : i32 to index
      %swap3A_375 = arith.constant 0 : index
      %swap3A_376 = tpu.vector_load %arg10[%swap3A, %swap3A_375] {strides = array<i32>} : memref<80x64xf32, #tpu.memory_space<vmem>>, vector<1x16xf32>,
      %swap3A_377 = vector.shape_cast %swap3A_376 : vector<1x16xf32> to vector<16xf32>
      %swap3A_378 = vector.shape_cast %broadcast_in_dim3A_374 : vector<16xf32> to vector<1x16xf32>
      tpu.vector_store %arg10[%swap3A, %swap3A_375], %swap3A_378 {strides = array<i32>} : memref<80x64xf32, #tpu.memory_space<vmem>>, vector<1x16xf32>,
      %broadcast_in_dim3A_379 = arith.constant 0.000000e+00 : f32
      %broadcast_in_dim3A_380 = vector.broadcast %broadcast_in_dim3A_379 : f32 to vector<16xf32>
      %swap3A_381 = arith.index_cast %add3A_373 : i32 to index
      %swap3A_382 = arith.constant 16 : index
      %swap3A_383 = tpu.vector_load %arg10[%swap3A_381, %swap3A_382] {strides = array<i32>} : memref<80x64xf32, #tpu.memory_space<vmem>>, vector<1x16xf32>,
      %swap3A_384 = vector.shape_cast %swap3A_383 : vector<1x16xf32> to vector<16xf32>
      %swap3A_385 = vector.shape_cast %broadcast_in_dim3A_380 : vector<16xf32> to vector<1x16xf32>
      tpu.vector_store %arg10[%swap3A_381, %swap3A_382], %swap3A_385 {strides = array<i32>} : memref<80x64xf32, #tpu.memory_space<vmem>>, vector<1x16xf32>,
      %broadcast_in_dim3A_386 = arith.constant 0.000000e+00 : f32
      %broadcast_in_dim3A_387 = vector.broadcast %broadcast_in_dim3A_386 : f32 to vector<16xf32>
      %swap3A_388 = arith.index_cast %add3A_373 : i32 to index
      %swap3A_389 = arith.constant 32 : index
      %swap3A_390 = tpu.vector_load %arg10[%swap3A_388, %swap3A_389] {strides = array<i32>} : memref<80x64xf32, #tpu.memory_space<vmem>>, vector<1x16xf32>,
      %swap3A_391 = vector.shape_cast %swap3A_390 : vector<1x16xf32> to vector<16xf32>
      %swap3A_392 = vector.shape_cast %broadcast_in_dim3A_387 : vector<16xf32> to vector<1x16xf32>
      tpu.vector_store %arg10[%swap3A_388, %swap3A_389], %swap3A_392 {strides = array<i32>} : memref<80x64xf32, #tpu.memory_space<vmem>>, vector<1x16xf32>,
      %broadcast_in_dim3A_393 = arith.constant 0.000000e+00 : f32
      %broadcast_in_dim3A_394 = vector.broadcast %broadcast_in_dim3A_393 : f32 to vector<16xf32>
      %swap3A_395 = arith.index_cast %add3A_373 : i32 to index
      %swap3A_396 = arith.constant 48 : index
      %swap3A_397 = tpu.vector_load %arg10[%swap3A_395, %swap3A_396] {strides = array<i32>} : memref<80x64xf32, #tpu.memory_space<vmem>>, vector<1x16xf32>,
      %swap3A_398 = vector.shape_cast %swap3A_397 : vector<1x16xf32> to vector<16xf32>
      %swap3A_399 = vector.shape_cast %broadcast_in_dim3A_394 : vector<16xf32> to vector<1x16xf32>
      tpu.vector_store %arg10[%swap3A_395, %swap3A_396], %swap3A_399 {strides = array<i32>} : memref<80x64xf32, #tpu.memory_space<vmem>>, vector<1x16xf32>,
    }
    %scan3A_18 = arith.constant 80 : i32
    %scan3A_19 = arith.constant 0 : i32
    %scan3A_20 = arith.constant 100 : i32
    %scan3A_21 = arith.addi %scan3A_19, %scan3A_20 : i32
    %scan3A_22 = arith.constant 1 : i32
    scf.for %scan3A_370 = %scan3A_19 to %scan3A_21 step %scan3A_22  : i32 {
      %mul3A_371 = arith.constant 1 : i32
      %mul3A_372 = arith.muli %scan3A_370, %mul3A_371 : i32
      %add3A = arith.constant 0 : i32
      %add3A_373 = arith.addi %add3A, %mul3A_372 : i32
      %broadcast_in_dim3A = arith.constant 1.000000e+00 : f32
      %broadcast_in_dim3A_374 = vector.broadcast %broadcast_in_dim3A : f32 to vector<16xf32>
      %swap3A = arith.index_cast %add3A_373 : i32 to index
      %swap3A_375 = arith.constant 0 : index
      %swap3A_376 = tpu.vector_load %arg11[%swap3A, %swap3A_375] {strides = array<i32>} : memref<100x16xf32, #tpu.memory_space<vmem>>, vector<1x16xf32>,
      %swap3A_377 = vector.shape_cast %swap3A_376 : vector<1x16xf32> to vector<16xf32>
      %swap3A_378 = vector.shape_cast %broadcast_in_dim3A_374 : vector<16xf32> to vector<1x16xf32>
      tpu.vector_store %arg11[%swap3A, %swap3A_375], %swap3A_378 {strides = array<i32>} : memref<100x16xf32, #tpu.memory_space<vmem>>, vector<1x16xf32>,
    }
    %scan3A_23 = arith.constant 100 : i32
    %scan3A_24 = arith.constant 0 : i32
    %scan3A_25 = arith.constant 80 : i32
    %scan3A_26 = arith.addi %scan3A_24, %scan3A_25 : i32
    %scan3A_27 = arith.constant 1 : i32
    scf.for %scan3A_370 = %scan3A_24 to %scan3A_26 step %scan3A_27  : i32 {
      %mul3A_371 = arith.constant 1 : i32
      %mul3A_372 = arith.muli %scan3A_370, %mul3A_371 : i32
      %add3A = arith.constant 0 : i32
      %add3A_373 = arith.addi %add3A, %mul3A_372 : i32
      %broadcast_in_dim3A = arith.constant 0.000000e+00 : f32
      %broadcast_in_dim3A_374 = vector.broadcast %broadcast_in_dim3A : f32 to vector<16xf32>
      %swap3A = arith.index_cast %add3A_373 : i32 to index
      %swap3A_375 = arith.constant 0 : index
      %swap3A_376 = tpu.vector_load %arg12[%swap3A, %swap3A_375] {strides = array<i32>} : memref<80x16xf32, #tpu.memory_space<vmem>>, vector<1x16xf32>,
      %swap3A_377 = vector.shape_cast %swap3A_376 : vector<1x16xf32> to vector<16xf32>
      %swap3A_378 = vector.shape_cast %broadcast_in_dim3A_374 : vector<16xf32> to vector<1x16xf32>
      tpu.vector_store %arg12[%swap3A, %swap3A_375], %swap3A_378 {strides = array<i32>} : memref<80x16xf32, #tpu.memory_space<vmem>>, vector<1x16xf32>,
    }
    %scan3A_28 = arith.constant 80 : i32
    %mul3A = arith.constant 640 : i32
    %mul3A_29 = arith.muli %arg1, %mul3A : i32
    %scan3A_30 = arith.constant 0 : i32
    %scan3A_31 = arith.constant 8 : i32
    %scan3A_32 = arith.addi %scan3A_30, %scan3A_31 : i32
    %scan3A_33 = arith.constant 1 : i32
    scf.for %scan3A_370 = %scan3A_30 to %scan3A_32 step %scan3A_33  : i32 {
      %mul3A_371 = arith.constant 1 : i32
      %mul3A_372 = arith.muli %scan3A_370, %mul3A_371 : i32
      %add3A = arith.constant 0 : i32
      %add3A_373 = arith.addi %add3A, %mul3A_372 : i32
      %mul3A_374 = arith.constant 80 : i32
      %mul3A_375 = arith.muli %add3A_373, %mul3A_374 : i32
      %add3A_376 = arith.addi %mul3A_29, %mul3A_375 : i32
      "tpu.region"() ({
        %run_scoped3A = tpu.sem_alloc : memref<!tpu.dma_semaphore, #tpu.memory_space<semaphore_mem>>
        %dma_start3A_380 = arith.constant 0 : i32
        %dma_start3A_381 = tpu.memref_slice %arg13[%add3A_376, %dma_start3A_380] : memref<10240x64xf32, #tpu.memory_space<vmem_shared>> -> memref<80x64xf32, #tpu.memory_space<vmem_shared>>
        %dma_start3A_382 = arith.constant 0 : i32
        %dma_start3A_383 = tpu.memref_slice %arg13[%add3A_376, %dma_start3A_382] : memref<10240x64xf32, #tpu.memory_space<vmem_shared>> -> memref<80x64xf32, #tpu.memory_space<vmem_shared>>
        tpu.enqueue_dma source(%arg10 : memref<80x64xf32, #tpu.memory_space<vmem>>) target(%dma_start3A_383 : memref<80x64xf32, #tpu.memory_space<vmem_shared>>) target_semaphore(%run_scoped3A : memref<!tpu.dma_semaphore, #tpu.memory_space<semaphore_mem>>)
        %dma_wait3A_384 = arith.constant 0 : i32
        %dma_wait3A_385 = tpu.memref_slice %arg13[%add3A_376, %dma_wait3A_384] : memref<10240x64xf32, #tpu.memory_space<vmem_shared>> -> memref<80x64xf32, #tpu.memory_space<vmem_shared>>
        %dma_wait3A_386 = arith.constant 0 : i32
        %dma_wait3A_387 = tpu.memref_slice %arg13[%add3A_376, %dma_wait3A_386] : memref<10240x64xf32, #tpu.memory_space<vmem_shared>> -> memref<80x64xf32, #tpu.memory_space<vmem_shared>>
        tpu.wait_dma2 semaphore(%run_scoped3A : memref<!tpu.dma_semaphore, #tpu.memory_space<semaphore_mem>>) src(%arg10 : memref<80x64xf32, #tpu.memory_space<vmem>>) dst(%dma_wait3A_387 : memref<80x64xf32, #tpu.memory_space<vmem_shared>>)
        tpu.yield
      }) : () -> ()
      %mul3A_377 = arith.constant 80 : i32
      %mul3A_378 = arith.muli %add3A_373, %mul3A_377 : i32
      %add3A_379 = arith.addi %mul3A_29, %mul3A_378 : i32
      "tpu.region"() ({
        %run_scoped3A = tpu.sem_alloc : memref<!tpu.dma_semaphore, #tpu.memory_space<semaphore_mem>>
        %dma_start3A_380 = arith.constant 0 : i32
        %dma_start3A_381 = tpu.memref_slice %arg14[%add3A_379, %dma_start3A_380] : memref<10240x16xf32, #tpu.memory_space<vmem_shared>> -> memref<80x16xf32, #tpu.memory_space<vmem_shared>>
        %dma_start3A_382 = arith.constant 0 : i32
        %dma_start3A_383 = tpu.memref_slice %arg14[%add3A_379, %dma_start3A_382] : memref<10240x16xf32, #tpu.memory_space<vmem_shared>> -> memref<80x16xf32, #tpu.memory_space<vmem_shared>>
        tpu.enqueue_dma source(%arg12 : memref<80x16xf32, #tpu.memory_space<vmem>>) target(%dma_start3A_383 : memref<80x16xf32, #tpu.memory_space<vmem_shared>>) target_semaphore(%run_scoped3A : memref<!tpu.dma_semaphore, #tpu.memory_space<semaphore_mem>>)
        %dma_wait3A_384 = arith.constant 0 : i32
        %dma_wait3A_385 = tpu.memref_slice %arg14[%add3A_379, %dma_wait3A_384] : memref<10240x16xf32, #tpu.memory_space<vmem_shared>> -> memref<80x16xf32, #tpu.memory_space<vmem_shared>>
        %dma_wait3A_386 = arith.constant 0 : i32
        %dma_wait3A_387 = tpu.memref_slice %arg14[%add3A_379, %dma_wait3A_386] : memref<10240x16xf32, #tpu.memory_space<vmem_shared>> -> memref<80x16xf32, #tpu.memory_space<vmem_shared>>
        tpu.wait_dma2 semaphore(%run_scoped3A : memref<!tpu.dma_semaphore, #tpu.memory_space<semaphore_mem>>) src(%arg12 : memref<80x16xf32, #tpu.memory_space<vmem>>) dst(%dma_wait3A_387 : memref<80x16xf32, #tpu.memory_space<vmem_shared>>)
        tpu.yield
      }) : () -> ()
    }
    %scan3A_34 = arith.constant 8 : i32
    %dma_wait3A = arith.constant 0 : i32
    %dma_wait3A_35 = arith.constant 0 : i32
    %dma_wait3A_36 = tpu.memref_slice %arg3[%arg1, %dma_wait3A, %dma_wait3A_35] : memref<16x200x100xi32, #tpu.memory_space<hbm>> -> memref<1x200x100xi32, #tpu.memory_space<hbm>>
    %dma_wait3A_37 = tpu.memref_squeeze %dma_wait3A_36 : memref<1x200x100xi32, #tpu.memory_space<hbm>> -> memref<200x100xi32, #tpu.memory_space<hbm>>
    %dma_wait3A_38 = arith.constant 0 : i32
    %dma_wait3A_39 = arith.constant 0 : i32
    %dma_wait3A_40 = tpu.memref_slice %arg3[%arg1, %dma_wait3A_38, %dma_wait3A_39] : memref<16x200x100xi32, #tpu.memory_space<hbm>> -> memref<1x200x100xi32, #tpu.memory_space<hbm>>
    %dma_wait3A_41 = tpu.memref_squeeze %dma_wait3A_40 : memref<1x200x100xi32, #tpu.memory_space<hbm>> -> memref<200x100xi32, #tpu.memory_space<hbm>>
    tpu.wait_dma2 semaphore(%arg17 : memref<!tpu.dma_semaphore, #tpu.memory_space<semaphore_mem>>) src(%dma_wait3A_41 : memref<200x100xi32, #tpu.memory_space<hbm>>) dst(%arg7 : memref<200x100xi32, #tpu.memory_space<vmem>>)
    %dma_wait3A_42 = arith.constant 0 : i32
    %dma_wait3A_43 = arith.constant 0 : i32
    %dma_wait3A_44 = tpu.memref_slice %arg4[%arg1, %dma_wait3A_42, %dma_wait3A_43] : memref<16x200x100xi32, #tpu.memory_space<hbm>> -> memref<1x200x100xi32, #tpu.memory_space<hbm>>
    %dma_wait3A_45 = tpu.memref_squeeze %dma_wait3A_44 : memref<1x200x100xi32, #tpu.memory_space<hbm>> -> memref<200x100xi32, #tpu.memory_space<hbm>>
    %dma_wait3A_46 = arith.constant 0 : i32
    %dma_wait3A_47 = arith.constant 0 : i32
    %dma_wait3A_48 = tpu.memref_slice %arg4[%arg1, %dma_wait3A_46, %dma_wait3A_47] : memref<16x200x100xi32, #tpu.memory_space<hbm>> -> memref<1x200x100xi32, #tpu.memory_space<hbm>>
    %dma_wait3A_49 = tpu.memref_squeeze %dma_wait3A_48 : memref<1x200x100xi32, #tpu.memory_space<hbm>> -> memref<200x100xi32, #tpu.memory_space<hbm>>
    tpu.wait_dma2 semaphore(%arg17 : memref<!tpu.dma_semaphore, #tpu.memory_space<semaphore_mem>>) src(%dma_wait3A_49 : memref<200x100xi32, #tpu.memory_space<hbm>>) dst(%arg8 : memref<200x100xi32, #tpu.memory_space<vmem>>)
    %barrier3A = arith.constant 0 : index
    tpu.barrier barrier_id(%barrier3A)
    %dma_start3A_50 = arith.constant 0 : i32
    %dma_start3A_51 = arith.constant 0 : i32
    %dma_start3A_52 = arith.constant 0 : i32
    %dma_start3A_53 = arith.constant 0 : i32
    %dma_start3A_54 = arith.constant 0 : i32
    %dma_start3A_55 = tpu.memref_slice %arg9[%dma_start3A_51, %dma_start3A_53, %dma_start3A_54] : memref<4x100x64xf32, #tpu.memory_space<vmem>> -> memref<1x100x64xf32, #tpu.memory_space<vmem>>
    %dma_start3A_56 = tpu.memref_squeeze %dma_start3A_55 : memref<1x100x64xf32, #tpu.memory_space<vmem>> -> memref<100x64xf32, #tpu.memory_space<vmem>>
    %dma_start3A_57 = arith.constant 0 : i32
    %dma_start3A_58 = tpu.memref_slice %arg7[%dma_start3A_50, %dma_start3A_57] : memref<200x100xi32, #tpu.memory_space<vmem>> -> memref<1x100xi32, #tpu.memory_space<vmem>>
    %dma_start3A_59 = tpu.memref_squeeze %dma_start3A_58 : memref<1x100xi32, #tpu.memory_space<vmem>> -> memref<100xi32, #tpu.memory_space<vmem>>
    %dma_start3A_60 = arith.constant 0 : i32
    %dma_start3A_61 = arith.constant 0 : i32
    %dma_start3A_62 = tpu.memref_slice %arg2[%arg0, %dma_start3A_60, %dma_start3A_61] : memref<2x10000x64xf32, #tpu.memory_space<hbm>> -> memref<1x10000x64xf32, #tpu.memory_space<hbm>>
    %dma_start3A_63 = tpu.memref_squeeze %dma_start3A_62 : memref<1x10000x64xf32, #tpu.memory_space<hbm>> -> memref<10000x64xf32, #tpu.memory_space<hbm>>
    %dma_start3A_64 = arith.constant 0 : i32
    %dma_start3A_65 = arith.constant 0 : i32
    %dma_start3A_66 = tpu.memref_slice %dma_start3A_63[%dma_start3A_64, %dma_start3A_65] : memref<10000x64xf32, #tpu.memory_space<hbm>> -> memref<10000x64xf32, #tpu.memory_space<hbm>>
    %dma_start3A_67 = tpu.memref_slice %arg15[%dma_start3A_52] : memref<4x!tpu.dma_semaphore, #tpu.memory_space<semaphore_mem>> -> memref<1x!tpu.dma_semaphore, #tpu.memory_space<semaphore_mem>>
    %dma_start3A_68 = tpu.memref_squeeze %dma_start3A_67 : memref<1x!tpu.dma_semaphore, #tpu.memory_space<semaphore_mem>> -> memref<!tpu.dma_semaphore, #tpu.memory_space<semaphore_mem>>
    tpu.enqueue_indirect_dma source(%dma_start3A_66 : memref<10000x64xf32, #tpu.memory_space<hbm>>) target(%dma_start3A_56 : memref<100x64xf32, #tpu.memory_space<vmem>>) offsets(%dma_start3A_59 : memref<100xi32, #tpu.memory_space<vmem>>) semaphore(%dma_start3A_68 : memref<!tpu.dma_semaphore, #tpu.memory_space<semaphore_mem>>)
    %dma_start3A_69 = arith.constant 1 : i32
    %dma_start3A_70 = arith.constant 1 : i32
    %dma_start3A_71 = arith.constant 1 : i32
    %dma_start3A_72 = arith.constant 0 : i32
    %dma_start3A_73 = arith.constant 0 : i32
    %dma_start3A_74 = tpu.memref_slice %arg9[%dma_start3A_70, %dma_start3A_72, %dma_start3A_73] : memref<4x100x64xf32, #tpu.memory_space<vmem>> -> memref<1x100x64xf32, #tpu.memory_space<vmem>>
    %dma_start3A_75 = tpu.memref_squeeze %dma_start3A_74 : memref<1x100x64xf32, #tpu.memory_space<vmem>> -> memref<100x64xf32, #tpu.memory_space<vmem>>
    %dma_start3A_76 = arith.constant 0 : i32
    %dma_start3A_77 = tpu.memref_slice %arg7[%dma_start3A_69, %dma_start3A_76] : memref<200x100xi32, #tpu.memory_space<vmem>> -> memref<1x100xi32, #tpu.memory_space<vmem>>
    %dma_start3A_78 = tpu.memref_squeeze %dma_start3A_77 : memref<1x100xi32, #tpu.memory_space<vmem>> -> memref<100xi32, #tpu.memory_space<vmem>>
    %dma_start3A_79 = arith.constant 0 : i32
    %dma_start3A_80 = arith.constant 0 : i32
    %dma_start3A_81 = tpu.memref_slice %arg2[%arg0, %dma_start3A_79, %dma_start3A_80] : memref<2x10000x64xf32, #tpu.memory_space<hbm>> -> memref<1x10000x64xf32, #tpu.memory_space<hbm>>
    %dma_start3A_82 = tpu.memref_squeeze %dma_start3A_81 : memref<1x10000x64xf32, #tpu.memory_space<hbm>> -> memref<10000x64xf32, #tpu.memory_space<hbm>>
    %dma_start3A_83 = arith.constant 0 : i32
    %dma_start3A_84 = arith.constant 0 : i32
    %dma_start3A_85 = tpu.memref_slice %dma_start3A_82[%dma_start3A_83, %dma_start3A_84] : memref<10000x64xf32, #tpu.memory_space<hbm>> -> memref<10000x64xf32, #tpu.memory_space<hbm>>
    %dma_start3A_86 = tpu.memref_slice %arg15[%dma_start3A_71] : memref<4x!tpu.dma_semaphore, #tpu.memory_space<semaphore_mem>> -> memref<1x!tpu.dma_semaphore, #tpu.memory_space<semaphore_mem>>
    %dma_start3A_87 = tpu.memref_squeeze %dma_start3A_86 : memref<1x!tpu.dma_semaphore, #tpu.memory_space<semaphore_mem>> -> memref<!tpu.dma_semaphore, #tpu.memory_space<semaphore_mem>>
    tpu.enqueue_indirect_dma source(%dma_start3A_85 : memref<10000x64xf32, #tpu.memory_space<hbm>>) target(%dma_start3A_75 : memref<100x64xf32, #tpu.memory_space<vmem>>) offsets(%dma_start3A_78 : memref<100xi32, #tpu.memory_space<vmem>>) semaphore(%dma_start3A_87 : memref<!tpu.dma_semaphore, #tpu.memory_space<semaphore_mem>>)
    %dma_start3A_88 = arith.constant 2 : i32
    %dma_start3A_89 = arith.constant 2 : i32
    %dma_start3A_90 = arith.constant 2 : i32
    %dma_start3A_91 = arith.constant 0 : i32
    %dma_start3A_92 = arith.constant 0 : i32
    %dma_start3A_93 = tpu.memref_slice %arg9[%dma_start3A_89, %dma_start3A_91, %dma_start3A_92] : memref<4x100x64xf32, #tpu.memory_space<vmem>> -> memref<1x100x64xf32, #tpu.memory_space<vmem>>
    %dma_start3A_94 = tpu.memref_squeeze %dma_start3A_93 : memref<1x100x64xf32, #tpu.memory_space<vmem>> -> memref<100x64xf32, #tpu.memory_space<vmem>>
    %dma_start3A_95 = arith.constant 0 : i32
    %dma_start3A_96 = tpu.memref_slice %arg7[%dma_start3A_88, %dma_start3A_95] : memref<200x100xi32, #tpu.memory_space<vmem>> -> memref<1x100xi32, #tpu.memory_space<vmem>>
    %dma_start3A_97 = tpu.memref_squeeze %dma_start3A_96 : memref<1x100xi32, #tpu.memory_space<vmem>> -> memref<100xi32, #tpu.memory_space<vmem>>
    %dma_start3A_98 = arith.constant 0 : i32
    %dma_start3A_99 = arith.constant 0 : i32
    %dma_start3A_100 = tpu.memref_slice %arg2[%arg0, %dma_start3A_98, %dma_start3A_99] : memref<2x10000x64xf32, #tpu.memory_space<hbm>> -> memref<1x10000x64xf32, #tpu.memory_space<hbm>>
    %dma_start3A_101 = tpu.memref_squeeze %dma_start3A_100 : memref<1x10000x64xf32, #tpu.memory_space<hbm>> -> memref<10000x64xf32, #tpu.memory_space<hbm>>
    %dma_start3A_102 = arith.constant 0 : i32
    %dma_start3A_103 = arith.constant 0 : i32
    %dma_start3A_104 = tpu.memref_slice %dma_start3A_101[%dma_start3A_102, %dma_start3A_103] : memref<10000x64xf32, #tpu.memory_space<hbm>> -> memref<10000x64xf32, #tpu.memory_space<hbm>>
    %dma_start3A_105 = tpu.memref_slice %arg15[%dma_start3A_90] : memref<4x!tpu.dma_semaphore, #tpu.memory_space<semaphore_mem>> -> memref<1x!tpu.dma_semaphore, #tpu.memory_space<semaphore_mem>>
    %dma_start3A_106 = tpu.memref_squeeze %dma_start3A_105 : memref<1x!tpu.dma_semaphore, #tpu.memory_space<semaphore_mem>> -> memref<!tpu.dma_semaphore, #tpu.memory_space<semaphore_mem>>
    tpu.enqueue_indirect_dma source(%dma_start3A_104 : memref<10000x64xf32, #tpu.memory_space<hbm>>) target(%dma_start3A_94 : memref<100x64xf32, #tpu.memory_space<vmem>>) offsets(%dma_start3A_97 : memref<100xi32, #tpu.memory_space<vmem>>) semaphore(%dma_start3A_106 : memref<!tpu.dma_semaphore, #tpu.memory_space<semaphore_mem>>)
    %dma_start3A_107 = arith.constant 3 : i32
    %dma_start3A_108 = arith.constant 3 : i32
    %dma_start3A_109 = arith.constant 3 : i32
    %dma_start3A_110 = arith.constant 0 : i32
    %dma_start3A_111 = arith.constant 0 : i32
    %dma_start3A_112 = tpu.memref_slice %arg9[%dma_start3A_108, %dma_start3A_110, %dma_start3A_111] : memref<4x100x64xf32, #tpu.memory_space<vmem>> -> memref<1x100x64xf32, #tpu.memory_space<vmem>>
    %dma_start3A_113 = tpu.memref_squeeze %dma_start3A_112 : memref<1x100x64xf32, #tpu.memory_space<vmem>> -> memref<100x64xf32, #tpu.memory_space<vmem>>
    %dma_start3A_114 = arith.constant 0 : i32
    %dma_start3A_115 = tpu.memref_slice %arg7[%dma_start3A_107, %dma_start3A_114] : memref<200x100xi32, #tpu.memory_space<vmem>> -> memref<1x100xi32, #tpu.memory_space<vmem>>
    %dma_start3A_116 = tpu.memref_squeeze %dma_start3A_115 : memref<1x100xi32, #tpu.memory_space<vmem>> -> memref<100xi32, #tpu.memory_space<vmem>>
    %dma_start3A_117 = arith.constant 0 : i32
    %dma_start3A_118 = arith.constant 0 : i32
    %dma_start3A_119 = tpu.memref_slice %arg2[%arg0, %dma_start3A_117, %dma_start3A_118] : memref<2x10000x64xf32, #tpu.memory_space<hbm>> -> memref<1x10000x64xf32, #tpu.memory_space<hbm>>
    %dma_start3A_120 = tpu.memref_squeeze %dma_start3A_119 : memref<1x10000x64xf32, #tpu.memory_space<hbm>> -> memref<10000x64xf32, #tpu.memory_space<hbm>>
    %dma_start3A_121 = arith.constant 0 : i32
    %dma_start3A_122 = arith.constant 0 : i32
    %dma_start3A_123 = tpu.memref_slice %dma_start3A_120[%dma_start3A_121, %dma_start3A_122] : memref<10000x64xf32, #tpu.memory_space<hbm>> -> memref<10000x64xf32, #tpu.memory_space<hbm>>
    %dma_start3A_124 = tpu.memref_slice %arg15[%dma_start3A_109] : memref<4x!tpu.dma_semaphore, #tpu.memory_space<semaphore_mem>> -> memref<1x!tpu.dma_semaphore, #tpu.memory_space<semaphore_mem>>
    %dma_start3A_125 = tpu.memref_squeeze %dma_start3A_124 : memref<1x!tpu.dma_semaphore, #tpu.memory_space<semaphore_mem>> -> memref<!tpu.dma_semaphore, #tpu.memory_space<semaphore_mem>>
    tpu.enqueue_indirect_dma source(%dma_start3A_123 : memref<10000x64xf32, #tpu.memory_space<hbm>>) target(%dma_start3A_113 : memref<100x64xf32, #tpu.memory_space<vmem>>) offsets(%dma_start3A_116 : memref<100xi32, #tpu.memory_space<vmem>>) semaphore(%dma_start3A_125 : memref<!tpu.dma_semaphore, #tpu.memory_space<semaphore_mem>>)
    %scan3A_126 = arith.constant 0 : i32
    %scan3A_127 = arith.constant 49 : i32
    %scan3A_128 = arith.addi %scan3A_126, %scan3A_127 : i32
    %scan3A_129 = arith.constant 1 : i32
    scf.for %scan3A_370 = %scan3A_126 to %scan3A_128 step %scan3A_129  : i32 {
      %mul3A_371 = arith.constant 4 : i32
      %mul3A_372 = arith.muli %scan3A_370, %mul3A_371 : i32
      %add3A = arith.constant 0 : i32
      %add3A_373 = arith.addi %add3A, %mul3A_372 : i32
      %dma_wait3A_374 = arith.constant 0 : i32
      %dma_wait3A_375 = arith.constant 0 : i32
      %dma_wait3A_376 = arith.constant 0 : i32
      %dma_wait3A_377 = arith.constant 0 : i32
      %dma_wait3A_378 = arith.constant 0 : i32
      %dma_wait3A_379 = tpu.memref_slice %arg9[%dma_wait3A_375, %dma_wait3A_377, %dma_wait3A_378] : memref<4x100x64xf32, #tpu.memory_space<vmem>> -> memref<1x100x64xf32, #tpu.memory_space<vmem>>
      %dma_wait3A_380 = tpu.memref_squeeze %dma_wait3A_379 : memref<1x100x64xf32, #tpu.memory_space<vmem>> -> memref<100x64xf32, #tpu.memory_space<vmem>>
      %dma_wait3A_381 = arith.constant 0 : i32
      %dma_wait3A_382 = tpu.memref_slice %arg7[%dma_wait3A_374, %dma_wait3A_381] : memref<200x100xi32, #tpu.memory_space<vmem>> -> memref<1x100xi32, #tpu.memory_space<vmem>>
      %dma_wait3A_383 = tpu.memref_squeeze %dma_wait3A_382 : memref<1x100xi32, #tpu.memory_space<vmem>> -> memref<100xi32, #tpu.memory_space<vmem>>
      %dma_wait3A_384 = arith.constant 0 : i32
      %dma_wait3A_385 = arith.constant 0 : i32
      %dma_wait3A_386 = tpu.memref_slice %arg2[%arg0, %dma_wait3A_384, %dma_wait3A_385] : memref<2x10000x64xf32, #tpu.memory_space<hbm>> -> memref<1x10000x64xf32, #tpu.memory_space<hbm>>
      %dma_wait3A_387 = tpu.memref_squeeze %dma_wait3A_386 : memref<1x10000x64xf32, #tpu.memory_space<hbm>> -> memref<10000x64xf32, #tpu.memory_space<hbm>>
      %dma_wait3A_388 = arith.constant 0 : i32
      %dma_wait3A_389 = arith.constant 0 : i32
      %dma_wait3A_390 = tpu.memref_slice %dma_wait3A_387[%dma_wait3A_388, %dma_wait3A_389] : memref<10000x64xf32, #tpu.memory_space<hbm>> -> memref<10000x64xf32, #tpu.memory_space<hbm>>
      %dma_wait3A_391 = tpu.memref_slice %arg15[%dma_wait3A_376] : memref<4x!tpu.dma_semaphore, #tpu.memory_space<semaphore_mem>> -> memref<1x!tpu.dma_semaphore, #tpu.memory_space<semaphore_mem>>
      %dma_wait3A_392 = tpu.memref_squeeze %dma_wait3A_391 : memref<1x!tpu.dma_semaphore, #tpu.memory_space<semaphore_mem>> -> memref<!tpu.dma_semaphore, #tpu.memory_space<semaphore_mem>>
      tpu.wait_indirect_dma semaphore(%dma_wait3A_392 : memref<!tpu.dma_semaphore, #tpu.memory_space<semaphore_mem>>) src(%dma_wait3A_390 : memref<10000x64xf32, #tpu.memory_space<hbm>>) dst(%dma_wait3A_380 : memref<100x64xf32, #tpu.memory_space<vmem>>)
      %add3A_393 = arith.constant 0 : i32
      %add3A_394 = arith.addi %add3A_373, %add3A_393 : i32
      %dma_start3A_395 = arith.constant 0 : i32
      %dma_start3A_396 = arith.constant 0 : i32
      %dma_start3A_397 = arith.constant 0 : i32
      %dma_start3A_398 = arith.constant 0 : i32
      %dma_start3A_399 = tpu.memref_slice %arg9[%dma_start3A_395, %dma_start3A_397, %dma_start3A_398] : memref<4x100x64xf32, #tpu.memory_space<vmem>> -> memref<1x100x64xf32, #tpu.memory_space<vmem>>
      %dma_start3A_400 = tpu.memref_squeeze %dma_start3A_399 : memref<1x100x64xf32, #tpu.memory_space<vmem>> -> memref<100x64xf32, #tpu.memory_space<vmem>>
      %dma_start3A_401 = arith.constant 0 : i32
      %dma_start3A_402 = tpu.memref_slice %arg8[%add3A_394, %dma_start3A_401] : memref<200x100xi32, #tpu.memory_space<vmem>> -> memref<1x100xi32, #tpu.memory_space<vmem>>
      %dma_start3A_403 = tpu.memref_squeeze %dma_start3A_402 : memref<1x100xi32, #tpu.memory_space<vmem>> -> memref<100xi32, #tpu.memory_space<vmem>>
      %dma_start3A_404 = arith.constant 0 : i32
      %dma_start3A_405 = arith.constant 0 : i32
      %dma_start3A_406 = tpu.memref_slice %arg13[%dma_start3A_404, %dma_start3A_405] : memref<10240x64xf32, #tpu.memory_space<vmem_shared>> -> memref<10240x64xf32, #tpu.memory_space<vmem_shared>>
      %dma_start3A_407 = tpu.memref_slice %arg16[%dma_start3A_396] : memref<4x!tpu.dma_semaphore, #tpu.memory_space<semaphore_mem>> -> memref<1x!tpu.dma_semaphore, #tpu.memory_space<semaphore_mem>>
      %dma_start3A_408 = tpu.memref_squeeze %dma_start3A_407 : memref<1x!tpu.dma_semaphore, #tpu.memory_space<semaphore_mem>> -> memref<!tpu.dma_semaphore, #tpu.memory_space<semaphore_mem>>
      tpu.enqueue_indirect_dma source(%dma_start3A_400 : memref<100x64xf32, #tpu.memory_space<vmem>>) target(%dma_start3A_406 : memref<10240x64xf32, #tpu.memory_space<vmem_shared>>) offsets(%dma_start3A_403 : memref<100xi32, #tpu.memory_space<vmem>>) semaphore(%dma_start3A_408 : memref<!tpu.dma_semaphore, #tpu.memory_space<semaphore_mem>>) {add = true}
      %eq3A_409 = arith.constant 0 : i32
      %eq3A_410 = arith.cmpi eq, %arg0, %eq3A_409 : i32
      %convert_element_type3A_411 = arith.extui %eq3A_410 : i1 to i32
      %cond3A_412 = arith.constant 0 : i32
      %cond3A_413 = arith.cmpi ne, %convert_element_type3A_411, %cond3A_412 : i32
      scf.if %cond3A_413 {
        %dma_start3A_702 = arith.constant 0 : i32
        %dma_start3A_703 = arith.constant 0 : i32
        %dma_start3A_704 = tpu.memref_slice %arg8[%add3A_394, %dma_start3A_703] : memref<200x100xi32, #tpu.memory_space<vmem>> -> memref<1x100xi32, #tpu.memory_space<vmem>>
        %dma_start3A_705 = tpu.memref_squeeze %dma_start3A_704 : memref<1x100xi32, #tpu.memory_space<vmem>> -> memref<100xi32, #tpu.memory_space<vmem>>
        %dma_start3A_706 = arith.constant 0 : i32
        %dma_start3A_707 = arith.constant 0 : i32
        %dma_start3A_708 = tpu.memref_slice %arg14[%dma_start3A_706, %dma_start3A_707] : memref<10240x16xf32, #tpu.memory_space<vmem_shared>> -> memref<10240x16xf32, #tpu.memory_space<vmem_shared>>
        %dma_start3A_709 = tpu.memref_slice %arg18[%dma_start3A_702] : memref<4x!tpu.dma_semaphore, #tpu.memory_space<semaphore_mem>> -> memref<1x!tpu.dma_semaphore, #tpu.memory_space<semaphore_mem>>
        %dma_start3A_710 = tpu.memref_squeeze %dma_start3A_709 : memref<1x!tpu.dma_semaphore, #tpu.memory_space<semaphore_mem>> -> memref<!tpu.dma_semaphore, #tpu.memory_space<semaphore_mem>>
        tpu.enqueue_indirect_dma source(%arg11 : memref<100x16xf32, #tpu.memory_space<vmem>>) target(%dma_start3A_708 : memref<10240x16xf32, #tpu.memory_space<vmem_shared>>) offsets(%dma_start3A_705 : memref<100xi32, #tpu.memory_space<vmem>>) semaphore(%dma_start3A_710 : memref<!tpu.dma_semaphore, #tpu.memory_space<semaphore_mem>>) {add = true}
      } else {
      }
      %dma_wait3A_414 = arith.constant 0 : i32
      %dma_wait3A_415 = arith.constant 1 : i32
      %dma_wait3A_416 = arith.constant 1 : i32
      %dma_wait3A_417 = arith.constant 0 : i32
      %dma_wait3A_418 = arith.constant 0 : i32
      %dma_wait3A_419 = tpu.memref_slice %arg9[%dma_wait3A_415, %dma_wait3A_417, %dma_wait3A_418] : memref<4x100x64xf32, #tpu.memory_space<vmem>> -> memref<1x100x64xf32, #tpu.memory_space<vmem>>
      %dma_wait3A_420 = tpu.memref_squeeze %dma_wait3A_419 : memref<1x100x64xf32, #tpu.memory_space<vmem>> -> memref<100x64xf32, #tpu.memory_space<vmem>>
      %dma_wait3A_421 = arith.constant 0 : i32
      %dma_wait3A_422 = tpu.memref_slice %arg7[%dma_wait3A_414, %dma_wait3A_421] : memref<200x100xi32, #tpu.memory_space<vmem>> -> memref<1x100xi32, #tpu.memory_space<vmem>>
      %dma_wait3A_423 = tpu.memref_squeeze %dma_wait3A_422 : memref<1x100xi32, #tpu.memory_space<vmem>> -> memref<100xi32, #tpu.memory_space<vmem>>
      %dma_wait3A_424 = arith.constant 0 : i32
      %dma_wait3A_425 = arith.constant 0 : i32
      %dma_wait3A_426 = tpu.memref_slice %arg2[%arg0, %dma_wait3A_424, %dma_wait3A_425] : memref<2x10000x64xf32, #tpu.memory_space<hbm>> -> memref<1x10000x64xf32, #tpu.memory_space<hbm>>
      %dma_wait3A_427 = tpu.memref_squeeze %dma_wait3A_426 : memref<1x10000x64xf32, #tpu.memory_space<hbm>> -> memref<10000x64xf32, #tpu.memory_space<hbm>>
      %dma_wait3A_428 = arith.constant 0 : i32
      %dma_wait3A_429 = arith.constant 0 : i32
      %dma_wait3A_430 = tpu.memref_slice %dma_wait3A_427[%dma_wait3A_428, %dma_wait3A_429] : memref<10000x64xf32, #tpu.memory_space<hbm>> -> memref<10000x64xf32, #tpu.memory_space<hbm>>
      %dma_wait3A_431 = tpu.memref_slice %arg15[%dma_wait3A_416] : memref<4x!tpu.dma_semaphore, #tpu.memory_space<semaphore_mem>> -> memref<1x!tpu.dma_semaphore, #tpu.memory_space<semaphore_mem>>
      %dma_wait3A_432 = tpu.memref_squeeze %dma_wait3A_431 : memref<1x!tpu.dma_semaphore, #tpu.memory_space<semaphore_mem>> -> memref<!tpu.dma_semaphore, #tpu.memory_space<semaphore_mem>>
      tpu.wait_indirect_dma semaphore(%dma_wait3A_432 : memref<!tpu.dma_semaphore, #tpu.memory_space<semaphore_mem>>) src(%dma_wait3A_430 : memref<10000x64xf32, #tpu.memory_space<hbm>>) dst(%dma_wait3A_420 : memref<100x64xf32, #tpu.memory_space<vmem>>)
      %add3A_433 = arith.constant 1 : i32
      %add3A_434 = arith.addi %add3A_373, %add3A_433 : i32
      %dma_start3A_435 = arith.constant 1 : i32
      %dma_start3A_436 = arith.constant 1 : i32
      %dma_start3A_437 = arith.constant 0 : i32
      %dma_start3A_438 = arith.constant 0 : i32
      %dma_start3A_439 = tpu.memref_slice %arg9[%dma_start3A_435, %dma_start3A_437, %dma_start3A_438] : memref<4x100x64xf32, #tpu.memory_space<vmem>> -> memref<1x100x64xf32, #tpu.memory_space<vmem>>
      %dma_start3A_440 = tpu.memref_squeeze %dma_start3A_439 : memref<1x100x64xf32, #tpu.memory_space<vmem>> -> memref<100x64xf32, #tpu.memory_space<vmem>>
      %dma_start3A_441 = arith.constant 0 : i32
      %dma_start3A_442 = tpu.memref_slice %arg8[%add3A_434, %dma_start3A_441] : memref<200x100xi32, #tpu.memory_space<vmem>> -> memref<1x100xi32, #tpu.memory_space<vmem>>
      %dma_start3A_443 = tpu.memref_squeeze %dma_start3A_442 : memref<1x100xi32, #tpu.memory_space<vmem>> -> memref<100xi32, #tpu.memory_space<vmem>>
      %dma_start3A_444 = arith.constant 0 : i32
      %dma_start3A_445 = arith.constant 0 : i32
      %dma_start3A_446 = tpu.memref_slice %arg13[%dma_start3A_444, %dma_start3A_445] : memref<10240x64xf32, #tpu.memory_space<vmem_shared>> -> memref<10240x64xf32, #tpu.memory_space<vmem_shared>>
      %dma_start3A_447 = tpu.memref_slice %arg16[%dma_start3A_436] : memref<4x!tpu.dma_semaphore, #tpu.memory_space<semaphore_mem>> -> memref<1x!tpu.dma_semaphore, #tpu.memory_space<semaphore_mem>>
      %dma_start3A_448 = tpu.memref_squeeze %dma_start3A_447 : memref<1x!tpu.dma_semaphore, #tpu.memory_space<semaphore_mem>> -> memref<!tpu.dma_semaphore, #tpu.memory_space<semaphore_mem>>
      tpu.enqueue_indirect_dma source(%dma_start3A_440 : memref<100x64xf32, #tpu.memory_space<vmem>>) target(%dma_start3A_446 : memref<10240x64xf32, #tpu.memory_space<vmem_shared>>) offsets(%dma_start3A_443 : memref<100xi32, #tpu.memory_space<vmem>>) semaphore(%dma_start3A_448 : memref<!tpu.dma_semaphore, #tpu.memory_space<semaphore_mem>>) {add = true}
      %eq3A_449 = arith.constant 0 : i32
      %eq3A_450 = arith.cmpi eq, %arg0, %eq3A_449 : i32
      %convert_element_type3A_451 = arith.extui %eq3A_450 : i1 to i32
      %cond3A_452 = arith.constant 0 : i32
      %cond3A_453 = arith.cmpi ne, %convert_element_type3A_451, %cond3A_452 : i32
      scf.if %cond3A_453 {
        %dma_start3A_702 = arith.constant 1 : i32
        %dma_start3A_703 = arith.constant 0 : i32
        %dma_start3A_704 = tpu.memref_slice %arg8[%add3A_434, %dma_start3A_703] : memref<200x100xi32, #tpu.memory_space<vmem>> -> memref<1x100xi32, #tpu.memory_space<vmem>>
        %dma_start3A_705 = tpu.memref_squeeze %dma_start3A_704 : memref<1x100xi32, #tpu.memory_space<vmem>> -> memref<100xi32, #tpu.memory_space<vmem>>
        %dma_start3A_706 = arith.constant 0 : i32
        %dma_start3A_707 = arith.constant 0 : i32
        %dma_start3A_708 = tpu.memref_slice %arg14[%dma_start3A_706, %dma_start3A_707] : memref<10240x16xf32, #tpu.memory_space<vmem_shared>> -> memref<10240x16xf32, #tpu.memory_space<vmem_shared>>
        %dma_start3A_709 = tpu.memref_slice %arg18[%dma_start3A_702] : memref<4x!tpu.dma_semaphore, #tpu.memory_space<semaphore_mem>> -> memref<1x!tpu.dma_semaphore, #tpu.memory_space<semaphore_mem>>
        %dma_start3A_710 = tpu.memref_squeeze %dma_start3A_709 : memref<1x!tpu.dma_semaphore, #tpu.memory_space<semaphore_mem>> -> memref<!tpu.dma_semaphore, #tpu.memory_space<semaphore_mem>>
        tpu.enqueue_indirect_dma source(%arg11 : memref<100x16xf32, #tpu.memory_space<vmem>>) target(%dma_start3A_708 : memref<10240x16xf32, #tpu.memory_space<vmem_shared>>) offsets(%dma_start3A_705 : memref<100xi32, #tpu.memory_space<vmem>>) semaphore(%dma_start3A_710 : memref<!tpu.dma_semaphore, #tpu.memory_space<semaphore_mem>>) {add = true}
      } else {
      }
      %dma_wait3A_454 = arith.constant 0 : i32
      %dma_wait3A_455 = arith.constant 2 : i32
      %dma_wait3A_456 = arith.constant 2 : i32
      %dma_wait3A_457 = arith.constant 0 : i32
      %dma_wait3A_458 = arith.constant 0 : i32
      %dma_wait3A_459 = tpu.memref_slice %arg9[%dma_wait3A_455, %dma_wait3A_457, %dma_wait3A_458] : memref<4x100x64xf32, #tpu.memory_space<vmem>> -> memref<1x100x64xf32, #tpu.memory_space<vmem>>
      %dma_wait3A_460 = tpu.memref_squeeze %dma_wait3A_459 : memref<1x100x64xf32, #tpu.memory_space<vmem>> -> memref<100x64xf32, #tpu.memory_space<vmem>>
      %dma_wait3A_461 = arith.constant 0 : i32
      %dma_wait3A_462 = tpu.memref_slice %arg7[%dma_wait3A_454, %dma_wait3A_461] : memref<200x100xi32, #tpu.memory_space<vmem>> -> memref<1x100xi32, #tpu.memory_space<vmem>>
      %dma_wait3A_463 = tpu.memref_squeeze %dma_wait3A_462 : memref<1x100xi32, #tpu.memory_space<vmem>> -> memref<100xi32, #tpu.memory_space<vmem>>
      %dma_wait3A_464 = arith.constant 0 : i32
      %dma_wait3A_465 = arith.constant 0 : i32
      %dma_wait3A_466 = tpu.memref_slice %arg2[%arg0, %dma_wait3A_464, %dma_wait3A_465] : memref<2x10000x64xf32, #tpu.memory_space<hbm>> -> memref<1x10000x64xf32, #tpu.memory_space<hbm>>
      %dma_wait3A_467 = tpu.memref_squeeze %dma_wait3A_466 : memref<1x10000x64xf32, #tpu.memory_space<hbm>> -> memref<10000x64xf32, #tpu.memory_space<hbm>>
      %dma_wait3A_468 = arith.constant 0 : i32
      %dma_wait3A_469 = arith.constant 0 : i32
      %dma_wait3A_470 = tpu.memref_slice %dma_wait3A_467[%dma_wait3A_468, %dma_wait3A_469] : memref<10000x64xf32, #tpu.memory_space<hbm>> -> memref<10000x64xf32, #tpu.memory_space<hbm>>
      %dma_wait3A_471 = tpu.memref_slice %arg15[%dma_wait3A_456] : memref<4x!tpu.dma_semaphore, #tpu.memory_space<semaphore_mem>> -> memref<1x!tpu.dma_semaphore, #tpu.memory_space<semaphore_mem>>
      %dma_wait3A_472 = tpu.memref_squeeze %dma_wait3A_471 : memref<1x!tpu.dma_semaphore, #tpu.memory_space<semaphore_mem>> -> memref<!tpu.dma_semaphore, #tpu.memory_space<semaphore_mem>>
      tpu.wait_indirect_dma semaphore(%dma_wait3A_472 : memref<!tpu.dma_semaphore, #tpu.memory_space<semaphore_mem>>) src(%dma_wait3A_470 : memref<10000x64xf32, #tpu.memory_space<hbm>>) dst(%dma_wait3A_460 : memref<100x64xf32, #tpu.memory_space<vmem>>)
      %add3A_473 = arith.constant 2 : i32
      %add3A_474 = arith.addi %add3A_373, %add3A_473 : i32
      %dma_start3A_475 = arith.constant 2 : i32
      %dma_start3A_476 = arith.constant 2 : i32
      %dma_start3A_477 = arith.constant 0 : i32
      %dma_start3A_478 = arith.constant 0 : i32
      %dma_start3A_479 = tpu.memref_slice %arg9[%dma_start3A_475, %dma_start3A_477, %dma_start3A_478] : memref<4x100x64xf32, #tpu.memory_space<vmem>> -> memref<1x100x64xf32, #tpu.memory_space<vmem>>
      %dma_start3A_480 = tpu.memref_squeeze %dma_start3A_479 : memref<1x100x64xf32, #tpu.memory_space<vmem>> -> memref<100x64xf32, #tpu.memory_space<vmem>>
      %dma_start3A_481 = arith.constant 0 : i32
      %dma_start3A_482 = tpu.memref_slice %arg8[%add3A_474, %dma_start3A_481] : memref<200x100xi32, #tpu.memory_space<vmem>> -> memref<1x100xi32, #tpu.memory_space<vmem>>
      %dma_start3A_483 = tpu.memref_squeeze %dma_start3A_482 : memref<1x100xi32, #tpu.memory_space<vmem>> -> memref<100xi32, #tpu.memory_space<vmem>>
      %dma_start3A_484 = arith.constant 0 : i32
      %dma_start3A_485 = arith.constant 0 : i32
      %dma_start3A_486 = tpu.memref_slice %arg13[%dma_start3A_484, %dma_start3A_485] : memref<10240x64xf32, #tpu.memory_space<vmem_shared>> -> memref<10240x64xf32, #tpu.memory_space<vmem_shared>>
      %dma_start3A_487 = tpu.memref_slice %arg16[%dma_start3A_476] : memref<4x!tpu.dma_semaphore, #tpu.memory_space<semaphore_mem>> -> memref<1x!tpu.dma_semaphore, #tpu.memory_space<semaphore_mem>>
      %dma_start3A_488 = tpu.memref_squeeze %dma_start3A_487 : memref<1x!tpu.dma_semaphore, #tpu.memory_space<semaphore_mem>> -> memref<!tpu.dma_semaphore, #tpu.memory_space<semaphore_mem>>
      tpu.enqueue_indirect_dma source(%dma_start3A_480 : memref<100x64xf32, #tpu.memory_space<vmem>>) target(%dma_start3A_486 : memref<10240x64xf32, #tpu.memory_space<vmem_shared>>) offsets(%dma_start3A_483 : memref<100xi32, #tpu.memory_space<vmem>>) semaphore(%dma_start3A_488 : memref<!tpu.dma_semaphore, #tpu.memory_space<semaphore_mem>>) {add = true}
      %eq3A_489 = arith.constant 0 : i32
      %eq3A_490 = arith.cmpi eq, %arg0, %eq3A_489 : i32
      %convert_element_type3A_491 = arith.extui %eq3A_490 : i1 to i32
      %cond3A_492 = arith.constant 0 : i32
      %cond3A_493 = arith.cmpi ne, %convert_element_type3A_491, %cond3A_492 : i32
      scf.if %cond3A_493 {
        %dma_start3A_702 = arith.constant 2 : i32
        %dma_start3A_703 = arith.constant 0 : i32
        %dma_start3A_704 = tpu.memref_slice %arg8[%add3A_474, %dma_start3A_703] : memref<200x100xi32, #tpu.memory_space<vmem>> -> memref<1x100xi32, #tpu.memory_space<vmem>>
        %dma_start3A_705 = tpu.memref_squeeze %dma_start3A_704 : memref<1x100xi32, #tpu.memory_space<vmem>> -> memref<100xi32, #tpu.memory_space<vmem>>
        %dma_start3A_706 = arith.constant 0 : i32
        %dma_start3A_707 = arith.constant 0 : i32
        %dma_start3A_708 = tpu.memref_slice %arg14[%dma_start3A_706, %dma_start3A_707] : memref<10240x16xf32, #tpu.memory_space<vmem_shared>> -> memref<10240x16xf32, #tpu.memory_space<vmem_shared>>
        %dma_start3A_709 = tpu.memref_slice %arg18[%dma_start3A_702] : memref<4x!tpu.dma_semaphore, #tpu.memory_space<semaphore_mem>> -> memref<1x!tpu.dma_semaphore, #tpu.memory_space<semaphore_mem>>
        %dma_start3A_710 = tpu.memref_squeeze %dma_start3A_709 : memref<1x!tpu.dma_semaphore, #tpu.memory_space<semaphore_mem>> -> memref<!tpu.dma_semaphore, #tpu.memory_space<semaphore_mem>>
        tpu.enqueue_indirect_dma source(%arg11 : memref<100x16xf32, #tpu.memory_space<vmem>>) target(%dma_start3A_708 : memref<10240x16xf32, #tpu.memory_space<vmem_shared>>) offsets(%dma_start3A_705 : memref<100xi32, #tpu.memory_space<vmem>>) semaphore(%dma_start3A_710 : memref<!tpu.dma_semaphore, #tpu.memory_space<semaphore_mem>>) {add = true}
      } else {
      }
      %dma_wait3A_494 = arith.constant 0 : i32
      %dma_wait3A_495 = arith.constant 3 : i32
      %dma_wait3A_496 = arith.constant 3 : i32
      %dma_wait3A_497 = arith.constant 0 : i32
      %dma_wait3A_498 = arith.constant 0 : i32
      %dma_wait3A_499 = tpu.memref_slice %arg9[%dma_wait3A_495, %dma_wait3A_497, %dma_wait3A_498] : memref<4x100x64xf32, #tpu.memory_space<vmem>> -> memref<1x100x64xf32, #tpu.memory_space<vmem>>
      %dma_wait3A_500 = tpu.memref_squeeze %dma_wait3A_499 : memref<1x100x64xf32, #tpu.memory_space<vmem>> -> memref<100x64xf32, #tpu.memory_space<vmem>>
      %dma_wait3A_501 = arith.constant 0 : i32
      %dma_wait3A_502 = tpu.memref_slice %arg7[%dma_wait3A_494, %dma_wait3A_501] : memref<200x100xi32, #tpu.memory_space<vmem>> -> memref<1x100xi32, #tpu.memory_space<vmem>>
      %dma_wait3A_503 = tpu.memref_squeeze %dma_wait3A_502 : memref<1x100xi32, #tpu.memory_space<vmem>> -> memref<100xi32, #tpu.memory_space<vmem>>
      %dma_wait3A_504 = arith.constant 0 : i32
      %dma_wait3A_505 = arith.constant 0 : i32
      %dma_wait3A_506 = tpu.memref_slice %arg2[%arg0, %dma_wait3A_504, %dma_wait3A_505] : memref<2x10000x64xf32, #tpu.memory_space<hbm>> -> memref<1x10000x64xf32, #tpu.memory_space<hbm>>
      %dma_wait3A_507 = tpu.memref_squeeze %dma_wait3A_506 : memref<1x10000x64xf32, #tpu.memory_space<hbm>> -> memref<10000x64xf32, #tpu.memory_space<hbm>>
      %dma_wait3A_508 = arith.constant 0 : i32
      %dma_wait3A_509 = arith.constant 0 : i32
      %dma_wait3A_510 = tpu.memref_slice %dma_wait3A_507[%dma_wait3A_508, %dma_wait3A_509] : memref<10000x64xf32, #tpu.memory_space<hbm>> -> memref<10000x64xf32, #tpu.memory_space<hbm>>
      %dma_wait3A_511 = tpu.memref_slice %arg15[%dma_wait3A_496] : memref<4x!tpu.dma_semaphore, #tpu.memory_space<semaphore_mem>> -> memref<1x!tpu.dma_semaphore, #tpu.memory_space<semaphore_mem>>
      %dma_wait3A_512 = tpu.memref_squeeze %dma_wait3A_511 : memref<1x!tpu.dma_semaphore, #tpu.memory_space<semaphore_mem>> -> memref<!tpu.dma_semaphore, #tpu.memory_space<semaphore_mem>>
      tpu.wait_indirect_dma semaphore(%dma_wait3A_512 : memref<!tpu.dma_semaphore, #tpu.memory_space<semaphore_mem>>) src(%dma_wait3A_510 : memref<10000x64xf32, #tpu.memory_space<hbm>>) dst(%dma_wait3A_500 : memref<100x64xf32, #tpu.memory_space<vmem>>)
      %add3A_513 = arith.constant 3 : i32
      %add3A_514 = arith.addi %add3A_373, %add3A_513 : i32
      %dma_start3A_515 = arith.constant 3 : i32
      %dma_start3A_516 = arith.constant 3 : i32
      %dma_start3A_517 = arith.constant 0 : i32
      %dma_start3A_518 = arith.constant 0 : i32
      %dma_start3A_519 = tpu.memref_slice %arg9[%dma_start3A_515, %dma_start3A_517, %dma_start3A_518] : memref<4x100x64xf32, #tpu.memory_space<vmem>> -> memref<1x100x64xf32, #tpu.memory_space<vmem>>
      %dma_start3A_520 = tpu.memref_squeeze %dma_start3A_519 : memref<1x100x64xf32, #tpu.memory_space<vmem>> -> memref<100x64xf32, #tpu.memory_space<vmem>>
      %dma_start3A_521 = arith.constant 0 : i32
      %dma_start3A_522 = tpu.memref_slice %arg8[%add3A_514, %dma_start3A_521] : memref<200x100xi32, #tpu.memory_space<vmem>> -> memref<1x100xi32, #tpu.memory_space<vmem>>
      %dma_start3A_523 = tpu.memref_squeeze %dma_start3A_522 : memref<1x100xi32, #tpu.memory_space<vmem>> -> memref<100xi32, #tpu.memory_space<vmem>>
      %dma_start3A_524 = arith.constant 0 : i32
      %dma_start3A_525 = arith.constant 0 : i32
      %dma_start3A_526 = tpu.memref_slice %arg13[%dma_start3A_524, %dma_start3A_525] : memref<10240x64xf32, #tpu.memory_space<vmem_shared>> -> memref<10240x64xf32, #tpu.memory_space<vmem_shared>>
      %dma_start3A_527 = tpu.memref_slice %arg16[%dma_start3A_516] : memref<4x!tpu.dma_semaphore, #tpu.memory_space<semaphore_mem>> -> memref<1x!tpu.dma_semaphore, #tpu.memory_space<semaphore_mem>>
      %dma_start3A_528 = tpu.memref_squeeze %dma_start3A_527 : memref<1x!tpu.dma_semaphore, #tpu.memory_space<semaphore_mem>> -> memref<!tpu.dma_semaphore, #tpu.memory_space<semaphore_mem>>
      tpu.enqueue_indirect_dma source(%dma_start3A_520 : memref<100x64xf32, #tpu.memory_space<vmem>>) target(%dma_start3A_526 : memref<10240x64xf32, #tpu.memory_space<vmem_shared>>) offsets(%dma_start3A_523 : memref<100xi32, #tpu.memory_space<vmem>>) semaphore(%dma_start3A_528 : memref<!tpu.dma_semaphore, #tpu.memory_space<semaphore_mem>>) {add = true}
      %eq3A_529 = arith.constant 0 : i32
      %eq3A_530 = arith.cmpi eq, %arg0, %eq3A_529 : i32
      %convert_element_type3A_531 = arith.extui %eq3A_530 : i1 to i32
      %cond3A_532 = arith.constant 0 : i32
      %cond3A_533 = arith.cmpi ne, %convert_element_type3A_531, %cond3A_532 : i32
      scf.if %cond3A_533 {
        %dma_start3A_702 = arith.constant 3 : i32
        %dma_start3A_703 = arith.constant 0 : i32
        %dma_start3A_704 = tpu.memref_slice %arg8[%add3A_514, %dma_start3A_703] : memref<200x100xi32, #tpu.memory_space<vmem>> -> memref<1x100xi32, #tpu.memory_space<vmem>>
        %dma_start3A_705 = tpu.memref_squeeze %dma_start3A_704 : memref<1x100xi32, #tpu.memory_space<vmem>> -> memref<100xi32, #tpu.memory_space<vmem>>
        %dma_start3A_706 = arith.constant 0 : i32
        %dma_start3A_707 = arith.constant 0 : i32
        %dma_start3A_708 = tpu.memref_slice %arg14[%dma_start3A_706, %dma_start3A_707] : memref<10240x16xf32, #tpu.memory_space<vmem_shared>> -> memref<10240x16xf32, #tpu.memory_space<vmem_shared>>
        %dma_start3A_709 = tpu.memref_slice %arg18[%dma_start3A_702] : memref<4x!tpu.dma_semaphore, #tpu.memory_space<semaphore_mem>> -> memref<1x!tpu.dma_semaphore, #tpu.memory_space<semaphore_mem>>
        %dma_start3A_710 = tpu.memref_squeeze %dma_start3A_709 : memref<1x!tpu.dma_semaphore, #tpu.memory_space<semaphore_mem>> -> memref<!tpu.dma_semaphore, #tpu.memory_space<semaphore_mem>>
        tpu.enqueue_indirect_dma source(%arg11 : memref<100x16xf32, #tpu.memory_space<vmem>>) target(%dma_start3A_708 : memref<10240x16xf32, #tpu.memory_space<vmem_shared>>) offsets(%dma_start3A_705 : memref<100xi32, #tpu.memory_space<vmem>>) semaphore(%dma_start3A_710 : memref<!tpu.dma_semaphore, #tpu.memory_space<semaphore_mem>>) {add = true}
      } else {
      }
      %dma_wait3A_534 = arith.constant 0 : i32
      %dma_wait3A_535 = arith.constant 0 : i32
      %dma_wait3A_536 = arith.constant 0 : i32
      %dma_wait3A_537 = arith.constant 0 : i32
      %dma_wait3A_538 = arith.constant 0 : i32
      %dma_wait3A_539 = tpu.memref_slice %arg9[%dma_wait3A_534, %dma_wait3A_537, %dma_wait3A_538] : memref<4x100x64xf32, #tpu.memory_space<vmem>> -> memref<1x100x64xf32, #tpu.memory_space<vmem>>
      %dma_wait3A_540 = tpu.memref_squeeze %dma_wait3A_539 : memref<1x100x64xf32, #tpu.memory_space<vmem>> -> memref<100x64xf32, #tpu.memory_space<vmem>>
      %dma_wait3A_541 = arith.constant 0 : i32
      %dma_wait3A_542 = tpu.memref_slice %arg8[%dma_wait3A_535, %dma_wait3A_541] : memref<200x100xi32, #tpu.memory_space<vmem>> -> memref<1x100xi32, #tpu.memory_space<vmem>>
      %dma_wait3A_543 = tpu.memref_squeeze %dma_wait3A_542 : memref<1x100xi32, #tpu.memory_space<vmem>> -> memref<100xi32, #tpu.memory_space<vmem>>
      %dma_wait3A_544 = arith.constant 0 : i32
      %dma_wait3A_545 = arith.constant 0 : i32
      %dma_wait3A_546 = tpu.memref_slice %arg13[%dma_wait3A_544, %dma_wait3A_545] : memref<10240x64xf32, #tpu.memory_space<vmem_shared>> -> memref<10240x64xf32, #tpu.memory_space<vmem_shared>>
      %dma_wait3A_547 = tpu.memref_slice %arg16[%dma_wait3A_536] : memref<4x!tpu.dma_semaphore, #tpu.memory_space<semaphore_mem>> -> memref<1x!tpu.dma_semaphore, #tpu.memory_space<semaphore_mem>>
      %dma_wait3A_548 = tpu.memref_squeeze %dma_wait3A_547 : memref<1x!tpu.dma_semaphore, #tpu.memory_space<semaphore_mem>> -> memref<!tpu.dma_semaphore, #tpu.memory_space<semaphore_mem>>
      tpu.wait_indirect_dma semaphore(%dma_wait3A_548 : memref<!tpu.dma_semaphore, #tpu.memory_space<semaphore_mem>>) src(%dma_wait3A_540 : memref<100x64xf32, #tpu.memory_space<vmem>>) dst(%dma_wait3A_546 : memref<10240x64xf32, #tpu.memory_space<vmem_shared>>)
      %eq3A_549 = arith.constant 0 : i32
      %eq3A_550 = arith.cmpi eq, %arg0, %eq3A_549 : i32
      %convert_element_type3A_551 = arith.extui %eq3A_550 : i1 to i32
      %cond3A_552 = arith.constant 0 : i32
      %cond3A_553 = arith.cmpi ne, %convert_element_type3A_551, %cond3A_552 : i32
      scf.if %cond3A_553 {
        %dma_wait3A_702 = arith.constant 0 : i32
        %dma_wait3A_703 = arith.constant 0 : i32
        %dma_wait3A_704 = arith.constant 0 : i32
        %dma_wait3A_705 = tpu.memref_slice %arg8[%dma_wait3A_702, %dma_wait3A_704] : memref<200x100xi32, #tpu.memory_space<vmem>> -> memref<1x100xi32, #tpu.memory_space<vmem>>
        %dma_wait3A_706 = tpu.memref_squeeze %dma_wait3A_705 : memref<1x100xi32, #tpu.memory_space<vmem>> -> memref<100xi32, #tpu.memory_space<vmem>>
        %dma_wait3A_707 = arith.constant 0 : i32
        %dma_wait3A_708 = arith.constant 0 : i32
        %dma_wait3A_709 = tpu.memref_slice %arg14[%dma_wait3A_707, %dma_wait3A_708] : memref<10240x16xf32, #tpu.memory_space<vmem_shared>> -> memref<10240x16xf32, #tpu.memory_space<vmem_shared>>
        %dma_wait3A_710 = tpu.memref_slice %arg18[%dma_wait3A_703] : memref<4x!tpu.dma_semaphore, #tpu.memory_space<semaphore_mem>> -> memref<1x!tpu.dma_semaphore, #tpu.memory_space<semaphore_mem>>
        %dma_wait3A_711 = tpu.memref_squeeze %dma_wait3A_710 : memref<1x!tpu.dma_semaphore, #tpu.memory_space<semaphore_mem>> -> memref<!tpu.dma_semaphore, #tpu.memory_space<semaphore_mem>>
        tpu.wait_indirect_dma semaphore(%dma_wait3A_711 : memref<!tpu.dma_semaphore, #tpu.memory_space<semaphore_mem>>) src(%arg11 : memref<100x16xf32, #tpu.memory_space<vmem>>) dst(%dma_wait3A_709 : memref<10240x16xf32, #tpu.memory_space<vmem_shared>>)
      } else {
      }
      %add3A_554 = arith.constant 4 : i32
      %add3A_555 = arith.addi %add3A_373, %add3A_554 : i32
      %add3A_556 = arith.constant 0 : i32
      %add3A_557 = arith.addi %add3A_555, %add3A_556 : i32
      %dma_start3A_558 = arith.constant 0 : i32
      %dma_start3A_559 = arith.constant 0 : i32
      %dma_start3A_560 = arith.constant 0 : i32
      %dma_start3A_561 = arith.constant 0 : i32
      %dma_start3A_562 = tpu.memref_slice %arg9[%dma_start3A_558, %dma_start3A_560, %dma_start3A_561] : memref<4x100x64xf32, #tpu.memory_space<vmem>> -> memref<1x100x64xf32, #tpu.memory_space<vmem>>
      %dma_start3A_563 = tpu.memref_squeeze %dma_start3A_562 : memref<1x100x64xf32, #tpu.memory_space<vmem>> -> memref<100x64xf32, #tpu.memory_space<vmem>>
      %dma_start3A_564 = arith.constant 0 : i32
      %dma_start3A_565 = tpu.memref_slice %arg7[%add3A_557, %dma_start3A_564] : memref<200x100xi32, #tpu.memory_space<vmem>> -> memref<1x100xi32, #tpu.memory_space<vmem>>
      %dma_start3A_566 = tpu.memref_squeeze %dma_start3A_565 : memref<1x100xi32, #tpu.memory_space<vmem>> -> memref<100xi32, #tpu.memory_space<vmem>>
      %dma_start3A_567 = arith.constant 0 : i32
      %dma_start3A_568 = arith.constant 0 : i32
      %dma_start3A_569 = tpu.memref_slice %arg2[%arg0, %dma_start3A_567, %dma_start3A_568] : memref<2x10000x64xf32, #tpu.memory_space<hbm>> -> memref<1x10000x64xf32, #tpu.memory_space<hbm>>
      %dma_start3A_570 = tpu.memref_squeeze %dma_start3A_569 : memref<1x10000x64xf32, #tpu.memory_space<hbm>> -> memref<10000x64xf32, #tpu.memory_space<hbm>>
      %dma_start3A_571 = arith.constant 0 : i32
      %dma_start3A_572 = arith.constant 0 : i32
      %dma_start3A_573 = tpu.memref_slice %dma_start3A_570[%dma_start3A_571, %dma_start3A_572] : memref<10000x64xf32, #tpu.memory_space<hbm>> -> memref<10000x64xf32, #tpu.memory_space<hbm>>
      %dma_start3A_574 = tpu.memref_slice %arg15[%dma_start3A_559] : memref<4x!tpu.dma_semaphore, #tpu.memory_space<semaphore_mem>> -> memref<1x!tpu.dma_semaphore, #tpu.memory_space<semaphore_mem>>
      %dma_start3A_575 = tpu.memref_squeeze %dma_start3A_574 : memref<1x!tpu.dma_semaphore, #tpu.memory_space<semaphore_mem>> -> memref<!tpu.dma_semaphore, #tpu.memory_space<semaphore_mem>>
      tpu.enqueue_indirect_dma source(%dma_start3A_573 : memref<10000x64xf32, #tpu.memory_space<hbm>>) target(%dma_start3A_563 : memref<100x64xf32, #tpu.memory_space<vmem>>) offsets(%dma_start3A_566 : memref<100xi32, #tpu.memory_space<vmem>>) semaphore(%dma_start3A_575 : memref<!tpu.dma_semaphore, #tpu.memory_space<semaphore_mem>>)
      %dma_wait3A_576 = arith.constant 1 : i32
      %dma_wait3A_577 = arith.constant 0 : i32
      %dma_wait3A_578 = arith.constant 1 : i32
      %dma_wait3A_579 = arith.constant 0 : i32
      %dma_wait3A_580 = arith.constant 0 : i32
      %dma_wait3A_581 = tpu.memref_slice %arg9[%dma_wait3A_576, %dma_wait3A_579, %dma_wait3A_580] : memref<4x100x64xf32, #tpu.memory_space<vmem>> -> memref<1x100x64xf32, #tpu.memory_space<vmem>>
      %dma_wait3A_582 = tpu.memref_squeeze %dma_wait3A_581 : memref<1x100x64xf32, #tpu.memory_space<vmem>> -> memref<100x64xf32, #tpu.memory_space<vmem>>
      %dma_wait3A_583 = arith.constant 0 : i32
      %dma_wait3A_584 = tpu.memref_slice %arg8[%dma_wait3A_577, %dma_wait3A_583] : memref<200x100xi32, #tpu.memory_space<vmem>> -> memref<1x100xi32, #tpu.memory_space<vmem>>
      %dma_wait3A_585 = tpu.memref_squeeze %dma_wait3A_584 : memref<1x100xi32, #tpu.memory_space<vmem>> -> memref<100xi32, #tpu.memory_space<vmem>>
      %dma_wait3A_586 = arith.constant 0 : i32
      %dma_wait3A_587 = arith.constant 0 : i32
      %dma_wait3A_588 = tpu.memref_slice %arg13[%dma_wait3A_586, %dma_wait3A_587] : memref<10240x64xf32, #tpu.memory_space<vmem_shared>> -> memref<10240x64xf32, #tpu.memory_space<vmem_shared>>
      %dma_wait3A_589 = tpu.memref_slice %arg16[%dma_wait3A_578] : memref<4x!tpu.dma_semaphore, #tpu.memory_space<semaphore_mem>> -> memref<1x!tpu.dma_semaphore, #tpu.memory_space<semaphore_mem>>
      %dma_wait3A_590 = tpu.memref_squeeze %dma_wait3A_589 : memref<1x!tpu.dma_semaphore, #tpu.memory_space<semaphore_mem>> -> memref<!tpu.dma_semaphore, #tpu.memory_space<semaphore_mem>>
      tpu.wait_indirect_dma semaphore(%dma_wait3A_590 : memref<!tpu.dma_semaphore, #tpu.memory_space<semaphore_mem>>) src(%dma_wait3A_582 : memref<100x64xf32, #tpu.memory_space<vmem>>) dst(%dma_wait3A_588 : memref<10240x64xf32, #tpu.memory_space<vmem_shared>>)
      %eq3A_591 = arith.constant 0 : i32
      %eq3A_592 = arith.cmpi eq, %arg0, %eq3A_591 : i32
      %convert_element_type3A_593 = arith.extui %eq3A_592 : i1 to i32
      %cond3A_594 = arith.constant 0 : i32
      %cond3A_595 = arith.cmpi ne, %convert_element_type3A_593, %cond3A_594 : i32
      scf.if %cond3A_595 {
        %dma_wait3A_702 = arith.constant 0 : i32
        %dma_wait3A_703 = arith.constant 1 : i32
        %dma_wait3A_704 = arith.constant 0 : i32
        %dma_wait3A_705 = tpu.memref_slice %arg8[%dma_wait3A_702, %dma_wait3A_704] : memref<200x100xi32, #tpu.memory_space<vmem>> -> memref<1x100xi32, #tpu.memory_space<vmem>>
        %dma_wait3A_706 = tpu.memref_squeeze %dma_wait3A_705 : memref<1x100xi32, #tpu.memory_space<vmem>> -> memref<100xi32, #tpu.memory_space<vmem>>
        %dma_wait3A_707 = arith.constant 0 : i32
        %dma_wait3A_708 = arith.constant 0 : i32
        %dma_wait3A_709 = tpu.memref_slice %arg14[%dma_wait3A_707, %dma_wait3A_708] : memref<10240x16xf32, #tpu.memory_space<vmem_shared>> -> memref<10240x16xf32, #tpu.memory_space<vmem_shared>>
        %dma_wait3A_710 = tpu.memref_slice %arg18[%dma_wait3A_703] : memref<4x!tpu.dma_semaphore, #tpu.memory_space<semaphore_mem>> -> memref<1x!tpu.dma_semaphore, #tpu.memory_space<semaphore_mem>>
        %dma_wait3A_711 = tpu.memref_squeeze %dma_wait3A_710 : memref<1x!tpu.dma_semaphore, #tpu.memory_space<semaphore_mem>> -> memref<!tpu.dma_semaphore, #tpu.memory_space<semaphore_mem>>
        tpu.wait_indirect_dma semaphore(%dma_wait3A_711 : memref<!tpu.dma_semaphore, #tpu.memory_space<semaphore_mem>>) src(%arg11 : memref<100x16xf32, #tpu.memory_space<vmem>>) dst(%dma_wait3A_709 : memref<10240x16xf32, #tpu.memory_space<vmem_shared>>)
      } else {
      }
      %add3A_596 = arith.constant 4 : i32
      %add3A_597 = arith.addi %add3A_373, %add3A_596 : i32
      %add3A_598 = arith.constant 1 : i32
      %add3A_599 = arith.addi %add3A_597, %add3A_598 : i32
      %dma_start3A_600 = arith.constant 1 : i32
      %dma_start3A_601 = arith.constant 1 : i32
      %dma_start3A_602 = arith.constant 0 : i32
      %dma_start3A_603 = arith.constant 0 : i32
      %dma_start3A_604 = tpu.memref_slice %arg9[%dma_start3A_600, %dma_start3A_602, %dma_start3A_603] : memref<4x100x64xf32, #tpu.memory_space<vmem>> -> memref<1x100x64xf32, #tpu.memory_space<vmem>>
      %dma_start3A_605 = tpu.memref_squeeze %dma_start3A_604 : memref<1x100x64xf32, #tpu.memory_space<vmem>> -> memref<100x64xf32, #tpu.memory_space<vmem>>
      %dma_start3A_606 = arith.constant 0 : i32
      %dma_start3A_607 = tpu.memref_slice %arg7[%add3A_599, %dma_start3A_606] : memref<200x100xi32, #tpu.memory_space<vmem>> -> memref<1x100xi32, #tpu.memory_space<vmem>>
      %dma_start3A_608 = tpu.memref_squeeze %dma_start3A_607 : memref<1x100xi32, #tpu.memory_space<vmem>> -> memref<100xi32, #tpu.memory_space<vmem>>
      %dma_start3A_609 = arith.constant 0 : i32
      %dma_start3A_610 = arith.constant 0 : i32
      %dma_start3A_611 = tpu.memref_slice %arg2[%arg0, %dma_start3A_609, %dma_start3A_610] : memref<2x10000x64xf32, #tpu.memory_space<hbm>> -> memref<1x10000x64xf32, #tpu.memory_space<hbm>>
      %dma_start3A_612 = tpu.memref_squeeze %dma_start3A_611 : memref<1x10000x64xf32, #tpu.memory_space<hbm>> -> memref<10000x64xf32, #tpu.memory_space<hbm>>
      %dma_start3A_613 = arith.constant 0 : i32
      %dma_start3A_614 = arith.constant 0 : i32
      %dma_start3A_615 = tpu.memref_slice %dma_start3A_612[%dma_start3A_613, %dma_start3A_614] : memref<10000x64xf32, #tpu.memory_space<hbm>> -> memref<10000x64xf32, #tpu.memory_space<hbm>>
      %dma_start3A_616 = tpu.memref_slice %arg15[%dma_start3A_601] : memref<4x!tpu.dma_semaphore, #tpu.memory_space<semaphore_mem>> -> memref<1x!tpu.dma_semaphore, #tpu.memory_space<semaphore_mem>>
      %dma_start3A_617 = tpu.memref_squeeze %dma_start3A_616 : memref<1x!tpu.dma_semaphore, #tpu.memory_space<semaphore_mem>> -> memref<!tpu.dma_semaphore, #tpu.memory_space<semaphore_mem>>
      tpu.enqueue_indirect_dma source(%dma_start3A_615 : memref<10000x64xf32, #tpu.memory_space<hbm>>) target(%dma_start3A_605 : memref<100x64xf32, #tpu.memory_space<vmem>>) offsets(%dma_start3A_608 : memref<100xi32, #tpu.memory_space<vmem>>) semaphore(%dma_start3A_617 : memref<!tpu.dma_semaphore, #tpu.memory_space<semaphore_mem>>)
      %dma_wait3A_618 = arith.constant 2 : i32
      %dma_wait3A_619 = arith.constant 0 : i32
      %dma_wait3A_620 = arith.constant 2 : i32
      %dma_wait3A_621 = arith.constant 0 : i32
      %dma_wait3A_622 = arith.constant 0 : i32
      %dma_wait3A_623 = tpu.memref_slice %arg9[%dma_wait3A_618, %dma_wait3A_621, %dma_wait3A_622] : memref<4x100x64xf32, #tpu.memory_space<vmem>> -> memref<1x100x64xf32, #tpu.memory_space<vmem>>
      %dma_wait3A_624 = tpu.memref_squeeze %dma_wait3A_623 : memref<1x100x64xf32, #tpu.memory_space<vmem>> -> memref<100x64xf32, #tpu.memory_space<vmem>>
      %dma_wait3A_625 = arith.constant 0 : i32
      %dma_wait3A_626 = tpu.memref_slice %arg8[%dma_wait3A_619, %dma_wait3A_625] : memref<200x100xi32, #tpu.memory_space<vmem>> -> memref<1x100xi32, #tpu.memory_space<vmem>>
      %dma_wait3A_627 = tpu.memref_squeeze %dma_wait3A_626 : memref<1x100xi32, #tpu.memory_space<vmem>> -> memref<100xi32, #tpu.memory_space<vmem>>
      %dma_wait3A_628 = arith.constant 0 : i32
      %dma_wait3A_629 = arith.constant 0 : i32
      %dma_wait3A_630 = tpu.memref_slice %arg13[%dma_wait3A_628, %dma_wait3A_629] : memref<10240x64xf32, #tpu.memory_space<vmem_shared>> -> memref<10240x64xf32, #tpu.memory_space<vmem_shared>>
      %dma_wait3A_631 = tpu.memref_slice %arg16[%dma_wait3A_620] : memref<4x!tpu.dma_semaphore, #tpu.memory_space<semaphore_mem>> -> memref<1x!tpu.dma_semaphore, #tpu.memory_space<semaphore_mem>>
      %dma_wait3A_632 = tpu.memref_squeeze %dma_wait3A_631 : memref<1x!tpu.dma_semaphore, #tpu.memory_space<semaphore_mem>> -> memref<!tpu.dma_semaphore, #tpu.memory_space<semaphore_mem>>
      tpu.wait_indirect_dma semaphore(%dma_wait3A_632 : memref<!tpu.dma_semaphore, #tpu.memory_space<semaphore_mem>>) src(%dma_wait3A_624 : memref<100x64xf32, #tpu.memory_space<vmem>>) dst(%dma_wait3A_630 : memref<10240x64xf32, #tpu.memory_space<vmem_shared>>)
      %eq3A_633 = arith.constant 0 : i32
      %eq3A_634 = arith.cmpi eq, %arg0, %eq3A_633 : i32
      %convert_element_type3A_635 = arith.extui %eq3A_634 : i1 to i32
      %cond3A_636 = arith.constant 0 : i32
      %cond3A_637 = arith.cmpi ne, %convert_element_type3A_635, %cond3A_636 : i32
      scf.if %cond3A_637 {
        %dma_wait3A_702 = arith.constant 0 : i32
        %dma_wait3A_703 = arith.constant 2 : i32
        %dma_wait3A_704 = arith.constant 0 : i32
        %dma_wait3A_705 = tpu.memref_slice %arg8[%dma_wait3A_702, %dma_wait3A_704] : memref<200x100xi32, #tpu.memory_space<vmem>> -> memref<1x100xi32, #tpu.memory_space<vmem>>
        %dma_wait3A_706 = tpu.memref_squeeze %dma_wait3A_705 : memref<1x100xi32, #tpu.memory_space<vmem>> -> memref<100xi32, #tpu.memory_space<vmem>>
        %dma_wait3A_707 = arith.constant 0 : i32
        %dma_wait3A_708 = arith.constant 0 : i32
        %dma_wait3A_709 = tpu.memref_slice %arg14[%dma_wait3A_707, %dma_wait3A_708] : memref<10240x16xf32, #tpu.memory_space<vmem_shared>> -> memref<10240x16xf32, #tpu.memory_space<vmem_shared>>
        %dma_wait3A_710 = tpu.memref_slice %arg18[%dma_wait3A_703] : memref<4x!tpu.dma_semaphore, #tpu.memory_space<semaphore_mem>> -> memref<1x!tpu.dma_semaphore, #tpu.memory_space<semaphore_mem>>
        %dma_wait3A_711 = tpu.memref_squeeze %dma_wait3A_710 : memref<1x!tpu.dma_semaphore, #tpu.memory_space<semaphore_mem>> -> memref<!tpu.dma_semaphore, #tpu.memory_space<semaphore_mem>>
        tpu.wait_indirect_dma semaphore(%dma_wait3A_711 : memref<!tpu.dma_semaphore, #tpu.memory_space<semaphore_mem>>) src(%arg11 : memref<100x16xf32, #tpu.memory_space<vmem>>) dst(%dma_wait3A_709 : memref<10240x16xf32, #tpu.memory_space<vmem_shared>>)
      } else {
      }
      %add3A_638 = arith.constant 4 : i32
      %add3A_639 = arith.addi %add3A_373, %add3A_638 : i32
      %add3A_640 = arith.constant 2 : i32
      %add3A_641 = arith.addi %add3A_639, %add3A_640 : i32
      %dma_start3A_642 = arith.constant 2 : i32
      %dma_start3A_643 = arith.constant 2 : i32
      %dma_start3A_644 = arith.constant 0 : i32
      %dma_start3A_645 = arith.constant 0 : i32
      %dma_start3A_646 = tpu.memref_slice %arg9[%dma_start3A_642, %dma_start3A_644, %dma_start3A_645] : memref<4x100x64xf32, #tpu.memory_space<vmem>> -> memref<1x100x64xf32, #tpu.memory_space<vmem>>
      %dma_start3A_647 = tpu.memref_squeeze %dma_start3A_646 : memref<1x100x64xf32, #tpu.memory_space<vmem>> -> memref<100x64xf32, #tpu.memory_space<vmem>>
      %dma_start3A_648 = arith.constant 0 : i32
      %dma_start3A_649 = tpu.memref_slice %arg7[%add3A_641, %dma_start3A_648] : memref<200x100xi32, #tpu.memory_space<vmem>> -> memref<1x100xi32, #tpu.memory_space<vmem>>
      %dma_start3A_650 = tpu.memref_squeeze %dma_start3A_649 : memref<1x100xi32, #tpu.memory_space<vmem>> -> memref<100xi32, #tpu.memory_space<vmem>>
      %dma_start3A_651 = arith.constant 0 : i32
      %dma_start3A_652 = arith.constant 0 : i32
      %dma_start3A_653 = tpu.memref_slice %arg2[%arg0, %dma_start3A_651, %dma_start3A_652] : memref<2x10000x64xf32, #tpu.memory_space<hbm>> -> memref<1x10000x64xf32, #tpu.memory_space<hbm>>
      %dma_start3A_654 = tpu.memref_squeeze %dma_start3A_653 : memref<1x10000x64xf32, #tpu.memory_space<hbm>> -> memref<10000x64xf32, #tpu.memory_space<hbm>>
      %dma_start3A_655 = arith.constant 0 : i32
      %dma_start3A_656 = arith.constant 0 : i32
      %dma_start3A_657 = tpu.memref_slice %dma_start3A_654[%dma_start3A_655, %dma_start3A_656] : memref<10000x64xf32, #tpu.memory_space<hbm>> -> memref<10000x64xf32, #tpu.memory_space<hbm>>
      %dma_start3A_658 = tpu.memref_slice %arg15[%dma_start3A_643] : memref<4x!tpu.dma_semaphore, #tpu.memory_space<semaphore_mem>> -> memref<1x!tpu.dma_semaphore, #tpu.memory_space<semaphore_mem>>
      %dma_start3A_659 = tpu.memref_squeeze %dma_start3A_658 : memref<1x!tpu.dma_semaphore, #tpu.memory_space<semaphore_mem>> -> memref<!tpu.dma_semaphore, #tpu.memory_space<semaphore_mem>>
      tpu.enqueue_indirect_dma source(%dma_start3A_657 : memref<10000x64xf32, #tpu.memory_space<hbm>>) target(%dma_start3A_647 : memref<100x64xf32, #tpu.memory_space<vmem>>) offsets(%dma_start3A_650 : memref<100xi32, #tpu.memory_space<vmem>>) semaphore(%dma_start3A_659 : memref<!tpu.dma_semaphore, #tpu.memory_space<semaphore_mem>>)
      %dma_wait3A_660 = arith.constant 3 : i32
      %dma_wait3A_661 = arith.constant 0 : i32
      %dma_wait3A_662 = arith.constant 3 : i32
      %dma_wait3A_663 = arith.constant 0 : i32
      %dma_wait3A_664 = arith.constant 0 : i32
      %dma_wait3A_665 = tpu.memref_slice %arg9[%dma_wait3A_660, %dma_wait3A_663, %dma_wait3A_664] : memref<4x100x64xf32, #tpu.memory_space<vmem>> -> memref<1x100x64xf32, #tpu.memory_space<vmem>>
      %dma_wait3A_666 = tpu.memref_squeeze %dma_wait3A_665 : memref<1x100x64xf32, #tpu.memory_space<vmem>> -> memref<100x64xf32, #tpu.memory_space<vmem>>
      %dma_wait3A_667 = arith.constant 0 : i32
      %dma_wait3A_668 = tpu.memref_slice %arg8[%dma_wait3A_661, %dma_wait3A_667] : memref<200x100xi32, #tpu.memory_space<vmem>> -> memref<1x100xi32, #tpu.memory_space<vmem>>
      %dma_wait3A_669 = tpu.memref_squeeze %dma_wait3A_668 : memref<1x100xi32, #tpu.memory_space<vmem>> -> memref<100xi32, #tpu.memory_space<vmem>>
      %dma_wait3A_670 = arith.constant 0 : i32
      %dma_wait3A_671 = arith.constant 0 : i32
      %dma_wait3A_672 = tpu.memref_slice %arg13[%dma_wait3A_670, %dma_wait3A_671] : memref<10240x64xf32, #tpu.memory_space<vmem_shared>> -> memref<10240x64xf32, #tpu.memory_space<vmem_shared>>
      %dma_wait3A_673 = tpu.memref_slice %arg16[%dma_wait3A_662] : memref<4x!tpu.dma_semaphore, #tpu.memory_space<semaphore_mem>> -> memref<1x!tpu.dma_semaphore, #tpu.memory_space<semaphore_mem>>
      %dma_wait3A_674 = tpu.memref_squeeze %dma_wait3A_673 : memref<1x!tpu.dma_semaphore, #tpu.memory_space<semaphore_mem>> -> memref<!tpu.dma_semaphore, #tpu.memory_space<semaphore_mem>>
      tpu.wait_indirect_dma semaphore(%dma_wait3A_674 : memref<!tpu.dma_semaphore, #tpu.memory_space<semaphore_mem>>) src(%dma_wait3A_666 : memref<100x64xf32, #tpu.memory_space<vmem>>) dst(%dma_wait3A_672 : memref<10240x64xf32, #tpu.memory_space<vmem_shared>>)
      %eq3A_675 = arith.constant 0 : i32
      %eq3A_676 = arith.cmpi eq, %arg0, %eq3A_675 : i32
      %convert_element_type3A_677 = arith.extui %eq3A_676 : i1 to i32
      %cond3A_678 = arith.constant 0 : i32
      %cond3A_679 = arith.cmpi ne, %convert_element_type3A_677, %cond3A_678 : i32
      scf.if %cond3A_679 {
        %dma_wait3A_702 = arith.constant 0 : i32
        %dma_wait3A_703 = arith.constant 3 : i32
        %dma_wait3A_704 = arith.constant 0 : i32
        %dma_wait3A_705 = tpu.memref_slice %arg8[%dma_wait3A_702, %dma_wait3A_704] : memref<200x100xi32, #tpu.memory_space<vmem>> -> memref<1x100xi32, #tpu.memory_space<vmem>>
        %dma_wait3A_706 = tpu.memref_squeeze %dma_wait3A_705 : memref<1x100xi32, #tpu.memory_space<vmem>> -> memref<100xi32, #tpu.memory_space<vmem>>
        %dma_wait3A_707 = arith.constant 0 : i32
        %dma_wait3A_708 = arith.constant 0 : i32
        %dma_wait3A_709 = tpu.memref_slice %arg14[%dma_wait3A_707, %dma_wait3A_708] : memref<10240x16xf32, #tpu.memory_space<vmem_shared>> -> memref<10240x16xf32, #tpu.memory_space<vmem_shared>>
        %dma_wait3A_710 = tpu.memref_slice %arg18[%dma_wait3A_703] : memref<4x!tpu.dma_semaphore, #tpu.memory_space<semaphore_mem>> -> memref<1x!tpu.dma_semaphore, #tpu.memory_space<semaphore_mem>>
        %dma_wait3A_711 = tpu.memref_squeeze %dma_wait3A_710 : memref<1x!tpu.dma_semaphore, #tpu.memory_space<semaphore_mem>> -> memref<!tpu.dma_semaphore, #tpu.memory_space<semaphore_mem>>
        tpu.wait_indirect_dma semaphore(%dma_wait3A_711 : memref<!tpu.dma_semaphore, #tpu.memory_space<semaphore_mem>>) src(%arg11 : memref<100x16xf32, #tpu.memory_space<vmem>>) dst(%dma_wait3A_709 : memref<10240x16xf32, #tpu.memory_space<vmem_shared>>)
      } else {
      }
      %add3A_680 = arith.constant 4 : i32
      %add3A_681 = arith.addi %add3A_373, %add3A_680 : i32
      %add3A_682 = arith.constant 3 : i32
      %add3A_683 = arith.addi %add3A_681, %add3A_682 : i32
      %dma_start3A_684 = arith.constant 3 : i32
      %dma_start3A_685 = arith.constant 3 : i32
      %dma_start3A_686 = arith.constant 0 : i32
      %dma_start3A_687 = arith.constant 0 : i32
      %dma_start3A_688 = tpu.memref_slice %arg9[%dma_start3A_684, %dma_start3A_686, %dma_start3A_687] : memref<4x100x64xf32, #tpu.memory_space<vmem>> -> memref<1x100x64xf32, #tpu.memory_space<vmem>>
      %dma_start3A_689 = tpu.memref_squeeze %dma_start3A_688 : memref<1x100x64xf32, #tpu.memory_space<vmem>> -> memref<100x64xf32, #tpu.memory_space<vmem>>
      %dma_start3A_690 = arith.constant 0 : i32
      %dma_start3A_691 = tpu.memref_slice %arg7[%add3A_683, %dma_start3A_690] : memref<200x100xi32, #tpu.memory_space<vmem>> -> memref<1x100xi32, #tpu.memory_space<vmem>>
      %dma_start3A_692 = tpu.memref_squeeze %dma_start3A_691 : memref<1x100xi32, #tpu.memory_space<vmem>> -> memref<100xi32, #tpu.memory_space<vmem>>
      %dma_start3A_693 = arith.constant 0 : i32
      %dma_start3A_694 = arith.constant 0 : i32
      %dma_start3A_695 = tpu.memref_slice %arg2[%arg0, %dma_start3A_693, %dma_start3A_694] : memref<2x10000x64xf32, #tpu.memory_space<hbm>> -> memref<1x10000x64xf32, #tpu.memory_space<hbm>>
      %dma_start3A_696 = tpu.memref_squeeze %dma_start3A_695 : memref<1x10000x64xf32, #tpu.memory_space<hbm>> -> memref<10000x64xf32, #tpu.memory_space<hbm>>
      %dma_start3A_697 = arith.constant 0 : i32
      %dma_start3A_698 = arith.constant 0 : i32
      %dma_start3A_699 = tpu.memref_slice %dma_start3A_696[%dma_start3A_697, %dma_start3A_698] : memref<10000x64xf32, #tpu.memory_space<hbm>> -> memref<10000x64xf32, #tpu.memory_space<hbm>>
      %dma_start3A_700 = tpu.memref_slice %arg15[%dma_start3A_685] : memref<4x!tpu.dma_semaphore, #tpu.memory_space<semaphore_mem>> -> memref<1x!tpu.dma_semaphore, #tpu.memory_space<semaphore_mem>>
      %dma_start3A_701 = tpu.memref_squeeze %dma_start3A_700 : memref<1x!tpu.dma_semaphore, #tpu.memory_space<semaphore_mem>> -> memref<!tpu.dma_semaphore, #tpu.memory_space<semaphore_mem>>
      tpu.enqueue_indirect_dma source(%dma_start3A_699 : memref<10000x64xf32, #tpu.memory_space<hbm>>) target(%dma_start3A_689 : memref<100x64xf32, #tpu.memory_space<vmem>>) offsets(%dma_start3A_692 : memref<100xi32, #tpu.memory_space<vmem>>) semaphore(%dma_start3A_701 : memref<!tpu.dma_semaphore, #tpu.memory_space<semaphore_mem>>)
    }
    %scan3A_130 = arith.constant 49 : i32
    %dma_wait3A_131 = arith.constant 0 : i32
    %dma_wait3A_132 = arith.constant 0 : i32
    %dma_wait3A_133 = arith.constant 0 : i32
    %dma_wait3A_134 = arith.constant 0 : i32
    %dma_wait3A_135 = arith.constant 0 : i32
    %dma_wait3A_136 = tpu.memref_slice %arg9[%dma_wait3A_132, %dma_wait3A_134, %dma_wait3A_135] : memref<4x100x64xf32, #tpu.memory_space<vmem>> -> memref<1x100x64xf32, #tpu.memory_space<vmem>>
    %dma_wait3A_137 = tpu.memref_squeeze %dma_wait3A_136 : memref<1x100x64xf32, #tpu.memory_space<vmem>> -> memref<100x64xf32, #tpu.memory_space<vmem>>
    %dma_wait3A_138 = arith.constant 0 : i32
    %dma_wait3A_139 = tpu.memref_slice %arg7[%dma_wait3A_131, %dma_wait3A_138] : memref<200x100xi32, #tpu.memory_space<vmem>> -> memref<1x100xi32, #tpu.memory_space<vmem>>
    %dma_wait3A_140 = tpu.memref_squeeze %dma_wait3A_139 : memref<1x100xi32, #tpu.memory_space<vmem>> -> memref<100xi32, #tpu.memory_space<vmem>>
    %dma_wait3A_141 = arith.constant 0 : i32
    %dma_wait3A_142 = arith.constant 0 : i32
    %dma_wait3A_143 = tpu.memref_slice %arg2[%arg0, %dma_wait3A_141, %dma_wait3A_142] : memref<2x10000x64xf32, #tpu.memory_space<hbm>> -> memref<1x10000x64xf32, #tpu.memory_space<hbm>>
    %dma_wait3A_144 = tpu.memref_squeeze %dma_wait3A_143 : memref<1x10000x64xf32, #tpu.memory_space<hbm>> -> memref<10000x64xf32, #tpu.memory_space<hbm>>
    %dma_wait3A_145 = arith.constant 0 : i32
    %dma_wait3A_146 = arith.constant 0 : i32
    %dma_wait3A_147 = tpu.memref_slice %dma_wait3A_144[%dma_wait3A_145, %dma_wait3A_146] : memref<10000x64xf32, #tpu.memory_space<hbm>> -> memref<10000x64xf32, #tpu.memory_space<hbm>>
    %dma_wait3A_148 = tpu.memref_slice %arg15[%dma_wait3A_133] : memref<4x!tpu.dma_semaphore, #tpu.memory_space<semaphore_mem>> -> memref<1x!tpu.dma_semaphore, #tpu.memory_space<semaphore_mem>>
    %dma_wait3A_149 = tpu.memref_squeeze %dma_wait3A_148 : memref<1x!tpu.dma_semaphore, #tpu.memory_space<semaphore_mem>> -> memref<!tpu.dma_semaphore, #tpu.memory_space<semaphore_mem>>
    tpu.wait_indirect_dma semaphore(%dma_wait3A_149 : memref<!tpu.dma_semaphore, #tpu.memory_space<semaphore_mem>>) src(%dma_wait3A_147 : memref<10000x64xf32, #tpu.memory_space<hbm>>) dst(%dma_wait3A_137 : memref<100x64xf32, #tpu.memory_space<vmem>>)
    %dma_start3A_150 = arith.constant 0 : i32
    %dma_start3A_151 = arith.constant 196 : i32
    %dma_start3A_152 = arith.constant 0 : i32
    %dma_start3A_153 = arith.constant 0 : i32
    %dma_start3A_154 = arith.constant 0 : i32
    %dma_start3A_155 = tpu.memref_slice %arg9[%dma_start3A_150, %dma_start3A_153, %dma_start3A_154] : memref<4x100x64xf32, #tpu.memory_space<vmem>> -> memref<1x100x64xf32, #tpu.memory_space<vmem>>
    %dma_start3A_156 = tpu.memref_squeeze %dma_start3A_155 : memref<1x100x64xf32, #tpu.memory_space<vmem>> -> memref<100x64xf32, #tpu.memory_space<vmem>>
    %dma_start3A_157 = arith.constant 0 : i32
    %dma_start3A_158 = tpu.memref_slice %arg8[%dma_start3A_151, %dma_start3A_157] : memref<200x100xi32, #tpu.memory_space<vmem>> -> memref<1x100xi32, #tpu.memory_space<vmem>>
    %dma_start3A_159 = tpu.memref_squeeze %dma_start3A_158 : memref<1x100xi32, #tpu.memory_space<vmem>> -> memref<100xi32, #tpu.memory_space<vmem>>
    %dma_start3A_160 = arith.constant 0 : i32
    %dma_start3A_161 = arith.constant 0 : i32
    %dma_start3A_162 = tpu.memref_slice %arg13[%dma_start3A_160, %dma_start3A_161] : memref<10240x64xf32, #tpu.memory_space<vmem_shared>> -> memref<10240x64xf32, #tpu.memory_space<vmem_shared>>
    %dma_start3A_163 = tpu.memref_slice %arg16[%dma_start3A_152] : memref<4x!tpu.dma_semaphore, #tpu.memory_space<semaphore_mem>> -> memref<1x!tpu.dma_semaphore, #tpu.memory_space<semaphore_mem>>
    %dma_start3A_164 = tpu.memref_squeeze %dma_start3A_163 : memref<1x!tpu.dma_semaphore, #tpu.memory_space<semaphore_mem>> -> memref<!tpu.dma_semaphore, #tpu.memory_space<semaphore_mem>>
    tpu.enqueue_indirect_dma source(%dma_start3A_156 : memref<100x64xf32, #tpu.memory_space<vmem>>) target(%dma_start3A_162 : memref<10240x64xf32, #tpu.memory_space<vmem_shared>>) offsets(%dma_start3A_159 : memref<100xi32, #tpu.memory_space<vmem>>) semaphore(%dma_start3A_164 : memref<!tpu.dma_semaphore, #tpu.memory_space<semaphore_mem>>) {add = true}
    %eq3A = arith.constant 0 : i32
    %eq3A_165 = arith.cmpi eq, %arg0, %eq3A : i32
    %convert_element_type3A = arith.extui %eq3A_165 : i1 to i32
    %cond3A = arith.constant 0 : i32
    %cond3A_166 = arith.cmpi ne, %convert_element_type3A, %cond3A : i32
    scf.if %cond3A_166 {
      %dma_start3A_370 = arith.constant 196 : i32
      %dma_start3A_371 = arith.constant 0 : i32
      %dma_start3A_372 = arith.constant 0 : i32
      %dma_start3A_373 = tpu.memref_slice %arg8[%dma_start3A_370, %dma_start3A_372] : memref<200x100xi32, #tpu.memory_space<vmem>> -> memref<1x100xi32, #tpu.memory_space<vmem>>
      %dma_start3A_374 = tpu.memref_squeeze %dma_start3A_373 : memref<1x100xi32, #tpu.memory_space<vmem>> -> memref<100xi32, #tpu.memory_space<vmem>>
      %dma_start3A_375 = arith.constant 0 : i32
      %dma_start3A_376 = arith.constant 0 : i32
      %dma_start3A_377 = tpu.memref_slice %arg14[%dma_start3A_375, %dma_start3A_376] : memref<10240x16xf32, #tpu.memory_space<vmem_shared>> -> memref<10240x16xf32, #tpu.memory_space<vmem_shared>>
      %dma_start3A_378 = tpu.memref_slice %arg18[%dma_start3A_371] : memref<4x!tpu.dma_semaphore, #tpu.memory_space<semaphore_mem>> -> memref<1x!tpu.dma_semaphore, #tpu.memory_space<semaphore_mem>>
      %dma_start3A_379 = tpu.memref_squeeze %dma_start3A_378 : memref<1x!tpu.dma_semaphore, #tpu.memory_space<semaphore_mem>> -> memref<!tpu.dma_semaphore, #tpu.memory_space<semaphore_mem>>
      tpu.enqueue_indirect_dma source(%arg11 : memref<100x16xf32, #tpu.memory_space<vmem>>) target(%dma_start3A_377 : memref<10240x16xf32, #tpu.memory_space<vmem_shared>>) offsets(%dma_start3A_374 : memref<100xi32, #tpu.memory_space<vmem>>) semaphore(%dma_start3A_379 : memref<!tpu.dma_semaphore, #tpu.memory_space<semaphore_mem>>) {add = true}
    } else {
    }
    %dma_wait3A_167 = arith.constant 0 : i32
    %dma_wait3A_168 = arith.constant 1 : i32
    %dma_wait3A_169 = arith.constant 1 : i32
    %dma_wait3A_170 = arith.constant 0 : i32
    %dma_wait3A_171 = arith.constant 0 : i32
    %dma_wait3A_172 = tpu.memref_slice %arg9[%dma_wait3A_168, %dma_wait3A_170, %dma_wait3A_171] : memref<4x100x64xf32, #tpu.memory_space<vmem>> -> memref<1x100x64xf32, #tpu.memory_space<vmem>>
    %dma_wait3A_173 = tpu.memref_squeeze %dma_wait3A_172 : memref<1x100x64xf32, #tpu.memory_space<vmem>> -> memref<100x64xf32, #tpu.memory_space<vmem>>
    %dma_wait3A_174 = arith.constant 0 : i32
    %dma_wait3A_175 = tpu.memref_slice %arg7[%dma_wait3A_167, %dma_wait3A_174] : memref<200x100xi32, #tpu.memory_space<vmem>> -> memref<1x100xi32, #tpu.memory_space<vmem>>
    %dma_wait3A_176 = tpu.memref_squeeze %dma_wait3A_175 : memref<1x100xi32, #tpu.memory_space<vmem>> -> memref<100xi32, #tpu.memory_space<vmem>>
    %dma_wait3A_177 = arith.constant 0 : i32
    %dma_wait3A_178 = arith.constant 0 : i32
    %dma_wait3A_179 = tpu.memref_slice %arg2[%arg0, %dma_wait3A_177, %dma_wait3A_178] : memref<2x10000x64xf32, #tpu.memory_space<hbm>> -> memref<1x10000x64xf32, #tpu.memory_space<hbm>>
    %dma_wait3A_180 = tpu.memref_squeeze %dma_wait3A_179 : memref<1x10000x64xf32, #tpu.memory_space<hbm>> -> memref<10000x64xf32, #tpu.memory_space<hbm>>
    %dma_wait3A_181 = arith.constant 0 : i32
    %dma_wait3A_182 = arith.constant 0 : i32
    %dma_wait3A_183 = tpu.memref_slice %dma_wait3A_180[%dma_wait3A_181, %dma_wait3A_182] : memref<10000x64xf32, #tpu.memory_space<hbm>> -> memref<10000x64xf32, #tpu.memory_space<hbm>>
    %dma_wait3A_184 = tpu.memref_slice %arg15[%dma_wait3A_169] : memref<4x!tpu.dma_semaphore, #tpu.memory_space<semaphore_mem>> -> memref<1x!tpu.dma_semaphore, #tpu.memory_space<semaphore_mem>>
    %dma_wait3A_185 = tpu.memref_squeeze %dma_wait3A_184 : memref<1x!tpu.dma_semaphore, #tpu.memory_space<semaphore_mem>> -> memref<!tpu.dma_semaphore, #tpu.memory_space<semaphore_mem>>
    tpu.wait_indirect_dma semaphore(%dma_wait3A_185 : memref<!tpu.dma_semaphore, #tpu.memory_space<semaphore_mem>>) src(%dma_wait3A_183 : memref<10000x64xf32, #tpu.memory_space<hbm>>) dst(%dma_wait3A_173 : memref<100x64xf32, #tpu.memory_space<vmem>>)
    %dma_start3A_186 = arith.constant 1 : i32
    %dma_start3A_187 = arith.constant 197 : i32
    %dma_start3A_188 = arith.constant 1 : i32
    %dma_start3A_189 = arith.constant 0 : i32
    %dma_start3A_190 = arith.constant 0 : i32
    %dma_start3A_191 = tpu.memref_slice %arg9[%dma_start3A_186, %dma_start3A_189, %dma_start3A_190] : memref<4x100x64xf32, #tpu.memory_space<vmem>> -> memref<1x100x64xf32, #tpu.memory_space<vmem>>
    %dma_start3A_192 = tpu.memref_squeeze %dma_start3A_191 : memref<1x100x64xf32, #tpu.memory_space<vmem>> -> memref<100x64xf32, #tpu.memory_space<vmem>>
    %dma_start3A_193 = arith.constant 0 : i32
    %dma_start3A_194 = tpu.memref_slice %arg8[%dma_start3A_187, %dma_start3A_193] : memref<200x100xi32, #tpu.memory_space<vmem>> -> memref<1x100xi32, #tpu.memory_space<vmem>>
    %dma_start3A_195 = tpu.memref_squeeze %dma_start3A_194 : memref<1x100xi32, #tpu.memory_space<vmem>> -> memref<100xi32, #tpu.memory_space<vmem>>
    %dma_start3A_196 = arith.constant 0 : i32
    %dma_start3A_197 = arith.constant 0 : i32
    %dma_start3A_198 = tpu.memref_slice %arg13[%dma_start3A_196, %dma_start3A_197] : memref<10240x64xf32, #tpu.memory_space<vmem_shared>> -> memref<10240x64xf32, #tpu.memory_space<vmem_shared>>
    %dma_start3A_199 = tpu.memref_slice %arg16[%dma_start3A_188] : memref<4x!tpu.dma_semaphore, #tpu.memory_space<semaphore_mem>> -> memref<1x!tpu.dma_semaphore, #tpu.memory_space<semaphore_mem>>
    %dma_start3A_200 = tpu.memref_squeeze %dma_start3A_199 : memref<1x!tpu.dma_semaphore, #tpu.memory_space<semaphore_mem>> -> memref<!tpu.dma_semaphore, #tpu.memory_space<semaphore_mem>>
    tpu.enqueue_indirect_dma source(%dma_start3A_192 : memref<100x64xf32, #tpu.memory_space<vmem>>) target(%dma_start3A_198 : memref<10240x64xf32, #tpu.memory_space<vmem_shared>>) offsets(%dma_start3A_195 : memref<100xi32, #tpu.memory_space<vmem>>) semaphore(%dma_start3A_200 : memref<!tpu.dma_semaphore, #tpu.memory_space<semaphore_mem>>) {add = true}
    %eq3A_201 = arith.constant 0 : i32
    %eq3A_202 = arith.cmpi eq, %arg0, %eq3A_201 : i32
    %convert_element_type3A_203 = arith.extui %eq3A_202 : i1 to i32
    %cond3A_204 = arith.constant 0 : i32
    %cond3A_205 = arith.cmpi ne, %convert_element_type3A_203, %cond3A_204 : i32
    scf.if %cond3A_205 {
      %dma_start3A_370 = arith.constant 197 : i32
      %dma_start3A_371 = arith.constant 1 : i32
      %dma_start3A_372 = arith.constant 0 : i32
      %dma_start3A_373 = tpu.memref_slice %arg8[%dma_start3A_370, %dma_start3A_372] : memref<200x100xi32, #tpu.memory_space<vmem>> -> memref<1x100xi32, #tpu.memory_space<vmem>>
      %dma_start3A_374 = tpu.memref_squeeze %dma_start3A_373 : memref<1x100xi32, #tpu.memory_space<vmem>> -> memref<100xi32, #tpu.memory_space<vmem>>
      %dma_start3A_375 = arith.constant 0 : i32
      %dma_start3A_376 = arith.constant 0 : i32
      %dma_start3A_377 = tpu.memref_slice %arg14[%dma_start3A_375, %dma_start3A_376] : memref<10240x16xf32, #tpu.memory_space<vmem_shared>> -> memref<10240x16xf32, #tpu.memory_space<vmem_shared>>
      %dma_start3A_378 = tpu.memref_slice %arg18[%dma_start3A_371] : memref<4x!tpu.dma_semaphore, #tpu.memory_space<semaphore_mem>> -> memref<1x!tpu.dma_semaphore, #tpu.memory_space<semaphore_mem>>
      %dma_start3A_379 = tpu.memref_squeeze %dma_start3A_378 : memref<1x!tpu.dma_semaphore, #tpu.memory_space<semaphore_mem>> -> memref<!tpu.dma_semaphore, #tpu.memory_space<semaphore_mem>>
      tpu.enqueue_indirect_dma source(%arg11 : memref<100x16xf32, #tpu.memory_space<vmem>>) target(%dma_start3A_377 : memref<10240x16xf32, #tpu.memory_space<vmem_shared>>) offsets(%dma_start3A_374 : memref<100xi32, #tpu.memory_space<vmem>>) semaphore(%dma_start3A_379 : memref<!tpu.dma_semaphore, #tpu.memory_space<semaphore_mem>>) {add = true}
    } else {
    }
    %dma_wait3A_206 = arith.constant 0 : i32
    %dma_wait3A_207 = arith.constant 2 : i32
    %dma_wait3A_208 = arith.constant 2 : i32
    %dma_wait3A_209 = arith.constant 0 : i32
    %dma_wait3A_210 = arith.constant 0 : i32
    %dma_wait3A_211 = tpu.memref_slice %arg9[%dma_wait3A_207, %dma_wait3A_209, %dma_wait3A_210] : memref<4x100x64xf32, #tpu.memory_space<vmem>> -> memref<1x100x64xf32, #tpu.memory_space<vmem>>
    %dma_wait3A_212 = tpu.memref_squeeze %dma_wait3A_211 : memref<1x100x64xf32, #tpu.memory_space<vmem>> -> memref<100x64xf32, #tpu.memory_space<vmem>>
    %dma_wait3A_213 = arith.constant 0 : i32
    %dma_wait3A_214 = tpu.memref_slice %arg7[%dma_wait3A_206, %dma_wait3A_213] : memref<200x100xi32, #tpu.memory_space<vmem>> -> memref<1x100xi32, #tpu.memory_space<vmem>>
    %dma_wait3A_215 = tpu.memref_squeeze %dma_wait3A_214 : memref<1x100xi32, #tpu.memory_space<vmem>> -> memref<100xi32, #tpu.memory_space<vmem>>
    %dma_wait3A_216 = arith.constant 0 : i32
    %dma_wait3A_217 = arith.constant 0 : i32
    %dma_wait3A_218 = tpu.memref_slice %arg2[%arg0, %dma_wait3A_216, %dma_wait3A_217] : memref<2x10000x64xf32, #tpu.memory_space<hbm>> -> memref<1x10000x64xf32, #tpu.memory_space<hbm>>
    %dma_wait3A_219 = tpu.memref_squeeze %dma_wait3A_218 : memref<1x10000x64xf32, #tpu.memory_space<hbm>> -> memref<10000x64xf32, #tpu.memory_space<hbm>>
    %dma_wait3A_220 = arith.constant 0 : i32
    %dma_wait3A_221 = arith.constant 0 : i32
    %dma_wait3A_222 = tpu.memref_slice %dma_wait3A_219[%dma_wait3A_220, %dma_wait3A_221] : memref<10000x64xf32, #tpu.memory_space<hbm>> -> memref<10000x64xf32, #tpu.memory_space<hbm>>
    %dma_wait3A_223 = tpu.memref_slice %arg15[%dma_wait3A_208] : memref<4x!tpu.dma_semaphore, #tpu.memory_space<semaphore_mem>> -> memref<1x!tpu.dma_semaphore, #tpu.memory_space<semaphore_mem>>
    %dma_wait3A_224 = tpu.memref_squeeze %dma_wait3A_223 : memref<1x!tpu.dma_semaphore, #tpu.memory_space<semaphore_mem>> -> memref<!tpu.dma_semaphore, #tpu.memory_space<semaphore_mem>>
    tpu.wait_indirect_dma semaphore(%dma_wait3A_224 : memref<!tpu.dma_semaphore, #tpu.memory_space<semaphore_mem>>) src(%dma_wait3A_222 : memref<10000x64xf32, #tpu.memory_space<hbm>>) dst(%dma_wait3A_212 : memref<100x64xf32, #tpu.memory_space<vmem>>)
    %dma_start3A_225 = arith.constant 2 : i32
    %dma_start3A_226 = arith.constant 198 : i32
    %dma_start3A_227 = arith.constant 2 : i32
    %dma_start3A_228 = arith.constant 0 : i32
    %dma_start3A_229 = arith.constant 0 : i32
    %dma_start3A_230 = tpu.memref_slice %arg9[%dma_start3A_225, %dma_start3A_228, %dma_start3A_229] : memref<4x100x64xf32, #tpu.memory_space<vmem>> -> memref<1x100x64xf32, #tpu.memory_space<vmem>>
    %dma_start3A_231 = tpu.memref_squeeze %dma_start3A_230 : memref<1x100x64xf32, #tpu.memory_space<vmem>> -> memref<100x64xf32, #tpu.memory_space<vmem>>
    %dma_start3A_232 = arith.constant 0 : i32
    %dma_start3A_233 = tpu.memref_slice %arg8[%dma_start3A_226, %dma_start3A_232] : memref<200x100xi32, #tpu.memory_space<vmem>> -> memref<1x100xi32, #tpu.memory_space<vmem>>
    %dma_start3A_234 = tpu.memref_squeeze %dma_start3A_233 : memref<1x100xi32, #tpu.memory_space<vmem>> -> memref<100xi32, #tpu.memory_space<vmem>>
    %dma_start3A_235 = arith.constant 0 : i32
    %dma_start3A_236 = arith.constant 0 : i32
    %dma_start3A_237 = tpu.memref_slice %arg13[%dma_start3A_235, %dma_start3A_236] : memref<10240x64xf32, #tpu.memory_space<vmem_shared>> -> memref<10240x64xf32, #tpu.memory_space<vmem_shared>>
    %dma_start3A_238 = tpu.memref_slice %arg16[%dma_start3A_227] : memref<4x!tpu.dma_semaphore, #tpu.memory_space<semaphore_mem>> -> memref<1x!tpu.dma_semaphore, #tpu.memory_space<semaphore_mem>>
    %dma_start3A_239 = tpu.memref_squeeze %dma_start3A_238 : memref<1x!tpu.dma_semaphore, #tpu.memory_space<semaphore_mem>> -> memref<!tpu.dma_semaphore, #tpu.memory_space<semaphore_mem>>
    tpu.enqueue_indirect_dma source(%dma_start3A_231 : memref<100x64xf32, #tpu.memory_space<vmem>>) target(%dma_start3A_237 : memref<10240x64xf32, #tpu.memory_space<vmem_shared>>) offsets(%dma_start3A_234 : memref<100xi32, #tpu.memory_space<vmem>>) semaphore(%dma_start3A_239 : memref<!tpu.dma_semaphore, #tpu.memory_space<semaphore_mem>>) {add = true}
    %eq3A_240 = arith.constant 0 : i32
    %eq3A_241 = arith.cmpi eq, %arg0, %eq3A_240 : i32
    %convert_element_type3A_242 = arith.extui %eq3A_241 : i1 to i32
    %cond3A_243 = arith.constant 0 : i32
    %cond3A_244 = arith.cmpi ne, %convert_element_type3A_242, %cond3A_243 : i32
    scf.if %cond3A_244 {
      %dma_start3A_370 = arith.constant 198 : i32
      %dma_start3A_371 = arith.constant 2 : i32
      %dma_start3A_372 = arith.constant 0 : i32
      %dma_start3A_373 = tpu.memref_slice %arg8[%dma_start3A_370, %dma_start3A_372] : memref<200x100xi32, #tpu.memory_space<vmem>> -> memref<1x100xi32, #tpu.memory_space<vmem>>
      %dma_start3A_374 = tpu.memref_squeeze %dma_start3A_373 : memref<1x100xi32, #tpu.memory_space<vmem>> -> memref<100xi32, #tpu.memory_space<vmem>>
      %dma_start3A_375 = arith.constant 0 : i32
      %dma_start3A_376 = arith.constant 0 : i32
      %dma_start3A_377 = tpu.memref_slice %arg14[%dma_start3A_375, %dma_start3A_376] : memref<10240x16xf32, #tpu.memory_space<vmem_shared>> -> memref<10240x16xf32, #tpu.memory_space<vmem_shared>>
      %dma_start3A_378 = tpu.memref_slice %arg18[%dma_start3A_371] : memref<4x!tpu.dma_semaphore, #tpu.memory_space<semaphore_mem>> -> memref<1x!tpu.dma_semaphore, #tpu.memory_space<semaphore_mem>>
      %dma_start3A_379 = tpu.memref_squeeze %dma_start3A_378 : memref<1x!tpu.dma_semaphore, #tpu.memory_space<semaphore_mem>> -> memref<!tpu.dma_semaphore, #tpu.memory_space<semaphore_mem>>
      tpu.enqueue_indirect_dma source(%arg11 : memref<100x16xf32, #tpu.memory_space<vmem>>) target(%dma_start3A_377 : memref<10240x16xf32, #tpu.memory_space<vmem_shared>>) offsets(%dma_start3A_374 : memref<100xi32, #tpu.memory_space<vmem>>) semaphore(%dma_start3A_379 : memref<!tpu.dma_semaphore, #tpu.memory_space<semaphore_mem>>) {add = true}
    } else {
    }
    %dma_wait3A_245 = arith.constant 0 : i32
    %dma_wait3A_246 = arith.constant 3 : i32
    %dma_wait3A_247 = arith.constant 3 : i32
    %dma_wait3A_248 = arith.constant 0 : i32
    %dma_wait3A_249 = arith.constant 0 : i32
    %dma_wait3A_250 = tpu.memref_slice %arg9[%dma_wait3A_246, %dma_wait3A_248, %dma_wait3A_249] : memref<4x100x64xf32, #tpu.memory_space<vmem>> -> memref<1x100x64xf32, #tpu.memory_space<vmem>>
    %dma_wait3A_251 = tpu.memref_squeeze %dma_wait3A_250 : memref<1x100x64xf32, #tpu.memory_space<vmem>> -> memref<100x64xf32, #tpu.memory_space<vmem>>
    %dma_wait3A_252 = arith.constant 0 : i32
    %dma_wait3A_253 = tpu.memref_slice %arg7[%dma_wait3A_245, %dma_wait3A_252] : memref<200x100xi32, #tpu.memory_space<vmem>> -> memref<1x100xi32, #tpu.memory_space<vmem>>
    %dma_wait3A_254 = tpu.memref_squeeze %dma_wait3A_253 : memref<1x100xi32, #tpu.memory_space<vmem>> -> memref<100xi32, #tpu.memory_space<vmem>>
    %dma_wait3A_255 = arith.constant 0 : i32
    %dma_wait3A_256 = arith.constant 0 : i32
    %dma_wait3A_257 = tpu.memref_slice %arg2[%arg0, %dma_wait3A_255, %dma_wait3A_256] : memref<2x10000x64xf32, #tpu.memory_space<hbm>> -> memref<1x10000x64xf32, #tpu.memory_space<hbm>>
    %dma_wait3A_258 = tpu.memref_squeeze %dma_wait3A_257 : memref<1x10000x64xf32, #tpu.memory_space<hbm>> -> memref<10000x64xf32, #tpu.memory_space<hbm>>
    %dma_wait3A_259 = arith.constant 0 : i32
    %dma_wait3A_260 = arith.constant 0 : i32
    %dma_wait3A_261 = tpu.memref_slice %dma_wait3A_258[%dma_wait3A_259, %dma_wait3A_260] : memref<10000x64xf32, #tpu.memory_space<hbm>> -> memref<10000x64xf32, #tpu.memory_space<hbm>>
    %dma_wait3A_262 = tpu.memref_slice %arg15[%dma_wait3A_247] : memref<4x!tpu.dma_semaphore, #tpu.memory_space<semaphore_mem>> -> memref<1x!tpu.dma_semaphore, #tpu.memory_space<semaphore_mem>>
    %dma_wait3A_263 = tpu.memref_squeeze %dma_wait3A_262 : memref<1x!tpu.dma_semaphore, #tpu.memory_space<semaphore_mem>> -> memref<!tpu.dma_semaphore, #tpu.memory_space<semaphore_mem>>
    tpu.wait_indirect_dma semaphore(%dma_wait3A_263 : memref<!tpu.dma_semaphore, #tpu.memory_space<semaphore_mem>>) src(%dma_wait3A_261 : memref<10000x64xf32, #tpu.memory_space<hbm>>) dst(%dma_wait3A_251 : memref<100x64xf32, #tpu.memory_space<vmem>>)
    %dma_start3A_264 = arith.constant 3 : i32
    %dma_start3A_265 = arith.constant 199 : i32
    %dma_start3A_266 = arith.constant 3 : i32
    %dma_start3A_267 = arith.constant 0 : i32
    %dma_start3A_268 = arith.constant 0 : i32
    %dma_start3A_269 = tpu.memref_slice %arg9[%dma_start3A_264, %dma_start3A_267, %dma_start3A_268] : memref<4x100x64xf32, #tpu.memory_space<vmem>> -> memref<1x100x64xf32, #tpu.memory_space<vmem>>
    %dma_start3A_270 = tpu.memref_squeeze %dma_start3A_269 : memref<1x100x64xf32, #tpu.memory_space<vmem>> -> memref<100x64xf32, #tpu.memory_space<vmem>>
    %dma_start3A_271 = arith.constant 0 : i32
    %dma_start3A_272 = tpu.memref_slice %arg8[%dma_start3A_265, %dma_start3A_271] : memref<200x100xi32, #tpu.memory_space<vmem>> -> memref<1x100xi32, #tpu.memory_space<vmem>>
    %dma_start3A_273 = tpu.memref_squeeze %dma_start3A_272 : memref<1x100xi32, #tpu.memory_space<vmem>> -> memref<100xi32, #tpu.memory_space<vmem>>
    %dma_start3A_274 = arith.constant 0 : i32
    %dma_start3A_275 = arith.constant 0 : i32
    %dma_start3A_276 = tpu.memref_slice %arg13[%dma_start3A_274, %dma_start3A_275] : memref<10240x64xf32, #tpu.memory_space<vmem_shared>> -> memref<10240x64xf32, #tpu.memory_space<vmem_shared>>
    %dma_start3A_277 = tpu.memref_slice %arg16[%dma_start3A_266] : memref<4x!tpu.dma_semaphore, #tpu.memory_space<semaphore_mem>> -> memref<1x!tpu.dma_semaphore, #tpu.memory_space<semaphore_mem>>
    %dma_start3A_278 = tpu.memref_squeeze %dma_start3A_277 : memref<1x!tpu.dma_semaphore, #tpu.memory_space<semaphore_mem>> -> memref<!tpu.dma_semaphore, #tpu.memory_space<semaphore_mem>>
    tpu.enqueue_indirect_dma source(%dma_start3A_270 : memref<100x64xf32, #tpu.memory_space<vmem>>) target(%dma_start3A_276 : memref<10240x64xf32, #tpu.memory_space<vmem_shared>>) offsets(%dma_start3A_273 : memref<100xi32, #tpu.memory_space<vmem>>) semaphore(%dma_start3A_278 : memref<!tpu.dma_semaphore, #tpu.memory_space<semaphore_mem>>) {add = true}
    %eq3A_279 = arith.constant 0 : i32
    %eq3A_280 = arith.cmpi eq, %arg0, %eq3A_279 : i32
    %convert_element_type3A_281 = arith.extui %eq3A_280 : i1 to i32
    %cond3A_282 = arith.constant 0 : i32
    %cond3A_283 = arith.cmpi ne, %convert_element_type3A_281, %cond3A_282 : i32
    scf.if %cond3A_283 {
      %dma_start3A_370 = arith.constant 199 : i32
      %dma_start3A_371 = arith.constant 3 : i32
      %dma_start3A_372 = arith.constant 0 : i32
      %dma_start3A_373 = tpu.memref_slice %arg8[%dma_start3A_370, %dma_start3A_372] : memref<200x100xi32, #tpu.memory_space<vmem>> -> memref<1x100xi32, #tpu.memory_space<vmem>>
      %dma_start3A_374 = tpu.memref_squeeze %dma_start3A_373 : memref<1x100xi32, #tpu.memory_space<vmem>> -> memref<100xi32, #tpu.memory_space<vmem>>
      %dma_start3A_375 = arith.constant 0 : i32
      %dma_start3A_376 = arith.constant 0 : i32
      %dma_start3A_377 = tpu.memref_slice %arg14[%dma_start3A_375, %dma_start3A_376] : memref<10240x16xf32, #tpu.memory_space<vmem_shared>> -> memref<10240x16xf32, #tpu.memory_space<vmem_shared>>
      %dma_start3A_378 = tpu.memref_slice %arg18[%dma_start3A_371] : memref<4x!tpu.dma_semaphore, #tpu.memory_space<semaphore_mem>> -> memref<1x!tpu.dma_semaphore, #tpu.memory_space<semaphore_mem>>
      %dma_start3A_379 = tpu.memref_squeeze %dma_start3A_378 : memref<1x!tpu.dma_semaphore, #tpu.memory_space<semaphore_mem>> -> memref<!tpu.dma_semaphore, #tpu.memory_space<semaphore_mem>>
      tpu.enqueue_indirect_dma source(%arg11 : memref<100x16xf32, #tpu.memory_space<vmem>>) target(%dma_start3A_377 : memref<10240x16xf32, #tpu.memory_space<vmem_shared>>) offsets(%dma_start3A_374 : memref<100xi32, #tpu.memory_space<vmem>>) semaphore(%dma_start3A_379 : memref<!tpu.dma_semaphore, #tpu.memory_space<semaphore_mem>>) {add = true}
    } else {
    }
    %dma_wait3A_284 = arith.constant 0 : i32
    %dma_wait3A_285 = arith.constant 0 : i32
    %dma_wait3A_286 = arith.constant 0 : i32
    %dma_wait3A_287 = arith.constant 0 : i32
    %dma_wait3A_288 = arith.constant 0 : i32
    %dma_wait3A_289 = tpu.memref_slice %arg9[%dma_wait3A_284, %dma_wait3A_287, %dma_wait3A_288] : memref<4x100x64xf32, #tpu.memory_space<vmem>> -> memref<1x100x64xf32, #tpu.memory_space<vmem>>
    %dma_wait3A_290 = tpu.memref_squeeze %dma_wait3A_289 : memref<1x100x64xf32, #tpu.memory_space<vmem>> -> memref<100x64xf32, #tpu.memory_space<vmem>>
    %dma_wait3A_291 = arith.constant 0 : i32
    %dma_wait3A_292 = tpu.memref_slice %arg8[%dma_wait3A_285, %dma_wait3A_291] : memref<200x100xi32, #tpu.memory_space<vmem>> -> memref<1x100xi32, #tpu.memory_space<vmem>>
    %dma_wait3A_293 = tpu.memref_squeeze %dma_wait3A_292 : memref<1x100xi32, #tpu.memory_space<vmem>> -> memref<100xi32, #tpu.memory_space<vmem>>
    %dma_wait3A_294 = arith.constant 0 : i32
    %dma_wait3A_295 = arith.constant 0 : i32
    %dma_wait3A_296 = tpu.memref_slice %arg13[%dma_wait3A_294, %dma_wait3A_295] : memref<10240x64xf32, #tpu.memory_space<vmem_shared>> -> memref<10240x64xf32, #tpu.memory_space<vmem_shared>>
    %dma_wait3A_297 = tpu.memref_slice %arg16[%dma_wait3A_286] : memref<4x!tpu.dma_semaphore, #tpu.memory_space<semaphore_mem>> -> memref<1x!tpu.dma_semaphore, #tpu.memory_space<semaphore_mem>>
    %dma_wait3A_298 = tpu.memref_squeeze %dma_wait3A_297 : memref<1x!tpu.dma_semaphore, #tpu.memory_space<semaphore_mem>> -> memref<!tpu.dma_semaphore, #tpu.memory_space<semaphore_mem>>
    tpu.wait_indirect_dma semaphore(%dma_wait3A_298 : memref<!tpu.dma_semaphore, #tpu.memory_space<semaphore_mem>>) src(%dma_wait3A_290 : memref<100x64xf32, #tpu.memory_space<vmem>>) dst(%dma_wait3A_296 : memref<10240x64xf32, #tpu.memory_space<vmem_shared>>)
    %eq3A_299 = arith.constant 0 : i32
    %eq3A_300 = arith.cmpi eq, %arg0, %eq3A_299 : i32
    %convert_element_type3A_301 = arith.extui %eq3A_300 : i1 to i32
    %cond3A_302 = arith.constant 0 : i32
    %cond3A_303 = arith.cmpi ne, %convert_element_type3A_301, %cond3A_302 : i32
    scf.if %cond3A_303 {
      %dma_wait3A_370 = arith.constant 0 : i32
      %dma_wait3A_371 = arith.constant 0 : i32
      %dma_wait3A_372 = arith.constant 0 : i32
      %dma_wait3A_373 = tpu.memref_slice %arg8[%dma_wait3A_370, %dma_wait3A_372] : memref<200x100xi32, #tpu.memory_space<vmem>> -> memref<1x100xi32, #tpu.memory_space<vmem>>
      %dma_wait3A_374 = tpu.memref_squeeze %dma_wait3A_373 : memref<1x100xi32, #tpu.memory_space<vmem>> -> memref<100xi32, #tpu.memory_space<vmem>>
      %dma_wait3A_375 = arith.constant 0 : i32
      %dma_wait3A_376 = arith.constant 0 : i32
      %dma_wait3A_377 = tpu.memref_slice %arg14[%dma_wait3A_375, %dma_wait3A_376] : memref<10240x16xf32, #tpu.memory_space<vmem_shared>> -> memref<10240x16xf32, #tpu.memory_space<vmem_shared>>
      %dma_wait3A_378 = tpu.memref_slice %arg18[%dma_wait3A_371] : memref<4x!tpu.dma_semaphore, #tpu.memory_space<semaphore_mem>> -> memref<1x!tpu.dma_semaphore, #tpu.memory_space<semaphore_mem>>
      %dma_wait3A_379 = tpu.memref_squeeze %dma_wait3A_378 : memref<1x!tpu.dma_semaphore, #tpu.memory_space<semaphore_mem>> -> memref<!tpu.dma_semaphore, #tpu.memory_space<semaphore_mem>>
      tpu.wait_indirect_dma semaphore(%dma_wait3A_379 : memref<!tpu.dma_semaphore, #tpu.memory_space<semaphore_mem>>) src(%arg11 : memref<100x16xf32, #tpu.memory_space<vmem>>) dst(%dma_wait3A_377 : memref<10240x16xf32, #tpu.memory_space<vmem_shared>>)
    } else {
    }
    %dma_wait3A_304 = arith.constant 1 : i32
    %dma_wait3A_305 = arith.constant 0 : i32
    %dma_wait3A_306 = arith.constant 1 : i32
    %dma_wait3A_307 = arith.constant 0 : i32
    %dma_wait3A_308 = arith.constant 0 : i32
    %dma_wait3A_309 = tpu.memref_slice %arg9[%dma_wait3A_304, %dma_wait3A_307, %dma_wait3A_308] : memref<4x100x64xf32, #tpu.memory_space<vmem>> -> memref<1x100x64xf32, #tpu.memory_space<vmem>>
    %dma_wait3A_310 = tpu.memref_squeeze %dma_wait3A_309 : memref<1x100x64xf32, #tpu.memory_space<vmem>> -> memref<100x64xf32, #tpu.memory_space<vmem>>
    %dma_wait3A_311 = arith.constant 0 : i32
    %dma_wait3A_312 = tpu.memref_slice %arg8[%dma_wait3A_305, %dma_wait3A_311] : memref<200x100xi32, #tpu.memory_space<vmem>> -> memref<1x100xi32, #tpu.memory_space<vmem>>
    %dma_wait3A_313 = tpu.memref_squeeze %dma_wait3A_312 : memref<1x100xi32, #tpu.memory_space<vmem>> -> memref<100xi32, #tpu.memory_space<vmem>>
    %dma_wait3A_314 = arith.constant 0 : i32
    %dma_wait3A_315 = arith.constant 0 : i32
    %dma_wait3A_316 = tpu.memref_slice %arg13[%dma_wait3A_314, %dma_wait3A_315] : memref<10240x64xf32, #tpu.memory_space<vmem_shared>> -> memref<10240x64xf32, #tpu.memory_space<vmem_shared>>
    %dma_wait3A_317 = tpu.memref_slice %arg16[%dma_wait3A_306] : memref<4x!tpu.dma_semaphore, #tpu.memory_space<semaphore_mem>> -> memref<1x!tpu.dma_semaphore, #tpu.memory_space<semaphore_mem>>
    %dma_wait3A_318 = tpu.memref_squeeze %dma_wait3A_317 : memref<1x!tpu.dma_semaphore, #tpu.memory_space<semaphore_mem>> -> memref<!tpu.dma_semaphore, #tpu.memory_space<semaphore_mem>>
    tpu.wait_indirect_dma semaphore(%dma_wait3A_318 : memref<!tpu.dma_semaphore, #tpu.memory_space<semaphore_mem>>) src(%dma_wait3A_310 : memref<100x64xf32, #tpu.memory_space<vmem>>) dst(%dma_wait3A_316 : memref<10240x64xf32, #tpu.memory_space<vmem_shared>>)
    %eq3A_319 = arith.constant 0 : i32
    %eq3A_320 = arith.cmpi eq, %arg0, %eq3A_319 : i32
    %convert_element_type3A_321 = arith.extui %eq3A_320 : i1 to i32
    %cond3A_322 = arith.constant 0 : i32
    %cond3A_323 = arith.cmpi ne, %convert_element_type3A_321, %cond3A_322 : i32
    scf.if %cond3A_323 {
      %dma_wait3A_370 = arith.constant 0 : i32
      %dma_wait3A_371 = arith.constant 1 : i32
      %dma_wait3A_372 = arith.constant 0 : i32
      %dma_wait3A_373 = tpu.memref_slice %arg8[%dma_wait3A_370, %dma_wait3A_372] : memref<200x100xi32, #tpu.memory_space<vmem>> -> memref<1x100xi32, #tpu.memory_space<vmem>>
      %dma_wait3A_374 = tpu.memref_squeeze %dma_wait3A_373 : memref<1x100xi32, #tpu.memory_space<vmem>> -> memref<100xi32, #tpu.memory_space<vmem>>
      %dma_wait3A_375 = arith.constant 0 : i32
      %dma_wait3A_376 = arith.constant 0 : i32
      %dma_wait3A_377 = tpu.memref_slice %arg14[%dma_wait3A_375, %dma_wait3A_376] : memref<10240x16xf32, #tpu.memory_space<vmem_shared>> -> memref<10240x16xf32, #tpu.memory_space<vmem_shared>>
      %dma_wait3A_378 = tpu.memref_slice %arg18[%dma_wait3A_371] : memref<4x!tpu.dma_semaphore, #tpu.memory_space<semaphore_mem>> -> memref<1x!tpu.dma_semaphore, #tpu.memory_space<semaphore_mem>>
      %dma_wait3A_379 = tpu.memref_squeeze %dma_wait3A_378 : memref<1x!tpu.dma_semaphore, #tpu.memory_space<semaphore_mem>> -> memref<!tpu.dma_semaphore, #tpu.memory_space<semaphore_mem>>
      tpu.wait_indirect_dma semaphore(%dma_wait3A_379 : memref<!tpu.dma_semaphore, #tpu.memory_space<semaphore_mem>>) src(%arg11 : memref<100x16xf32, #tpu.memory_space<vmem>>) dst(%dma_wait3A_377 : memref<10240x16xf32, #tpu.memory_space<vmem_shared>>)
    } else {
    }
    %dma_wait3A_324 = arith.constant 2 : i32
    %dma_wait3A_325 = arith.constant 0 : i32
    %dma_wait3A_326 = arith.constant 2 : i32
    %dma_wait3A_327 = arith.constant 0 : i32
    %dma_wait3A_328 = arith.constant 0 : i32
    %dma_wait3A_329 = tpu.memref_slice %arg9[%dma_wait3A_324, %dma_wait3A_327, %dma_wait3A_328] : memref<4x100x64xf32, #tpu.memory_space<vmem>> -> memref<1x100x64xf32, #tpu.memory_space<vmem>>
    %dma_wait3A_330 = tpu.memref_squeeze %dma_wait3A_329 : memref<1x100x64xf32, #tpu.memory_space<vmem>> -> memref<100x64xf32, #tpu.memory_space<vmem>>
    %dma_wait3A_331 = arith.constant 0 : i32
    %dma_wait3A_332 = tpu.memref_slice %arg8[%dma_wait3A_325, %dma_wait3A_331] : memref<200x100xi32, #tpu.memory_space<vmem>> -> memref<1x100xi32, #tpu.memory_space<vmem>>
    %dma_wait3A_333 = tpu.memref_squeeze %dma_wait3A_332 : memref<1x100xi32, #tpu.memory_space<vmem>> -> memref<100xi32, #tpu.memory_space<vmem>>
    %dma_wait3A_334 = arith.constant 0 : i32
    %dma_wait3A_335 = arith.constant 0 : i32
    %dma_wait3A_336 = tpu.memref_slice %arg13[%dma_wait3A_334, %dma_wait3A_335] : memref<10240x64xf32, #tpu.memory_space<vmem_shared>> -> memref<10240x64xf32, #tpu.memory_space<vmem_shared>>
    %dma_wait3A_337 = tpu.memref_slice %arg16[%dma_wait3A_326] : memref<4x!tpu.dma_semaphore, #tpu.memory_space<semaphore_mem>> -> memref<1x!tpu.dma_semaphore, #tpu.memory_space<semaphore_mem>>
    %dma_wait3A_338 = tpu.memref_squeeze %dma_wait3A_337 : memref<1x!tpu.dma_semaphore, #tpu.memory_space<semaphore_mem>> -> memref<!tpu.dma_semaphore, #tpu.memory_space<semaphore_mem>>
    tpu.wait_indirect_dma semaphore(%dma_wait3A_338 : memref<!tpu.dma_semaphore, #tpu.memory_space<semaphore_mem>>) src(%dma_wait3A_330 : memref<100x64xf32, #tpu.memory_space<vmem>>) dst(%dma_wait3A_336 : memref<10240x64xf32, #tpu.memory_space<vmem_shared>>)
    %eq3A_339 = arith.constant 0 : i32
    %eq3A_340 = arith.cmpi eq, %arg0, %eq3A_339 : i32
    %convert_element_type3A_341 = arith.extui %eq3A_340 : i1 to i32
    %cond3A_342 = arith.constant 0 : i32
    %cond3A_343 = arith.cmpi ne, %convert_element_type3A_341, %cond3A_342 : i32
    scf.if %cond3A_343 {
      %dma_wait3A_370 = arith.constant 0 : i32
      %dma_wait3A_371 = arith.constant 2 : i32
      %dma_wait3A_372 = arith.constant 0 : i32
      %dma_wait3A_373 = tpu.memref_slice %arg8[%dma_wait3A_370, %dma_wait3A_372] : memref<200x100xi32, #tpu.memory_space<vmem>> -> memref<1x100xi32, #tpu.memory_space<vmem>>
      %dma_wait3A_374 = tpu.memref_squeeze %dma_wait3A_373 : memref<1x100xi32, #tpu.memory_space<vmem>> -> memref<100xi32, #tpu.memory_space<vmem>>
      %dma_wait3A_375 = arith.constant 0 : i32
      %dma_wait3A_376 = arith.constant 0 : i32
      %dma_wait3A_377 = tpu.memref_slice %arg14[%dma_wait3A_375, %dma_wait3A_376] : memref<10240x16xf32, #tpu.memory_space<vmem_shared>> -> memref<10240x16xf32, #tpu.memory_space<vmem_shared>>
      %dma_wait3A_378 = tpu.memref_slice %arg18[%dma_wait3A_371] : memref<4x!tpu.dma_semaphore, #tpu.memory_space<semaphore_mem>> -> memref<1x!tpu.dma_semaphore, #tpu.memory_space<semaphore_mem>>
      %dma_wait3A_379 = tpu.memref_squeeze %dma_wait3A_378 : memref<1x!tpu.dma_semaphore, #tpu.memory_space<semaphore_mem>> -> memref<!tpu.dma_semaphore, #tpu.memory_space<semaphore_mem>>
      tpu.wait_indirect_dma semaphore(%dma_wait3A_379 : memref<!tpu.dma_semaphore, #tpu.memory_space<semaphore_mem>>) src(%arg11 : memref<100x16xf32, #tpu.memory_space<vmem>>) dst(%dma_wait3A_377 : memref<10240x16xf32, #tpu.memory_space<vmem_shared>>)
    } else {
    }
    %dma_wait3A_344 = arith.constant 3 : i32
    %dma_wait3A_345 = arith.constant 0 : i32
    %dma_wait3A_346 = arith.constant 3 : i32
    %dma_wait3A_347 = arith.constant 0 : i32
    %dma_wait3A_348 = arith.constant 0 : i32
    %dma_wait3A_349 = tpu.memref_slice %arg9[%dma_wait3A_344, %dma_wait3A_347, %dma_wait3A_348] : memref<4x100x64xf32, #tpu.memory_space<vmem>> -> memref<1x100x64xf32, #tpu.memory_space<vmem>>
    %dma_wait3A_350 = tpu.memref_squeeze %dma_wait3A_349 : memref<1x100x64xf32, #tpu.memory_space<vmem>> -> memref<100x64xf32, #tpu.memory_space<vmem>>
    %dma_wait3A_351 = arith.constant 0 : i32
    %dma_wait3A_352 = tpu.memref_slice %arg8[%dma_wait3A_345, %dma_wait3A_351] : memref<200x100xi32, #tpu.memory_space<vmem>> -> memref<1x100xi32, #tpu.memory_space<vmem>>
    %dma_wait3A_353 = tpu.memref_squeeze %dma_wait3A_352 : memref<1x100xi32, #tpu.memory_space<vmem>> -> memref<100xi32, #tpu.memory_space<vmem>>
    %dma_wait3A_354 = arith.constant 0 : i32
    %dma_wait3A_355 = arith.constant 0 : i32
    %dma_wait3A_356 = tpu.memref_slice %arg13[%dma_wait3A_354, %dma_wait3A_355] : memref<10240x64xf32, #tpu.memory_space<vmem_shared>> -> memref<10240x64xf32, #tpu.memory_space<vmem_shared>>
    %dma_wait3A_357 = tpu.memref_slice %arg16[%dma_wait3A_346] : memref<4x!tpu.dma_semaphore, #tpu.memory_space<semaphore_mem>> -> memref<1x!tpu.dma_semaphore, #tpu.memory_space<semaphore_mem>>
    %dma_wait3A_358 = tpu.memref_squeeze %dma_wait3A_357 : memref<1x!tpu.dma_semaphore, #tpu.memory_space<semaphore_mem>> -> memref<!tpu.dma_semaphore, #tpu.memory_space<semaphore_mem>>
    tpu.wait_indirect_dma semaphore(%dma_wait3A_358 : memref<!tpu.dma_semaphore, #tpu.memory_space<semaphore_mem>>) src(%dma_wait3A_350 : memref<100x64xf32, #tpu.memory_space<vmem>>) dst(%dma_wait3A_356 : memref<10240x64xf32, #tpu.memory_space<vmem_shared>>)
    %eq3A_359 = arith.constant 0 : i32
    %eq3A_360 = arith.cmpi eq, %arg0, %eq3A_359 : i32
    %convert_element_type3A_361 = arith.extui %eq3A_360 : i1 to i32
    %cond3A_362 = arith.constant 0 : i32
    %cond3A_363 = arith.cmpi ne, %convert_element_type3A_361, %cond3A_362 : i32
    scf.if %cond3A_363 {
      %dma_wait3A_370 = arith.constant 0 : i32
      %dma_wait3A_371 = arith.constant 3 : i32
      %dma_wait3A_372 = arith.constant 0 : i32
      %dma_wait3A_373 = tpu.memref_slice %arg8[%dma_wait3A_370, %dma_wait3A_372] : memref<200x100xi32, #tpu.memory_space<vmem>> -> memref<1x100xi32, #tpu.memory_space<vmem>>
      %dma_wait3A_374 = tpu.memref_squeeze %dma_wait3A_373 : memref<1x100xi32, #tpu.memory_space<vmem>> -> memref<100xi32, #tpu.memory_space<vmem>>
      %dma_wait3A_375 = arith.constant 0 : i32
      %dma_wait3A_376 = arith.constant 0 : i32
      %dma_wait3A_377 = tpu.memref_slice %arg14[%dma_wait3A_375, %dma_wait3A_376] : memref<10240x16xf32, #tpu.memory_space<vmem_shared>> -> memref<10240x16xf32, #tpu.memory_space<vmem_shared>>
      %dma_wait3A_378 = tpu.memref_slice %arg18[%dma_wait3A_371] : memref<4x!tpu.dma_semaphore, #tpu.memory_space<semaphore_mem>> -> memref<1x!tpu.dma_semaphore, #tpu.memory_space<semaphore_mem>>
      %dma_wait3A_379 = tpu.memref_squeeze %dma_wait3A_378 : memref<1x!tpu.dma_semaphore, #tpu.memory_space<semaphore_mem>> -> memref<!tpu.dma_semaphore, #tpu.memory_space<semaphore_mem>>
      tpu.wait_indirect_dma semaphore(%dma_wait3A_379 : memref<!tpu.dma_semaphore, #tpu.memory_space<semaphore_mem>>) src(%arg11 : memref<100x16xf32, #tpu.memory_space<vmem>>) dst(%dma_wait3A_377 : memref<10240x16xf32, #tpu.memory_space<vmem_shared>>)
    } else {
    }
    %barrier3A_364 = arith.constant 0 : index
    tpu.barrier barrier_id(%barrier3A_364)
    "tpu.region"() ({
      %run_scoped3A = tpu.sem_alloc : memref<!tpu.dma_semaphore, #tpu.memory_space<semaphore_mem>>
      %dma_start3A_370 = arith.constant 0 : i32
      %dma_start3A_371 = tpu.memref_slice %arg5[%arg0, %mul3A_29, %dma_start3A_370] : memref<2x10240x64xf32, #tpu.memory_space<hbm>> -> memref<1x640x64xf32, #tpu.memory_space<hbm>>
      %dma_start3A_372 = tpu.memref_squeeze %dma_start3A_371 : memref<1x640x64xf32, #tpu.memory_space<hbm>> -> memref<640x64xf32, #tpu.memory_space<hbm>>
      %dma_start3A_373 = arith.constant 0 : i32
      %dma_start3A_374 = tpu.memref_slice %arg13[%mul3A_29, %dma_start3A_373] : memref<10240x64xf32, #tpu.memory_space<vmem_shared>> -> memref<640x64xf32, #tpu.memory_space<vmem_shared>>
      tpu.enqueue_dma source(%dma_start3A_374 : memref<640x64xf32, #tpu.memory_space<vmem_shared>>) target(%dma_start3A_372 : memref<640x64xf32, #tpu.memory_space<hbm>>) target_semaphore(%run_scoped3A : memref<!tpu.dma_semaphore, #tpu.memory_space<semaphore_mem>>)
      %dma_wait3A_375 = arith.constant 0 : i32
      %dma_wait3A_376 = tpu.memref_slice %arg5[%arg0, %mul3A_29, %dma_wait3A_375] : memref<2x10240x64xf32, #tpu.memory_space<hbm>> -> memref<1x640x64xf32, #tpu.memory_space<hbm>>
      %dma_wait3A_377 = tpu.memref_squeeze %dma_wait3A_376 : memref<1x640x64xf32, #tpu.memory_space<hbm>> -> memref<640x64xf32, #tpu.memory_space<hbm>>
      %dma_wait3A_378 = arith.constant 0 : i32
      %dma_wait3A_379 = tpu.memref_slice %arg13[%mul3A_29, %dma_wait3A_378] : memref<10240x64xf32, #tpu.memory_space<vmem_shared>> -> memref<640x64xf32, #tpu.memory_space<vmem_shared>>
      tpu.wait_dma2 semaphore(%run_scoped3A : memref<!tpu.dma_semaphore, #tpu.memory_space<semaphore_mem>>) src(%dma_wait3A_379 : memref<640x64xf32, #tpu.memory_space<vmem_shared>>) dst(%dma_wait3A_377 : memref<640x64xf32, #tpu.memory_space<hbm>>)
      tpu.yield
    }) : () -> ()
    %eq3A_365 = arith.constant 0 : i32
    %eq3A_366 = arith.cmpi eq, %arg0, %eq3A_365 : i32
    %convert_element_type3A_367 = arith.extui %eq3A_366 : i1 to i32
    %cond3A_368 = arith.constant 0 : i32
    %cond3A_369 = arith.cmpi ne, %convert_element_type3A_367, %cond3A_368 : i32
    scf.if %cond3A_369 {
      "tpu.region"() ({
        %run_scoped3A = tpu.sem_alloc : memref<!tpu.dma_semaphore, #tpu.memory_space<semaphore_mem>>
        %dma_start3A_370 = arith.constant 0 : i32
        %dma_start3A_371 = tpu.memref_slice %arg6[%mul3A_29, %dma_start3A_370] : memref<10240x16xf32, #tpu.memory_space<hbm>> -> memref<640x16xf32, #tpu.memory_space<hbm>>
        %dma_start3A_372 = arith.constant 0 : i32
        %dma_start3A_373 = tpu.memref_slice %arg14[%mul3A_29, %dma_start3A_372] : memref<10240x16xf32, #tpu.memory_space<vmem_shared>> -> memref<640x16xf32, #tpu.memory_space<vmem_shared>>
        tpu.enqueue_dma source(%dma_start3A_373 : memref<640x16xf32, #tpu.memory_space<vmem_shared>>) target(%dma_start3A_371 : memref<640x16xf32, #tpu.memory_space<hbm>>) target_semaphore(%run_scoped3A : memref<!tpu.dma_semaphore, #tpu.memory_space<semaphore_mem>>)
        %dma_wait3A_374 = arith.constant 0 : i32
        %dma_wait3A_375 = tpu.memref_slice %arg6[%mul3A_29, %dma_wait3A_374] : memref<10240x16xf32, #tpu.memory_space<hbm>> -> memref<640x16xf32, #tpu.memory_space<hbm>>
        %dma_wait3A_376 = arith.constant 0 : i32
        %dma_wait3A_377 = tpu.memref_slice %arg14[%mul3A_29, %dma_wait3A_376] : memref<10240x16xf32, #tpu.memory_space<vmem_shared>> -> memref<640x16xf32, #tpu.memory_space<vmem_shared>>
        tpu.wait_dma2 semaphore(%run_scoped3A : memref<!tpu.dma_semaphore, #tpu.memory_space<semaphore_mem>>) src(%dma_wait3A_377 : memref<640x16xf32, #tpu.memory_space<vmem_shared>>) dst(%dma_wait3A_375 : memref<640x16xf32, #tpu.memory_space<hbm>>)
        tpu.yield
      }) : () -> ()
    } else {
    }
    return
  }
}

#map = affine_map<(d0, d1) -> (0, 0, 0)>
module attributes {stable_mosaic.version = 14 : i64} {
  func.func @body(%arg0: i32, %arg1: i32, %arg2: memref<2x10000x64xf32, #tpu.memory_space<hbm>>, %arg3: memref<16x200x100xi32, #tpu.memory_space<hbm>>, %arg4: memref<16x200x100xi32, #tpu.memory_space<hbm>>, %arg5: memref<2x10240x64xf32, #tpu.memory_space<hbm>>, %arg6: memref<200x100xi32, #tpu.memory_space<vmem>>, %arg7: memref<200x100xi32, #tpu.memory_space<vmem>>, %arg8: memref<4x100x64xf32, #tpu.memory_space<vmem>>, %arg9: memref<80x64xf32, #tpu.memory_space<vmem>>, %arg10: memref<10240x64xf32, #tpu.memory_space<vmem_shared>>, %arg11: memref<4x!tpu.dma_semaphore, #tpu.memory_space<semaphore_mem>>, %arg12: memref<4x!tpu.dma_semaphore, #tpu.memory_space<semaphore_mem>>, %arg13: memref<!tpu.dma_semaphore, #tpu.memory_space<semaphore_mem>>) attributes {dimension_semantics = [#tpu.dimension_semantics<core_parallel>, #tpu.dimension_semantics<subcore_parallel>], iteration_bounds = array<i64: 2, 16>, scalar_prefetch = 0 : i64, scratch_operands = 8 : i64, tpu.core_type = #tpu.core_type<sc_vector_subcore>, window_params = [{transform_indices = #map}, {transform_indices = #map}, {transform_indices = #map}, {transform_indices = #map}]} {
    %dma_start3A = arith.constant 0 : i32
    %dma_start3A_0 = arith.constant 0 : i32
    %dma_start3A_1 = tpu.memref_slice %arg3[%arg1, %dma_start3A, %dma_start3A_0] : memref<16x200x100xi32, #tpu.memory_space<hbm>> -> memref<1x200x100xi32, #tpu.memory_space<hbm>>
    %dma_start3A_2 = tpu.memref_squeeze %dma_start3A_1 : memref<1x200x100xi32, #tpu.memory_space<hbm>> -> memref<200x100xi32, #tpu.memory_space<hbm>>
    %dma_start3A_3 = arith.constant 0 : i32
    %dma_start3A_4 = arith.constant 0 : i32
    %dma_start3A_5 = tpu.memref_slice %arg3[%arg1, %dma_start3A_3, %dma_start3A_4] : memref<16x200x100xi32, #tpu.memory_space<hbm>> -> memref<1x200x100xi32, #tpu.memory_space<hbm>>
    %dma_start3A_6 = tpu.memref_squeeze %dma_start3A_5 : memref<1x200x100xi32, #tpu.memory_space<hbm>> -> memref<200x100xi32, #tpu.memory_space<hbm>>
    tpu.enqueue_dma source(%dma_start3A_6 : memref<200x100xi32, #tpu.memory_space<hbm>>) target(%arg6 : memref<200x100xi32, #tpu.memory_space<vmem>>) target_semaphore(%arg13 : memref<!tpu.dma_semaphore, #tpu.memory_space<semaphore_mem>>)
    %dma_start3A_7 = arith.constant 0 : i32
    %dma_start3A_8 = arith.constant 0 : i32
    %dma_start3A_9 = tpu.memref_slice %arg4[%arg1, %dma_start3A_7, %dma_start3A_8] : memref<16x200x100xi32, #tpu.memory_space<hbm>> -> memref<1x200x100xi32, #tpu.memory_space<hbm>>
    %dma_start3A_10 = tpu.memref_squeeze %dma_start3A_9 : memref<1x200x100xi32, #tpu.memory_space<hbm>> -> memref<200x100xi32, #tpu.memory_space<hbm>>
    %dma_start3A_11 = arith.constant 0 : i32
    %dma_start3A_12 = arith.constant 0 : i32
    %dma_start3A_13 = tpu.memref_slice %arg4[%arg1, %dma_start3A_11, %dma_start3A_12] : memref<16x200x100xi32, #tpu.memory_space<hbm>> -> memref<1x200x100xi32, #tpu.memory_space<hbm>>
    %dma_start3A_14 = tpu.memref_squeeze %dma_start3A_13 : memref<1x200x100xi32, #tpu.memory_space<hbm>> -> memref<200x100xi32, #tpu.memory_space<hbm>>
    tpu.enqueue_dma source(%dma_start3A_14 : memref<200x100xi32, #tpu.memory_space<hbm>>) target(%arg7 : memref<200x100xi32, #tpu.memory_space<vmem>>) target_semaphore(%arg13 : memref<!tpu.dma_semaphore, #tpu.memory_space<semaphore_mem>>)
    %scan3A = arith.constant 0 : i32
    %scan3A_15 = arith.constant 80 : i32
    %scan3A_16 = arith.addi %scan3A, %scan3A_15 : i32
    %scan3A_17 = arith.constant 1 : i32
    scf.for %scan3A_318 = %scan3A to %scan3A_16 step %scan3A_17  : i32 {
      %mul3A_319 = arith.constant 1 : i32
      %mul3A_320 = arith.muli %scan3A_318, %mul3A_319 : i32
      %add3A = arith.constant 0 : i32
      %add3A_321 = arith.addi %add3A, %mul3A_320 : i32
      %broadcast_in_dim3A = arith.constant 0.000000e+00 : f32
      %broadcast_in_dim3A_322 = vector.broadcast %broadcast_in_dim3A : f32 to vector<16xf32>
      %swap3A = arith.index_cast %add3A_321 : i32 to index
      %swap3A_323 = arith.constant 0 : index
      %swap3A_324 = tpu.vector_load %arg9[%swap3A, %swap3A_323] {strides = array<i32>} : memref<80x64xf32, #tpu.memory_space<vmem>>, vector<1x16xf32>,
      %swap3A_325 = vector.shape_cast %swap3A_324 : vector<1x16xf32> to vector<16xf32>
      %swap3A_326 = vector.shape_cast %broadcast_in_dim3A_322 : vector<16xf32> to vector<1x16xf32>
      tpu.vector_store %arg9[%swap3A, %swap3A_323], %swap3A_326 {strides = array<i32>} : memref<80x64xf32, #tpu.memory_space<vmem>>, vector<1x16xf32>,
      %broadcast_in_dim3A_327 = arith.constant 0.000000e+00 : f32
      %broadcast_in_dim3A_328 = vector.broadcast %broadcast_in_dim3A_327 : f32 to vector<16xf32>
      %swap3A_329 = arith.index_cast %add3A_321 : i32 to index
      %swap3A_330 = arith.constant 16 : index
      %swap3A_331 = tpu.vector_load %arg9[%swap3A_329, %swap3A_330] {strides = array<i32>} : memref<80x64xf32, #tpu.memory_space<vmem>>, vector<1x16xf32>,
      %swap3A_332 = vector.shape_cast %swap3A_331 : vector<1x16xf32> to vector<16xf32>
      %swap3A_333 = vector.shape_cast %broadcast_in_dim3A_328 : vector<16xf32> to vector<1x16xf32>
      tpu.vector_store %arg9[%swap3A_329, %swap3A_330], %swap3A_333 {strides = array<i32>} : memref<80x64xf32, #tpu.memory_space<vmem>>, vector<1x16xf32>,
      %broadcast_in_dim3A_334 = arith.constant 0.000000e+00 : f32
      %broadcast_in_dim3A_335 = vector.broadcast %broadcast_in_dim3A_334 : f32 to vector<16xf32>
      %swap3A_336 = arith.index_cast %add3A_321 : i32 to index
      %swap3A_337 = arith.constant 32 : index
      %swap3A_338 = tpu.vector_load %arg9[%swap3A_336, %swap3A_337] {strides = array<i32>} : memref<80x64xf32, #tpu.memory_space<vmem>>, vector<1x16xf32>,
      %swap3A_339 = vector.shape_cast %swap3A_338 : vector<1x16xf32> to vector<16xf32>
      %swap3A_340 = vector.shape_cast %broadcast_in_dim3A_335 : vector<16xf32> to vector<1x16xf32>
      tpu.vector_store %arg9[%swap3A_336, %swap3A_337], %swap3A_340 {strides = array<i32>} : memref<80x64xf32, #tpu.memory_space<vmem>>, vector<1x16xf32>,
      %broadcast_in_dim3A_341 = arith.constant 0.000000e+00 : f32
      %broadcast_in_dim3A_342 = vector.broadcast %broadcast_in_dim3A_341 : f32 to vector<16xf32>
      %swap3A_343 = arith.index_cast %add3A_321 : i32 to index
      %swap3A_344 = arith.constant 48 : index
      %swap3A_345 = tpu.vector_load %arg9[%swap3A_343, %swap3A_344] {strides = array<i32>} : memref<80x64xf32, #tpu.memory_space<vmem>>, vector<1x16xf32>,
      %swap3A_346 = vector.shape_cast %swap3A_345 : vector<1x16xf32> to vector<16xf32>
      %swap3A_347 = vector.shape_cast %broadcast_in_dim3A_342 : vector<16xf32> to vector<1x16xf32>
      tpu.vector_store %arg9[%swap3A_343, %swap3A_344], %swap3A_347 {strides = array<i32>} : memref<80x64xf32, #tpu.memory_space<vmem>>, vector<1x16xf32>,
    }
    %scan3A_18 = arith.constant 80 : i32
    %mul3A = arith.constant 640 : i32
    %mul3A_19 = arith.muli %arg1, %mul3A : i32
    %scan3A_20 = arith.constant 0 : i32
    %scan3A_21 = arith.constant 8 : i32
    %scan3A_22 = arith.addi %scan3A_20, %scan3A_21 : i32
    %scan3A_23 = arith.constant 1 : i32
    scf.for %scan3A_318 = %scan3A_20 to %scan3A_22 step %scan3A_23  : i32 {
      %mul3A_319 = arith.constant 1 : i32
      %mul3A_320 = arith.muli %scan3A_318, %mul3A_319 : i32
      %add3A = arith.constant 0 : i32
      %add3A_321 = arith.addi %add3A, %mul3A_320 : i32
      %mul3A_322 = arith.constant 80 : i32
      %mul3A_323 = arith.muli %add3A_321, %mul3A_322 : i32
      %add3A_324 = arith.addi %mul3A_19, %mul3A_323 : i32
      "tpu.region"() ({
        %run_scoped3A = tpu.sem_alloc : memref<!tpu.dma_semaphore, #tpu.memory_space<semaphore_mem>>
        %dma_start3A_325 = arith.constant 0 : i32
        %dma_start3A_326 = tpu.memref_slice %arg10[%add3A_324, %dma_start3A_325] : memref<10240x64xf32, #tpu.memory_space<vmem_shared>> -> memref<80x64xf32, #tpu.memory_space<vmem_shared>>
        %dma_start3A_327 = arith.constant 0 : i32
        %dma_start3A_328 = tpu.memref_slice %arg10[%add3A_324, %dma_start3A_327] : memref<10240x64xf32, #tpu.memory_space<vmem_shared>> -> memref<80x64xf32, #tpu.memory_space<vmem_shared>>
        tpu.enqueue_dma source(%arg9 : memref<80x64xf32, #tpu.memory_space<vmem>>) target(%dma_start3A_328 : memref<80x64xf32, #tpu.memory_space<vmem_shared>>) target_semaphore(%run_scoped3A : memref<!tpu.dma_semaphore, #tpu.memory_space<semaphore_mem>>)
        %dma_wait3A_329 = arith.constant 0 : i32
        %dma_wait3A_330 = tpu.memref_slice %arg10[%add3A_324, %dma_wait3A_329] : memref<10240x64xf32, #tpu.memory_space<vmem_shared>> -> memref<80x64xf32, #tpu.memory_space<vmem_shared>>
        %dma_wait3A_331 = arith.constant 0 : i32
        %dma_wait3A_332 = tpu.memref_slice %arg10[%add3A_324, %dma_wait3A_331] : memref<10240x64xf32, #tpu.memory_space<vmem_shared>> -> memref<80x64xf32, #tpu.memory_space<vmem_shared>>
        tpu.wait_dma2 semaphore(%run_scoped3A : memref<!tpu.dma_semaphore, #tpu.memory_space<semaphore_mem>>) src(%arg9 : memref<80x64xf32, #tpu.memory_space<vmem>>) dst(%dma_wait3A_332 : memref<80x64xf32, #tpu.memory_space<vmem_shared>>)
        tpu.yield
      }) : () -> ()
    }
    %scan3A_24 = arith.constant 8 : i32
    %dma_wait3A = arith.constant 0 : i32
    %dma_wait3A_25 = arith.constant 0 : i32
    %dma_wait3A_26 = tpu.memref_slice %arg3[%arg1, %dma_wait3A, %dma_wait3A_25] : memref<16x200x100xi32, #tpu.memory_space<hbm>> -> memref<1x200x100xi32, #tpu.memory_space<hbm>>
    %dma_wait3A_27 = tpu.memref_squeeze %dma_wait3A_26 : memref<1x200x100xi32, #tpu.memory_space<hbm>> -> memref<200x100xi32, #tpu.memory_space<hbm>>
    %dma_wait3A_28 = arith.constant 0 : i32
    %dma_wait3A_29 = arith.constant 0 : i32
    %dma_wait3A_30 = tpu.memref_slice %arg3[%arg1, %dma_wait3A_28, %dma_wait3A_29] : memref<16x200x100xi32, #tpu.memory_space<hbm>> -> memref<1x200x100xi32, #tpu.memory_space<hbm>>
    %dma_wait3A_31 = tpu.memref_squeeze %dma_wait3A_30 : memref<1x200x100xi32, #tpu.memory_space<hbm>> -> memref<200x100xi32, #tpu.memory_space<hbm>>
    tpu.wait_dma2 semaphore(%arg13 : memref<!tpu.dma_semaphore, #tpu.memory_space<semaphore_mem>>) src(%dma_wait3A_31 : memref<200x100xi32, #tpu.memory_space<hbm>>) dst(%arg6 : memref<200x100xi32, #tpu.memory_space<vmem>>)
    %dma_wait3A_32 = arith.constant 0 : i32
    %dma_wait3A_33 = arith.constant 0 : i32
    %dma_wait3A_34 = tpu.memref_slice %arg4[%arg1, %dma_wait3A_32, %dma_wait3A_33] : memref<16x200x100xi32, #tpu.memory_space<hbm>> -> memref<1x200x100xi32, #tpu.memory_space<hbm>>
    %dma_wait3A_35 = tpu.memref_squeeze %dma_wait3A_34 : memref<1x200x100xi32, #tpu.memory_space<hbm>> -> memref<200x100xi32, #tpu.memory_space<hbm>>
    %dma_wait3A_36 = arith.constant 0 : i32
    %dma_wait3A_37 = arith.constant 0 : i32
    %dma_wait3A_38 = tpu.memref_slice %arg4[%arg1, %dma_wait3A_36, %dma_wait3A_37] : memref<16x200x100xi32, #tpu.memory_space<hbm>> -> memref<1x200x100xi32, #tpu.memory_space<hbm>>
    %dma_wait3A_39 = tpu.memref_squeeze %dma_wait3A_38 : memref<1x200x100xi32, #tpu.memory_space<hbm>> -> memref<200x100xi32, #tpu.memory_space<hbm>>
    tpu.wait_dma2 semaphore(%arg13 : memref<!tpu.dma_semaphore, #tpu.memory_space<semaphore_mem>>) src(%dma_wait3A_39 : memref<200x100xi32, #tpu.memory_space<hbm>>) dst(%arg7 : memref<200x100xi32, #tpu.memory_space<vmem>>)
    %barrier3A = arith.constant 0 : index
    tpu.barrier barrier_id(%barrier3A)
    %dma_start3A_40 = arith.constant 0 : i32
    %dma_start3A_41 = arith.constant 0 : i32
    %dma_start3A_42 = arith.constant 0 : i32
    %dma_start3A_43 = arith.constant 0 : i32
    %dma_start3A_44 = arith.constant 0 : i32
    %dma_start3A_45 = tpu.memref_slice %arg8[%dma_start3A_41, %dma_start3A_43, %dma_start3A_44] : memref<4x100x64xf32, #tpu.memory_space<vmem>> -> memref<1x100x64xf32, #tpu.memory_space<vmem>>
    %dma_start3A_46 = tpu.memref_squeeze %dma_start3A_45 : memref<1x100x64xf32, #tpu.memory_space<vmem>> -> memref<100x64xf32, #tpu.memory_space<vmem>>
    %dma_start3A_47 = arith.constant 0 : i32
    %dma_start3A_48 = tpu.memref_slice %arg6[%dma_start3A_40, %dma_start3A_47] : memref<200x100xi32, #tpu.memory_space<vmem>> -> memref<1x100xi32, #tpu.memory_space<vmem>>
    %dma_start3A_49 = tpu.memref_squeeze %dma_start3A_48 : memref<1x100xi32, #tpu.memory_space<vmem>> -> memref<100xi32, #tpu.memory_space<vmem>>
    %dma_start3A_50 = arith.constant 0 : i32
    %dma_start3A_51 = arith.constant 0 : i32
    %dma_start3A_52 = tpu.memref_slice %arg2[%arg0, %dma_start3A_50, %dma_start3A_51] : memref<2x10000x64xf32, #tpu.memory_space<hbm>> -> memref<1x10000x64xf32, #tpu.memory_space<hbm>>
    %dma_start3A_53 = tpu.memref_squeeze %dma_start3A_52 : memref<1x10000x64xf32, #tpu.memory_space<hbm>> -> memref<10000x64xf32, #tpu.memory_space<hbm>>
    %dma_start3A_54 = arith.constant 0 : i32
    %dma_start3A_55 = arith.constant 0 : i32
    %dma_start3A_56 = tpu.memref_slice %dma_start3A_53[%dma_start3A_54, %dma_start3A_55] : memref<10000x64xf32, #tpu.memory_space<hbm>> -> memref<10000x64xf32, #tpu.memory_space<hbm>>
    %dma_start3A_57 = tpu.memref_slice %arg11[%dma_start3A_42] : memref<4x!tpu.dma_semaphore, #tpu.memory_space<semaphore_mem>> -> memref<1x!tpu.dma_semaphore, #tpu.memory_space<semaphore_mem>>
    %dma_start3A_58 = tpu.memref_squeeze %dma_start3A_57 : memref<1x!tpu.dma_semaphore, #tpu.memory_space<semaphore_mem>> -> memref<!tpu.dma_semaphore, #tpu.memory_space<semaphore_mem>>
    tpu.enqueue_indirect_dma source(%dma_start3A_56 : memref<10000x64xf32, #tpu.memory_space<hbm>>) target(%dma_start3A_46 : memref<100x64xf32, #tpu.memory_space<vmem>>) offsets(%dma_start3A_49 : memref<100xi32, #tpu.memory_space<vmem>>) semaphore(%dma_start3A_58 : memref<!tpu.dma_semaphore, #tpu.memory_space<semaphore_mem>>)
    %dma_start3A_59 = arith.constant 1 : i32
    %dma_start3A_60 = arith.constant 1 : i32
    %dma_start3A_61 = arith.constant 1 : i32
    %dma_start3A_62 = arith.constant 0 : i32
    %dma_start3A_63 = arith.constant 0 : i32
    %dma_start3A_64 = tpu.memref_slice %arg8[%dma_start3A_60, %dma_start3A_62, %dma_start3A_63] : memref<4x100x64xf32, #tpu.memory_space<vmem>> -> memref<1x100x64xf32, #tpu.memory_space<vmem>>
    %dma_start3A_65 = tpu.memref_squeeze %dma_start3A_64 : memref<1x100x64xf32, #tpu.memory_space<vmem>> -> memref<100x64xf32, #tpu.memory_space<vmem>>
    %dma_start3A_66 = arith.constant 0 : i32
    %dma_start3A_67 = tpu.memref_slice %arg6[%dma_start3A_59, %dma_start3A_66] : memref<200x100xi32, #tpu.memory_space<vmem>> -> memref<1x100xi32, #tpu.memory_space<vmem>>
    %dma_start3A_68 = tpu.memref_squeeze %dma_start3A_67 : memref<1x100xi32, #tpu.memory_space<vmem>> -> memref<100xi32, #tpu.memory_space<vmem>>
    %dma_start3A_69 = arith.constant 0 : i32
    %dma_start3A_70 = arith.constant 0 : i32
    %dma_start3A_71 = tpu.memref_slice %arg2[%arg0, %dma_start3A_69, %dma_start3A_70] : memref<2x10000x64xf32, #tpu.memory_space<hbm>> -> memref<1x10000x64xf32, #tpu.memory_space<hbm>>
    %dma_start3A_72 = tpu.memref_squeeze %dma_start3A_71 : memref<1x10000x64xf32, #tpu.memory_space<hbm>> -> memref<10000x64xf32, #tpu.memory_space<hbm>>
    %dma_start3A_73 = arith.constant 0 : i32
    %dma_start3A_74 = arith.constant 0 : i32
    %dma_start3A_75 = tpu.memref_slice %dma_start3A_72[%dma_start3A_73, %dma_start3A_74] : memref<10000x64xf32, #tpu.memory_space<hbm>> -> memref<10000x64xf32, #tpu.memory_space<hbm>>
    %dma_start3A_76 = tpu.memref_slice %arg11[%dma_start3A_61] : memref<4x!tpu.dma_semaphore, #tpu.memory_space<semaphore_mem>> -> memref<1x!tpu.dma_semaphore, #tpu.memory_space<semaphore_mem>>
    %dma_start3A_77 = tpu.memref_squeeze %dma_start3A_76 : memref<1x!tpu.dma_semaphore, #tpu.memory_space<semaphore_mem>> -> memref<!tpu.dma_semaphore, #tpu.memory_space<semaphore_mem>>
    tpu.enqueue_indirect_dma source(%dma_start3A_75 : memref<10000x64xf32, #tpu.memory_space<hbm>>) target(%dma_start3A_65 : memref<100x64xf32, #tpu.memory_space<vmem>>) offsets(%dma_start3A_68 : memref<100xi32, #tpu.memory_space<vmem>>) semaphore(%dma_start3A_77 : memref<!tpu.dma_semaphore, #tpu.memory_space<semaphore_mem>>)
    %dma_start3A_78 = arith.constant 2 : i32
    %dma_start3A_79 = arith.constant 2 : i32
    %dma_start3A_80 = arith.constant 2 : i32
    %dma_start3A_81 = arith.constant 0 : i32
    %dma_start3A_82 = arith.constant 0 : i32
    %dma_start3A_83 = tpu.memref_slice %arg8[%dma_start3A_79, %dma_start3A_81, %dma_start3A_82] : memref<4x100x64xf32, #tpu.memory_space<vmem>> -> memref<1x100x64xf32, #tpu.memory_space<vmem>>
    %dma_start3A_84 = tpu.memref_squeeze %dma_start3A_83 : memref<1x100x64xf32, #tpu.memory_space<vmem>> -> memref<100x64xf32, #tpu.memory_space<vmem>>
    %dma_start3A_85 = arith.constant 0 : i32
    %dma_start3A_86 = tpu.memref_slice %arg6[%dma_start3A_78, %dma_start3A_85] : memref<200x100xi32, #tpu.memory_space<vmem>> -> memref<1x100xi32, #tpu.memory_space<vmem>>
    %dma_start3A_87 = tpu.memref_squeeze %dma_start3A_86 : memref<1x100xi32, #tpu.memory_space<vmem>> -> memref<100xi32, #tpu.memory_space<vmem>>
    %dma_start3A_88 = arith.constant 0 : i32
    %dma_start3A_89 = arith.constant 0 : i32
    %dma_start3A_90 = tpu.memref_slice %arg2[%arg0, %dma_start3A_88, %dma_start3A_89] : memref<2x10000x64xf32, #tpu.memory_space<hbm>> -> memref<1x10000x64xf32, #tpu.memory_space<hbm>>
    %dma_start3A_91 = tpu.memref_squeeze %dma_start3A_90 : memref<1x10000x64xf32, #tpu.memory_space<hbm>> -> memref<10000x64xf32, #tpu.memory_space<hbm>>
    %dma_start3A_92 = arith.constant 0 : i32
    %dma_start3A_93 = arith.constant 0 : i32
    %dma_start3A_94 = tpu.memref_slice %dma_start3A_91[%dma_start3A_92, %dma_start3A_93] : memref<10000x64xf32, #tpu.memory_space<hbm>> -> memref<10000x64xf32, #tpu.memory_space<hbm>>
    %dma_start3A_95 = tpu.memref_slice %arg11[%dma_start3A_80] : memref<4x!tpu.dma_semaphore, #tpu.memory_space<semaphore_mem>> -> memref<1x!tpu.dma_semaphore, #tpu.memory_space<semaphore_mem>>
    %dma_start3A_96 = tpu.memref_squeeze %dma_start3A_95 : memref<1x!tpu.dma_semaphore, #tpu.memory_space<semaphore_mem>> -> memref<!tpu.dma_semaphore, #tpu.memory_space<semaphore_mem>>
    tpu.enqueue_indirect_dma source(%dma_start3A_94 : memref<10000x64xf32, #tpu.memory_space<hbm>>) target(%dma_start3A_84 : memref<100x64xf32, #tpu.memory_space<vmem>>) offsets(%dma_start3A_87 : memref<100xi32, #tpu.memory_space<vmem>>) semaphore(%dma_start3A_96 : memref<!tpu.dma_semaphore, #tpu.memory_space<semaphore_mem>>)
    %dma_start3A_97 = arith.constant 3 : i32
    %dma_start3A_98 = arith.constant 3 : i32
    %dma_start3A_99 = arith.constant 3 : i32
    %dma_start3A_100 = arith.constant 0 : i32
    %dma_start3A_101 = arith.constant 0 : i32
    %dma_start3A_102 = tpu.memref_slice %arg8[%dma_start3A_98, %dma_start3A_100, %dma_start3A_101] : memref<4x100x64xf32, #tpu.memory_space<vmem>> -> memref<1x100x64xf32, #tpu.memory_space<vmem>>
    %dma_start3A_103 = tpu.memref_squeeze %dma_start3A_102 : memref<1x100x64xf32, #tpu.memory_space<vmem>> -> memref<100x64xf32, #tpu.memory_space<vmem>>
    %dma_start3A_104 = arith.constant 0 : i32
    %dma_start3A_105 = tpu.memref_slice %arg6[%dma_start3A_97, %dma_start3A_104] : memref<200x100xi32, #tpu.memory_space<vmem>> -> memref<1x100xi32, #tpu.memory_space<vmem>>
    %dma_start3A_106 = tpu.memref_squeeze %dma_start3A_105 : memref<1x100xi32, #tpu.memory_space<vmem>> -> memref<100xi32, #tpu.memory_space<vmem>>
    %dma_start3A_107 = arith.constant 0 : i32
    %dma_start3A_108 = arith.constant 0 : i32
    %dma_start3A_109 = tpu.memref_slice %arg2[%arg0, %dma_start3A_107, %dma_start3A_108] : memref<2x10000x64xf32, #tpu.memory_space<hbm>> -> memref<1x10000x64xf32, #tpu.memory_space<hbm>>
    %dma_start3A_110 = tpu.memref_squeeze %dma_start3A_109 : memref<1x10000x64xf32, #tpu.memory_space<hbm>> -> memref<10000x64xf32, #tpu.memory_space<hbm>>
    %dma_start3A_111 = arith.constant 0 : i32
    %dma_start3A_112 = arith.constant 0 : i32
    %dma_start3A_113 = tpu.memref_slice %dma_start3A_110[%dma_start3A_111, %dma_start3A_112] : memref<10000x64xf32, #tpu.memory_space<hbm>> -> memref<10000x64xf32, #tpu.memory_space<hbm>>
    %dma_start3A_114 = tpu.memref_slice %arg11[%dma_start3A_99] : memref<4x!tpu.dma_semaphore, #tpu.memory_space<semaphore_mem>> -> memref<1x!tpu.dma_semaphore, #tpu.memory_space<semaphore_mem>>
    %dma_start3A_115 = tpu.memref_squeeze %dma_start3A_114 : memref<1x!tpu.dma_semaphore, #tpu.memory_space<semaphore_mem>> -> memref<!tpu.dma_semaphore, #tpu.memory_space<semaphore_mem>>
    tpu.enqueue_indirect_dma source(%dma_start3A_113 : memref<10000x64xf32, #tpu.memory_space<hbm>>) target(%dma_start3A_103 : memref<100x64xf32, #tpu.memory_space<vmem>>) offsets(%dma_start3A_106 : memref<100xi32, #tpu.memory_space<vmem>>) semaphore(%dma_start3A_115 : memref<!tpu.dma_semaphore, #tpu.memory_space<semaphore_mem>>)
    %scan3A_116 = arith.constant 0 : i32
    %scan3A_117 = arith.constant 49 : i32
    %scan3A_118 = arith.addi %scan3A_116, %scan3A_117 : i32
    %scan3A_119 = arith.constant 1 : i32
    scf.for %scan3A_318 = %scan3A_116 to %scan3A_118 step %scan3A_119  : i32 {
      %mul3A_319 = arith.constant 4 : i32
      %mul3A_320 = arith.muli %scan3A_318, %mul3A_319 : i32
      %add3A = arith.constant 0 : i32
      %add3A_321 = arith.addi %add3A, %mul3A_320 : i32
      %dma_wait3A_322 = arith.constant 0 : i32
      %dma_wait3A_323 = arith.constant 0 : i32
      %dma_wait3A_324 = arith.constant 0 : i32
      %dma_wait3A_325 = arith.constant 0 : i32
      %dma_wait3A_326 = arith.constant 0 : i32
      %dma_wait3A_327 = tpu.memref_slice %arg8[%dma_wait3A_323, %dma_wait3A_325, %dma_wait3A_326] : memref<4x100x64xf32, #tpu.memory_space<vmem>> -> memref<1x100x64xf32, #tpu.memory_space<vmem>>
      %dma_wait3A_328 = tpu.memref_squeeze %dma_wait3A_327 : memref<1x100x64xf32, #tpu.memory_space<vmem>> -> memref<100x64xf32, #tpu.memory_space<vmem>>
      %dma_wait3A_329 = arith.constant 0 : i32
      %dma_wait3A_330 = tpu.memref_slice %arg6[%dma_wait3A_322, %dma_wait3A_329] : memref<200x100xi32, #tpu.memory_space<vmem>> -> memref<1x100xi32, #tpu.memory_space<vmem>>
      %dma_wait3A_331 = tpu.memref_squeeze %dma_wait3A_330 : memref<1x100xi32, #tpu.memory_space<vmem>> -> memref<100xi32, #tpu.memory_space<vmem>>
      %dma_wait3A_332 = arith.constant 0 : i32
      %dma_wait3A_333 = arith.constant 0 : i32
      %dma_wait3A_334 = tpu.memref_slice %arg2[%arg0, %dma_wait3A_332, %dma_wait3A_333] : memref<2x10000x64xf32, #tpu.memory_space<hbm>> -> memref<1x10000x64xf32, #tpu.memory_space<hbm>>
      %dma_wait3A_335 = tpu.memref_squeeze %dma_wait3A_334 : memref<1x10000x64xf32, #tpu.memory_space<hbm>> -> memref<10000x64xf32, #tpu.memory_space<hbm>>
      %dma_wait3A_336 = arith.constant 0 : i32
      %dma_wait3A_337 = arith.constant 0 : i32
      %dma_wait3A_338 = tpu.memref_slice %dma_wait3A_335[%dma_wait3A_336, %dma_wait3A_337] : memref<10000x64xf32, #tpu.memory_space<hbm>> -> memref<10000x64xf32, #tpu.memory_space<hbm>>
      %dma_wait3A_339 = tpu.memref_slice %arg11[%dma_wait3A_324] : memref<4x!tpu.dma_semaphore, #tpu.memory_space<semaphore_mem>> -> memref<1x!tpu.dma_semaphore, #tpu.memory_space<semaphore_mem>>
      %dma_wait3A_340 = tpu.memref_squeeze %dma_wait3A_339 : memref<1x!tpu.dma_semaphore, #tpu.memory_space<semaphore_mem>> -> memref<!tpu.dma_semaphore, #tpu.memory_space<semaphore_mem>>
      tpu.wait_indirect_dma semaphore(%dma_wait3A_340 : memref<!tpu.dma_semaphore, #tpu.memory_space<semaphore_mem>>) src(%dma_wait3A_338 : memref<10000x64xf32, #tpu.memory_space<hbm>>) dst(%dma_wait3A_328 : memref<100x64xf32, #tpu.memory_space<vmem>>)
      %add3A_341 = arith.constant 0 : i32
      %add3A_342 = arith.addi %add3A_321, %add3A_341 : i32
      %dma_start3A_343 = arith.constant 0 : i32
      %dma_start3A_344 = arith.constant 0 : i32
      %dma_start3A_345 = arith.constant 0 : i32
      %dma_start3A_346 = arith.constant 0 : i32
      %dma_start3A_347 = tpu.memref_slice %arg8[%dma_start3A_343, %dma_start3A_345, %dma_start3A_346] : memref<4x100x64xf32, #tpu.memory_space<vmem>> -> memref<1x100x64xf32, #tpu.memory_space<vmem>>
      %dma_start3A_348 = tpu.memref_squeeze %dma_start3A_347 : memref<1x100x64xf32, #tpu.memory_space<vmem>> -> memref<100x64xf32, #tpu.memory_space<vmem>>
      %dma_start3A_349 = arith.constant 0 : i32
      %dma_start3A_350 = tpu.memref_slice %arg7[%add3A_342, %dma_start3A_349] : memref<200x100xi32, #tpu.memory_space<vmem>> -> memref<1x100xi32, #tpu.memory_space<vmem>>
      %dma_start3A_351 = tpu.memref_squeeze %dma_start3A_350 : memref<1x100xi32, #tpu.memory_space<vmem>> -> memref<100xi32, #tpu.memory_space<vmem>>
      %dma_start3A_352 = arith.constant 0 : i32
      %dma_start3A_353 = arith.constant 0 : i32
      %dma_start3A_354 = tpu.memref_slice %arg10[%dma_start3A_352, %dma_start3A_353] : memref<10240x64xf32, #tpu.memory_space<vmem_shared>> -> memref<10240x64xf32, #tpu.memory_space<vmem_shared>>
      %dma_start3A_355 = tpu.memref_slice %arg12[%dma_start3A_344] : memref<4x!tpu.dma_semaphore, #tpu.memory_space<semaphore_mem>> -> memref<1x!tpu.dma_semaphore, #tpu.memory_space<semaphore_mem>>
      %dma_start3A_356 = tpu.memref_squeeze %dma_start3A_355 : memref<1x!tpu.dma_semaphore, #tpu.memory_space<semaphore_mem>> -> memref<!tpu.dma_semaphore, #tpu.memory_space<semaphore_mem>>
      tpu.enqueue_indirect_dma source(%dma_start3A_348 : memref<100x64xf32, #tpu.memory_space<vmem>>) target(%dma_start3A_354 : memref<10240x64xf32, #tpu.memory_space<vmem_shared>>) offsets(%dma_start3A_351 : memref<100xi32, #tpu.memory_space<vmem>>) semaphore(%dma_start3A_356 : memref<!tpu.dma_semaphore, #tpu.memory_space<semaphore_mem>>) {add = true}
      %dma_wait3A_357 = arith.constant 0 : i32
      %dma_wait3A_358 = arith.constant 1 : i32
      %dma_wait3A_359 = arith.constant 1 : i32
      %dma_wait3A_360 = arith.constant 0 : i32
      %dma_wait3A_361 = arith.constant 0 : i32
      %dma_wait3A_362 = tpu.memref_slice %arg8[%dma_wait3A_358, %dma_wait3A_360, %dma_wait3A_361] : memref<4x100x64xf32, #tpu.memory_space<vmem>> -> memref<1x100x64xf32, #tpu.memory_space<vmem>>
      %dma_wait3A_363 = tpu.memref_squeeze %dma_wait3A_362 : memref<1x100x64xf32, #tpu.memory_space<vmem>> -> memref<100x64xf32, #tpu.memory_space<vmem>>
      %dma_wait3A_364 = arith.constant 0 : i32
      %dma_wait3A_365 = tpu.memref_slice %arg6[%dma_wait3A_357, %dma_wait3A_364] : memref<200x100xi32, #tpu.memory_space<vmem>> -> memref<1x100xi32, #tpu.memory_space<vmem>>
      %dma_wait3A_366 = tpu.memref_squeeze %dma_wait3A_365 : memref<1x100xi32, #tpu.memory_space<vmem>> -> memref<100xi32, #tpu.memory_space<vmem>>
      %dma_wait3A_367 = arith.constant 0 : i32
      %dma_wait3A_368 = arith.constant 0 : i32
      %dma_wait3A_369 = tpu.memref_slice %arg2[%arg0, %dma_wait3A_367, %dma_wait3A_368] : memref<2x10000x64xf32, #tpu.memory_space<hbm>> -> memref<1x10000x64xf32, #tpu.memory_space<hbm>>
      %dma_wait3A_370 = tpu.memref_squeeze %dma_wait3A_369 : memref<1x10000x64xf32, #tpu.memory_space<hbm>> -> memref<10000x64xf32, #tpu.memory_space<hbm>>
      %dma_wait3A_371 = arith.constant 0 : i32
      %dma_wait3A_372 = arith.constant 0 : i32
      %dma_wait3A_373 = tpu.memref_slice %dma_wait3A_370[%dma_wait3A_371, %dma_wait3A_372] : memref<10000x64xf32, #tpu.memory_space<hbm>> -> memref<10000x64xf32, #tpu.memory_space<hbm>>
      %dma_wait3A_374 = tpu.memref_slice %arg11[%dma_wait3A_359] : memref<4x!tpu.dma_semaphore, #tpu.memory_space<semaphore_mem>> -> memref<1x!tpu.dma_semaphore, #tpu.memory_space<semaphore_mem>>
      %dma_wait3A_375 = tpu.memref_squeeze %dma_wait3A_374 : memref<1x!tpu.dma_semaphore, #tpu.memory_space<semaphore_mem>> -> memref<!tpu.dma_semaphore, #tpu.memory_space<semaphore_mem>>
      tpu.wait_indirect_dma semaphore(%dma_wait3A_375 : memref<!tpu.dma_semaphore, #tpu.memory_space<semaphore_mem>>) src(%dma_wait3A_373 : memref<10000x64xf32, #tpu.memory_space<hbm>>) dst(%dma_wait3A_363 : memref<100x64xf32, #tpu.memory_space<vmem>>)
      %add3A_376 = arith.constant 1 : i32
      %add3A_377 = arith.addi %add3A_321, %add3A_376 : i32
      %dma_start3A_378 = arith.constant 1 : i32
      %dma_start3A_379 = arith.constant 1 : i32
      %dma_start3A_380 = arith.constant 0 : i32
      %dma_start3A_381 = arith.constant 0 : i32
      %dma_start3A_382 = tpu.memref_slice %arg8[%dma_start3A_378, %dma_start3A_380, %dma_start3A_381] : memref<4x100x64xf32, #tpu.memory_space<vmem>> -> memref<1x100x64xf32, #tpu.memory_space<vmem>>
      %dma_start3A_383 = tpu.memref_squeeze %dma_start3A_382 : memref<1x100x64xf32, #tpu.memory_space<vmem>> -> memref<100x64xf32, #tpu.memory_space<vmem>>
      %dma_start3A_384 = arith.constant 0 : i32
      %dma_start3A_385 = tpu.memref_slice %arg7[%add3A_377, %dma_start3A_384] : memref<200x100xi32, #tpu.memory_space<vmem>> -> memref<1x100xi32, #tpu.memory_space<vmem>>
      %dma_start3A_386 = tpu.memref_squeeze %dma_start3A_385 : memref<1x100xi32, #tpu.memory_space<vmem>> -> memref<100xi32, #tpu.memory_space<vmem>>
      %dma_start3A_387 = arith.constant 0 : i32
      %dma_start3A_388 = arith.constant 0 : i32
      %dma_start3A_389 = tpu.memref_slice %arg10[%dma_start3A_387, %dma_start3A_388] : memref<10240x64xf32, #tpu.memory_space<vmem_shared>> -> memref<10240x64xf32, #tpu.memory_space<vmem_shared>>
      %dma_start3A_390 = tpu.memref_slice %arg12[%dma_start3A_379] : memref<4x!tpu.dma_semaphore, #tpu.memory_space<semaphore_mem>> -> memref<1x!tpu.dma_semaphore, #tpu.memory_space<semaphore_mem>>
      %dma_start3A_391 = tpu.memref_squeeze %dma_start3A_390 : memref<1x!tpu.dma_semaphore, #tpu.memory_space<semaphore_mem>> -> memref<!tpu.dma_semaphore, #tpu.memory_space<semaphore_mem>>
      tpu.enqueue_indirect_dma source(%dma_start3A_383 : memref<100x64xf32, #tpu.memory_space<vmem>>) target(%dma_start3A_389 : memref<10240x64xf32, #tpu.memory_space<vmem_shared>>) offsets(%dma_start3A_386 : memref<100xi32, #tpu.memory_space<vmem>>) semaphore(%dma_start3A_391 : memref<!tpu.dma_semaphore, #tpu.memory_space<semaphore_mem>>) {add = true}
      %dma_wait3A_392 = arith.constant 0 : i32
      %dma_wait3A_393 = arith.constant 2 : i32
      %dma_wait3A_394 = arith.constant 2 : i32
      %dma_wait3A_395 = arith.constant 0 : i32
      %dma_wait3A_396 = arith.constant 0 : i32
      %dma_wait3A_397 = tpu.memref_slice %arg8[%dma_wait3A_393, %dma_wait3A_395, %dma_wait3A_396] : memref<4x100x64xf32, #tpu.memory_space<vmem>> -> memref<1x100x64xf32, #tpu.memory_space<vmem>>
      %dma_wait3A_398 = tpu.memref_squeeze %dma_wait3A_397 : memref<1x100x64xf32, #tpu.memory_space<vmem>> -> memref<100x64xf32, #tpu.memory_space<vmem>>
      %dma_wait3A_399 = arith.constant 0 : i32
      %dma_wait3A_400 = tpu.memref_slice %arg6[%dma_wait3A_392, %dma_wait3A_399] : memref<200x100xi32, #tpu.memory_space<vmem>> -> memref<1x100xi32, #tpu.memory_space<vmem>>
      %dma_wait3A_401 = tpu.memref_squeeze %dma_wait3A_400 : memref<1x100xi32, #tpu.memory_space<vmem>> -> memref<100xi32, #tpu.memory_space<vmem>>
      %dma_wait3A_402 = arith.constant 0 : i32
      %dma_wait3A_403 = arith.constant 0 : i32
      %dma_wait3A_404 = tpu.memref_slice %arg2[%arg0, %dma_wait3A_402, %dma_wait3A_403] : memref<2x10000x64xf32, #tpu.memory_space<hbm>> -> memref<1x10000x64xf32, #tpu.memory_space<hbm>>
      %dma_wait3A_405 = tpu.memref_squeeze %dma_wait3A_404 : memref<1x10000x64xf32, #tpu.memory_space<hbm>> -> memref<10000x64xf32, #tpu.memory_space<hbm>>
      %dma_wait3A_406 = arith.constant 0 : i32
      %dma_wait3A_407 = arith.constant 0 : i32
      %dma_wait3A_408 = tpu.memref_slice %dma_wait3A_405[%dma_wait3A_406, %dma_wait3A_407] : memref<10000x64xf32, #tpu.memory_space<hbm>> -> memref<10000x64xf32, #tpu.memory_space<hbm>>
      %dma_wait3A_409 = tpu.memref_slice %arg11[%dma_wait3A_394] : memref<4x!tpu.dma_semaphore, #tpu.memory_space<semaphore_mem>> -> memref<1x!tpu.dma_semaphore, #tpu.memory_space<semaphore_mem>>
      %dma_wait3A_410 = tpu.memref_squeeze %dma_wait3A_409 : memref<1x!tpu.dma_semaphore, #tpu.memory_space<semaphore_mem>> -> memref<!tpu.dma_semaphore, #tpu.memory_space<semaphore_mem>>
      tpu.wait_indirect_dma semaphore(%dma_wait3A_410 : memref<!tpu.dma_semaphore, #tpu.memory_space<semaphore_mem>>) src(%dma_wait3A_408 : memref<10000x64xf32, #tpu.memory_space<hbm>>) dst(%dma_wait3A_398 : memref<100x64xf32, #tpu.memory_space<vmem>>)
      %add3A_411 = arith.constant 2 : i32
      %add3A_412 = arith.addi %add3A_321, %add3A_411 : i32
      %dma_start3A_413 = arith.constant 2 : i32
      %dma_start3A_414 = arith.constant 2 : i32
      %dma_start3A_415 = arith.constant 0 : i32
      %dma_start3A_416 = arith.constant 0 : i32
      %dma_start3A_417 = tpu.memref_slice %arg8[%dma_start3A_413, %dma_start3A_415, %dma_start3A_416] : memref<4x100x64xf32, #tpu.memory_space<vmem>> -> memref<1x100x64xf32, #tpu.memory_space<vmem>>
      %dma_start3A_418 = tpu.memref_squeeze %dma_start3A_417 : memref<1x100x64xf32, #tpu.memory_space<vmem>> -> memref<100x64xf32, #tpu.memory_space<vmem>>
      %dma_start3A_419 = arith.constant 0 : i32
      %dma_start3A_420 = tpu.memref_slice %arg7[%add3A_412, %dma_start3A_419] : memref<200x100xi32, #tpu.memory_space<vmem>> -> memref<1x100xi32, #tpu.memory_space<vmem>>
      %dma_start3A_421 = tpu.memref_squeeze %dma_start3A_420 : memref<1x100xi32, #tpu.memory_space<vmem>> -> memref<100xi32, #tpu.memory_space<vmem>>
      %dma_start3A_422 = arith.constant 0 : i32
      %dma_start3A_423 = arith.constant 0 : i32
      %dma_start3A_424 = tpu.memref_slice %arg10[%dma_start3A_422, %dma_start3A_423] : memref<10240x64xf32, #tpu.memory_space<vmem_shared>> -> memref<10240x64xf32, #tpu.memory_space<vmem_shared>>
      %dma_start3A_425 = tpu.memref_slice %arg12[%dma_start3A_414] : memref<4x!tpu.dma_semaphore, #tpu.memory_space<semaphore_mem>> -> memref<1x!tpu.dma_semaphore, #tpu.memory_space<semaphore_mem>>
      %dma_start3A_426 = tpu.memref_squeeze %dma_start3A_425 : memref<1x!tpu.dma_semaphore, #tpu.memory_space<semaphore_mem>> -> memref<!tpu.dma_semaphore, #tpu.memory_space<semaphore_mem>>
      tpu.enqueue_indirect_dma source(%dma_start3A_418 : memref<100x64xf32, #tpu.memory_space<vmem>>) target(%dma_start3A_424 : memref<10240x64xf32, #tpu.memory_space<vmem_shared>>) offsets(%dma_start3A_421 : memref<100xi32, #tpu.memory_space<vmem>>) semaphore(%dma_start3A_426 : memref<!tpu.dma_semaphore, #tpu.memory_space<semaphore_mem>>) {add = true}
      %dma_wait3A_427 = arith.constant 0 : i32
      %dma_wait3A_428 = arith.constant 3 : i32
      %dma_wait3A_429 = arith.constant 3 : i32
      %dma_wait3A_430 = arith.constant 0 : i32
      %dma_wait3A_431 = arith.constant 0 : i32
      %dma_wait3A_432 = tpu.memref_slice %arg8[%dma_wait3A_428, %dma_wait3A_430, %dma_wait3A_431] : memref<4x100x64xf32, #tpu.memory_space<vmem>> -> memref<1x100x64xf32, #tpu.memory_space<vmem>>
      %dma_wait3A_433 = tpu.memref_squeeze %dma_wait3A_432 : memref<1x100x64xf32, #tpu.memory_space<vmem>> -> memref<100x64xf32, #tpu.memory_space<vmem>>
      %dma_wait3A_434 = arith.constant 0 : i32
      %dma_wait3A_435 = tpu.memref_slice %arg6[%dma_wait3A_427, %dma_wait3A_434] : memref<200x100xi32, #tpu.memory_space<vmem>> -> memref<1x100xi32, #tpu.memory_space<vmem>>
      %dma_wait3A_436 = tpu.memref_squeeze %dma_wait3A_435 : memref<1x100xi32, #tpu.memory_space<vmem>> -> memref<100xi32, #tpu.memory_space<vmem>>
      %dma_wait3A_437 = arith.constant 0 : i32
      %dma_wait3A_438 = arith.constant 0 : i32
      %dma_wait3A_439 = tpu.memref_slice %arg2[%arg0, %dma_wait3A_437, %dma_wait3A_438] : memref<2x10000x64xf32, #tpu.memory_space<hbm>> -> memref<1x10000x64xf32, #tpu.memory_space<hbm>>
      %dma_wait3A_440 = tpu.memref_squeeze %dma_wait3A_439 : memref<1x10000x64xf32, #tpu.memory_space<hbm>> -> memref<10000x64xf32, #tpu.memory_space<hbm>>
      %dma_wait3A_441 = arith.constant 0 : i32
      %dma_wait3A_442 = arith.constant 0 : i32
      %dma_wait3A_443 = tpu.memref_slice %dma_wait3A_440[%dma_wait3A_441, %dma_wait3A_442] : memref<10000x64xf32, #tpu.memory_space<hbm>> -> memref<10000x64xf32, #tpu.memory_space<hbm>>
      %dma_wait3A_444 = tpu.memref_slice %arg11[%dma_wait3A_429] : memref<4x!tpu.dma_semaphore, #tpu.memory_space<semaphore_mem>> -> memref<1x!tpu.dma_semaphore, #tpu.memory_space<semaphore_mem>>
      %dma_wait3A_445 = tpu.memref_squeeze %dma_wait3A_444 : memref<1x!tpu.dma_semaphore, #tpu.memory_space<semaphore_mem>> -> memref<!tpu.dma_semaphore, #tpu.memory_space<semaphore_mem>>
      tpu.wait_indirect_dma semaphore(%dma_wait3A_445 : memref<!tpu.dma_semaphore, #tpu.memory_space<semaphore_mem>>) src(%dma_wait3A_443 : memref<10000x64xf32, #tpu.memory_space<hbm>>) dst(%dma_wait3A_433 : memref<100x64xf32, #tpu.memory_space<vmem>>)
      %add3A_446 = arith.constant 3 : i32
      %add3A_447 = arith.addi %add3A_321, %add3A_446 : i32
      %dma_start3A_448 = arith.constant 3 : i32
      %dma_start3A_449 = arith.constant 3 : i32
      %dma_start3A_450 = arith.constant 0 : i32
      %dma_start3A_451 = arith.constant 0 : i32
      %dma_start3A_452 = tpu.memref_slice %arg8[%dma_start3A_448, %dma_start3A_450, %dma_start3A_451] : memref<4x100x64xf32, #tpu.memory_space<vmem>> -> memref<1x100x64xf32, #tpu.memory_space<vmem>>
      %dma_start3A_453 = tpu.memref_squeeze %dma_start3A_452 : memref<1x100x64xf32, #tpu.memory_space<vmem>> -> memref<100x64xf32, #tpu.memory_space<vmem>>
      %dma_start3A_454 = arith.constant 0 : i32
      %dma_start3A_455 = tpu.memref_slice %arg7[%add3A_447, %dma_start3A_454] : memref<200x100xi32, #tpu.memory_space<vmem>> -> memref<1x100xi32, #tpu.memory_space<vmem>>
      %dma_start3A_456 = tpu.memref_squeeze %dma_start3A_455 : memref<1x100xi32, #tpu.memory_space<vmem>> -> memref<100xi32, #tpu.memory_space<vmem>>
      %dma_start3A_457 = arith.constant 0 : i32
      %dma_start3A_458 = arith.constant 0 : i32
      %dma_start3A_459 = tpu.memref_slice %arg10[%dma_start3A_457, %dma_start3A_458] : memref<10240x64xf32, #tpu.memory_space<vmem_shared>> -> memref<10240x64xf32, #tpu.memory_space<vmem_shared>>
      %dma_start3A_460 = tpu.memref_slice %arg12[%dma_start3A_449] : memref<4x!tpu.dma_semaphore, #tpu.memory_space<semaphore_mem>> -> memref<1x!tpu.dma_semaphore, #tpu.memory_space<semaphore_mem>>
      %dma_start3A_461 = tpu.memref_squeeze %dma_start3A_460 : memref<1x!tpu.dma_semaphore, #tpu.memory_space<semaphore_mem>> -> memref<!tpu.dma_semaphore, #tpu.memory_space<semaphore_mem>>
      tpu.enqueue_indirect_dma source(%dma_start3A_453 : memref<100x64xf32, #tpu.memory_space<vmem>>) target(%dma_start3A_459 : memref<10240x64xf32, #tpu.memory_space<vmem_shared>>) offsets(%dma_start3A_456 : memref<100xi32, #tpu.memory_space<vmem>>) semaphore(%dma_start3A_461 : memref<!tpu.dma_semaphore, #tpu.memory_space<semaphore_mem>>) {add = true}
      %dma_wait3A_462 = arith.constant 0 : i32
      %dma_wait3A_463 = arith.constant 0 : i32
      %dma_wait3A_464 = arith.constant 0 : i32
      %dma_wait3A_465 = arith.constant 0 : i32
      %dma_wait3A_466 = arith.constant 0 : i32
      %dma_wait3A_467 = tpu.memref_slice %arg8[%dma_wait3A_462, %dma_wait3A_465, %dma_wait3A_466] : memref<4x100x64xf32, #tpu.memory_space<vmem>> -> memref<1x100x64xf32, #tpu.memory_space<vmem>>
      %dma_wait3A_468 = tpu.memref_squeeze %dma_wait3A_467 : memref<1x100x64xf32, #tpu.memory_space<vmem>> -> memref<100x64xf32, #tpu.memory_space<vmem>>
      %dma_wait3A_469 = arith.constant 0 : i32
      %dma_wait3A_470 = tpu.memref_slice %arg7[%dma_wait3A_463, %dma_wait3A_469] : memref<200x100xi32, #tpu.memory_space<vmem>> -> memref<1x100xi32, #tpu.memory_space<vmem>>
      %dma_wait3A_471 = tpu.memref_squeeze %dma_wait3A_470 : memref<1x100xi32, #tpu.memory_space<vmem>> -> memref<100xi32, #tpu.memory_space<vmem>>
      %dma_wait3A_472 = arith.constant 0 : i32
      %dma_wait3A_473 = arith.constant 0 : i32
      %dma_wait3A_474 = tpu.memref_slice %arg10[%dma_wait3A_472, %dma_wait3A_473] : memref<10240x64xf32, #tpu.memory_space<vmem_shared>> -> memref<10240x64xf32, #tpu.memory_space<vmem_shared>>
      %dma_wait3A_475 = tpu.memref_slice %arg12[%dma_wait3A_464] : memref<4x!tpu.dma_semaphore, #tpu.memory_space<semaphore_mem>> -> memref<1x!tpu.dma_semaphore, #tpu.memory_space<semaphore_mem>>
      %dma_wait3A_476 = tpu.memref_squeeze %dma_wait3A_475 : memref<1x!tpu.dma_semaphore, #tpu.memory_space<semaphore_mem>> -> memref<!tpu.dma_semaphore, #tpu.memory_space<semaphore_mem>>
      tpu.wait_indirect_dma semaphore(%dma_wait3A_476 : memref<!tpu.dma_semaphore, #tpu.memory_space<semaphore_mem>>) src(%dma_wait3A_468 : memref<100x64xf32, #tpu.memory_space<vmem>>) dst(%dma_wait3A_474 : memref<10240x64xf32, #tpu.memory_space<vmem_shared>>)
      %add3A_477 = arith.constant 4 : i32
      %add3A_478 = arith.addi %add3A_321, %add3A_477 : i32
      %add3A_479 = arith.constant 0 : i32
      %add3A_480 = arith.addi %add3A_478, %add3A_479 : i32
      %dma_start3A_481 = arith.constant 0 : i32
      %dma_start3A_482 = arith.constant 0 : i32
      %dma_start3A_483 = arith.constant 0 : i32
      %dma_start3A_484 = arith.constant 0 : i32
      %dma_start3A_485 = tpu.memref_slice %arg8[%dma_start3A_481, %dma_start3A_483, %dma_start3A_484] : memref<4x100x64xf32, #tpu.memory_space<vmem>> -> memref<1x100x64xf32, #tpu.memory_space<vmem>>
      %dma_start3A_486 = tpu.memref_squeeze %dma_start3A_485 : memref<1x100x64xf32, #tpu.memory_space<vmem>> -> memref<100x64xf32, #tpu.memory_space<vmem>>
      %dma_start3A_487 = arith.constant 0 : i32
      %dma_start3A_488 = tpu.memref_slice %arg6[%add3A_480, %dma_start3A_487] : memref<200x100xi32, #tpu.memory_space<vmem>> -> memref<1x100xi32, #tpu.memory_space<vmem>>
      %dma_start3A_489 = tpu.memref_squeeze %dma_start3A_488 : memref<1x100xi32, #tpu.memory_space<vmem>> -> memref<100xi32, #tpu.memory_space<vmem>>
      %dma_start3A_490 = arith.constant 0 : i32
      %dma_start3A_491 = arith.constant 0 : i32
      %dma_start3A_492 = tpu.memref_slice %arg2[%arg0, %dma_start3A_490, %dma_start3A_491] : memref<2x10000x64xf32, #tpu.memory_space<hbm>> -> memref<1x10000x64xf32, #tpu.memory_space<hbm>>
      %dma_start3A_493 = tpu.memref_squeeze %dma_start3A_492 : memref<1x10000x64xf32, #tpu.memory_space<hbm>> -> memref<10000x64xf32, #tpu.memory_space<hbm>>
      %dma_start3A_494 = arith.constant 0 : i32
      %dma_start3A_495 = arith.constant 0 : i32
      %dma_start3A_496 = tpu.memref_slice %dma_start3A_493[%dma_start3A_494, %dma_start3A_495] : memref<10000x64xf32, #tpu.memory_space<hbm>> -> memref<10000x64xf32, #tpu.memory_space<hbm>>
      %dma_start3A_497 = tpu.memref_slice %arg11[%dma_start3A_482] : memref<4x!tpu.dma_semaphore, #tpu.memory_space<semaphore_mem>> -> memref<1x!tpu.dma_semaphore, #tpu.memory_space<semaphore_mem>>
      %dma_start3A_498 = tpu.memref_squeeze %dma_start3A_497 : memref<1x!tpu.dma_semaphore, #tpu.memory_space<semaphore_mem>> -> memref<!tpu.dma_semaphore, #tpu.memory_space<semaphore_mem>>
      tpu.enqueue_indirect_dma source(%dma_start3A_496 : memref<10000x64xf32, #tpu.memory_space<hbm>>) target(%dma_start3A_486 : memref<100x64xf32, #tpu.memory_space<vmem>>) offsets(%dma_start3A_489 : memref<100xi32, #tpu.memory_space<vmem>>) semaphore(%dma_start3A_498 : memref<!tpu.dma_semaphore, #tpu.memory_space<semaphore_mem>>)
      %dma_wait3A_499 = arith.constant 1 : i32
      %dma_wait3A_500 = arith.constant 0 : i32
      %dma_wait3A_501 = arith.constant 1 : i32
      %dma_wait3A_502 = arith.constant 0 : i32
      %dma_wait3A_503 = arith.constant 0 : i32
      %dma_wait3A_504 = tpu.memref_slice %arg8[%dma_wait3A_499, %dma_wait3A_502, %dma_wait3A_503] : memref<4x100x64xf32, #tpu.memory_space<vmem>> -> memref<1x100x64xf32, #tpu.memory_space<vmem>>
      %dma_wait3A_505 = tpu.memref_squeeze %dma_wait3A_504 : memref<1x100x64xf32, #tpu.memory_space<vmem>> -> memref<100x64xf32, #tpu.memory_space<vmem>>
      %dma_wait3A_506 = arith.constant 0 : i32
      %dma_wait3A_507 = tpu.memref_slice %arg7[%dma_wait3A_500, %dma_wait3A_506] : memref<200x100xi32, #tpu.memory_space<vmem>> -> memref<1x100xi32, #tpu.memory_space<vmem>>
      %dma_wait3A_508 = tpu.memref_squeeze %dma_wait3A_507 : memref<1x100xi32, #tpu.memory_space<vmem>> -> memref<100xi32, #tpu.memory_space<vmem>>
      %dma_wait3A_509 = arith.constant 0 : i32
      %dma_wait3A_510 = arith.constant 0 : i32
      %dma_wait3A_511 = tpu.memref_slice %arg10[%dma_wait3A_509, %dma_wait3A_510] : memref<10240x64xf32, #tpu.memory_space<vmem_shared>> -> memref<10240x64xf32, #tpu.memory_space<vmem_shared>>
      %dma_wait3A_512 = tpu.memref_slice %arg12[%dma_wait3A_501] : memref<4x!tpu.dma_semaphore, #tpu.memory_space<semaphore_mem>> -> memref<1x!tpu.dma_semaphore, #tpu.memory_space<semaphore_mem>>
      %dma_wait3A_513 = tpu.memref_squeeze %dma_wait3A_512 : memref<1x!tpu.dma_semaphore, #tpu.memory_space<semaphore_mem>> -> memref<!tpu.dma_semaphore, #tpu.memory_space<semaphore_mem>>
      tpu.wait_indirect_dma semaphore(%dma_wait3A_513 : memref<!tpu.dma_semaphore, #tpu.memory_space<semaphore_mem>>) src(%dma_wait3A_505 : memref<100x64xf32, #tpu.memory_space<vmem>>) dst(%dma_wait3A_511 : memref<10240x64xf32, #tpu.memory_space<vmem_shared>>)
      %add3A_514 = arith.constant 4 : i32
      %add3A_515 = arith.addi %add3A_321, %add3A_514 : i32
      %add3A_516 = arith.constant 1 : i32
      %add3A_517 = arith.addi %add3A_515, %add3A_516 : i32
      %dma_start3A_518 = arith.constant 1 : i32
      %dma_start3A_519 = arith.constant 1 : i32
      %dma_start3A_520 = arith.constant 0 : i32
      %dma_start3A_521 = arith.constant 0 : i32
      %dma_start3A_522 = tpu.memref_slice %arg8[%dma_start3A_518, %dma_start3A_520, %dma_start3A_521] : memref<4x100x64xf32, #tpu.memory_space<vmem>> -> memref<1x100x64xf32, #tpu.memory_space<vmem>>
      %dma_start3A_523 = tpu.memref_squeeze %dma_start3A_522 : memref<1x100x64xf32, #tpu.memory_space<vmem>> -> memref<100x64xf32, #tpu.memory_space<vmem>>
      %dma_start3A_524 = arith.constant 0 : i32
      %dma_start3A_525 = tpu.memref_slice %arg6[%add3A_517, %dma_start3A_524] : memref<200x100xi32, #tpu.memory_space<vmem>> -> memref<1x100xi32, #tpu.memory_space<vmem>>
      %dma_start3A_526 = tpu.memref_squeeze %dma_start3A_525 : memref<1x100xi32, #tpu.memory_space<vmem>> -> memref<100xi32, #tpu.memory_space<vmem>>
      %dma_start3A_527 = arith.constant 0 : i32
      %dma_start3A_528 = arith.constant 0 : i32
      %dma_start3A_529 = tpu.memref_slice %arg2[%arg0, %dma_start3A_527, %dma_start3A_528] : memref<2x10000x64xf32, #tpu.memory_space<hbm>> -> memref<1x10000x64xf32, #tpu.memory_space<hbm>>
      %dma_start3A_530 = tpu.memref_squeeze %dma_start3A_529 : memref<1x10000x64xf32, #tpu.memory_space<hbm>> -> memref<10000x64xf32, #tpu.memory_space<hbm>>
      %dma_start3A_531 = arith.constant 0 : i32
      %dma_start3A_532 = arith.constant 0 : i32
      %dma_start3A_533 = tpu.memref_slice %dma_start3A_530[%dma_start3A_531, %dma_start3A_532] : memref<10000x64xf32, #tpu.memory_space<hbm>> -> memref<10000x64xf32, #tpu.memory_space<hbm>>
      %dma_start3A_534 = tpu.memref_slice %arg11[%dma_start3A_519] : memref<4x!tpu.dma_semaphore, #tpu.memory_space<semaphore_mem>> -> memref<1x!tpu.dma_semaphore, #tpu.memory_space<semaphore_mem>>
      %dma_start3A_535 = tpu.memref_squeeze %dma_start3A_534 : memref<1x!tpu.dma_semaphore, #tpu.memory_space<semaphore_mem>> -> memref<!tpu.dma_semaphore, #tpu.memory_space<semaphore_mem>>
      tpu.enqueue_indirect_dma source(%dma_start3A_533 : memref<10000x64xf32, #tpu.memory_space<hbm>>) target(%dma_start3A_523 : memref<100x64xf32, #tpu.memory_space<vmem>>) offsets(%dma_start3A_526 : memref<100xi32, #tpu.memory_space<vmem>>) semaphore(%dma_start3A_535 : memref<!tpu.dma_semaphore, #tpu.memory_space<semaphore_mem>>)
      %dma_wait3A_536 = arith.constant 2 : i32
      %dma_wait3A_537 = arith.constant 0 : i32
      %dma_wait3A_538 = arith.constant 2 : i32
      %dma_wait3A_539 = arith.constant 0 : i32
      %dma_wait3A_540 = arith.constant 0 : i32
      %dma_wait3A_541 = tpu.memref_slice %arg8[%dma_wait3A_536, %dma_wait3A_539, %dma_wait3A_540] : memref<4x100x64xf32, #tpu.memory_space<vmem>> -> memref<1x100x64xf32, #tpu.memory_space<vmem>>
      %dma_wait3A_542 = tpu.memref_squeeze %dma_wait3A_541 : memref<1x100x64xf32, #tpu.memory_space<vmem>> -> memref<100x64xf32, #tpu.memory_space<vmem>>
      %dma_wait3A_543 = arith.constant 0 : i32
      %dma_wait3A_544 = tpu.memref_slice %arg7[%dma_wait3A_537, %dma_wait3A_543] : memref<200x100xi32, #tpu.memory_space<vmem>> -> memref<1x100xi32, #tpu.memory_space<vmem>>
      %dma_wait3A_545 = tpu.memref_squeeze %dma_wait3A_544 : memref<1x100xi32, #tpu.memory_space<vmem>> -> memref<100xi32, #tpu.memory_space<vmem>>
      %dma_wait3A_546 = arith.constant 0 : i32
      %dma_wait3A_547 = arith.constant 0 : i32
      %dma_wait3A_548 = tpu.memref_slice %arg10[%dma_wait3A_546, %dma_wait3A_547] : memref<10240x64xf32, #tpu.memory_space<vmem_shared>> -> memref<10240x64xf32, #tpu.memory_space<vmem_shared>>
      %dma_wait3A_549 = tpu.memref_slice %arg12[%dma_wait3A_538] : memref<4x!tpu.dma_semaphore, #tpu.memory_space<semaphore_mem>> -> memref<1x!tpu.dma_semaphore, #tpu.memory_space<semaphore_mem>>
      %dma_wait3A_550 = tpu.memref_squeeze %dma_wait3A_549 : memref<1x!tpu.dma_semaphore, #tpu.memory_space<semaphore_mem>> -> memref<!tpu.dma_semaphore, #tpu.memory_space<semaphore_mem>>
      tpu.wait_indirect_dma semaphore(%dma_wait3A_550 : memref<!tpu.dma_semaphore, #tpu.memory_space<semaphore_mem>>) src(%dma_wait3A_542 : memref<100x64xf32, #tpu.memory_space<vmem>>) dst(%dma_wait3A_548 : memref<10240x64xf32, #tpu.memory_space<vmem_shared>>)
      %add3A_551 = arith.constant 4 : i32
      %add3A_552 = arith.addi %add3A_321, %add3A_551 : i32
      %add3A_553 = arith.constant 2 : i32
      %add3A_554 = arith.addi %add3A_552, %add3A_553 : i32
      %dma_start3A_555 = arith.constant 2 : i32
      %dma_start3A_556 = arith.constant 2 : i32
      %dma_start3A_557 = arith.constant 0 : i32
      %dma_start3A_558 = arith.constant 0 : i32
      %dma_start3A_559 = tpu.memref_slice %arg8[%dma_start3A_555, %dma_start3A_557, %dma_start3A_558] : memref<4x100x64xf32, #tpu.memory_space<vmem>> -> memref<1x100x64xf32, #tpu.memory_space<vmem>>
      %dma_start3A_560 = tpu.memref_squeeze %dma_start3A_559 : memref<1x100x64xf32, #tpu.memory_space<vmem>> -> memref<100x64xf32, #tpu.memory_space<vmem>>
      %dma_start3A_561 = arith.constant 0 : i32
      %dma_start3A_562 = tpu.memref_slice %arg6[%add3A_554, %dma_start3A_561] : memref<200x100xi32, #tpu.memory_space<vmem>> -> memref<1x100xi32, #tpu.memory_space<vmem>>
      %dma_start3A_563 = tpu.memref_squeeze %dma_start3A_562 : memref<1x100xi32, #tpu.memory_space<vmem>> -> memref<100xi32, #tpu.memory_space<vmem>>
      %dma_start3A_564 = arith.constant 0 : i32
      %dma_start3A_565 = arith.constant 0 : i32
      %dma_start3A_566 = tpu.memref_slice %arg2[%arg0, %dma_start3A_564, %dma_start3A_565] : memref<2x10000x64xf32, #tpu.memory_space<hbm>> -> memref<1x10000x64xf32, #tpu.memory_space<hbm>>
      %dma_start3A_567 = tpu.memref_squeeze %dma_start3A_566 : memref<1x10000x64xf32, #tpu.memory_space<hbm>> -> memref<10000x64xf32, #tpu.memory_space<hbm>>
      %dma_start3A_568 = arith.constant 0 : i32
      %dma_start3A_569 = arith.constant 0 : i32
      %dma_start3A_570 = tpu.memref_slice %dma_start3A_567[%dma_start3A_568, %dma_start3A_569] : memref<10000x64xf32, #tpu.memory_space<hbm>> -> memref<10000x64xf32, #tpu.memory_space<hbm>>
      %dma_start3A_571 = tpu.memref_slice %arg11[%dma_start3A_556] : memref<4x!tpu.dma_semaphore, #tpu.memory_space<semaphore_mem>> -> memref<1x!tpu.dma_semaphore, #tpu.memory_space<semaphore_mem>>
      %dma_start3A_572 = tpu.memref_squeeze %dma_start3A_571 : memref<1x!tpu.dma_semaphore, #tpu.memory_space<semaphore_mem>> -> memref<!tpu.dma_semaphore, #tpu.memory_space<semaphore_mem>>
      tpu.enqueue_indirect_dma source(%dma_start3A_570 : memref<10000x64xf32, #tpu.memory_space<hbm>>) target(%dma_start3A_560 : memref<100x64xf32, #tpu.memory_space<vmem>>) offsets(%dma_start3A_563 : memref<100xi32, #tpu.memory_space<vmem>>) semaphore(%dma_start3A_572 : memref<!tpu.dma_semaphore, #tpu.memory_space<semaphore_mem>>)
      %dma_wait3A_573 = arith.constant 3 : i32
      %dma_wait3A_574 = arith.constant 0 : i32
      %dma_wait3A_575 = arith.constant 3 : i32
      %dma_wait3A_576 = arith.constant 0 : i32
      %dma_wait3A_577 = arith.constant 0 : i32
      %dma_wait3A_578 = tpu.memref_slice %arg8[%dma_wait3A_573, %dma_wait3A_576, %dma_wait3A_577] : memref<4x100x64xf32, #tpu.memory_space<vmem>> -> memref<1x100x64xf32, #tpu.memory_space<vmem>>
      %dma_wait3A_579 = tpu.memref_squeeze %dma_wait3A_578 : memref<1x100x64xf32, #tpu.memory_space<vmem>> -> memref<100x64xf32, #tpu.memory_space<vmem>>
      %dma_wait3A_580 = arith.constant 0 : i32
      %dma_wait3A_581 = tpu.memref_slice %arg7[%dma_wait3A_574, %dma_wait3A_580] : memref<200x100xi32, #tpu.memory_space<vmem>> -> memref<1x100xi32, #tpu.memory_space<vmem>>
      %dma_wait3A_582 = tpu.memref_squeeze %dma_wait3A_581 : memref<1x100xi32, #tpu.memory_space<vmem>> -> memref<100xi32, #tpu.memory_space<vmem>>
      %dma_wait3A_583 = arith.constant 0 : i32
      %dma_wait3A_584 = arith.constant 0 : i32
      %dma_wait3A_585 = tpu.memref_slice %arg10[%dma_wait3A_583, %dma_wait3A_584] : memref<10240x64xf32, #tpu.memory_space<vmem_shared>> -> memref<10240x64xf32, #tpu.memory_space<vmem_shared>>
      %dma_wait3A_586 = tpu.memref_slice %arg12[%dma_wait3A_575] : memref<4x!tpu.dma_semaphore, #tpu.memory_space<semaphore_mem>> -> memref<1x!tpu.dma_semaphore, #tpu.memory_space<semaphore_mem>>
      %dma_wait3A_587 = tpu.memref_squeeze %dma_wait3A_586 : memref<1x!tpu.dma_semaphore, #tpu.memory_space<semaphore_mem>> -> memref<!tpu.dma_semaphore, #tpu.memory_space<semaphore_mem>>
      tpu.wait_indirect_dma semaphore(%dma_wait3A_587 : memref<!tpu.dma_semaphore, #tpu.memory_space<semaphore_mem>>) src(%dma_wait3A_579 : memref<100x64xf32, #tpu.memory_space<vmem>>) dst(%dma_wait3A_585 : memref<10240x64xf32, #tpu.memory_space<vmem_shared>>)
      %add3A_588 = arith.constant 4 : i32
      %add3A_589 = arith.addi %add3A_321, %add3A_588 : i32
      %add3A_590 = arith.constant 3 : i32
      %add3A_591 = arith.addi %add3A_589, %add3A_590 : i32
      %dma_start3A_592 = arith.constant 3 : i32
      %dma_start3A_593 = arith.constant 3 : i32
      %dma_start3A_594 = arith.constant 0 : i32
      %dma_start3A_595 = arith.constant 0 : i32
      %dma_start3A_596 = tpu.memref_slice %arg8[%dma_start3A_592, %dma_start3A_594, %dma_start3A_595] : memref<4x100x64xf32, #tpu.memory_space<vmem>> -> memref<1x100x64xf32, #tpu.memory_space<vmem>>
      %dma_start3A_597 = tpu.memref_squeeze %dma_start3A_596 : memref<1x100x64xf32, #tpu.memory_space<vmem>> -> memref<100x64xf32, #tpu.memory_space<vmem>>
      %dma_start3A_598 = arith.constant 0 : i32
      %dma_start3A_599 = tpu.memref_slice %arg6[%add3A_591, %dma_start3A_598] : memref<200x100xi32, #tpu.memory_space<vmem>> -> memref<1x100xi32, #tpu.memory_space<vmem>>
      %dma_start3A_600 = tpu.memref_squeeze %dma_start3A_599 : memref<1x100xi32, #tpu.memory_space<vmem>> -> memref<100xi32, #tpu.memory_space<vmem>>
      %dma_start3A_601 = arith.constant 0 : i32
      %dma_start3A_602 = arith.constant 0 : i32
      %dma_start3A_603 = tpu.memref_slice %arg2[%arg0, %dma_start3A_601, %dma_start3A_602] : memref<2x10000x64xf32, #tpu.memory_space<hbm>> -> memref<1x10000x64xf32, #tpu.memory_space<hbm>>
      %dma_start3A_604 = tpu.memref_squeeze %dma_start3A_603 : memref<1x10000x64xf32, #tpu.memory_space<hbm>> -> memref<10000x64xf32, #tpu.memory_space<hbm>>
      %dma_start3A_605 = arith.constant 0 : i32
      %dma_start3A_606 = arith.constant 0 : i32
      %dma_start3A_607 = tpu.memref_slice %dma_start3A_604[%dma_start3A_605, %dma_start3A_606] : memref<10000x64xf32, #tpu.memory_space<hbm>> -> memref<10000x64xf32, #tpu.memory_space<hbm>>
      %dma_start3A_608 = tpu.memref_slice %arg11[%dma_start3A_593] : memref<4x!tpu.dma_semaphore, #tpu.memory_space<semaphore_mem>> -> memref<1x!tpu.dma_semaphore, #tpu.memory_space<semaphore_mem>>
      %dma_start3A_609 = tpu.memref_squeeze %dma_start3A_608 : memref<1x!tpu.dma_semaphore, #tpu.memory_space<semaphore_mem>> -> memref<!tpu.dma_semaphore, #tpu.memory_space<semaphore_mem>>
      tpu.enqueue_indirect_dma source(%dma_start3A_607 : memref<10000x64xf32, #tpu.memory_space<hbm>>) target(%dma_start3A_597 : memref<100x64xf32, #tpu.memory_space<vmem>>) offsets(%dma_start3A_600 : memref<100xi32, #tpu.memory_space<vmem>>) semaphore(%dma_start3A_609 : memref<!tpu.dma_semaphore, #tpu.memory_space<semaphore_mem>>)
    }
    %scan3A_120 = arith.constant 49 : i32
    %dma_wait3A_121 = arith.constant 0 : i32
    %dma_wait3A_122 = arith.constant 0 : i32
    %dma_wait3A_123 = arith.constant 0 : i32
    %dma_wait3A_124 = arith.constant 0 : i32
    %dma_wait3A_125 = arith.constant 0 : i32
    %dma_wait3A_126 = tpu.memref_slice %arg8[%dma_wait3A_122, %dma_wait3A_124, %dma_wait3A_125] : memref<4x100x64xf32, #tpu.memory_space<vmem>> -> memref<1x100x64xf32, #tpu.memory_space<vmem>>
    %dma_wait3A_127 = tpu.memref_squeeze %dma_wait3A_126 : memref<1x100x64xf32, #tpu.memory_space<vmem>> -> memref<100x64xf32, #tpu.memory_space<vmem>>
    %dma_wait3A_128 = arith.constant 0 : i32
    %dma_wait3A_129 = tpu.memref_slice %arg6[%dma_wait3A_121, %dma_wait3A_128] : memref<200x100xi32, #tpu.memory_space<vmem>> -> memref<1x100xi32, #tpu.memory_space<vmem>>
    %dma_wait3A_130 = tpu.memref_squeeze %dma_wait3A_129 : memref<1x100xi32, #tpu.memory_space<vmem>> -> memref<100xi32, #tpu.memory_space<vmem>>
    %dma_wait3A_131 = arith.constant 0 : i32
    %dma_wait3A_132 = arith.constant 0 : i32
    %dma_wait3A_133 = tpu.memref_slice %arg2[%arg0, %dma_wait3A_131, %dma_wait3A_132] : memref<2x10000x64xf32, #tpu.memory_space<hbm>> -> memref<1x10000x64xf32, #tpu.memory_space<hbm>>
    %dma_wait3A_134 = tpu.memref_squeeze %dma_wait3A_133 : memref<1x10000x64xf32, #tpu.memory_space<hbm>> -> memref<10000x64xf32, #tpu.memory_space<hbm>>
    %dma_wait3A_135 = arith.constant 0 : i32
    %dma_wait3A_136 = arith.constant 0 : i32
    %dma_wait3A_137 = tpu.memref_slice %dma_wait3A_134[%dma_wait3A_135, %dma_wait3A_136] : memref<10000x64xf32, #tpu.memory_space<hbm>> -> memref<10000x64xf32, #tpu.memory_space<hbm>>
    %dma_wait3A_138 = tpu.memref_slice %arg11[%dma_wait3A_123] : memref<4x!tpu.dma_semaphore, #tpu.memory_space<semaphore_mem>> -> memref<1x!tpu.dma_semaphore, #tpu.memory_space<semaphore_mem>>
    %dma_wait3A_139 = tpu.memref_squeeze %dma_wait3A_138 : memref<1x!tpu.dma_semaphore, #tpu.memory_space<semaphore_mem>> -> memref<!tpu.dma_semaphore, #tpu.memory_space<semaphore_mem>>
    tpu.wait_indirect_dma semaphore(%dma_wait3A_139 : memref<!tpu.dma_semaphore, #tpu.memory_space<semaphore_mem>>) src(%dma_wait3A_137 : memref<10000x64xf32, #tpu.memory_space<hbm>>) dst(%dma_wait3A_127 : memref<100x64xf32, #tpu.memory_space<vmem>>)
    %dma_start3A_140 = arith.constant 0 : i32
    %dma_start3A_141 = arith.constant 196 : i32
    %dma_start3A_142 = arith.constant 0 : i32
    %dma_start3A_143 = arith.constant 0 : i32
    %dma_start3A_144 = arith.constant 0 : i32
    %dma_start3A_145 = tpu.memref_slice %arg8[%dma_start3A_140, %dma_start3A_143, %dma_start3A_144] : memref<4x100x64xf32, #tpu.memory_space<vmem>> -> memref<1x100x64xf32, #tpu.memory_space<vmem>>
    %dma_start3A_146 = tpu.memref_squeeze %dma_start3A_145 : memref<1x100x64xf32, #tpu.memory_space<vmem>> -> memref<100x64xf32, #tpu.memory_space<vmem>>
    %dma_start3A_147 = arith.constant 0 : i32
    %dma_start3A_148 = tpu.memref_slice %arg7[%dma_start3A_141, %dma_start3A_147] : memref<200x100xi32, #tpu.memory_space<vmem>> -> memref<1x100xi32, #tpu.memory_space<vmem>>
    %dma_start3A_149 = tpu.memref_squeeze %dma_start3A_148 : memref<1x100xi32, #tpu.memory_space<vmem>> -> memref<100xi32, #tpu.memory_space<vmem>>
    %dma_start3A_150 = arith.constant 0 : i32
    %dma_start3A_151 = arith.constant 0 : i32
    %dma_start3A_152 = tpu.memref_slice %arg10[%dma_start3A_150, %dma_start3A_151] : memref<10240x64xf32, #tpu.memory_space<vmem_shared>> -> memref<10240x64xf32, #tpu.memory_space<vmem_shared>>
    %dma_start3A_153 = tpu.memref_slice %arg12[%dma_start3A_142] : memref<4x!tpu.dma_semaphore, #tpu.memory_space<semaphore_mem>> -> memref<1x!tpu.dma_semaphore, #tpu.memory_space<semaphore_mem>>
    %dma_start3A_154 = tpu.memref_squeeze %dma_start3A_153 : memref<1x!tpu.dma_semaphore, #tpu.memory_space<semaphore_mem>> -> memref<!tpu.dma_semaphore, #tpu.memory_space<semaphore_mem>>
    tpu.enqueue_indirect_dma source(%dma_start3A_146 : memref<100x64xf32, #tpu.memory_space<vmem>>) target(%dma_start3A_152 : memref<10240x64xf32, #tpu.memory_space<vmem_shared>>) offsets(%dma_start3A_149 : memref<100xi32, #tpu.memory_space<vmem>>) semaphore(%dma_start3A_154 : memref<!tpu.dma_semaphore, #tpu.memory_space<semaphore_mem>>) {add = true}
    %dma_wait3A_155 = arith.constant 0 : i32
    %dma_wait3A_156 = arith.constant 1 : i32
    %dma_wait3A_157 = arith.constant 1 : i32
    %dma_wait3A_158 = arith.constant 0 : i32
    %dma_wait3A_159 = arith.constant 0 : i32
    %dma_wait3A_160 = tpu.memref_slice %arg8[%dma_wait3A_156, %dma_wait3A_158, %dma_wait3A_159] : memref<4x100x64xf32, #tpu.memory_space<vmem>> -> memref<1x100x64xf32, #tpu.memory_space<vmem>>
    %dma_wait3A_161 = tpu.memref_squeeze %dma_wait3A_160 : memref<1x100x64xf32, #tpu.memory_space<vmem>> -> memref<100x64xf32, #tpu.memory_space<vmem>>
    %dma_wait3A_162 = arith.constant 0 : i32
    %dma_wait3A_163 = tpu.memref_slice %arg6[%dma_wait3A_155, %dma_wait3A_162] : memref<200x100xi32, #tpu.memory_space<vmem>> -> memref<1x100xi32, #tpu.memory_space<vmem>>
    %dma_wait3A_164 = tpu.memref_squeeze %dma_wait3A_163 : memref<1x100xi32, #tpu.memory_space<vmem>> -> memref<100xi32, #tpu.memory_space<vmem>>
    %dma_wait3A_165 = arith.constant 0 : i32
    %dma_wait3A_166 = arith.constant 0 : i32
    %dma_wait3A_167 = tpu.memref_slice %arg2[%arg0, %dma_wait3A_165, %dma_wait3A_166] : memref<2x10000x64xf32, #tpu.memory_space<hbm>> -> memref<1x10000x64xf32, #tpu.memory_space<hbm>>
    %dma_wait3A_168 = tpu.memref_squeeze %dma_wait3A_167 : memref<1x10000x64xf32, #tpu.memory_space<hbm>> -> memref<10000x64xf32, #tpu.memory_space<hbm>>
    %dma_wait3A_169 = arith.constant 0 : i32
    %dma_wait3A_170 = arith.constant 0 : i32
    %dma_wait3A_171 = tpu.memref_slice %dma_wait3A_168[%dma_wait3A_169, %dma_wait3A_170] : memref<10000x64xf32, #tpu.memory_space<hbm>> -> memref<10000x64xf32, #tpu.memory_space<hbm>>
    %dma_wait3A_172 = tpu.memref_slice %arg11[%dma_wait3A_157] : memref<4x!tpu.dma_semaphore, #tpu.memory_space<semaphore_mem>> -> memref<1x!tpu.dma_semaphore, #tpu.memory_space<semaphore_mem>>
    %dma_wait3A_173 = tpu.memref_squeeze %dma_wait3A_172 : memref<1x!tpu.dma_semaphore, #tpu.memory_space<semaphore_mem>> -> memref<!tpu.dma_semaphore, #tpu.memory_space<semaphore_mem>>
    tpu.wait_indirect_dma semaphore(%dma_wait3A_173 : memref<!tpu.dma_semaphore, #tpu.memory_space<semaphore_mem>>) src(%dma_wait3A_171 : memref<10000x64xf32, #tpu.memory_space<hbm>>) dst(%dma_wait3A_161 : memref<100x64xf32, #tpu.memory_space<vmem>>)
    %dma_start3A_174 = arith.constant 1 : i32
    %dma_start3A_175 = arith.constant 197 : i32
    %dma_start3A_176 = arith.constant 1 : i32
    %dma_start3A_177 = arith.constant 0 : i32
    %dma_start3A_178 = arith.constant 0 : i32
    %dma_start3A_179 = tpu.memref_slice %arg8[%dma_start3A_174, %dma_start3A_177, %dma_start3A_178] : memref<4x100x64xf32, #tpu.memory_space<vmem>> -> memref<1x100x64xf32, #tpu.memory_space<vmem>>
    %dma_start3A_180 = tpu.memref_squeeze %dma_start3A_179 : memref<1x100x64xf32, #tpu.memory_space<vmem>> -> memref<100x64xf32, #tpu.memory_space<vmem>>
    %dma_start3A_181 = arith.constant 0 : i32
    %dma_start3A_182 = tpu.memref_slice %arg7[%dma_start3A_175, %dma_start3A_181] : memref<200x100xi32, #tpu.memory_space<vmem>> -> memref<1x100xi32, #tpu.memory_space<vmem>>
    %dma_start3A_183 = tpu.memref_squeeze %dma_start3A_182 : memref<1x100xi32, #tpu.memory_space<vmem>> -> memref<100xi32, #tpu.memory_space<vmem>>
    %dma_start3A_184 = arith.constant 0 : i32
    %dma_start3A_185 = arith.constant 0 : i32
    %dma_start3A_186 = tpu.memref_slice %arg10[%dma_start3A_184, %dma_start3A_185] : memref<10240x64xf32, #tpu.memory_space<vmem_shared>> -> memref<10240x64xf32, #tpu.memory_space<vmem_shared>>
    %dma_start3A_187 = tpu.memref_slice %arg12[%dma_start3A_176] : memref<4x!tpu.dma_semaphore, #tpu.memory_space<semaphore_mem>> -> memref<1x!tpu.dma_semaphore, #tpu.memory_space<semaphore_mem>>
    %dma_start3A_188 = tpu.memref_squeeze %dma_start3A_187 : memref<1x!tpu.dma_semaphore, #tpu.memory_space<semaphore_mem>> -> memref<!tpu.dma_semaphore, #tpu.memory_space<semaphore_mem>>
    tpu.enqueue_indirect_dma source(%dma_start3A_180 : memref<100x64xf32, #tpu.memory_space<vmem>>) target(%dma_start3A_186 : memref<10240x64xf32, #tpu.memory_space<vmem_shared>>) offsets(%dma_start3A_183 : memref<100xi32, #tpu.memory_space<vmem>>) semaphore(%dma_start3A_188 : memref<!tpu.dma_semaphore, #tpu.memory_space<semaphore_mem>>) {add = true}
    %dma_wait3A_189 = arith.constant 0 : i32
    %dma_wait3A_190 = arith.constant 2 : i32
    %dma_wait3A_191 = arith.constant 2 : i32
    %dma_wait3A_192 = arith.constant 0 : i32
    %dma_wait3A_193 = arith.constant 0 : i32
    %dma_wait3A_194 = tpu.memref_slice %arg8[%dma_wait3A_190, %dma_wait3A_192, %dma_wait3A_193] : memref<4x100x64xf32, #tpu.memory_space<vmem>> -> memref<1x100x64xf32, #tpu.memory_space<vmem>>
    %dma_wait3A_195 = tpu.memref_squeeze %dma_wait3A_194 : memref<1x100x64xf32, #tpu.memory_space<vmem>> -> memref<100x64xf32, #tpu.memory_space<vmem>>
    %dma_wait3A_196 = arith.constant 0 : i32
    %dma_wait3A_197 = tpu.memref_slice %arg6[%dma_wait3A_189, %dma_wait3A_196] : memref<200x100xi32, #tpu.memory_space<vmem>> -> memref<1x100xi32, #tpu.memory_space<vmem>>
    %dma_wait3A_198 = tpu.memref_squeeze %dma_wait3A_197 : memref<1x100xi32, #tpu.memory_space<vmem>> -> memref<100xi32, #tpu.memory_space<vmem>>
    %dma_wait3A_199 = arith.constant 0 : i32
    %dma_wait3A_200 = arith.constant 0 : i32
    %dma_wait3A_201 = tpu.memref_slice %arg2[%arg0, %dma_wait3A_199, %dma_wait3A_200] : memref<2x10000x64xf32, #tpu.memory_space<hbm>> -> memref<1x10000x64xf32, #tpu.memory_space<hbm>>
    %dma_wait3A_202 = tpu.memref_squeeze %dma_wait3A_201 : memref<1x10000x64xf32, #tpu.memory_space<hbm>> -> memref<10000x64xf32, #tpu.memory_space<hbm>>
    %dma_wait3A_203 = arith.constant 0 : i32
    %dma_wait3A_204 = arith.constant 0 : i32
    %dma_wait3A_205 = tpu.memref_slice %dma_wait3A_202[%dma_wait3A_203, %dma_wait3A_204] : memref<10000x64xf32, #tpu.memory_space<hbm>> -> memref<10000x64xf32, #tpu.memory_space<hbm>>
    %dma_wait3A_206 = tpu.memref_slice %arg11[%dma_wait3A_191] : memref<4x!tpu.dma_semaphore, #tpu.memory_space<semaphore_mem>> -> memref<1x!tpu.dma_semaphore, #tpu.memory_space<semaphore_mem>>
    %dma_wait3A_207 = tpu.memref_squeeze %dma_wait3A_206 : memref<1x!tpu.dma_semaphore, #tpu.memory_space<semaphore_mem>> -> memref<!tpu.dma_semaphore, #tpu.memory_space<semaphore_mem>>
    tpu.wait_indirect_dma semaphore(%dma_wait3A_207 : memref<!tpu.dma_semaphore, #tpu.memory_space<semaphore_mem>>) src(%dma_wait3A_205 : memref<10000x64xf32, #tpu.memory_space<hbm>>) dst(%dma_wait3A_195 : memref<100x64xf32, #tpu.memory_space<vmem>>)
    %dma_start3A_208 = arith.constant 2 : i32
    %dma_start3A_209 = arith.constant 198 : i32
    %dma_start3A_210 = arith.constant 2 : i32
    %dma_start3A_211 = arith.constant 0 : i32
    %dma_start3A_212 = arith.constant 0 : i32
    %dma_start3A_213 = tpu.memref_slice %arg8[%dma_start3A_208, %dma_start3A_211, %dma_start3A_212] : memref<4x100x64xf32, #tpu.memory_space<vmem>> -> memref<1x100x64xf32, #tpu.memory_space<vmem>>
    %dma_start3A_214 = tpu.memref_squeeze %dma_start3A_213 : memref<1x100x64xf32, #tpu.memory_space<vmem>> -> memref<100x64xf32, #tpu.memory_space<vmem>>
    %dma_start3A_215 = arith.constant 0 : i32
    %dma_start3A_216 = tpu.memref_slice %arg7[%dma_start3A_209, %dma_start3A_215] : memref<200x100xi32, #tpu.memory_space<vmem>> -> memref<1x100xi32, #tpu.memory_space<vmem>>
    %dma_start3A_217 = tpu.memref_squeeze %dma_start3A_216 : memref<1x100xi32, #tpu.memory_space<vmem>> -> memref<100xi32, #tpu.memory_space<vmem>>
    %dma_start3A_218 = arith.constant 0 : i32
    %dma_start3A_219 = arith.constant 0 : i32
    %dma_start3A_220 = tpu.memref_slice %arg10[%dma_start3A_218, %dma_start3A_219] : memref<10240x64xf32, #tpu.memory_space<vmem_shared>> -> memref<10240x64xf32, #tpu.memory_space<vmem_shared>>
    %dma_start3A_221 = tpu.memref_slice %arg12[%dma_start3A_210] : memref<4x!tpu.dma_semaphore, #tpu.memory_space<semaphore_mem>> -> memref<1x!tpu.dma_semaphore, #tpu.memory_space<semaphore_mem>>
    %dma_start3A_222 = tpu.memref_squeeze %dma_start3A_221 : memref<1x!tpu.dma_semaphore, #tpu.memory_space<semaphore_mem>> -> memref<!tpu.dma_semaphore, #tpu.memory_space<semaphore_mem>>
    tpu.enqueue_indirect_dma source(%dma_start3A_214 : memref<100x64xf32, #tpu.memory_space<vmem>>) target(%dma_start3A_220 : memref<10240x64xf32, #tpu.memory_space<vmem_shared>>) offsets(%dma_start3A_217 : memref<100xi32, #tpu.memory_space<vmem>>) semaphore(%dma_start3A_222 : memref<!tpu.dma_semaphore, #tpu.memory_space<semaphore_mem>>) {add = true}
    %dma_wait3A_223 = arith.constant 0 : i32
    %dma_wait3A_224 = arith.constant 3 : i32
    %dma_wait3A_225 = arith.constant 3 : i32
    %dma_wait3A_226 = arith.constant 0 : i32
    %dma_wait3A_227 = arith.constant 0 : i32
    %dma_wait3A_228 = tpu.memref_slice %arg8[%dma_wait3A_224, %dma_wait3A_226, %dma_wait3A_227] : memref<4x100x64xf32, #tpu.memory_space<vmem>> -> memref<1x100x64xf32, #tpu.memory_space<vmem>>
    %dma_wait3A_229 = tpu.memref_squeeze %dma_wait3A_228 : memref<1x100x64xf32, #tpu.memory_space<vmem>> -> memref<100x64xf32, #tpu.memory_space<vmem>>
    %dma_wait3A_230 = arith.constant 0 : i32
    %dma_wait3A_231 = tpu.memref_slice %arg6[%dma_wait3A_223, %dma_wait3A_230] : memref<200x100xi32, #tpu.memory_space<vmem>> -> memref<1x100xi32, #tpu.memory_space<vmem>>
    %dma_wait3A_232 = tpu.memref_squeeze %dma_wait3A_231 : memref<1x100xi32, #tpu.memory_space<vmem>> -> memref<100xi32, #tpu.memory_space<vmem>>
    %dma_wait3A_233 = arith.constant 0 : i32
    %dma_wait3A_234 = arith.constant 0 : i32
    %dma_wait3A_235 = tpu.memref_slice %arg2[%arg0, %dma_wait3A_233, %dma_wait3A_234] : memref<2x10000x64xf32, #tpu.memory_space<hbm>> -> memref<1x10000x64xf32, #tpu.memory_space<hbm>>
    %dma_wait3A_236 = tpu.memref_squeeze %dma_wait3A_235 : memref<1x10000x64xf32, #tpu.memory_space<hbm>> -> memref<10000x64xf32, #tpu.memory_space<hbm>>
    %dma_wait3A_237 = arith.constant 0 : i32
    %dma_wait3A_238 = arith.constant 0 : i32
    %dma_wait3A_239 = tpu.memref_slice %dma_wait3A_236[%dma_wait3A_237, %dma_wait3A_238] : memref<10000x64xf32, #tpu.memory_space<hbm>> -> memref<10000x64xf32, #tpu.memory_space<hbm>>
    %dma_wait3A_240 = tpu.memref_slice %arg11[%dma_wait3A_225] : memref<4x!tpu.dma_semaphore, #tpu.memory_space<semaphore_mem>> -> memref<1x!tpu.dma_semaphore, #tpu.memory_space<semaphore_mem>>
    %dma_wait3A_241 = tpu.memref_squeeze %dma_wait3A_240 : memref<1x!tpu.dma_semaphore, #tpu.memory_space<semaphore_mem>> -> memref<!tpu.dma_semaphore, #tpu.memory_space<semaphore_mem>>
    tpu.wait_indirect_dma semaphore(%dma_wait3A_241 : memref<!tpu.dma_semaphore, #tpu.memory_space<semaphore_mem>>) src(%dma_wait3A_239 : memref<10000x64xf32, #tpu.memory_space<hbm>>) dst(%dma_wait3A_229 : memref<100x64xf32, #tpu.memory_space<vmem>>)
    %dma_start3A_242 = arith.constant 3 : i32
    %dma_start3A_243 = arith.constant 199 : i32
    %dma_start3A_244 = arith.constant 3 : i32
    %dma_start3A_245 = arith.constant 0 : i32
    %dma_start3A_246 = arith.constant 0 : i32
    %dma_start3A_247 = tpu.memref_slice %arg8[%dma_start3A_242, %dma_start3A_245, %dma_start3A_246] : memref<4x100x64xf32, #tpu.memory_space<vmem>> -> memref<1x100x64xf32, #tpu.memory_space<vmem>>
    %dma_start3A_248 = tpu.memref_squeeze %dma_start3A_247 : memref<1x100x64xf32, #tpu.memory_space<vmem>> -> memref<100x64xf32, #tpu.memory_space<vmem>>
    %dma_start3A_249 = arith.constant 0 : i32
    %dma_start3A_250 = tpu.memref_slice %arg7[%dma_start3A_243, %dma_start3A_249] : memref<200x100xi32, #tpu.memory_space<vmem>> -> memref<1x100xi32, #tpu.memory_space<vmem>>
    %dma_start3A_251 = tpu.memref_squeeze %dma_start3A_250 : memref<1x100xi32, #tpu.memory_space<vmem>> -> memref<100xi32, #tpu.memory_space<vmem>>
    %dma_start3A_252 = arith.constant 0 : i32
    %dma_start3A_253 = arith.constant 0 : i32
    %dma_start3A_254 = tpu.memref_slice %arg10[%dma_start3A_252, %dma_start3A_253] : memref<10240x64xf32, #tpu.memory_space<vmem_shared>> -> memref<10240x64xf32, #tpu.memory_space<vmem_shared>>
    %dma_start3A_255 = tpu.memref_slice %arg12[%dma_start3A_244] : memref<4x!tpu.dma_semaphore, #tpu.memory_space<semaphore_mem>> -> memref<1x!tpu.dma_semaphore, #tpu.memory_space<semaphore_mem>>
    %dma_start3A_256 = tpu.memref_squeeze %dma_start3A_255 : memref<1x!tpu.dma_semaphore, #tpu.memory_space<semaphore_mem>> -> memref<!tpu.dma_semaphore, #tpu.memory_space<semaphore_mem>>
    tpu.enqueue_indirect_dma source(%dma_start3A_248 : memref<100x64xf32, #tpu.memory_space<vmem>>) target(%dma_start3A_254 : memref<10240x64xf32, #tpu.memory_space<vmem_shared>>) offsets(%dma_start3A_251 : memref<100xi32, #tpu.memory_space<vmem>>) semaphore(%dma_start3A_256 : memref<!tpu.dma_semaphore, #tpu.memory_space<semaphore_mem>>) {add = true}
    %dma_wait3A_257 = arith.constant 0 : i32
    %dma_wait3A_258 = arith.constant 0 : i32
    %dma_wait3A_259 = arith.constant 0 : i32
    %dma_wait3A_260 = arith.constant 0 : i32
    %dma_wait3A_261 = arith.constant 0 : i32
    %dma_wait3A_262 = tpu.memref_slice %arg8[%dma_wait3A_257, %dma_wait3A_260, %dma_wait3A_261] : memref<4x100x64xf32, #tpu.memory_space<vmem>> -> memref<1x100x64xf32, #tpu.memory_space<vmem>>
    %dma_wait3A_263 = tpu.memref_squeeze %dma_wait3A_262 : memref<1x100x64xf32, #tpu.memory_space<vmem>> -> memref<100x64xf32, #tpu.memory_space<vmem>>
    %dma_wait3A_264 = arith.constant 0 : i32
    %dma_wait3A_265 = tpu.memref_slice %arg7[%dma_wait3A_258, %dma_wait3A_264] : memref<200x100xi32, #tpu.memory_space<vmem>> -> memref<1x100xi32, #tpu.memory_space<vmem>>
    %dma_wait3A_266 = tpu.memref_squeeze %dma_wait3A_265 : memref<1x100xi32, #tpu.memory_space<vmem>> -> memref<100xi32, #tpu.memory_space<vmem>>
    %dma_wait3A_267 = arith.constant 0 : i32
    %dma_wait3A_268 = arith.constant 0 : i32
    %dma_wait3A_269 = tpu.memref_slice %arg10[%dma_wait3A_267, %dma_wait3A_268] : memref<10240x64xf32, #tpu.memory_space<vmem_shared>> -> memref<10240x64xf32, #tpu.memory_space<vmem_shared>>
    %dma_wait3A_270 = tpu.memref_slice %arg12[%dma_wait3A_259] : memref<4x!tpu.dma_semaphore, #tpu.memory_space<semaphore_mem>> -> memref<1x!tpu.dma_semaphore, #tpu.memory_space<semaphore_mem>>
    %dma_wait3A_271 = tpu.memref_squeeze %dma_wait3A_270 : memref<1x!tpu.dma_semaphore, #tpu.memory_space<semaphore_mem>> -> memref<!tpu.dma_semaphore, #tpu.memory_space<semaphore_mem>>
    tpu.wait_indirect_dma semaphore(%dma_wait3A_271 : memref<!tpu.dma_semaphore, #tpu.memory_space<semaphore_mem>>) src(%dma_wait3A_263 : memref<100x64xf32, #tpu.memory_space<vmem>>) dst(%dma_wait3A_269 : memref<10240x64xf32, #tpu.memory_space<vmem_shared>>)
    %dma_wait3A_272 = arith.constant 1 : i32
    %dma_wait3A_273 = arith.constant 0 : i32
    %dma_wait3A_274 = arith.constant 1 : i32
    %dma_wait3A_275 = arith.constant 0 : i32
    %dma_wait3A_276 = arith.constant 0 : i32
    %dma_wait3A_277 = tpu.memref_slice %arg8[%dma_wait3A_272, %dma_wait3A_275, %dma_wait3A_276] : memref<4x100x64xf32, #tpu.memory_space<vmem>> -> memref<1x100x64xf32, #tpu.memory_space<vmem>>
    %dma_wait3A_278 = tpu.memref_squeeze %dma_wait3A_277 : memref<1x100x64xf32, #tpu.memory_space<vmem>> -> memref<100x64xf32, #tpu.memory_space<vmem>>
    %dma_wait3A_279 = arith.constant 0 : i32
    %dma_wait3A_280 = tpu.memref_slice %arg7[%dma_wait3A_273, %dma_wait3A_279] : memref<200x100xi32, #tpu.memory_space<vmem>> -> memref<1x100xi32, #tpu.memory_space<vmem>>
    %dma_wait3A_281 = tpu.memref_squeeze %dma_wait3A_280 : memref<1x100xi32, #tpu.memory_space<vmem>> -> memref<100xi32, #tpu.memory_space<vmem>>
    %dma_wait3A_282 = arith.constant 0 : i32
    %dma_wait3A_283 = arith.constant 0 : i32
    %dma_wait3A_284 = tpu.memref_slice %arg10[%dma_wait3A_282, %dma_wait3A_283] : memref<10240x64xf32, #tpu.memory_space<vmem_shared>> -> memref<10240x64xf32, #tpu.memory_space<vmem_shared>>
    %dma_wait3A_285 = tpu.memref_slice %arg12[%dma_wait3A_274] : memref<4x!tpu.dma_semaphore, #tpu.memory_space<semaphore_mem>> -> memref<1x!tpu.dma_semaphore, #tpu.memory_space<semaphore_mem>>
    %dma_wait3A_286 = tpu.memref_squeeze %dma_wait3A_285 : memref<1x!tpu.dma_semaphore, #tpu.memory_space<semaphore_mem>> -> memref<!tpu.dma_semaphore, #tpu.memory_space<semaphore_mem>>
    tpu.wait_indirect_dma semaphore(%dma_wait3A_286 : memref<!tpu.dma_semaphore, #tpu.memory_space<semaphore_mem>>) src(%dma_wait3A_278 : memref<100x64xf32, #tpu.memory_space<vmem>>) dst(%dma_wait3A_284 : memref<10240x64xf32, #tpu.memory_space<vmem_shared>>)
    %dma_wait3A_287 = arith.constant 2 : i32
    %dma_wait3A_288 = arith.constant 0 : i32
    %dma_wait3A_289 = arith.constant 2 : i32
    %dma_wait3A_290 = arith.constant 0 : i32
    %dma_wait3A_291 = arith.constant 0 : i32
    %dma_wait3A_292 = tpu.memref_slice %arg8[%dma_wait3A_287, %dma_wait3A_290, %dma_wait3A_291] : memref<4x100x64xf32, #tpu.memory_space<vmem>> -> memref<1x100x64xf32, #tpu.memory_space<vmem>>
    %dma_wait3A_293 = tpu.memref_squeeze %dma_wait3A_292 : memref<1x100x64xf32, #tpu.memory_space<vmem>> -> memref<100x64xf32, #tpu.memory_space<vmem>>
    %dma_wait3A_294 = arith.constant 0 : i32
    %dma_wait3A_295 = tpu.memref_slice %arg7[%dma_wait3A_288, %dma_wait3A_294] : memref<200x100xi32, #tpu.memory_space<vmem>> -> memref<1x100xi32, #tpu.memory_space<vmem>>
    %dma_wait3A_296 = tpu.memref_squeeze %dma_wait3A_295 : memref<1x100xi32, #tpu.memory_space<vmem>> -> memref<100xi32, #tpu.memory_space<vmem>>
    %dma_wait3A_297 = arith.constant 0 : i32
    %dma_wait3A_298 = arith.constant 0 : i32
    %dma_wait3A_299 = tpu.memref_slice %arg10[%dma_wait3A_297, %dma_wait3A_298] : memref<10240x64xf32, #tpu.memory_space<vmem_shared>> -> memref<10240x64xf32, #tpu.memory_space<vmem_shared>>
    %dma_wait3A_300 = tpu.memref_slice %arg12[%dma_wait3A_289] : memref<4x!tpu.dma_semaphore, #tpu.memory_space<semaphore_mem>> -> memref<1x!tpu.dma_semaphore, #tpu.memory_space<semaphore_mem>>
    %dma_wait3A_301 = tpu.memref_squeeze %dma_wait3A_300 : memref<1x!tpu.dma_semaphore, #tpu.memory_space<semaphore_mem>> -> memref<!tpu.dma_semaphore, #tpu.memory_space<semaphore_mem>>
    tpu.wait_indirect_dma semaphore(%dma_wait3A_301 : memref<!tpu.dma_semaphore, #tpu.memory_space<semaphore_mem>>) src(%dma_wait3A_293 : memref<100x64xf32, #tpu.memory_space<vmem>>) dst(%dma_wait3A_299 : memref<10240x64xf32, #tpu.memory_space<vmem_shared>>)
    %dma_wait3A_302 = arith.constant 3 : i32
    %dma_wait3A_303 = arith.constant 0 : i32
    %dma_wait3A_304 = arith.constant 3 : i32
    %dma_wait3A_305 = arith.constant 0 : i32
    %dma_wait3A_306 = arith.constant 0 : i32
    %dma_wait3A_307 = tpu.memref_slice %arg8[%dma_wait3A_302, %dma_wait3A_305, %dma_wait3A_306] : memref<4x100x64xf32, #tpu.memory_space<vmem>> -> memref<1x100x64xf32, #tpu.memory_space<vmem>>
    %dma_wait3A_308 = tpu.memref_squeeze %dma_wait3A_307 : memref<1x100x64xf32, #tpu.memory_space<vmem>> -> memref<100x64xf32, #tpu.memory_space<vmem>>
    %dma_wait3A_309 = arith.constant 0 : i32
    %dma_wait3A_310 = tpu.memref_slice %arg7[%dma_wait3A_303, %dma_wait3A_309] : memref<200x100xi32, #tpu.memory_space<vmem>> -> memref<1x100xi32, #tpu.memory_space<vmem>>
    %dma_wait3A_311 = tpu.memref_squeeze %dma_wait3A_310 : memref<1x100xi32, #tpu.memory_space<vmem>> -> memref<100xi32, #tpu.memory_space<vmem>>
    %dma_wait3A_312 = arith.constant 0 : i32
    %dma_wait3A_313 = arith.constant 0 : i32
    %dma_wait3A_314 = tpu.memref_slice %arg10[%dma_wait3A_312, %dma_wait3A_313] : memref<10240x64xf32, #tpu.memory_space<vmem_shared>> -> memref<10240x64xf32, #tpu.memory_space<vmem_shared>>
    %dma_wait3A_315 = tpu.memref_slice %arg12[%dma_wait3A_304] : memref<4x!tpu.dma_semaphore, #tpu.memory_space<semaphore_mem>> -> memref<1x!tpu.dma_semaphore, #tpu.memory_space<semaphore_mem>>
    %dma_wait3A_316 = tpu.memref_squeeze %dma_wait3A_315 : memref<1x!tpu.dma_semaphore, #tpu.memory_space<semaphore_mem>> -> memref<!tpu.dma_semaphore, #tpu.memory_space<semaphore_mem>>
    tpu.wait_indirect_dma semaphore(%dma_wait3A_316 : memref<!tpu.dma_semaphore, #tpu.memory_space<semaphore_mem>>) src(%dma_wait3A_308 : memref<100x64xf32, #tpu.memory_space<vmem>>) dst(%dma_wait3A_314 : memref<10240x64xf32, #tpu.memory_space<vmem_shared>>)
    %barrier3A_317 = arith.constant 0 : index
    tpu.barrier barrier_id(%barrier3A_317)
    "tpu.region"() ({
      %run_scoped3A = tpu.sem_alloc : memref<!tpu.dma_semaphore, #tpu.memory_space<semaphore_mem>>
      %dma_start3A_318 = arith.constant 0 : i32
      %dma_start3A_319 = tpu.memref_slice %arg5[%arg0, %mul3A_19, %dma_start3A_318] : memref<2x10240x64xf32, #tpu.memory_space<hbm>> -> memref<1x640x64xf32, #tpu.memory_space<hbm>>
      %dma_start3A_320 = tpu.memref_squeeze %dma_start3A_319 : memref<1x640x64xf32, #tpu.memory_space<hbm>> -> memref<640x64xf32, #tpu.memory_space<hbm>>
      %dma_start3A_321 = arith.constant 0 : i32
      %dma_start3A_322 = tpu.memref_slice %arg10[%mul3A_19, %dma_start3A_321] : memref<10240x64xf32, #tpu.memory_space<vmem_shared>> -> memref<640x64xf32, #tpu.memory_space<vmem_shared>>
      tpu.enqueue_dma source(%dma_start3A_322 : memref<640x64xf32, #tpu.memory_space<vmem_shared>>) target(%dma_start3A_320 : memref<640x64xf32, #tpu.memory_space<hbm>>) target_semaphore(%run_scoped3A : memref<!tpu.dma_semaphore, #tpu.memory_space<semaphore_mem>>)
      %dma_wait3A_323 = arith.constant 0 : i32
      %dma_wait3A_324 = tpu.memref_slice %arg5[%arg0, %mul3A_19, %dma_wait3A_323] : memref<2x10240x64xf32, #tpu.memory_space<hbm>> -> memref<1x640x64xf32, #tpu.memory_space<hbm>>
      %dma_wait3A_325 = tpu.memref_squeeze %dma_wait3A_324 : memref<1x640x64xf32, #tpu.memory_space<hbm>> -> memref<640x64xf32, #tpu.memory_space<hbm>>
      %dma_wait3A_326 = arith.constant 0 : i32
      %dma_wait3A_327 = tpu.memref_slice %arg10[%mul3A_19, %dma_wait3A_326] : memref<10240x64xf32, #tpu.memory_space<vmem_shared>> -> memref<640x64xf32, #tpu.memory_space<vmem_shared>>
      tpu.wait_dma2 semaphore(%run_scoped3A : memref<!tpu.dma_semaphore, #tpu.memory_space<semaphore_mem>>) src(%dma_wait3A_327 : memref<640x64xf32, #tpu.memory_space<vmem_shared>>) dst(%dma_wait3A_325 : memref<640x64xf32, #tpu.memory_space<hbm>>)
      tpu.yield
    }) : () -> ()
    return
  }
}

#map = affine_map<(d0, d1) -> (0, 0, 0)>
module attributes {stable_mosaic.version = 14 : i64} {
  func.func @body(%arg0: i32, %arg1: i32, %arg2: memref<2x10000x64xf32, #tpu.memory_space<hbm>>, %arg3: memref<16x200x100xi32, #tpu.memory_space<hbm>>, %arg4: memref<16x200x100xi32, #tpu.memory_space<hbm>>, %arg5: memref<2x10240x64xf32, #tpu.memory_space<hbm>>, %arg6: memref<200x100xi32, #tpu.memory_space<vmem>>, %arg7: memref<200x100xi32, #tpu.memory_space<vmem>>, %arg8: memref<4x100x64xf32, #tpu.memory_space<vmem>>, %arg9: memref<80x64xf32, #tpu.memory_space<vmem>>, %arg10: memref<10240x64xf32, #tpu.memory_space<vmem_shared>>, %arg11: memref<4x!tpu.dma_semaphore, #tpu.memory_space<semaphore_mem>>, %arg12: memref<4x!tpu.dma_semaphore, #tpu.memory_space<semaphore_mem>>, %arg13: memref<!tpu.dma_semaphore, #tpu.memory_space<semaphore_mem>>) attributes {dimension_semantics = [#tpu.dimension_semantics<core_parallel>, #tpu.dimension_semantics<subcore_parallel>], iteration_bounds = array<i64: 2, 16>, scalar_prefetch = 0 : i64, scratch_operands = 8 : i64, tpu.core_type = #tpu.core_type<sc_vector_subcore>, window_params = [{transform_indices = #map}, {transform_indices = #map}, {transform_indices = #map}, {transform_indices = #map}]} {
    %dma_start3A = arith.constant 0 : i32
    %dma_start3A_0 = arith.constant 0 : i32
    %dma_start3A_1 = tpu.memref_slice %arg3[%arg1, %dma_start3A, %dma_start3A_0] : memref<16x200x100xi32, #tpu.memory_space<hbm>> -> memref<1x200x100xi32, #tpu.memory_space<hbm>>
    %dma_start3A_2 = tpu.memref_squeeze %dma_start3A_1 : memref<1x200x100xi32, #tpu.memory_space<hbm>> -> memref<200x100xi32, #tpu.memory_space<hbm>>
    %dma_start3A_3 = arith.constant 0 : i32
    %dma_start3A_4 = arith.constant 0 : i32
    %dma_start3A_5 = tpu.memref_slice %arg3[%arg1, %dma_start3A_3, %dma_start3A_4] : memref<16x200x100xi32, #tpu.memory_space<hbm>> -> memref<1x200x100xi32, #tpu.memory_space<hbm>>
    %dma_start3A_6 = tpu.memref_squeeze %dma_start3A_5 : memref<1x200x100xi32, #tpu.memory_space<hbm>> -> memref<200x100xi32, #tpu.memory_space<hbm>>
    tpu.enqueue_dma source(%dma_start3A_6 : memref<200x100xi32, #tpu.memory_space<hbm>>) target(%arg6 : memref<200x100xi32, #tpu.memory_space<vmem>>) target_semaphore(%arg13 : memref<!tpu.dma_semaphore, #tpu.memory_space<semaphore_mem>>)
    %dma_start3A_7 = arith.constant 0 : i32
    %dma_start3A_8 = arith.constant 0 : i32
    %dma_start3A_9 = tpu.memref_slice %arg4[%arg1, %dma_start3A_7, %dma_start3A_8] : memref<16x200x100xi32, #tpu.memory_space<hbm>> -> memref<1x200x100xi32, #tpu.memory_space<hbm>>
    %dma_start3A_10 = tpu.memref_squeeze %dma_start3A_9 : memref<1x200x100xi32, #tpu.memory_space<hbm>> -> memref<200x100xi32, #tpu.memory_space<hbm>>
    %dma_start3A_11 = arith.constant 0 : i32
    %dma_start3A_12 = arith.constant 0 : i32
    %dma_start3A_13 = tpu.memref_slice %arg4[%arg1, %dma_start3A_11, %dma_start3A_12] : memref<16x200x100xi32, #tpu.memory_space<hbm>> -> memref<1x200x100xi32, #tpu.memory_space<hbm>>
    %dma_start3A_14 = tpu.memref_squeeze %dma_start3A_13 : memref<1x200x100xi32, #tpu.memory_space<hbm>> -> memref<200x100xi32, #tpu.memory_space<hbm>>
    tpu.enqueue_dma source(%dma_start3A_14 : memref<200x100xi32, #tpu.memory_space<hbm>>) target(%arg7 : memref<200x100xi32, #tpu.memory_space<vmem>>) target_semaphore(%arg13 : memref<!tpu.dma_semaphore, #tpu.memory_space<semaphore_mem>>)
    %scan3A = arith.constant 0 : i32
    %scan3A_15 = arith.constant 80 : i32
    %scan3A_16 = arith.addi %scan3A, %scan3A_15 : i32
    %scan3A_17 = arith.constant 1 : i32
    scf.for %scan3A_318 = %scan3A to %scan3A_16 step %scan3A_17  : i32 {
      %mul3A_319 = arith.constant 1 : i32
      %mul3A_320 = arith.muli %scan3A_318, %mul3A_319 : i32
      %add3A = arith.constant 0 : i32
      %add3A_321 = arith.addi %add3A, %mul3A_320 : i32
      %broadcast_in_dim3A = arith.constant 0.000000e+00 : f32
      %broadcast_in_dim3A_322 = vector.broadcast %broadcast_in_dim3A : f32 to vector<16xf32>
      %swap3A = arith.index_cast %add3A_321 : i32 to index
      %swap3A_323 = arith.constant 0 : index
      %swap3A_324 = tpu.vector_load %arg9[%swap3A, %swap3A_323] {strides = array<i32>} : memref<80x64xf32, #tpu.memory_space<vmem>>, vector<1x16xf32>,
      %swap3A_325 = vector.shape_cast %swap3A_324 : vector<1x16xf32> to vector<16xf32>
      %swap3A_326 = vector.shape_cast %broadcast_in_dim3A_322 : vector<16xf32> to vector<1x16xf32>
      tpu.vector_store %arg9[%swap3A, %swap3A_323], %swap3A_326 {strides = array<i32>} : memref<80x64xf32, #tpu.memory_space<vmem>>, vector<1x16xf32>,
      %broadcast_in_dim3A_327 = arith.constant 0.000000e+00 : f32
      %broadcast_in_dim3A_328 = vector.broadcast %broadcast_in_dim3A_327 : f32 to vector<16xf32>
      %swap3A_329 = arith.index_cast %add3A_321 : i32 to index
      %swap3A_330 = arith.constant 16 : index
      %swap3A_331 = tpu.vector_load %arg9[%swap3A_329, %swap3A_330] {strides = array<i32>} : memref<80x64xf32, #tpu.memory_space<vmem>>, vector<1x16xf32>,
      %swap3A_332 = vector.shape_cast %swap3A_331 : vector<1x16xf32> to vector<16xf32>
      %swap3A_333 = vector.shape_cast %broadcast_in_dim3A_328 : vector<16xf32> to vector<1x16xf32>
      tpu.vector_store %arg9[%swap3A_329, %swap3A_330], %swap3A_333 {strides = array<i32>} : memref<80x64xf32, #tpu.memory_space<vmem>>, vector<1x16xf32>,
      %broadcast_in_dim3A_334 = arith.constant 0.000000e+00 : f32
      %broadcast_in_dim3A_335 = vector.broadcast %broadcast_in_dim3A_334 : f32 to vector<16xf32>
      %swap3A_336 = arith.index_cast %add3A_321 : i32 to index
      %swap3A_337 = arith.constant 32 : index
      %swap3A_338 = tpu.vector_load %arg9[%swap3A_336, %swap3A_337] {strides = array<i32>} : memref<80x64xf32, #tpu.memory_space<vmem>>, vector<1x16xf32>,
      %swap3A_339 = vector.shape_cast %swap3A_338 : vector<1x16xf32> to vector<16xf32>
      %swap3A_340 = vector.shape_cast %broadcast_in_dim3A_335 : vector<16xf32> to vector<1x16xf32>
      tpu.vector_store %arg9[%swap3A_336, %swap3A_337], %swap3A_340 {strides = array<i32>} : memref<80x64xf32, #tpu.memory_space<vmem>>, vector<1x16xf32>,
      %broadcast_in_dim3A_341 = arith.constant 0.000000e+00 : f32
      %broadcast_in_dim3A_342 = vector.broadcast %broadcast_in_dim3A_341 : f32 to vector<16xf32>
      %swap3A_343 = arith.index_cast %add3A_321 : i32 to index
      %swap3A_344 = arith.constant 48 : index
      %swap3A_345 = tpu.vector_load %arg9[%swap3A_343, %swap3A_344] {strides = array<i32>} : memref<80x64xf32, #tpu.memory_space<vmem>>, vector<1x16xf32>,
      %swap3A_346 = vector.shape_cast %swap3A_345 : vector<1x16xf32> to vector<16xf32>
      %swap3A_347 = vector.shape_cast %broadcast_in_dim3A_342 : vector<16xf32> to vector<1x16xf32>
      tpu.vector_store %arg9[%swap3A_343, %swap3A_344], %swap3A_347 {strides = array<i32>} : memref<80x64xf32, #tpu.memory_space<vmem>>, vector<1x16xf32>,
    }
    %scan3A_18 = arith.constant 80 : i32
    %mul3A = arith.constant 640 : i32
    %mul3A_19 = arith.muli %arg1, %mul3A : i32
    %scan3A_20 = arith.constant 0 : i32
    %scan3A_21 = arith.constant 8 : i32
    %scan3A_22 = arith.addi %scan3A_20, %scan3A_21 : i32
    %scan3A_23 = arith.constant 1 : i32
    scf.for %scan3A_318 = %scan3A_20 to %scan3A_22 step %scan3A_23  : i32 {
      %mul3A_319 = arith.constant 1 : i32
      %mul3A_320 = arith.muli %scan3A_318, %mul3A_319 : i32
      %add3A = arith.constant 0 : i32
      %add3A_321 = arith.addi %add3A, %mul3A_320 : i32
      %mul3A_322 = arith.constant 80 : i32
      %mul3A_323 = arith.muli %add3A_321, %mul3A_322 : i32
      %add3A_324 = arith.addi %mul3A_19, %mul3A_323 : i32
      "tpu.region"() ({
        %run_scoped3A = tpu.sem_alloc : memref<!tpu.dma_semaphore, #tpu.memory_space<semaphore_mem>>
        %dma_start3A_325 = arith.constant 0 : i32
        %dma_start3A_326 = tpu.memref_slice %arg10[%add3A_324, %dma_start3A_325] : memref<10240x64xf32, #tpu.memory_space<vmem_shared>> -> memref<80x64xf32, #tpu.memory_space<vmem_shared>>
        %dma_start3A_327 = arith.constant 0 : i32
        %dma_start3A_328 = tpu.memref_slice %arg10[%add3A_324, %dma_start3A_327] : memref<10240x64xf32, #tpu.memory_space<vmem_shared>> -> memref<80x64xf32, #tpu.memory_space<vmem_shared>>
        tpu.enqueue_dma source(%arg9 : memref<80x64xf32, #tpu.memory_space<vmem>>) target(%dma_start3A_328 : memref<80x64xf32, #tpu.memory_space<vmem_shared>>) target_semaphore(%run_scoped3A : memref<!tpu.dma_semaphore, #tpu.memory_space<semaphore_mem>>)
        %dma_wait3A_329 = arith.constant 0 : i32
        %dma_wait3A_330 = tpu.memref_slice %arg10[%add3A_324, %dma_wait3A_329] : memref<10240x64xf32, #tpu.memory_space<vmem_shared>> -> memref<80x64xf32, #tpu.memory_space<vmem_shared>>
        %dma_wait3A_331 = arith.constant 0 : i32
        %dma_wait3A_332 = tpu.memref_slice %arg10[%add3A_324, %dma_wait3A_331] : memref<10240x64xf32, #tpu.memory_space<vmem_shared>> -> memref<80x64xf32, #tpu.memory_space<vmem_shared>>
        tpu.wait_dma2 semaphore(%run_scoped3A : memref<!tpu.dma_semaphore, #tpu.memory_space<semaphore_mem>>) src(%arg9 : memref<80x64xf32, #tpu.memory_space<vmem>>) dst(%dma_wait3A_332 : memref<80x64xf32, #tpu.memory_space<vmem_shared>>)
        tpu.yield
      }) : () -> ()
    }
    %scan3A_24 = arith.constant 8 : i32
    %dma_wait3A = arith.constant 0 : i32
    %dma_wait3A_25 = arith.constant 0 : i32
    %dma_wait3A_26 = tpu.memref_slice %arg3[%arg1, %dma_wait3A, %dma_wait3A_25] : memref<16x200x100xi32, #tpu.memory_space<hbm>> -> memref<1x200x100xi32, #tpu.memory_space<hbm>>
    %dma_wait3A_27 = tpu.memref_squeeze %dma_wait3A_26 : memref<1x200x100xi32, #tpu.memory_space<hbm>> -> memref<200x100xi32, #tpu.memory_space<hbm>>
    %dma_wait3A_28 = arith.constant 0 : i32
    %dma_wait3A_29 = arith.constant 0 : i32
    %dma_wait3A_30 = tpu.memref_slice %arg3[%arg1, %dma_wait3A_28, %dma_wait3A_29] : memref<16x200x100xi32, #tpu.memory_space<hbm>> -> memref<1x200x100xi32, #tpu.memory_space<hbm>>
    %dma_wait3A_31 = tpu.memref_squeeze %dma_wait3A_30 : memref<1x200x100xi32, #tpu.memory_space<hbm>> -> memref<200x100xi32, #tpu.memory_space<hbm>>
    tpu.wait_dma2 semaphore(%arg13 : memref<!tpu.dma_semaphore, #tpu.memory_space<semaphore_mem>>) src(%dma_wait3A_31 : memref<200x100xi32, #tpu.memory_space<hbm>>) dst(%arg6 : memref<200x100xi32, #tpu.memory_space<vmem>>)
    %dma_wait3A_32 = arith.constant 0 : i32
    %dma_wait3A_33 = arith.constant 0 : i32
    %dma_wait3A_34 = tpu.memref_slice %arg4[%arg1, %dma_wait3A_32, %dma_wait3A_33] : memref<16x200x100xi32, #tpu.memory_space<hbm>> -> memref<1x200x100xi32, #tpu.memory_space<hbm>>
    %dma_wait3A_35 = tpu.memref_squeeze %dma_wait3A_34 : memref<1x200x100xi32, #tpu.memory_space<hbm>> -> memref<200x100xi32, #tpu.memory_space<hbm>>
    %dma_wait3A_36 = arith.constant 0 : i32
    %dma_wait3A_37 = arith.constant 0 : i32
    %dma_wait3A_38 = tpu.memref_slice %arg4[%arg1, %dma_wait3A_36, %dma_wait3A_37] : memref<16x200x100xi32, #tpu.memory_space<hbm>> -> memref<1x200x100xi32, #tpu.memory_space<hbm>>
    %dma_wait3A_39 = tpu.memref_squeeze %dma_wait3A_38 : memref<1x200x100xi32, #tpu.memory_space<hbm>> -> memref<200x100xi32, #tpu.memory_space<hbm>>
    tpu.wait_dma2 semaphore(%arg13 : memref<!tpu.dma_semaphore, #tpu.memory_space<semaphore_mem>>) src(%dma_wait3A_39 : memref<200x100xi32, #tpu.memory_space<hbm>>) dst(%arg7 : memref<200x100xi32, #tpu.memory_space<vmem>>)
    %barrier3A = arith.constant 0 : index
    tpu.barrier barrier_id(%barrier3A)
    %dma_start3A_40 = arith.constant 0 : i32
    %dma_start3A_41 = arith.constant 0 : i32
    %dma_start3A_42 = arith.constant 0 : i32
    %dma_start3A_43 = arith.constant 0 : i32
    %dma_start3A_44 = arith.constant 0 : i32
    %dma_start3A_45 = tpu.memref_slice %arg8[%dma_start3A_41, %dma_start3A_43, %dma_start3A_44] : memref<4x100x64xf32, #tpu.memory_space<vmem>> -> memref<1x100x64xf32, #tpu.memory_space<vmem>>
    %dma_start3A_46 = tpu.memref_squeeze %dma_start3A_45 : memref<1x100x64xf32, #tpu.memory_space<vmem>> -> memref<100x64xf32, #tpu.memory_space<vmem>>
    %dma_start3A_47 = arith.constant 0 : i32
    %dma_start3A_48 = tpu.memref_slice %arg6[%dma_start3A_40, %dma_start3A_47] : memref<200x100xi32, #tpu.memory_space<vmem>> -> memref<1x100xi32, #tpu.memory_space<vmem>>
    %dma_start3A_49 = tpu.memref_squeeze %dma_start3A_48 : memref<1x100xi32, #tpu.memory_space<vmem>> -> memref<100xi32, #tpu.memory_space<vmem>>
    %dma_start3A_50 = arith.constant 0 : i32
    %dma_start3A_51 = arith.constant 0 : i32
    %dma_start3A_52 = tpu.memref_slice %arg2[%arg0, %dma_start3A_50, %dma_start3A_51] : memref<2x10000x64xf32, #tpu.memory_space<hbm>> -> memref<1x10000x64xf32, #tpu.memory_space<hbm>>
    %dma_start3A_53 = tpu.memref_squeeze %dma_start3A_52 : memref<1x10000x64xf32, #tpu.memory_space<hbm>> -> memref<10000x64xf32, #tpu.memory_space<hbm>>
    %dma_start3A_54 = arith.constant 0 : i32
    %dma_start3A_55 = arith.constant 0 : i32
    %dma_start3A_56 = tpu.memref_slice %dma_start3A_53[%dma_start3A_54, %dma_start3A_55] : memref<10000x64xf32, #tpu.memory_space<hbm>> -> memref<10000x64xf32, #tpu.memory_space<hbm>>
    %dma_start3A_57 = tpu.memref_slice %arg11[%dma_start3A_42] : memref<4x!tpu.dma_semaphore, #tpu.memory_space<semaphore_mem>> -> memref<1x!tpu.dma_semaphore, #tpu.memory_space<semaphore_mem>>
    %dma_start3A_58 = tpu.memref_squeeze %dma_start3A_57 : memref<1x!tpu.dma_semaphore, #tpu.memory_space<semaphore_mem>> -> memref<!tpu.dma_semaphore, #tpu.memory_space<semaphore_mem>>
    tpu.enqueue_indirect_dma source(%dma_start3A_56 : memref<10000x64xf32, #tpu.memory_space<hbm>>) target(%dma_start3A_46 : memref<100x64xf32, #tpu.memory_space<vmem>>) offsets(%dma_start3A_49 : memref<100xi32, #tpu.memory_space<vmem>>) semaphore(%dma_start3A_58 : memref<!tpu.dma_semaphore, #tpu.memory_space<semaphore_mem>>)
    %dma_start3A_59 = arith.constant 1 : i32
    %dma_start3A_60 = arith.constant 1 : i32
    %dma_start3A_61 = arith.constant 1 : i32
    %dma_start3A_62 = arith.constant 0 : i32
    %dma_start3A_63 = arith.constant 0 : i32
    %dma_start3A_64 = tpu.memref_slice %arg8[%dma_start3A_60, %dma_start3A_62, %dma_start3A_63] : memref<4x100x64xf32, #tpu.memory_space<vmem>> -> memref<1x100x64xf32, #tpu.memory_space<vmem>>
    %dma_start3A_65 = tpu.memref_squeeze %dma_start3A_64 : memref<1x100x64xf32, #tpu.memory_space<vmem>> -> memref<100x64xf32, #tpu.memory_space<vmem>>
    %dma_start3A_66 = arith.constant 0 : i32
    %dma_start3A_67 = tpu.memref_slice %arg6[%dma_start3A_59, %dma_start3A_66] : memref<200x100xi32, #tpu.memory_space<vmem>> -> memref<1x100xi32, #tpu.memory_space<vmem>>
    %dma_start3A_68 = tpu.memref_squeeze %dma_start3A_67 : memref<1x100xi32, #tpu.memory_space<vmem>> -> memref<100xi32, #tpu.memory_space<vmem>>
    %dma_start3A_69 = arith.constant 0 : i32
    %dma_start3A_70 = arith.constant 0 : i32
    %dma_start3A_71 = tpu.memref_slice %arg2[%arg0, %dma_start3A_69, %dma_start3A_70] : memref<2x10000x64xf32, #tpu.memory_space<hbm>> -> memref<1x10000x64xf32, #tpu.memory_space<hbm>>
    %dma_start3A_72 = tpu.memref_squeeze %dma_start3A_71 : memref<1x10000x64xf32, #tpu.memory_space<hbm>> -> memref<10000x64xf32, #tpu.memory_space<hbm>>
    %dma_start3A_73 = arith.constant 0 : i32
    %dma_start3A_74 = arith.constant 0 : i32
    %dma_start3A_75 = tpu.memref_slice %dma_start3A_72[%dma_start3A_73, %dma_start3A_74] : memref<10000x64xf32, #tpu.memory_space<hbm>> -> memref<10000x64xf32, #tpu.memory_space<hbm>>
    %dma_start3A_76 = tpu.memref_slice %arg11[%dma_start3A_61] : memref<4x!tpu.dma_semaphore, #tpu.memory_space<semaphore_mem>> -> memref<1x!tpu.dma_semaphore, #tpu.memory_space<semaphore_mem>>
    %dma_start3A_77 = tpu.memref_squeeze %dma_start3A_76 : memref<1x!tpu.dma_semaphore, #tpu.memory_space<semaphore_mem>> -> memref<!tpu.dma_semaphore, #tpu.memory_space<semaphore_mem>>
    tpu.enqueue_indirect_dma source(%dma_start3A_75 : memref<10000x64xf32, #tpu.memory_space<hbm>>) target(%dma_start3A_65 : memref<100x64xf32, #tpu.memory_space<vmem>>) offsets(%dma_start3A_68 : memref<100xi32, #tpu.memory_space<vmem>>) semaphore(%dma_start3A_77 : memref<!tpu.dma_semaphore, #tpu.memory_space<semaphore_mem>>)
    %dma_start3A_78 = arith.constant 2 : i32
    %dma_start3A_79 = arith.constant 2 : i32
    %dma_start3A_80 = arith.constant 2 : i32
    %dma_start3A_81 = arith.constant 0 : i32
    %dma_start3A_82 = arith.constant 0 : i32
    %dma_start3A_83 = tpu.memref_slice %arg8[%dma_start3A_79, %dma_start3A_81, %dma_start3A_82] : memref<4x100x64xf32, #tpu.memory_space<vmem>> -> memref<1x100x64xf32, #tpu.memory_space<vmem>>
    %dma_start3A_84 = tpu.memref_squeeze %dma_start3A_83 : memref<1x100x64xf32, #tpu.memory_space<vmem>> -> memref<100x64xf32, #tpu.memory_space<vmem>>
    %dma_start3A_85 = arith.constant 0 : i32
    %dma_start3A_86 = tpu.memref_slice %arg6[%dma_start3A_78, %dma_start3A_85] : memref<200x100xi32, #tpu.memory_space<vmem>> -> memref<1x100xi32, #tpu.memory_space<vmem>>
    %dma_start3A_87 = tpu.memref_squeeze %dma_start3A_86 : memref<1x100xi32, #tpu.memory_space<vmem>> -> memref<100xi32, #tpu.memory_space<vmem>>
    %dma_start3A_88 = arith.constant 0 : i32
    %dma_start3A_89 = arith.constant 0 : i32
    %dma_start3A_90 = tpu.memref_slice %arg2[%arg0, %dma_start3A_88, %dma_start3A_89] : memref<2x10000x64xf32, #tpu.memory_space<hbm>> -> memref<1x10000x64xf32, #tpu.memory_space<hbm>>
    %dma_start3A_91 = tpu.memref_squeeze %dma_start3A_90 : memref<1x10000x64xf32, #tpu.memory_space<hbm>> -> memref<10000x64xf32, #tpu.memory_space<hbm>>
    %dma_start3A_92 = arith.constant 0 : i32
    %dma_start3A_93 = arith.constant 0 : i32
    %dma_start3A_94 = tpu.memref_slice %dma_start3A_91[%dma_start3A_92, %dma_start3A_93] : memref<10000x64xf32, #tpu.memory_space<hbm>> -> memref<10000x64xf32, #tpu.memory_space<hbm>>
    %dma_start3A_95 = tpu.memref_slice %arg11[%dma_start3A_80] : memref<4x!tpu.dma_semaphore, #tpu.memory_space<semaphore_mem>> -> memref<1x!tpu.dma_semaphore, #tpu.memory_space<semaphore_mem>>
    %dma_start3A_96 = tpu.memref_squeeze %dma_start3A_95 : memref<1x!tpu.dma_semaphore, #tpu.memory_space<semaphore_mem>> -> memref<!tpu.dma_semaphore, #tpu.memory_space<semaphore_mem>>
    tpu.enqueue_indirect_dma source(%dma_start3A_94 : memref<10000x64xf32, #tpu.memory_space<hbm>>) target(%dma_start3A_84 : memref<100x64xf32, #tpu.memory_space<vmem>>) offsets(%dma_start3A_87 : memref<100xi32, #tpu.memory_space<vmem>>) semaphore(%dma_start3A_96 : memref<!tpu.dma_semaphore, #tpu.memory_space<semaphore_mem>>)
    %dma_start3A_97 = arith.constant 3 : i32
    %dma_start3A_98 = arith.constant 3 : i32
    %dma_start3A_99 = arith.constant 3 : i32
    %dma_start3A_100 = arith.constant 0 : i32
    %dma_start3A_101 = arith.constant 0 : i32
    %dma_start3A_102 = tpu.memref_slice %arg8[%dma_start3A_98, %dma_start3A_100, %dma_start3A_101] : memref<4x100x64xf32, #tpu.memory_space<vmem>> -> memref<1x100x64xf32, #tpu.memory_space<vmem>>
    %dma_start3A_103 = tpu.memref_squeeze %dma_start3A_102 : memref<1x100x64xf32, #tpu.memory_space<vmem>> -> memref<100x64xf32, #tpu.memory_space<vmem>>
    %dma_start3A_104 = arith.constant 0 : i32
    %dma_start3A_105 = tpu.memref_slice %arg6[%dma_start3A_97, %dma_start3A_104] : memref<200x100xi32, #tpu.memory_space<vmem>> -> memref<1x100xi32, #tpu.memory_space<vmem>>
    %dma_start3A_106 = tpu.memref_squeeze %dma_start3A_105 : memref<1x100xi32, #tpu.memory_space<vmem>> -> memref<100xi32, #tpu.memory_space<vmem>>
    %dma_start3A_107 = arith.constant 0 : i32
    %dma_start3A_108 = arith.constant 0 : i32
    %dma_start3A_109 = tpu.memref_slice %arg2[%arg0, %dma_start3A_107, %dma_start3A_108] : memref<2x10000x64xf32, #tpu.memory_space<hbm>> -> memref<1x10000x64xf32, #tpu.memory_space<hbm>>
    %dma_start3A_110 = tpu.memref_squeeze %dma_start3A_109 : memref<1x10000x64xf32, #tpu.memory_space<hbm>> -> memref<10000x64xf32, #tpu.memory_space<hbm>>
    %dma_start3A_111 = arith.constant 0 : i32
    %dma_start3A_112 = arith.constant 0 : i32
    %dma_start3A_113 = tpu.memref_slice %dma_start3A_110[%dma_start3A_111, %dma_start3A_112] : memref<10000x64xf32, #tpu.memory_space<hbm>> -> memref<10000x64xf32, #tpu.memory_space<hbm>>
    %dma_start3A_114 = tpu.memref_slice %arg11[%dma_start3A_99] : memref<4x!tpu.dma_semaphore, #tpu.memory_space<semaphore_mem>> -> memref<1x!tpu.dma_semaphore, #tpu.memory_space<semaphore_mem>>
    %dma_start3A_115 = tpu.memref_squeeze %dma_start3A_114 : memref<1x!tpu.dma_semaphore, #tpu.memory_space<semaphore_mem>> -> memref<!tpu.dma_semaphore, #tpu.memory_space<semaphore_mem>>
    tpu.enqueue_indirect_dma source(%dma_start3A_113 : memref<10000x64xf32, #tpu.memory_space<hbm>>) target(%dma_start3A_103 : memref<100x64xf32, #tpu.memory_space<vmem>>) offsets(%dma_start3A_106 : memref<100xi32, #tpu.memory_space<vmem>>) semaphore(%dma_start3A_115 : memref<!tpu.dma_semaphore, #tpu.memory_space<semaphore_mem>>)
    %scan3A_116 = arith.constant 0 : i32
    %scan3A_117 = arith.constant 49 : i32
    %scan3A_118 = arith.addi %scan3A_116, %scan3A_117 : i32
    %scan3A_119 = arith.constant 1 : i32
    scf.for %scan3A_318 = %scan3A_116 to %scan3A_118 step %scan3A_119  : i32 {
      %mul3A_319 = arith.constant 4 : i32
      %mul3A_320 = arith.muli %scan3A_318, %mul3A_319 : i32
      %add3A = arith.constant 0 : i32
      %add3A_321 = arith.addi %add3A, %mul3A_320 : i32
      %dma_wait3A_322 = arith.constant 0 : i32
      %dma_wait3A_323 = arith.constant 0 : i32
      %dma_wait3A_324 = arith.constant 0 : i32
      %dma_wait3A_325 = arith.constant 0 : i32
      %dma_wait3A_326 = arith.constant 0 : i32
      %dma_wait3A_327 = tpu.memref_slice %arg8[%dma_wait3A_323, %dma_wait3A_325, %dma_wait3A_326] : memref<4x100x64xf32, #tpu.memory_space<vmem>> -> memref<1x100x64xf32, #tpu.memory_space<vmem>>
      %dma_wait3A_328 = tpu.memref_squeeze %dma_wait3A_327 : memref<1x100x64xf32, #tpu.memory_space<vmem>> -> memref<100x64xf32, #tpu.memory_space<vmem>>
      %dma_wait3A_329 = arith.constant 0 : i32
      %dma_wait3A_330 = tpu.memref_slice %arg6[%dma_wait3A_322, %dma_wait3A_329] : memref<200x100xi32, #tpu.memory_space<vmem>> -> memref<1x100xi32, #tpu.memory_space<vmem>>
      %dma_wait3A_331 = tpu.memref_squeeze %dma_wait3A_330 : memref<1x100xi32, #tpu.memory_space<vmem>> -> memref<100xi32, #tpu.memory_space<vmem>>
      %dma_wait3A_332 = arith.constant 0 : i32
      %dma_wait3A_333 = arith.constant 0 : i32
      %dma_wait3A_334 = tpu.memref_slice %arg2[%arg0, %dma_wait3A_332, %dma_wait3A_333] : memref<2x10000x64xf32, #tpu.memory_space<hbm>> -> memref<1x10000x64xf32, #tpu.memory_space<hbm>>
      %dma_wait3A_335 = tpu.memref_squeeze %dma_wait3A_334 : memref<1x10000x64xf32, #tpu.memory_space<hbm>> -> memref<10000x64xf32, #tpu.memory_space<hbm>>
      %dma_wait3A_336 = arith.constant 0 : i32
      %dma_wait3A_337 = arith.constant 0 : i32
      %dma_wait3A_338 = tpu.memref_slice %dma_wait3A_335[%dma_wait3A_336, %dma_wait3A_337] : memref<10000x64xf32, #tpu.memory_space<hbm>> -> memref<10000x64xf32, #tpu.memory_space<hbm>>
      %dma_wait3A_339 = tpu.memref_slice %arg11[%dma_wait3A_324] : memref<4x!tpu.dma_semaphore, #tpu.memory_space<semaphore_mem>> -> memref<1x!tpu.dma_semaphore, #tpu.memory_space<semaphore_mem>>
      %dma_wait3A_340 = tpu.memref_squeeze %dma_wait3A_339 : memref<1x!tpu.dma_semaphore, #tpu.memory_space<semaphore_mem>> -> memref<!tpu.dma_semaphore, #tpu.memory_space<semaphore_mem>>
      tpu.wait_indirect_dma semaphore(%dma_wait3A_340 : memref<!tpu.dma_semaphore, #tpu.memory_space<semaphore_mem>>) src(%dma_wait3A_338 : memref<10000x64xf32, #tpu.memory_space<hbm>>) dst(%dma_wait3A_328 : memref<100x64xf32, #tpu.memory_space<vmem>>)
      %add3A_341 = arith.constant 0 : i32
      %add3A_342 = arith.addi %add3A_321, %add3A_341 : i32
      %dma_start3A_343 = arith.constant 0 : i32
      %dma_start3A_344 = arith.constant 0 : i32
      %dma_start3A_345 = arith.constant 0 : i32
      %dma_start3A_346 = arith.constant 0 : i32
      %dma_start3A_347 = tpu.memref_slice %arg8[%dma_start3A_343, %dma_start3A_345, %dma_start3A_346] : memref<4x100x64xf32, #tpu.memory_space<vmem>> -> memref<1x100x64xf32, #tpu.memory_space<vmem>>
      %dma_start3A_348 = tpu.memref_squeeze %dma_start3A_347 : memref<1x100x64xf32, #tpu.memory_space<vmem>> -> memref<100x64xf32, #tpu.memory_space<vmem>>
      %dma_start3A_349 = arith.constant 0 : i32
      %dma_start3A_350 = tpu.memref_slice %arg7[%add3A_342, %dma_start3A_349] : memref<200x100xi32, #tpu.memory_space<vmem>> -> memref<1x100xi32, #tpu.memory_space<vmem>>
      %dma_start3A_351 = tpu.memref_squeeze %dma_start3A_350 : memref<1x100xi32, #tpu.memory_space<vmem>> -> memref<100xi32, #tpu.memory_space<vmem>>
      %dma_start3A_352 = arith.constant 0 : i32
      %dma_start3A_353 = arith.constant 0 : i32
      %dma_start3A_354 = tpu.memref_slice %arg10[%dma_start3A_352, %dma_start3A_353] : memref<10240x64xf32, #tpu.memory_space<vmem_shared>> -> memref<10240x64xf32, #tpu.memory_space<vmem_shared>>
      %dma_start3A_355 = tpu.memref_slice %arg12[%dma_start3A_344] : memref<4x!tpu.dma_semaphore, #tpu.memory_space<semaphore_mem>> -> memref<1x!tpu.dma_semaphore, #tpu.memory_space<semaphore_mem>>
      %dma_start3A_356 = tpu.memref_squeeze %dma_start3A_355 : memref<1x!tpu.dma_semaphore, #tpu.memory_space<semaphore_mem>> -> memref<!tpu.dma_semaphore, #tpu.memory_space<semaphore_mem>>
      tpu.enqueue_indirect_dma source(%dma_start3A_348 : memref<100x64xf32, #tpu.memory_space<vmem>>) target(%dma_start3A_354 : memref<10240x64xf32, #tpu.memory_space<vmem_shared>>) offsets(%dma_start3A_351 : memref<100xi32, #tpu.memory_space<vmem>>) semaphore(%dma_start3A_356 : memref<!tpu.dma_semaphore, #tpu.memory_space<semaphore_mem>>) {add = true}
      %dma_wait3A_357 = arith.constant 0 : i32
      %dma_wait3A_358 = arith.constant 1 : i32
      %dma_wait3A_359 = arith.constant 1 : i32
      %dma_wait3A_360 = arith.constant 0 : i32
      %dma_wait3A_361 = arith.constant 0 : i32
      %dma_wait3A_362 = tpu.memref_slice %arg8[%dma_wait3A_358, %dma_wait3A_360, %dma_wait3A_361] : memref<4x100x64xf32, #tpu.memory_space<vmem>> -> memref<1x100x64xf32, #tpu.memory_space<vmem>>
      %dma_wait3A_363 = tpu.memref_squeeze %dma_wait3A_362 : memref<1x100x64xf32, #tpu.memory_space<vmem>> -> memref<100x64xf32, #tpu.memory_space<vmem>>
      %dma_wait3A_364 = arith.constant 0 : i32
      %dma_wait3A_365 = tpu.memref_slice %arg6[%dma_wait3A_357, %dma_wait3A_364] : memref<200x100xi32, #tpu.memory_space<vmem>> -> memref<1x100xi32, #tpu.memory_space<vmem>>
      %dma_wait3A_366 = tpu.memref_squeeze %dma_wait3A_365 : memref<1x100xi32, #tpu.memory_space<vmem>> -> memref<100xi32, #tpu.memory_space<vmem>>
      %dma_wait3A_367 = arith.constant 0 : i32
      %dma_wait3A_368 = arith.constant 0 : i32
      %dma_wait3A_369 = tpu.memref_slice %arg2[%arg0, %dma_wait3A_367, %dma_wait3A_368] : memref<2x10000x64xf32, #tpu.memory_space<hbm>> -> memref<1x10000x64xf32, #tpu.memory_space<hbm>>
      %dma_wait3A_370 = tpu.memref_squeeze %dma_wait3A_369 : memref<1x10000x64xf32, #tpu.memory_space<hbm>> -> memref<10000x64xf32, #tpu.memory_space<hbm>>
      %dma_wait3A_371 = arith.constant 0 : i32
      %dma_wait3A_372 = arith.constant 0 : i32
      %dma_wait3A_373 = tpu.memref_slice %dma_wait3A_370[%dma_wait3A_371, %dma_wait3A_372] : memref<10000x64xf32, #tpu.memory_space<hbm>> -> memref<10000x64xf32, #tpu.memory_space<hbm>>
      %dma_wait3A_374 = tpu.memref_slice %arg11[%dma_wait3A_359] : memref<4x!tpu.dma_semaphore, #tpu.memory_space<semaphore_mem>> -> memref<1x!tpu.dma_semaphore, #tpu.memory_space<semaphore_mem>>
      %dma_wait3A_375 = tpu.memref_squeeze %dma_wait3A_374 : memref<1x!tpu.dma_semaphore, #tpu.memory_space<semaphore_mem>> -> memref<!tpu.dma_semaphore, #tpu.memory_space<semaphore_mem>>
      tpu.wait_indirect_dma semaphore(%dma_wait3A_375 : memref<!tpu.dma_semaphore, #tpu.memory_space<semaphore_mem>>) src(%dma_wait3A_373 : memref<10000x64xf32, #tpu.memory_space<hbm>>) dst(%dma_wait3A_363 : memref<100x64xf32, #tpu.memory_space<vmem>>)
      %add3A_376 = arith.constant 1 : i32
      %add3A_377 = arith.addi %add3A_321, %add3A_376 : i32
      %dma_start3A_378 = arith.constant 1 : i32
      %dma_start3A_379 = arith.constant 1 : i32
      %dma_start3A_380 = arith.constant 0 : i32
      %dma_start3A_381 = arith.constant 0 : i32
      %dma_start3A_382 = tpu.memref_slice %arg8[%dma_start3A_378, %dma_start3A_380, %dma_start3A_381] : memref<4x100x64xf32, #tpu.memory_space<vmem>> -> memref<1x100x64xf32, #tpu.memory_space<vmem>>
      %dma_start3A_383 = tpu.memref_squeeze %dma_start3A_382 : memref<1x100x64xf32, #tpu.memory_space<vmem>> -> memref<100x64xf32, #tpu.memory_space<vmem>>
      %dma_start3A_384 = arith.constant 0 : i32
      %dma_start3A_385 = tpu.memref_slice %arg7[%add3A_377, %dma_start3A_384] : memref<200x100xi32, #tpu.memory_space<vmem>> -> memref<1x100xi32, #tpu.memory_space<vmem>>
      %dma_start3A_386 = tpu.memref_squeeze %dma_start3A_385 : memref<1x100xi32, #tpu.memory_space<vmem>> -> memref<100xi32, #tpu.memory_space<vmem>>
      %dma_start3A_387 = arith.constant 0 : i32
      %dma_start3A_388 = arith.constant 0 : i32
      %dma_start3A_389 = tpu.memref_slice %arg10[%dma_start3A_387, %dma_start3A_388] : memref<10240x64xf32, #tpu.memory_space<vmem_shared>> -> memref<10240x64xf32, #tpu.memory_space<vmem_shared>>
      %dma_start3A_390 = tpu.memref_slice %arg12[%dma_start3A_379] : memref<4x!tpu.dma_semaphore, #tpu.memory_space<semaphore_mem>> -> memref<1x!tpu.dma_semaphore, #tpu.memory_space<semaphore_mem>>
      %dma_start3A_391 = tpu.memref_squeeze %dma_start3A_390 : memref<1x!tpu.dma_semaphore, #tpu.memory_space<semaphore_mem>> -> memref<!tpu.dma_semaphore, #tpu.memory_space<semaphore_mem>>
      tpu.enqueue_indirect_dma source(%dma_start3A_383 : memref<100x64xf32, #tpu.memory_space<vmem>>) target(%dma_start3A_389 : memref<10240x64xf32, #tpu.memory_space<vmem_shared>>) offsets(%dma_start3A_386 : memref<100xi32, #tpu.memory_space<vmem>>) semaphore(%dma_start3A_391 : memref<!tpu.dma_semaphore, #tpu.memory_space<semaphore_mem>>) {add = true}
      %dma_wait3A_392 = arith.constant 0 : i32
      %dma_wait3A_393 = arith.constant 2 : i32
      %dma_wait3A_394 = arith.constant 2 : i32
      %dma_wait3A_395 = arith.constant 0 : i32
      %dma_wait3A_396 = arith.constant 0 : i32
      %dma_wait3A_397 = tpu.memref_slice %arg8[%dma_wait3A_393, %dma_wait3A_395, %dma_wait3A_396] : memref<4x100x64xf32, #tpu.memory_space<vmem>> -> memref<1x100x64xf32, #tpu.memory_space<vmem>>
      %dma_wait3A_398 = tpu.memref_squeeze %dma_wait3A_397 : memref<1x100x64xf32, #tpu.memory_space<vmem>> -> memref<100x64xf32, #tpu.memory_space<vmem>>
      %dma_wait3A_399 = arith.constant 0 : i32
      %dma_wait3A_400 = tpu.memref_slice %arg6[%dma_wait3A_392, %dma_wait3A_399] : memref<200x100xi32, #tpu.memory_space<vmem>> -> memref<1x100xi32, #tpu.memory_space<vmem>>
      %dma_wait3A_401 = tpu.memref_squeeze %dma_wait3A_400 : memref<1x100xi32, #tpu.memory_space<vmem>> -> memref<100xi32, #tpu.memory_space<vmem>>
      %dma_wait3A_402 = arith.constant 0 : i32
      %dma_wait3A_403 = arith.constant 0 : i32
      %dma_wait3A_404 = tpu.memref_slice %arg2[%arg0, %dma_wait3A_402, %dma_wait3A_403] : memref<2x10000x64xf32, #tpu.memory_space<hbm>> -> memref<1x10000x64xf32, #tpu.memory_space<hbm>>
      %dma_wait3A_405 = tpu.memref_squeeze %dma_wait3A_404 : memref<1x10000x64xf32, #tpu.memory_space<hbm>> -> memref<10000x64xf32, #tpu.memory_space<hbm>>
      %dma_wait3A_406 = arith.constant 0 : i32
      %dma_wait3A_407 = arith.constant 0 : i32
      %dma_wait3A_408 = tpu.memref_slice %dma_wait3A_405[%dma_wait3A_406, %dma_wait3A_407] : memref<10000x64xf32, #tpu.memory_space<hbm>> -> memref<10000x64xf32, #tpu.memory_space<hbm>>
      %dma_wait3A_409 = tpu.memref_slice %arg11[%dma_wait3A_394] : memref<4x!tpu.dma_semaphore, #tpu.memory_space<semaphore_mem>> -> memref<1x!tpu.dma_semaphore, #tpu.memory_space<semaphore_mem>>
      %dma_wait3A_410 = tpu.memref_squeeze %dma_wait3A_409 : memref<1x!tpu.dma_semaphore, #tpu.memory_space<semaphore_mem>> -> memref<!tpu.dma_semaphore, #tpu.memory_space<semaphore_mem>>
      tpu.wait_indirect_dma semaphore(%dma_wait3A_410 : memref<!tpu.dma_semaphore, #tpu.memory_space<semaphore_mem>>) src(%dma_wait3A_408 : memref<10000x64xf32, #tpu.memory_space<hbm>>) dst(%dma_wait3A_398 : memref<100x64xf32, #tpu.memory_space<vmem>>)
      %add3A_411 = arith.constant 2 : i32
      %add3A_412 = arith.addi %add3A_321, %add3A_411 : i32
      %dma_start3A_413 = arith.constant 2 : i32
      %dma_start3A_414 = arith.constant 2 : i32
      %dma_start3A_415 = arith.constant 0 : i32
      %dma_start3A_416 = arith.constant 0 : i32
      %dma_start3A_417 = tpu.memref_slice %arg8[%dma_start3A_413, %dma_start3A_415, %dma_start3A_416] : memref<4x100x64xf32, #tpu.memory_space<vmem>> -> memref<1x100x64xf32, #tpu.memory_space<vmem>>
      %dma_start3A_418 = tpu.memref_squeeze %dma_start3A_417 : memref<1x100x64xf32, #tpu.memory_space<vmem>> -> memref<100x64xf32, #tpu.memory_space<vmem>>
      %dma_start3A_419 = arith.constant 0 : i32
      %dma_start3A_420 = tpu.memref_slice %arg7[%add3A_412, %dma_start3A_419] : memref<200x100xi32, #tpu.memory_space<vmem>> -> memref<1x100xi32, #tpu.memory_space<vmem>>
      %dma_start3A_421 = tpu.memref_squeeze %dma_start3A_420 : memref<1x100xi32, #tpu.memory_space<vmem>> -> memref<100xi32, #tpu.memory_space<vmem>>
      %dma_start3A_422 = arith.constant 0 : i32
      %dma_start3A_423 = arith.constant 0 : i32
      %dma_start3A_424 = tpu.memref_slice %arg10[%dma_start3A_422, %dma_start3A_423] : memref<10240x64xf32, #tpu.memory_space<vmem_shared>> -> memref<10240x64xf32, #tpu.memory_space<vmem_shared>>
      %dma_start3A_425 = tpu.memref_slice %arg12[%dma_start3A_414] : memref<4x!tpu.dma_semaphore, #tpu.memory_space<semaphore_mem>> -> memref<1x!tpu.dma_semaphore, #tpu.memory_space<semaphore_mem>>
      %dma_start3A_426 = tpu.memref_squeeze %dma_start3A_425 : memref<1x!tpu.dma_semaphore, #tpu.memory_space<semaphore_mem>> -> memref<!tpu.dma_semaphore, #tpu.memory_space<semaphore_mem>>
      tpu.enqueue_indirect_dma source(%dma_start3A_418 : memref<100x64xf32, #tpu.memory_space<vmem>>) target(%dma_start3A_424 : memref<10240x64xf32, #tpu.memory_space<vmem_shared>>) offsets(%dma_start3A_421 : memref<100xi32, #tpu.memory_space<vmem>>) semaphore(%dma_start3A_426 : memref<!tpu.dma_semaphore, #tpu.memory_space<semaphore_mem>>) {add = true}
      %dma_wait3A_427 = arith.constant 0 : i32
      %dma_wait3A_428 = arith.constant 3 : i32
      %dma_wait3A_429 = arith.constant 3 : i32
      %dma_wait3A_430 = arith.constant 0 : i32
      %dma_wait3A_431 = arith.constant 0 : i32
      %dma_wait3A_432 = tpu.memref_slice %arg8[%dma_wait3A_428, %dma_wait3A_430, %dma_wait3A_431] : memref<4x100x64xf32, #tpu.memory_space<vmem>> -> memref<1x100x64xf32, #tpu.memory_space<vmem>>
      %dma_wait3A_433 = tpu.memref_squeeze %dma_wait3A_432 : memref<1x100x64xf32, #tpu.memory_space<vmem>> -> memref<100x64xf32, #tpu.memory_space<vmem>>
      %dma_wait3A_434 = arith.constant 0 : i32
      %dma_wait3A_435 = tpu.memref_slice %arg6[%dma_wait3A_427, %dma_wait3A_434] : memref<200x100xi32, #tpu.memory_space<vmem>> -> memref<1x100xi32, #tpu.memory_space<vmem>>
      %dma_wait3A_436 = tpu.memref_squeeze %dma_wait3A_435 : memref<1x100xi32, #tpu.memory_space<vmem>> -> memref<100xi32, #tpu.memory_space<vmem>>
      %dma_wait3A_437 = arith.constant 0 : i32
      %dma_wait3A_438 = arith.constant 0 : i32
      %dma_wait3A_439 = tpu.memref_slice %arg2[%arg0, %dma_wait3A_437, %dma_wait3A_438] : memref<2x10000x64xf32, #tpu.memory_space<hbm>> -> memref<1x10000x64xf32, #tpu.memory_space<hbm>>
      %dma_wait3A_440 = tpu.memref_squeeze %dma_wait3A_439 : memref<1x10000x64xf32, #tpu.memory_space<hbm>> -> memref<10000x64xf32, #tpu.memory_space<hbm>>
      %dma_wait3A_441 = arith.constant 0 : i32
      %dma_wait3A_442 = arith.constant 0 : i32
      %dma_wait3A_443 = tpu.memref_slice %dma_wait3A_440[%dma_wait3A_441, %dma_wait3A_442] : memref<10000x64xf32, #tpu.memory_space<hbm>> -> memref<10000x64xf32, #tpu.memory_space<hbm>>
      %dma_wait3A_444 = tpu.memref_slice %arg11[%dma_wait3A_429] : memref<4x!tpu.dma_semaphore, #tpu.memory_space<semaphore_mem>> -> memref<1x!tpu.dma_semaphore, #tpu.memory_space<semaphore_mem>>
      %dma_wait3A_445 = tpu.memref_squeeze %dma_wait3A_444 : memref<1x!tpu.dma_semaphore, #tpu.memory_space<semaphore_mem>> -> memref<!tpu.dma_semaphore, #tpu.memory_space<semaphore_mem>>
      tpu.wait_indirect_dma semaphore(%dma_wait3A_445 : memref<!tpu.dma_semaphore, #tpu.memory_space<semaphore_mem>>) src(%dma_wait3A_443 : memref<10000x64xf32, #tpu.memory_space<hbm>>) dst(%dma_wait3A_433 : memref<100x64xf32, #tpu.memory_space<vmem>>)
      %add3A_446 = arith.constant 3 : i32
      %add3A_447 = arith.addi %add3A_321, %add3A_446 : i32
      %dma_start3A_448 = arith.constant 3 : i32
      %dma_start3A_449 = arith.constant 3 : i32
      %dma_start3A_450 = arith.constant 0 : i32
      %dma_start3A_451 = arith.constant 0 : i32
      %dma_start3A_452 = tpu.memref_slice %arg8[%dma_start3A_448, %dma_start3A_450, %dma_start3A_451] : memref<4x100x64xf32, #tpu.memory_space<vmem>> -> memref<1x100x64xf32, #tpu.memory_space<vmem>>
      %dma_start3A_453 = tpu.memref_squeeze %dma_start3A_452 : memref<1x100x64xf32, #tpu.memory_space<vmem>> -> memref<100x64xf32, #tpu.memory_space<vmem>>
      %dma_start3A_454 = arith.constant 0 : i32
      %dma_start3A_455 = tpu.memref_slice %arg7[%add3A_447, %dma_start3A_454] : memref<200x100xi32, #tpu.memory_space<vmem>> -> memref<1x100xi32, #tpu.memory_space<vmem>>
      %dma_start3A_456 = tpu.memref_squeeze %dma_start3A_455 : memref<1x100xi32, #tpu.memory_space<vmem>> -> memref<100xi32, #tpu.memory_space<vmem>>
      %dma_start3A_457 = arith.constant 0 : i32
      %dma_start3A_458 = arith.constant 0 : i32
      %dma_start3A_459 = tpu.memref_slice %arg10[%dma_start3A_457, %dma_start3A_458] : memref<10240x64xf32, #tpu.memory_space<vmem_shared>> -> memref<10240x64xf32, #tpu.memory_space<vmem_shared>>
      %dma_start3A_460 = tpu.memref_slice %arg12[%dma_start3A_449] : memref<4x!tpu.dma_semaphore, #tpu.memory_space<semaphore_mem>> -> memref<1x!tpu.dma_semaphore, #tpu.memory_space<semaphore_mem>>
      %dma_start3A_461 = tpu.memref_squeeze %dma_start3A_460 : memref<1x!tpu.dma_semaphore, #tpu.memory_space<semaphore_mem>> -> memref<!tpu.dma_semaphore, #tpu.memory_space<semaphore_mem>>
      tpu.enqueue_indirect_dma source(%dma_start3A_453 : memref<100x64xf32, #tpu.memory_space<vmem>>) target(%dma_start3A_459 : memref<10240x64xf32, #tpu.memory_space<vmem_shared>>) offsets(%dma_start3A_456 : memref<100xi32, #tpu.memory_space<vmem>>) semaphore(%dma_start3A_461 : memref<!tpu.dma_semaphore, #tpu.memory_space<semaphore_mem>>) {add = true}
      %dma_wait3A_462 = arith.constant 0 : i32
      %dma_wait3A_463 = arith.constant 0 : i32
      %dma_wait3A_464 = arith.constant 0 : i32
      %dma_wait3A_465 = arith.constant 0 : i32
      %dma_wait3A_466 = arith.constant 0 : i32
      %dma_wait3A_467 = tpu.memref_slice %arg8[%dma_wait3A_462, %dma_wait3A_465, %dma_wait3A_466] : memref<4x100x64xf32, #tpu.memory_space<vmem>> -> memref<1x100x64xf32, #tpu.memory_space<vmem>>
      %dma_wait3A_468 = tpu.memref_squeeze %dma_wait3A_467 : memref<1x100x64xf32, #tpu.memory_space<vmem>> -> memref<100x64xf32, #tpu.memory_space<vmem>>
      %dma_wait3A_469 = arith.constant 0 : i32
      %dma_wait3A_470 = tpu.memref_slice %arg7[%dma_wait3A_463, %dma_wait3A_469] : memref<200x100xi32, #tpu.memory_space<vmem>> -> memref<1x100xi32, #tpu.memory_space<vmem>>
      %dma_wait3A_471 = tpu.memref_squeeze %dma_wait3A_470 : memref<1x100xi32, #tpu.memory_space<vmem>> -> memref<100xi32, #tpu.memory_space<vmem>>
      %dma_wait3A_472 = arith.constant 0 : i32
      %dma_wait3A_473 = arith.constant 0 : i32
      %dma_wait3A_474 = tpu.memref_slice %arg10[%dma_wait3A_472, %dma_wait3A_473] : memref<10240x64xf32, #tpu.memory_space<vmem_shared>> -> memref<10240x64xf32, #tpu.memory_space<vmem_shared>>
      %dma_wait3A_475 = tpu.memref_slice %arg12[%dma_wait3A_464] : memref<4x!tpu.dma_semaphore, #tpu.memory_space<semaphore_mem>> -> memref<1x!tpu.dma_semaphore, #tpu.memory_space<semaphore_mem>>
      %dma_wait3A_476 = tpu.memref_squeeze %dma_wait3A_475 : memref<1x!tpu.dma_semaphore, #tpu.memory_space<semaphore_mem>> -> memref<!tpu.dma_semaphore, #tpu.memory_space<semaphore_mem>>
      tpu.wait_indirect_dma semaphore(%dma_wait3A_476 : memref<!tpu.dma_semaphore, #tpu.memory_space<semaphore_mem>>) src(%dma_wait3A_468 : memref<100x64xf32, #tpu.memory_space<vmem>>) dst(%dma_wait3A_474 : memref<10240x64xf32, #tpu.memory_space<vmem_shared>>)
      %add3A_477 = arith.constant 4 : i32
      %add3A_478 = arith.addi %add3A_321, %add3A_477 : i32
      %add3A_479 = arith.constant 0 : i32
      %add3A_480 = arith.addi %add3A_478, %add3A_479 : i32
      %dma_start3A_481 = arith.constant 0 : i32
      %dma_start3A_482 = arith.constant 0 : i32
      %dma_start3A_483 = arith.constant 0 : i32
      %dma_start3A_484 = arith.constant 0 : i32
      %dma_start3A_485 = tpu.memref_slice %arg8[%dma_start3A_481, %dma_start3A_483, %dma_start3A_484] : memref<4x100x64xf32, #tpu.memory_space<vmem>> -> memref<1x100x64xf32, #tpu.memory_space<vmem>>
      %dma_start3A_486 = tpu.memref_squeeze %dma_start3A_485 : memref<1x100x64xf32, #tpu.memory_space<vmem>> -> memref<100x64xf32, #tpu.memory_space<vmem>>
      %dma_start3A_487 = arith.constant 0 : i32
      %dma_start3A_488 = tpu.memref_slice %arg6[%add3A_480, %dma_start3A_487] : memref<200x100xi32, #tpu.memory_space<vmem>> -> memref<1x100xi32, #tpu.memory_space<vmem>>
      %dma_start3A_489 = tpu.memref_squeeze %dma_start3A_488 : memref<1x100xi32, #tpu.memory_space<vmem>> -> memref<100xi32, #tpu.memory_space<vmem>>
      %dma_start3A_490 = arith.constant 0 : i32
      %dma_start3A_491 = arith.constant 0 : i32
      %dma_start3A_492 = tpu.memref_slice %arg2[%arg0, %dma_start3A_490, %dma_start3A_491] : memref<2x10000x64xf32, #tpu.memory_space<hbm>> -> memref<1x10000x64xf32, #tpu.memory_space<hbm>>
      %dma_start3A_493 = tpu.memref_squeeze %dma_start3A_492 : memref<1x10000x64xf32, #tpu.memory_space<hbm>> -> memref<10000x64xf32, #tpu.memory_space<hbm>>
      %dma_start3A_494 = arith.constant 0 : i32
      %dma_start3A_495 = arith.constant 0 : i32
      %dma_start3A_496 = tpu.memref_slice %dma_start3A_493[%dma_start3A_494, %dma_start3A_495] : memref<10000x64xf32, #tpu.memory_space<hbm>> -> memref<10000x64xf32, #tpu.memory_space<hbm>>
      %dma_start3A_497 = tpu.memref_slice %arg11[%dma_start3A_482] : memref<4x!tpu.dma_semaphore, #tpu.memory_space<semaphore_mem>> -> memref<1x!tpu.dma_semaphore, #tpu.memory_space<semaphore_mem>>
      %dma_start3A_498 = tpu.memref_squeeze %dma_start3A_497 : memref<1x!tpu.dma_semaphore, #tpu.memory_space<semaphore_mem>> -> memref<!tpu.dma_semaphore, #tpu.memory_space<semaphore_mem>>
      tpu.enqueue_indirect_dma source(%dma_start3A_496 : memref<10000x64xf32, #tpu.memory_space<hbm>>) target(%dma_start3A_486 : memref<100x64xf32, #tpu.memory_space<vmem>>) offsets(%dma_start3A_489 : memref<100xi32, #tpu.memory_space<vmem>>) semaphore(%dma_start3A_498 : memref<!tpu.dma_semaphore, #tpu.memory_space<semaphore_mem>>)
      %dma_wait3A_499 = arith.constant 1 : i32
      %dma_wait3A_500 = arith.constant 0 : i32
      %dma_wait3A_501 = arith.constant 1 : i32
      %dma_wait3A_502 = arith.constant 0 : i32
      %dma_wait3A_503 = arith.constant 0 : i32
      %dma_wait3A_504 = tpu.memref_slice %arg8[%dma_wait3A_499, %dma_wait3A_502, %dma_wait3A_503] : memref<4x100x64xf32, #tpu.memory_space<vmem>> -> memref<1x100x64xf32, #tpu.memory_space<vmem>>
      %dma_wait3A_505 = tpu.memref_squeeze %dma_wait3A_504 : memref<1x100x64xf32, #tpu.memory_space<vmem>> -> memref<100x64xf32, #tpu.memory_space<vmem>>
      %dma_wait3A_506 = arith.constant 0 : i32
      %dma_wait3A_507 = tpu.memref_slice %arg7[%dma_wait3A_500, %dma_wait3A_506] : memref<200x100xi32, #tpu.memory_space<vmem>> -> memref<1x100xi32, #tpu.memory_space<vmem>>
      %dma_wait3A_508 = tpu.memref_squeeze %dma_wait3A_507 : memref<1x100xi32, #tpu.memory_space<vmem>> -> memref<100xi32, #tpu.memory_space<vmem>>
      %dma_wait3A_509 = arith.constant 0 : i32
      %dma_wait3A_510 = arith.constant 0 : i32
      %dma_wait3A_511 = tpu.memref_slice %arg10[%dma_wait3A_509, %dma_wait3A_510] : memref<10240x64xf32, #tpu.memory_space<vmem_shared>> -> memref<10240x64xf32, #tpu.memory_space<vmem_shared>>
      %dma_wait3A_512 = tpu.memref_slice %arg12[%dma_wait3A_501] : memref<4x!tpu.dma_semaphore, #tpu.memory_space<semaphore_mem>> -> memref<1x!tpu.dma_semaphore, #tpu.memory_space<semaphore_mem>>
      %dma_wait3A_513 = tpu.memref_squeeze %dma_wait3A_512 : memref<1x!tpu.dma_semaphore, #tpu.memory_space<semaphore_mem>> -> memref<!tpu.dma_semaphore, #tpu.memory_space<semaphore_mem>>
      tpu.wait_indirect_dma semaphore(%dma_wait3A_513 : memref<!tpu.dma_semaphore, #tpu.memory_space<semaphore_mem>>) src(%dma_wait3A_505 : memref<100x64xf32, #tpu.memory_space<vmem>>) dst(%dma_wait3A_511 : memref<10240x64xf32, #tpu.memory_space<vmem_shared>>)
      %add3A_514 = arith.constant 4 : i32
      %add3A_515 = arith.addi %add3A_321, %add3A_514 : i32
      %add3A_516 = arith.constant 1 : i32
      %add3A_517 = arith.addi %add3A_515, %add3A_516 : i32
      %dma_start3A_518 = arith.constant 1 : i32
      %dma_start3A_519 = arith.constant 1 : i32
      %dma_start3A_520 = arith.constant 0 : i32
      %dma_start3A_521 = arith.constant 0 : i32
      %dma_start3A_522 = tpu.memref_slice %arg8[%dma_start3A_518, %dma_start3A_520, %dma_start3A_521] : memref<4x100x64xf32, #tpu.memory_space<vmem>> -> memref<1x100x64xf32, #tpu.memory_space<vmem>>
      %dma_start3A_523 = tpu.memref_squeeze %dma_start3A_522 : memref<1x100x64xf32, #tpu.memory_space<vmem>> -> memref<100x64xf32, #tpu.memory_space<vmem>>
      %dma_start3A_524 = arith.constant 0 : i32
      %dma_start3A_525 = tpu.memref_slice %arg6[%add3A_517, %dma_start3A_524] : memref<200x100xi32, #tpu.memory_space<vmem>> -> memref<1x100xi32, #tpu.memory_space<vmem>>
      %dma_start3A_526 = tpu.memref_squeeze %dma_start3A_525 : memref<1x100xi32, #tpu.memory_space<vmem>> -> memref<100xi32, #tpu.memory_space<vmem>>
      %dma_start3A_527 = arith.constant 0 : i32
      %dma_start3A_528 = arith.constant 0 : i32
      %dma_start3A_529 = tpu.memref_slice %arg2[%arg0, %dma_start3A_527, %dma_start3A_528] : memref<2x10000x64xf32, #tpu.memory_space<hbm>> -> memref<1x10000x64xf32, #tpu.memory_space<hbm>>
      %dma_start3A_530 = tpu.memref_squeeze %dma_start3A_529 : memref<1x10000x64xf32, #tpu.memory_space<hbm>> -> memref<10000x64xf32, #tpu.memory_space<hbm>>
      %dma_start3A_531 = arith.constant 0 : i32
      %dma_start3A_532 = arith.constant 0 : i32
      %dma_start3A_533 = tpu.memref_slice %dma_start3A_530[%dma_start3A_531, %dma_start3A_532] : memref<10000x64xf32, #tpu.memory_space<hbm>> -> memref<10000x64xf32, #tpu.memory_space<hbm>>
      %dma_start3A_534 = tpu.memref_slice %arg11[%dma_start3A_519] : memref<4x!tpu.dma_semaphore, #tpu.memory_space<semaphore_mem>> -> memref<1x!tpu.dma_semaphore, #tpu.memory_space<semaphore_mem>>
      %dma_start3A_535 = tpu.memref_squeeze %dma_start3A_534 : memref<1x!tpu.dma_semaphore, #tpu.memory_space<semaphore_mem>> -> memref<!tpu.dma_semaphore, #tpu.memory_space<semaphore_mem>>
      tpu.enqueue_indirect_dma source(%dma_start3A_533 : memref<10000x64xf32, #tpu.memory_space<hbm>>) target(%dma_start3A_523 : memref<100x64xf32, #tpu.memory_space<vmem>>) offsets(%dma_start3A_526 : memref<100xi32, #tpu.memory_space<vmem>>) semaphore(%dma_start3A_535 : memref<!tpu.dma_semaphore, #tpu.memory_space<semaphore_mem>>)
      %dma_wait3A_536 = arith.constant 2 : i32
      %dma_wait3A_537 = arith.constant 0 : i32
      %dma_wait3A_538 = arith.constant 2 : i32
      %dma_wait3A_539 = arith.constant 0 : i32
      %dma_wait3A_540 = arith.constant 0 : i32
      %dma_wait3A_541 = tpu.memref_slice %arg8[%dma_wait3A_536, %dma_wait3A_539, %dma_wait3A_540] : memref<4x100x64xf32, #tpu.memory_space<vmem>> -> memref<1x100x64xf32, #tpu.memory_space<vmem>>
      %dma_wait3A_542 = tpu.memref_squeeze %dma_wait3A_541 : memref<1x100x64xf32, #tpu.memory_space<vmem>> -> memref<100x64xf32, #tpu.memory_space<vmem>>
      %dma_wait3A_543 = arith.constant 0 : i32
      %dma_wait3A_544 = tpu.memref_slice %arg7[%dma_wait3A_537, %dma_wait3A_543] : memref<200x100xi32, #tpu.memory_space<vmem>> -> memref<1x100xi32, #tpu.memory_space<vmem>>
      %dma_wait3A_545 = tpu.memref_squeeze %dma_wait3A_544 : memref<1x100xi32, #tpu.memory_space<vmem>> -> memref<100xi32, #tpu.memory_space<vmem>>
      %dma_wait3A_546 = arith.constant 0 : i32
      %dma_wait3A_547 = arith.constant 0 : i32
      %dma_wait3A_548 = tpu.memref_slice %arg10[%dma_wait3A_546, %dma_wait3A_547] : memref<10240x64xf32, #tpu.memory_space<vmem_shared>> -> memref<10240x64xf32, #tpu.memory_space<vmem_shared>>
      %dma_wait3A_549 = tpu.memref_slice %arg12[%dma_wait3A_538] : memref<4x!tpu.dma_semaphore, #tpu.memory_space<semaphore_mem>> -> memref<1x!tpu.dma_semaphore, #tpu.memory_space<semaphore_mem>>
      %dma_wait3A_550 = tpu.memref_squeeze %dma_wait3A_549 : memref<1x!tpu.dma_semaphore, #tpu.memory_space<semaphore_mem>> -> memref<!tpu.dma_semaphore, #tpu.memory_space<semaphore_mem>>
      tpu.wait_indirect_dma semaphore(%dma_wait3A_550 : memref<!tpu.dma_semaphore, #tpu.memory_space<semaphore_mem>>) src(%dma_wait3A_542 : memref<100x64xf32, #tpu.memory_space<vmem>>) dst(%dma_wait3A_548 : memref<10240x64xf32, #tpu.memory_space<vmem_shared>>)
      %add3A_551 = arith.constant 4 : i32
      %add3A_552 = arith.addi %add3A_321, %add3A_551 : i32
      %add3A_553 = arith.constant 2 : i32
      %add3A_554 = arith.addi %add3A_552, %add3A_553 : i32
      %dma_start3A_555 = arith.constant 2 : i32
      %dma_start3A_556 = arith.constant 2 : i32
      %dma_start3A_557 = arith.constant 0 : i32
      %dma_start3A_558 = arith.constant 0 : i32
      %dma_start3A_559 = tpu.memref_slice %arg8[%dma_start3A_555, %dma_start3A_557, %dma_start3A_558] : memref<4x100x64xf32, #tpu.memory_space<vmem>> -> memref<1x100x64xf32, #tpu.memory_space<vmem>>
      %dma_start3A_560 = tpu.memref_squeeze %dma_start3A_559 : memref<1x100x64xf32, #tpu.memory_space<vmem>> -> memref<100x64xf32, #tpu.memory_space<vmem>>
      %dma_start3A_561 = arith.constant 0 : i32
      %dma_start3A_562 = tpu.memref_slice %arg6[%add3A_554, %dma_start3A_561] : memref<200x100xi32, #tpu.memory_space<vmem>> -> memref<1x100xi32, #tpu.memory_space<vmem>>
      %dma_start3A_563 = tpu.memref_squeeze %dma_start3A_562 : memref<1x100xi32, #tpu.memory_space<vmem>> -> memref<100xi32, #tpu.memory_space<vmem>>
      %dma_start3A_564 = arith.constant 0 : i32
      %dma_start3A_565 = arith.constant 0 : i32
      %dma_start3A_566 = tpu.memref_slice %arg2[%arg0, %dma_start3A_564, %dma_start3A_565] : memref<2x10000x64xf32, #tpu.memory_space<hbm>> -> memref<1x10000x64xf32, #tpu.memory_space<hbm>>
      %dma_start3A_567 = tpu.memref_squeeze %dma_start3A_566 : memref<1x10000x64xf32, #tpu.memory_space<hbm>> -> memref<10000x64xf32, #tpu.memory_space<hbm>>
      %dma_start3A_568 = arith.constant 0 : i32
      %dma_start3A_569 = arith.constant 0 : i32
      %dma_start3A_570 = tpu.memref_slice %dma_start3A_567[%dma_start3A_568, %dma_start3A_569] : memref<10000x64xf32, #tpu.memory_space<hbm>> -> memref<10000x64xf32, #tpu.memory_space<hbm>>
      %dma_start3A_571 = tpu.memref_slice %arg11[%dma_start3A_556] : memref<4x!tpu.dma_semaphore, #tpu.memory_space<semaphore_mem>> -> memref<1x!tpu.dma_semaphore, #tpu.memory_space<semaphore_mem>>
      %dma_start3A_572 = tpu.memref_squeeze %dma_start3A_571 : memref<1x!tpu.dma_semaphore, #tpu.memory_space<semaphore_mem>> -> memref<!tpu.dma_semaphore, #tpu.memory_space<semaphore_mem>>
      tpu.enqueue_indirect_dma source(%dma_start3A_570 : memref<10000x64xf32, #tpu.memory_space<hbm>>) target(%dma_start3A_560 : memref<100x64xf32, #tpu.memory_space<vmem>>) offsets(%dma_start3A_563 : memref<100xi32, #tpu.memory_space<vmem>>) semaphore(%dma_start3A_572 : memref<!tpu.dma_semaphore, #tpu.memory_space<semaphore_mem>>)
      %dma_wait3A_573 = arith.constant 3 : i32
      %dma_wait3A_574 = arith.constant 0 : i32
      %dma_wait3A_575 = arith.constant 3 : i32
      %dma_wait3A_576 = arith.constant 0 : i32
      %dma_wait3A_577 = arith.constant 0 : i32
      %dma_wait3A_578 = tpu.memref_slice %arg8[%dma_wait3A_573, %dma_wait3A_576, %dma_wait3A_577] : memref<4x100x64xf32, #tpu.memory_space<vmem>> -> memref<1x100x64xf32, #tpu.memory_space<vmem>>
      %dma_wait3A_579 = tpu.memref_squeeze %dma_wait3A_578 : memref<1x100x64xf32, #tpu.memory_space<vmem>> -> memref<100x64xf32, #tpu.memory_space<vmem>>
      %dma_wait3A_580 = arith.constant 0 : i32
      %dma_wait3A_581 = tpu.memref_slice %arg7[%dma_wait3A_574, %dma_wait3A_580] : memref<200x100xi32, #tpu.memory_space<vmem>> -> memref<1x100xi32, #tpu.memory_space<vmem>>
      %dma_wait3A_582 = tpu.memref_squeeze %dma_wait3A_581 : memref<1x100xi32, #tpu.memory_space<vmem>> -> memref<100xi32, #tpu.memory_space<vmem>>
      %dma_wait3A_583 = arith.constant 0 : i32
      %dma_wait3A_584 = arith.constant 0 : i32
      %dma_wait3A_585 = tpu.memref_slice %arg10[%dma_wait3A_583, %dma_wait3A_584] : memref<10240x64xf32, #tpu.memory_space<vmem_shared>> -> memref<10240x64xf32, #tpu.memory_space<vmem_shared>>
      %dma_wait3A_586 = tpu.memref_slice %arg12[%dma_wait3A_575] : memref<4x!tpu.dma_semaphore, #tpu.memory_space<semaphore_mem>> -> memref<1x!tpu.dma_semaphore, #tpu.memory_space<semaphore_mem>>
      %dma_wait3A_587 = tpu.memref_squeeze %dma_wait3A_586 : memref<1x!tpu.dma_semaphore, #tpu.memory_space<semaphore_mem>> -> memref<!tpu.dma_semaphore, #tpu.memory_space<semaphore_mem>>
      tpu.wait_indirect_dma semaphore(%dma_wait3A_587 : memref<!tpu.dma_semaphore, #tpu.memory_space<semaphore_mem>>) src(%dma_wait3A_579 : memref<100x64xf32, #tpu.memory_space<vmem>>) dst(%dma_wait3A_585 : memref<10240x64xf32, #tpu.memory_space<vmem_shared>>)
      %add3A_588 = arith.constant 4 : i32
      %add3A_589 = arith.addi %add3A_321, %add3A_588 : i32
      %add3A_590 = arith.constant 3 : i32
      %add3A_591 = arith.addi %add3A_589, %add3A_590 : i32
      %dma_start3A_592 = arith.constant 3 : i32
      %dma_start3A_593 = arith.constant 3 : i32
      %dma_start3A_594 = arith.constant 0 : i32
      %dma_start3A_595 = arith.constant 0 : i32
      %dma_start3A_596 = tpu.memref_slice %arg8[%dma_start3A_592, %dma_start3A_594, %dma_start3A_595] : memref<4x100x64xf32, #tpu.memory_space<vmem>> -> memref<1x100x64xf32, #tpu.memory_space<vmem>>
      %dma_start3A_597 = tpu.memref_squeeze %dma_start3A_596 : memref<1x100x64xf32, #tpu.memory_space<vmem>> -> memref<100x64xf32, #tpu.memory_space<vmem>>
      %dma_start3A_598 = arith.constant 0 : i32
      %dma_start3A_599 = tpu.memref_slice %arg6[%add3A_591, %dma_start3A_598] : memref<200x100xi32, #tpu.memory_space<vmem>> -> memref<1x100xi32, #tpu.memory_space<vmem>>
      %dma_start3A_600 = tpu.memref_squeeze %dma_start3A_599 : memref<1x100xi32, #tpu.memory_space<vmem>> -> memref<100xi32, #tpu.memory_space<vmem>>
      %dma_start3A_601 = arith.constant 0 : i32
      %dma_start3A_602 = arith.constant 0 : i32
      %dma_start3A_603 = tpu.memref_slice %arg2[%arg0, %dma_start3A_601, %dma_start3A_602] : memref<2x10000x64xf32, #tpu.memory_space<hbm>> -> memref<1x10000x64xf32, #tpu.memory_space<hbm>>
      %dma_start3A_604 = tpu.memref_squeeze %dma_start3A_603 : memref<1x10000x64xf32, #tpu.memory_space<hbm>> -> memref<10000x64xf32, #tpu.memory_space<hbm>>
      %dma_start3A_605 = arith.constant 0 : i32
      %dma_start3A_606 = arith.constant 0 : i32
      %dma_start3A_607 = tpu.memref_slice %dma_start3A_604[%dma_start3A_605, %dma_start3A_606] : memref<10000x64xf32, #tpu.memory_space<hbm>> -> memref<10000x64xf32, #tpu.memory_space<hbm>>
      %dma_start3A_608 = tpu.memref_slice %arg11[%dma_start3A_593] : memref<4x!tpu.dma_semaphore, #tpu.memory_space<semaphore_mem>> -> memref<1x!tpu.dma_semaphore, #tpu.memory_space<semaphore_mem>>
      %dma_start3A_609 = tpu.memref_squeeze %dma_start3A_608 : memref<1x!tpu.dma_semaphore, #tpu.memory_space<semaphore_mem>> -> memref<!tpu.dma_semaphore, #tpu.memory_space<semaphore_mem>>
      tpu.enqueue_indirect_dma source(%dma_start3A_607 : memref<10000x64xf32, #tpu.memory_space<hbm>>) target(%dma_start3A_597 : memref<100x64xf32, #tpu.memory_space<vmem>>) offsets(%dma_start3A_600 : memref<100xi32, #tpu.memory_space<vmem>>) semaphore(%dma_start3A_609 : memref<!tpu.dma_semaphore, #tpu.memory_space<semaphore_mem>>)
    }
    %scan3A_120 = arith.constant 49 : i32
    %dma_wait3A_121 = arith.constant 0 : i32
    %dma_wait3A_122 = arith.constant 0 : i32
    %dma_wait3A_123 = arith.constant 0 : i32
    %dma_wait3A_124 = arith.constant 0 : i32
    %dma_wait3A_125 = arith.constant 0 : i32
    %dma_wait3A_126 = tpu.memref_slice %arg8[%dma_wait3A_122, %dma_wait3A_124, %dma_wait3A_125] : memref<4x100x64xf32, #tpu.memory_space<vmem>> -> memref<1x100x64xf32, #tpu.memory_space<vmem>>
    %dma_wait3A_127 = tpu.memref_squeeze %dma_wait3A_126 : memref<1x100x64xf32, #tpu.memory_space<vmem>> -> memref<100x64xf32, #tpu.memory_space<vmem>>
    %dma_wait3A_128 = arith.constant 0 : i32
    %dma_wait3A_129 = tpu.memref_slice %arg6[%dma_wait3A_121, %dma_wait3A_128] : memref<200x100xi32, #tpu.memory_space<vmem>> -> memref<1x100xi32, #tpu.memory_space<vmem>>
    %dma_wait3A_130 = tpu.memref_squeeze %dma_wait3A_129 : memref<1x100xi32, #tpu.memory_space<vmem>> -> memref<100xi32, #tpu.memory_space<vmem>>
    %dma_wait3A_131 = arith.constant 0 : i32
    %dma_wait3A_132 = arith.constant 0 : i32
    %dma_wait3A_133 = tpu.memref_slice %arg2[%arg0, %dma_wait3A_131, %dma_wait3A_132] : memref<2x10000x64xf32, #tpu.memory_space<hbm>> -> memref<1x10000x64xf32, #tpu.memory_space<hbm>>
    %dma_wait3A_134 = tpu.memref_squeeze %dma_wait3A_133 : memref<1x10000x64xf32, #tpu.memory_space<hbm>> -> memref<10000x64xf32, #tpu.memory_space<hbm>>
    %dma_wait3A_135 = arith.constant 0 : i32
    %dma_wait3A_136 = arith.constant 0 : i32
    %dma_wait3A_137 = tpu.memref_slice %dma_wait3A_134[%dma_wait3A_135, %dma_wait3A_136] : memref<10000x64xf32, #tpu.memory_space<hbm>> -> memref<10000x64xf32, #tpu.memory_space<hbm>>
    %dma_wait3A_138 = tpu.memref_slice %arg11[%dma_wait3A_123] : memref<4x!tpu.dma_semaphore, #tpu.memory_space<semaphore_mem>> -> memref<1x!tpu.dma_semaphore, #tpu.memory_space<semaphore_mem>>
    %dma_wait3A_139 = tpu.memref_squeeze %dma_wait3A_138 : memref<1x!tpu.dma_semaphore, #tpu.memory_space<semaphore_mem>> -> memref<!tpu.dma_semaphore, #tpu.memory_space<semaphore_mem>>
    tpu.wait_indirect_dma semaphore(%dma_wait3A_139 : memref<!tpu.dma_semaphore, #tpu.memory_space<semaphore_mem>>) src(%dma_wait3A_137 : memref<10000x64xf32, #tpu.memory_space<hbm>>) dst(%dma_wait3A_127 : memref<100x64xf32, #tpu.memory_space<vmem>>)
    %dma_start3A_140 = arith.constant 0 : i32
    %dma_start3A_141 = arith.constant 196 : i32
    %dma_start3A_142 = arith.constant 0 : i32
    %dma_start3A_143 = arith.constant 0 : i32
    %dma_start3A_144 = arith.constant 0 : i32
    %dma_start3A_145 = tpu.memref_slice %arg8[%dma_start3A_140, %dma_start3A_143, %dma_start3A_144] : memref<4x100x64xf32, #tpu.memory_space<vmem>> -> memref<1x100x64xf32, #tpu.memory_space<vmem>>
    %dma_start3A_146 = tpu.memref_squeeze %dma_start3A_145 : memref<1x100x64xf32, #tpu.memory_space<vmem>> -> memref<100x64xf32, #tpu.memory_space<vmem>>
    %dma_start3A_147 = arith.constant 0 : i32
    %dma_start3A_148 = tpu.memref_slice %arg7[%dma_start3A_141, %dma_start3A_147] : memref<200x100xi32, #tpu.memory_space<vmem>> -> memref<1x100xi32, #tpu.memory_space<vmem>>
    %dma_start3A_149 = tpu.memref_squeeze %dma_start3A_148 : memref<1x100xi32, #tpu.memory_space<vmem>> -> memref<100xi32, #tpu.memory_space<vmem>>
    %dma_start3A_150 = arith.constant 0 : i32
    %dma_start3A_151 = arith.constant 0 : i32
    %dma_start3A_152 = tpu.memref_slice %arg10[%dma_start3A_150, %dma_start3A_151] : memref<10240x64xf32, #tpu.memory_space<vmem_shared>> -> memref<10240x64xf32, #tpu.memory_space<vmem_shared>>
    %dma_start3A_153 = tpu.memref_slice %arg12[%dma_start3A_142] : memref<4x!tpu.dma_semaphore, #tpu.memory_space<semaphore_mem>> -> memref<1x!tpu.dma_semaphore, #tpu.memory_space<semaphore_mem>>
    %dma_start3A_154 = tpu.memref_squeeze %dma_start3A_153 : memref<1x!tpu.dma_semaphore, #tpu.memory_space<semaphore_mem>> -> memref<!tpu.dma_semaphore, #tpu.memory_space<semaphore_mem>>
    tpu.enqueue_indirect_dma source(%dma_start3A_146 : memref<100x64xf32, #tpu.memory_space<vmem>>) target(%dma_start3A_152 : memref<10240x64xf32, #tpu.memory_space<vmem_shared>>) offsets(%dma_start3A_149 : memref<100xi32, #tpu.memory_space<vmem>>) semaphore(%dma_start3A_154 : memref<!tpu.dma_semaphore, #tpu.memory_space<semaphore_mem>>) {add = true}
    %dma_wait3A_155 = arith.constant 0 : i32
    %dma_wait3A_156 = arith.constant 1 : i32
    %dma_wait3A_157 = arith.constant 1 : i32
    %dma_wait3A_158 = arith.constant 0 : i32
    %dma_wait3A_159 = arith.constant 0 : i32
    %dma_wait3A_160 = tpu.memref_slice %arg8[%dma_wait3A_156, %dma_wait3A_158, %dma_wait3A_159] : memref<4x100x64xf32, #tpu.memory_space<vmem>> -> memref<1x100x64xf32, #tpu.memory_space<vmem>>
    %dma_wait3A_161 = tpu.memref_squeeze %dma_wait3A_160 : memref<1x100x64xf32, #tpu.memory_space<vmem>> -> memref<100x64xf32, #tpu.memory_space<vmem>>
    %dma_wait3A_162 = arith.constant 0 : i32
    %dma_wait3A_163 = tpu.memref_slice %arg6[%dma_wait3A_155, %dma_wait3A_162] : memref<200x100xi32, #tpu.memory_space<vmem>> -> memref<1x100xi32, #tpu.memory_space<vmem>>
    %dma_wait3A_164 = tpu.memref_squeeze %dma_wait3A_163 : memref<1x100xi32, #tpu.memory_space<vmem>> -> memref<100xi32, #tpu.memory_space<vmem>>
    %dma_wait3A_165 = arith.constant 0 : i32
    %dma_wait3A_166 = arith.constant 0 : i32
    %dma_wait3A_167 = tpu.memref_slice %arg2[%arg0, %dma_wait3A_165, %dma_wait3A_166] : memref<2x10000x64xf32, #tpu.memory_space<hbm>> -> memref<1x10000x64xf32, #tpu.memory_space<hbm>>
    %dma_wait3A_168 = tpu.memref_squeeze %dma_wait3A_167 : memref<1x10000x64xf32, #tpu.memory_space<hbm>> -> memref<10000x64xf32, #tpu.memory_space<hbm>>
    %dma_wait3A_169 = arith.constant 0 : i32
    %dma_wait3A_170 = arith.constant 0 : i32
    %dma_wait3A_171 = tpu.memref_slice %dma_wait3A_168[%dma_wait3A_169, %dma_wait3A_170] : memref<10000x64xf32, #tpu.memory_space<hbm>> -> memref<10000x64xf32, #tpu.memory_space<hbm>>
    %dma_wait3A_172 = tpu.memref_slice %arg11[%dma_wait3A_157] : memref<4x!tpu.dma_semaphore, #tpu.memory_space<semaphore_mem>> -> memref<1x!tpu.dma_semaphore, #tpu.memory_space<semaphore_mem>>
    %dma_wait3A_173 = tpu.memref_squeeze %dma_wait3A_172 : memref<1x!tpu.dma_semaphore, #tpu.memory_space<semaphore_mem>> -> memref<!tpu.dma_semaphore, #tpu.memory_space<semaphore_mem>>
    tpu.wait_indirect_dma semaphore(%dma_wait3A_173 : memref<!tpu.dma_semaphore, #tpu.memory_space<semaphore_mem>>) src(%dma_wait3A_171 : memref<10000x64xf32, #tpu.memory_space<hbm>>) dst(%dma_wait3A_161 : memref<100x64xf32, #tpu.memory_space<vmem>>)
    %dma_start3A_174 = arith.constant 1 : i32
    %dma_start3A_175 = arith.constant 197 : i32
    %dma_start3A_176 = arith.constant 1 : i32
    %dma_start3A_177 = arith.constant 0 : i32
    %dma_start3A_178 = arith.constant 0 : i32
    %dma_start3A_179 = tpu.memref_slice %arg8[%dma_start3A_174, %dma_start3A_177, %dma_start3A_178] : memref<4x100x64xf32, #tpu.memory_space<vmem>> -> memref<1x100x64xf32, #tpu.memory_space<vmem>>
    %dma_start3A_180 = tpu.memref_squeeze %dma_start3A_179 : memref<1x100x64xf32, #tpu.memory_space<vmem>> -> memref<100x64xf32, #tpu.memory_space<vmem>>
    %dma_start3A_181 = arith.constant 0 : i32
    %dma_start3A_182 = tpu.memref_slice %arg7[%dma_start3A_175, %dma_start3A_181] : memref<200x100xi32, #tpu.memory_space<vmem>> -> memref<1x100xi32, #tpu.memory_space<vmem>>
    %dma_start3A_183 = tpu.memref_squeeze %dma_start3A_182 : memref<1x100xi32, #tpu.memory_space<vmem>> -> memref<100xi32, #tpu.memory_space<vmem>>
    %dma_start3A_184 = arith.constant 0 : i32
    %dma_start3A_185 = arith.constant 0 : i32
    %dma_start3A_186 = tpu.memref_slice %arg10[%dma_start3A_184, %dma_start3A_185] : memref<10240x64xf32, #tpu.memory_space<vmem_shared>> -> memref<10240x64xf32, #tpu.memory_space<vmem_shared>>
    %dma_start3A_187 = tpu.memref_slice %arg12[%dma_start3A_176] : memref<4x!tpu.dma_semaphore, #tpu.memory_space<semaphore_mem>> -> memref<1x!tpu.dma_semaphore, #tpu.memory_space<semaphore_mem>>
    %dma_start3A_188 = tpu.memref_squeeze %dma_start3A_187 : memref<1x!tpu.dma_semaphore, #tpu.memory_space<semaphore_mem>> -> memref<!tpu.dma_semaphore, #tpu.memory_space<semaphore_mem>>
    tpu.enqueue_indirect_dma source(%dma_start3A_180 : memref<100x64xf32, #tpu.memory_space<vmem>>) target(%dma_start3A_186 : memref<10240x64xf32, #tpu.memory_space<vmem_shared>>) offsets(%dma_start3A_183 : memref<100xi32, #tpu.memory_space<vmem>>) semaphore(%dma_start3A_188 : memref<!tpu.dma_semaphore, #tpu.memory_space<semaphore_mem>>) {add = true}
    %dma_wait3A_189 = arith.constant 0 : i32
    %dma_wait3A_190 = arith.constant 2 : i32
    %dma_wait3A_191 = arith.constant 2 : i32
    %dma_wait3A_192 = arith.constant 0 : i32
    %dma_wait3A_193 = arith.constant 0 : i32
    %dma_wait3A_194 = tpu.memref_slice %arg8[%dma_wait3A_190, %dma_wait3A_192, %dma_wait3A_193] : memref<4x100x64xf32, #tpu.memory_space<vmem>> -> memref<1x100x64xf32, #tpu.memory_space<vmem>>
    %dma_wait3A_195 = tpu.memref_squeeze %dma_wait3A_194 : memref<1x100x64xf32, #tpu.memory_space<vmem>> -> memref<100x64xf32, #tpu.memory_space<vmem>>
    %dma_wait3A_196 = arith.constant 0 : i32
    %dma_wait3A_197 = tpu.memref_slice %arg6[%dma_wait3A_189, %dma_wait3A_196] : memref<200x100xi32, #tpu.memory_space<vmem>> -> memref<1x100xi32, #tpu.memory_space<vmem>>
    %dma_wait3A_198 = tpu.memref_squeeze %dma_wait3A_197 : memref<1x100xi32, #tpu.memory_space<vmem>> -> memref<100xi32, #tpu.memory_space<vmem>>
    %dma_wait3A_199 = arith.constant 0 : i32
    %dma_wait3A_200 = arith.constant 0 : i32
    %dma_wait3A_201 = tpu.memref_slice %arg2[%arg0, %dma_wait3A_199, %dma_wait3A_200] : memref<2x10000x64xf32, #tpu.memory_space<hbm>> -> memref<1x10000x64xf32, #tpu.memory_space<hbm>>
    %dma_wait3A_202 = tpu.memref_squeeze %dma_wait3A_201 : memref<1x10000x64xf32, #tpu.memory_space<hbm>> -> memref<10000x64xf32, #tpu.memory_space<hbm>>
    %dma_wait3A_203 = arith.constant 0 : i32
    %dma_wait3A_204 = arith.constant 0 : i32
    %dma_wait3A_205 = tpu.memref_slice %dma_wait3A_202[%dma_wait3A_203, %dma_wait3A_204] : memref<10000x64xf32, #tpu.memory_space<hbm>> -> memref<10000x64xf32, #tpu.memory_space<hbm>>
    %dma_wait3A_206 = tpu.memref_slice %arg11[%dma_wait3A_191] : memref<4x!tpu.dma_semaphore, #tpu.memory_space<semaphore_mem>> -> memref<1x!tpu.dma_semaphore, #tpu.memory_space<semaphore_mem>>
    %dma_wait3A_207 = tpu.memref_squeeze %dma_wait3A_206 : memref<1x!tpu.dma_semaphore, #tpu.memory_space<semaphore_mem>> -> memref<!tpu.dma_semaphore, #tpu.memory_space<semaphore_mem>>
    tpu.wait_indirect_dma semaphore(%dma_wait3A_207 : memref<!tpu.dma_semaphore, #tpu.memory_space<semaphore_mem>>) src(%dma_wait3A_205 : memref<10000x64xf32, #tpu.memory_space<hbm>>) dst(%dma_wait3A_195 : memref<100x64xf32, #tpu.memory_space<vmem>>)
    %dma_start3A_208 = arith.constant 2 : i32
    %dma_start3A_209 = arith.constant 198 : i32
    %dma_start3A_210 = arith.constant 2 : i32
    %dma_start3A_211 = arith.constant 0 : i32
    %dma_start3A_212 = arith.constant 0 : i32
    %dma_start3A_213 = tpu.memref_slice %arg8[%dma_start3A_208, %dma_start3A_211, %dma_start3A_212] : memref<4x100x64xf32, #tpu.memory_space<vmem>> -> memref<1x100x64xf32, #tpu.memory_space<vmem>>
    %dma_start3A_214 = tpu.memref_squeeze %dma_start3A_213 : memref<1x100x64xf32, #tpu.memory_space<vmem>> -> memref<100x64xf32, #tpu.memory_space<vmem>>
    %dma_start3A_215 = arith.constant 0 : i32
    %dma_start3A_216 = tpu.memref_slice %arg7[%dma_start3A_209, %dma_start3A_215] : memref<200x100xi32, #tpu.memory_space<vmem>> -> memref<1x100xi32, #tpu.memory_space<vmem>>
    %dma_start3A_217 = tpu.memref_squeeze %dma_start3A_216 : memref<1x100xi32, #tpu.memory_space<vmem>> -> memref<100xi32, #tpu.memory_space<vmem>>
    %dma_start3A_218 = arith.constant 0 : i32
    %dma_start3A_219 = arith.constant 0 : i32
    %dma_start3A_220 = tpu.memref_slice %arg10[%dma_start3A_218, %dma_start3A_219] : memref<10240x64xf32, #tpu.memory_space<vmem_shared>> -> memref<10240x64xf32, #tpu.memory_space<vmem_shared>>
    %dma_start3A_221 = tpu.memref_slice %arg12[%dma_start3A_210] : memref<4x!tpu.dma_semaphore, #tpu.memory_space<semaphore_mem>> -> memref<1x!tpu.dma_semaphore, #tpu.memory_space<semaphore_mem>>
    %dma_start3A_222 = tpu.memref_squeeze %dma_start3A_221 : memref<1x!tpu.dma_semaphore, #tpu.memory_space<semaphore_mem>> -> memref<!tpu.dma_semaphore, #tpu.memory_space<semaphore_mem>>
    tpu.enqueue_indirect_dma source(%dma_start3A_214 : memref<100x64xf32, #tpu.memory_space<vmem>>) target(%dma_start3A_220 : memref<10240x64xf32, #tpu.memory_space<vmem_shared>>) offsets(%dma_start3A_217 : memref<100xi32, #tpu.memory_space<vmem>>) semaphore(%dma_start3A_222 : memref<!tpu.dma_semaphore, #tpu.memory_space<semaphore_mem>>) {add = true}
    %dma_wait3A_223 = arith.constant 0 : i32
    %dma_wait3A_224 = arith.constant 3 : i32
    %dma_wait3A_225 = arith.constant 3 : i32
    %dma_wait3A_226 = arith.constant 0 : i32
    %dma_wait3A_227 = arith.constant 0 : i32
    %dma_wait3A_228 = tpu.memref_slice %arg8[%dma_wait3A_224, %dma_wait3A_226, %dma_wait3A_227] : memref<4x100x64xf32, #tpu.memory_space<vmem>> -> memref<1x100x64xf32, #tpu.memory_space<vmem>>
    %dma_wait3A_229 = tpu.memref_squeeze %dma_wait3A_228 : memref<1x100x64xf32, #tpu.memory_space<vmem>> -> memref<100x64xf32, #tpu.memory_space<vmem>>
    %dma_wait3A_230 = arith.constant 0 : i32
    %dma_wait3A_231 = tpu.memref_slice %arg6[%dma_wait3A_223, %dma_wait3A_230] : memref<200x100xi32, #tpu.memory_space<vmem>> -> memref<1x100xi32, #tpu.memory_space<vmem>>
    %dma_wait3A_232 = tpu.memref_squeeze %dma_wait3A_231 : memref<1x100xi32, #tpu.memory_space<vmem>> -> memref<100xi32, #tpu.memory_space<vmem>>
    %dma_wait3A_233 = arith.constant 0 : i32
    %dma_wait3A_234 = arith.constant 0 : i32
    %dma_wait3A_235 = tpu.memref_slice %arg2[%arg0, %dma_wait3A_233, %dma_wait3A_234] : memref<2x10000x64xf32, #tpu.memory_space<hbm>> -> memref<1x10000x64xf32, #tpu.memory_space<hbm>>
    %dma_wait3A_236 = tpu.memref_squeeze %dma_wait3A_235 : memref<1x10000x64xf32, #tpu.memory_space<hbm>> -> memref<10000x64xf32, #tpu.memory_space<hbm>>
    %dma_wait3A_237 = arith.constant 0 : i32
    %dma_wait3A_238 = arith.constant 0 : i32
    %dma_wait3A_239 = tpu.memref_slice %dma_wait3A_236[%dma_wait3A_237, %dma_wait3A_238] : memref<10000x64xf32, #tpu.memory_space<hbm>> -> memref<10000x64xf32, #tpu.memory_space<hbm>>
    %dma_wait3A_240 = tpu.memref_slice %arg11[%dma_wait3A_225] : memref<4x!tpu.dma_semaphore, #tpu.memory_space<semaphore_mem>> -> memref<1x!tpu.dma_semaphore, #tpu.memory_space<semaphore_mem>>
    %dma_wait3A_241 = tpu.memref_squeeze %dma_wait3A_240 : memref<1x!tpu.dma_semaphore, #tpu.memory_space<semaphore_mem>> -> memref<!tpu.dma_semaphore, #tpu.memory_space<semaphore_mem>>
    tpu.wait_indirect_dma semaphore(%dma_wait3A_241 : memref<!tpu.dma_semaphore, #tpu.memory_space<semaphore_mem>>) src(%dma_wait3A_239 : memref<10000x64xf32, #tpu.memory_space<hbm>>) dst(%dma_wait3A_229 : memref<100x64xf32, #tpu.memory_space<vmem>>)
    %dma_start3A_242 = arith.constant 3 : i32
    %dma_start3A_243 = arith.constant 199 : i32
    %dma_start3A_244 = arith.constant 3 : i32
    %dma_start3A_245 = arith.constant 0 : i32
    %dma_start3A_246 = arith.constant 0 : i32
    %dma_start3A_247 = tpu.memref_slice %arg8[%dma_start3A_242, %dma_start3A_245, %dma_start3A_246] : memref<4x100x64xf32, #tpu.memory_space<vmem>> -> memref<1x100x64xf32, #tpu.memory_space<vmem>>
    %dma_start3A_248 = tpu.memref_squeeze %dma_start3A_247 : memref<1x100x64xf32, #tpu.memory_space<vmem>> -> memref<100x64xf32, #tpu.memory_space<vmem>>
    %dma_start3A_249 = arith.constant 0 : i32
    %dma_start3A_250 = tpu.memref_slice %arg7[%dma_start3A_243, %dma_start3A_249] : memref<200x100xi32, #tpu.memory_space<vmem>> -> memref<1x100xi32, #tpu.memory_space<vmem>>
    %dma_start3A_251 = tpu.memref_squeeze %dma_start3A_250 : memref<1x100xi32, #tpu.memory_space<vmem>> -> memref<100xi32, #tpu.memory_space<vmem>>
    %dma_start3A_252 = arith.constant 0 : i32
    %dma_start3A_253 = arith.constant 0 : i32
    %dma_start3A_254 = tpu.memref_slice %arg10[%dma_start3A_252, %dma_start3A_253] : memref<10240x64xf32, #tpu.memory_space<vmem_shared>> -> memref<10240x64xf32, #tpu.memory_space<vmem_shared>>
    %dma_start3A_255 = tpu.memref_slice %arg12[%dma_start3A_244] : memref<4x!tpu.dma_semaphore, #tpu.memory_space<semaphore_mem>> -> memref<1x!tpu.dma_semaphore, #tpu.memory_space<semaphore_mem>>
    %dma_start3A_256 = tpu.memref_squeeze %dma_start3A_255 : memref<1x!tpu.dma_semaphore, #tpu.memory_space<semaphore_mem>> -> memref<!tpu.dma_semaphore, #tpu.memory_space<semaphore_mem>>
    tpu.enqueue_indirect_dma source(%dma_start3A_248 : memref<100x64xf32, #tpu.memory_space<vmem>>) target(%dma_start3A_254 : memref<10240x64xf32, #tpu.memory_space<vmem_shared>>) offsets(%dma_start3A_251 : memref<100xi32, #tpu.memory_space<vmem>>) semaphore(%dma_start3A_256 : memref<!tpu.dma_semaphore, #tpu.memory_space<semaphore_mem>>) {add = true}
    %dma_wait3A_257 = arith.constant 0 : i32
    %dma_wait3A_258 = arith.constant 0 : i32
    %dma_wait3A_259 = arith.constant 0 : i32
    %dma_wait3A_260 = arith.constant 0 : i32
    %dma_wait3A_261 = arith.constant 0 : i32
    %dma_wait3A_262 = tpu.memref_slice %arg8[%dma_wait3A_257, %dma_wait3A_260, %dma_wait3A_261] : memref<4x100x64xf32, #tpu.memory_space<vmem>> -> memref<1x100x64xf32, #tpu.memory_space<vmem>>
    %dma_wait3A_263 = tpu.memref_squeeze %dma_wait3A_262 : memref<1x100x64xf32, #tpu.memory_space<vmem>> -> memref<100x64xf32, #tpu.memory_space<vmem>>
    %dma_wait3A_264 = arith.constant 0 : i32
    %dma_wait3A_265 = tpu.memref_slice %arg7[%dma_wait3A_258, %dma_wait3A_264] : memref<200x100xi32, #tpu.memory_space<vmem>> -> memref<1x100xi32, #tpu.memory_space<vmem>>
    %dma_wait3A_266 = tpu.memref_squeeze %dma_wait3A_265 : memref<1x100xi32, #tpu.memory_space<vmem>> -> memref<100xi32, #tpu.memory_space<vmem>>
    %dma_wait3A_267 = arith.constant 0 : i32
    %dma_wait3A_268 = arith.constant 0 : i32
    %dma_wait3A_269 = tpu.memref_slice %arg10[%dma_wait3A_267, %dma_wait3A_268] : memref<10240x64xf32, #tpu.memory_space<vmem_shared>> -> memref<10240x64xf32, #tpu.memory_space<vmem_shared>>
    %dma_wait3A_270 = tpu.memref_slice %arg12[%dma_wait3A_259] : memref<4x!tpu.dma_semaphore, #tpu.memory_space<semaphore_mem>> -> memref<1x!tpu.dma_semaphore, #tpu.memory_space<semaphore_mem>>
    %dma_wait3A_271 = tpu.memref_squeeze %dma_wait3A_270 : memref<1x!tpu.dma_semaphore, #tpu.memory_space<semaphore_mem>> -> memref<!tpu.dma_semaphore, #tpu.memory_space<semaphore_mem>>
    tpu.wait_indirect_dma semaphore(%dma_wait3A_271 : memref<!tpu.dma_semaphore, #tpu.memory_space<semaphore_mem>>) src(%dma_wait3A_263 : memref<100x64xf32, #tpu.memory_space<vmem>>) dst(%dma_wait3A_269 : memref<10240x64xf32, #tpu.memory_space<vmem_shared>>)
    %dma_wait3A_272 = arith.constant 1 : i32
    %dma_wait3A_273 = arith.constant 0 : i32
    %dma_wait3A_274 = arith.constant 1 : i32
    %dma_wait3A_275 = arith.constant 0 : i32
    %dma_wait3A_276 = arith.constant 0 : i32
    %dma_wait3A_277 = tpu.memref_slice %arg8[%dma_wait3A_272, %dma_wait3A_275, %dma_wait3A_276] : memref<4x100x64xf32, #tpu.memory_space<vmem>> -> memref<1x100x64xf32, #tpu.memory_space<vmem>>
    %dma_wait3A_278 = tpu.memref_squeeze %dma_wait3A_277 : memref<1x100x64xf32, #tpu.memory_space<vmem>> -> memref<100x64xf32, #tpu.memory_space<vmem>>
    %dma_wait3A_279 = arith.constant 0 : i32
    %dma_wait3A_280 = tpu.memref_slice %arg7[%dma_wait3A_273, %dma_wait3A_279] : memref<200x100xi32, #tpu.memory_space<vmem>> -> memref<1x100xi32, #tpu.memory_space<vmem>>
    %dma_wait3A_281 = tpu.memref_squeeze %dma_wait3A_280 : memref<1x100xi32, #tpu.memory_space<vmem>> -> memref<100xi32, #tpu.memory_space<vmem>>
    %dma_wait3A_282 = arith.constant 0 : i32
    %dma_wait3A_283 = arith.constant 0 : i32
    %dma_wait3A_284 = tpu.memref_slice %arg10[%dma_wait3A_282, %dma_wait3A_283] : memref<10240x64xf32, #tpu.memory_space<vmem_shared>> -> memref<10240x64xf32, #tpu.memory_space<vmem_shared>>
    %dma_wait3A_285 = tpu.memref_slice %arg12[%dma_wait3A_274] : memref<4x!tpu.dma_semaphore, #tpu.memory_space<semaphore_mem>> -> memref<1x!tpu.dma_semaphore, #tpu.memory_space<semaphore_mem>>
    %dma_wait3A_286 = tpu.memref_squeeze %dma_wait3A_285 : memref<1x!tpu.dma_semaphore, #tpu.memory_space<semaphore_mem>> -> memref<!tpu.dma_semaphore, #tpu.memory_space<semaphore_mem>>
    tpu.wait_indirect_dma semaphore(%dma_wait3A_286 : memref<!tpu.dma_semaphore, #tpu.memory_space<semaphore_mem>>) src(%dma_wait3A_278 : memref<100x64xf32, #tpu.memory_space<vmem>>) dst(%dma_wait3A_284 : memref<10240x64xf32, #tpu.memory_space<vmem_shared>>)
    %dma_wait3A_287 = arith.constant 2 : i32
    %dma_wait3A_288 = arith.constant 0 : i32
    %dma_wait3A_289 = arith.constant 2 : i32
    %dma_wait3A_290 = arith.constant 0 : i32
    %dma_wait3A_291 = arith.constant 0 : i32
    %dma_wait3A_292 = tpu.memref_slice %arg8[%dma_wait3A_287, %dma_wait3A_290, %dma_wait3A_291] : memref<4x100x64xf32, #tpu.memory_space<vmem>> -> memref<1x100x64xf32, #tpu.memory_space<vmem>>
    %dma_wait3A_293 = tpu.memref_squeeze %dma_wait3A_292 : memref<1x100x64xf32, #tpu.memory_space<vmem>> -> memref<100x64xf32, #tpu.memory_space<vmem>>
    %dma_wait3A_294 = arith.constant 0 : i32
    %dma_wait3A_295 = tpu.memref_slice %arg7[%dma_wait3A_288, %dma_wait3A_294] : memref<200x100xi32, #tpu.memory_space<vmem>> -> memref<1x100xi32, #tpu.memory_space<vmem>>
    %dma_wait3A_296 = tpu.memref_squeeze %dma_wait3A_295 : memref<1x100xi32, #tpu.memory_space<vmem>> -> memref<100xi32, #tpu.memory_space<vmem>>
    %dma_wait3A_297 = arith.constant 0 : i32
    %dma_wait3A_298 = arith.constant 0 : i32
    %dma_wait3A_299 = tpu.memref_slice %arg10[%dma_wait3A_297, %dma_wait3A_298] : memref<10240x64xf32, #tpu.memory_space<vmem_shared>> -> memref<10240x64xf32, #tpu.memory_space<vmem_shared>>
    %dma_wait3A_300 = tpu.memref_slice %arg12[%dma_wait3A_289] : memref<4x!tpu.dma_semaphore, #tpu.memory_space<semaphore_mem>> -> memref<1x!tpu.dma_semaphore, #tpu.memory_space<semaphore_mem>>
    %dma_wait3A_301 = tpu.memref_squeeze %dma_wait3A_300 : memref<1x!tpu.dma_semaphore, #tpu.memory_space<semaphore_mem>> -> memref<!tpu.dma_semaphore, #tpu.memory_space<semaphore_mem>>
    tpu.wait_indirect_dma semaphore(%dma_wait3A_301 : memref<!tpu.dma_semaphore, #tpu.memory_space<semaphore_mem>>) src(%dma_wait3A_293 : memref<100x64xf32, #tpu.memory_space<vmem>>) dst(%dma_wait3A_299 : memref<10240x64xf32, #tpu.memory_space<vmem_shared>>)
    %dma_wait3A_302 = arith.constant 3 : i32
    %dma_wait3A_303 = arith.constant 0 : i32
    %dma_wait3A_304 = arith.constant 3 : i32
    %dma_wait3A_305 = arith.constant 0 : i32
    %dma_wait3A_306 = arith.constant 0 : i32
    %dma_wait3A_307 = tpu.memref_slice %arg8[%dma_wait3A_302, %dma_wait3A_305, %dma_wait3A_306] : memref<4x100x64xf32, #tpu.memory_space<vmem>> -> memref<1x100x64xf32, #tpu.memory_space<vmem>>
    %dma_wait3A_308 = tpu.memref_squeeze %dma_wait3A_307 : memref<1x100x64xf32, #tpu.memory_space<vmem>> -> memref<100x64xf32, #tpu.memory_space<vmem>>
    %dma_wait3A_309 = arith.constant 0 : i32
    %dma_wait3A_310 = tpu.memref_slice %arg7[%dma_wait3A_303, %dma_wait3A_309] : memref<200x100xi32, #tpu.memory_space<vmem>> -> memref<1x100xi32, #tpu.memory_space<vmem>>
    %dma_wait3A_311 = tpu.memref_squeeze %dma_wait3A_310 : memref<1x100xi32, #tpu.memory_space<vmem>> -> memref<100xi32, #tpu.memory_space<vmem>>
    %dma_wait3A_312 = arith.constant 0 : i32
    %dma_wait3A_313 = arith.constant 0 : i32
    %dma_wait3A_314 = tpu.memref_slice %arg10[%dma_wait3A_312, %dma_wait3A_313] : memref<10240x64xf32, #tpu.memory_space<vmem_shared>> -> memref<10240x64xf32, #tpu.memory_space<vmem_shared>>
    %dma_wait3A_315 = tpu.memref_slice %arg12[%dma_wait3A_304] : memref<4x!tpu.dma_semaphore, #tpu.memory_space<semaphore_mem>> -> memref<1x!tpu.dma_semaphore, #tpu.memory_space<semaphore_mem>>
    %dma_wait3A_316 = tpu.memref_squeeze %dma_wait3A_315 : memref<1x!tpu.dma_semaphore, #tpu.memory_space<semaphore_mem>> -> memref<!tpu.dma_semaphore, #tpu.memory_space<semaphore_mem>>
    tpu.wait_indirect_dma semaphore(%dma_wait3A_316 : memref<!tpu.dma_semaphore, #tpu.memory_space<semaphore_mem>>) src(%dma_wait3A_308 : memref<100x64xf32, #tpu.memory_space<vmem>>) dst(%dma_wait3A_314 : memref<10240x64xf32, #tpu.memory_space<vmem_shared>>)
    %barrier3A_317 = arith.constant 0 : index
    tpu.barrier barrier_id(%barrier3A_317)
    "tpu.region"() ({
      %run_scoped3A = tpu.sem_alloc : memref<!tpu.dma_semaphore, #tpu.memory_space<semaphore_mem>>
      %dma_start3A_318 = arith.constant 0 : i32
      %dma_start3A_319 = tpu.memref_slice %arg5[%arg0, %mul3A_19, %dma_start3A_318] : memref<2x10240x64xf32, #tpu.memory_space<hbm>> -> memref<1x640x64xf32, #tpu.memory_space<hbm>>
      %dma_start3A_320 = tpu.memref_squeeze %dma_start3A_319 : memref<1x640x64xf32, #tpu.memory_space<hbm>> -> memref<640x64xf32, #tpu.memory_space<hbm>>
      %dma_start3A_321 = arith.constant 0 : i32
      %dma_start3A_322 = tpu.memref_slice %arg10[%mul3A_19, %dma_start3A_321] : memref<10240x64xf32, #tpu.memory_space<vmem_shared>> -> memref<640x64xf32, #tpu.memory_space<vmem_shared>>
      tpu.enqueue_dma source(%dma_start3A_322 : memref<640x64xf32, #tpu.memory_space<vmem_shared>>) target(%dma_start3A_320 : memref<640x64xf32, #tpu.memory_space<hbm>>) target_semaphore(%run_scoped3A : memref<!tpu.dma_semaphore, #tpu.memory_space<semaphore_mem>>)
      %dma_wait3A_323 = arith.constant 0 : i32
      %dma_wait3A_324 = tpu.memref_slice %arg5[%arg0, %mul3A_19, %dma_wait3A_323] : memref<2x10240x64xf32, #tpu.memory_space<hbm>> -> memref<1x640x64xf32, #tpu.memory_space<hbm>>
      %dma_wait3A_325 = tpu.memref_squeeze %dma_wait3A_324 : memref<1x640x64xf32, #tpu.memory_space<hbm>> -> memref<640x64xf32, #tpu.memory_space<hbm>>
      %dma_wait3A_326 = arith.constant 0 : i32
      %dma_wait3A_327 = tpu.memref_slice %arg10[%mul3A_19, %dma_wait3A_326] : memref<10240x64xf32, #tpu.memory_space<vmem_shared>> -> memref<640x64xf32, #tpu.memory_space<vmem_shared>>
      tpu.wait_dma2 semaphore(%run_scoped3A : memref<!tpu.dma_semaphore, #tpu.memory_space<semaphore_mem>>) src(%dma_wait3A_327 : memref<640x64xf32, #tpu.memory_space<vmem_shared>>) dst(%dma_wait3A_325 : memref<640x64xf32, #tpu.memory_space<hbm>>)
      tpu.yield
    }) : () -> ()
    return
  }
}

module attributes {stable_mosaic.version = 14 : i64} {
  func.func @_emb_body(%arg0: i32, %arg1: memref<1000x128xf32, #tpu.memory_space<vmem>>, %arg2: memref<128x128xf32, #tpu.memory_space<vmem>>, %arg3: memref<1x128xf32, #tpu.memory_space<vmem>>, %arg4: memref<128x128xf32, #tpu.memory_space<vmem>>, %arg5: memref<1000x128xf32, #tpu.memory_space<vmem>>, %arg6: memref<2x1000x64xf32, #tpu.memory_space<vmem>>) attributes {dimension_semantics = [#tpu.dimension_semantics<arbitrary>], iteration_bounds = array<i64: 10>, scalar_prefetch = 0 : i64, scratch_operands = 0 : i64, tpu.core_type = #tpu.core_type<tc>, window_params = [{transform_indices = @transform_0, window_bounds = array<i64: 1000, 128>}, {pipeline_mode = #tpu.pipeline_mode<synchronous>, transform_indices = @transform_1, window_bounds = array<i64: 128, 128>}, {pipeline_mode = #tpu.pipeline_mode<synchronous>, transform_indices = @transform_2, window_bounds = array<i64: 1, 128>}, {pipeline_mode = #tpu.pipeline_mode<synchronous>, transform_indices = @transform_3, window_bounds = array<i64: 128, 128>}, {transform_indices = @transform_4, window_bounds = array<i64: 1000, 128>}, {transform_indices = @transform_5, window_bounds = array<i64: 2, 1000, 64>}]} {
    %get3A = arith.constant 0 : index
    %get3A_0 = arith.constant 0 : index
    %get3A_1 = vector.load %arg1[%get3A, %get3A_0] : memref<1000x128xf32, #tpu.memory_space<vmem>>, vector<1000x128xf32>
    %get3A_2 = arith.constant 0 : index
    %get3A_3 = arith.constant 0 : index
    %get3A_4 = vector.load %arg2[%get3A_2, %get3A_3] : memref<128x128xf32, #tpu.memory_space<vmem>>, vector<128x128xf32>
    %dot_general3A = arith.constant dense<0.000000e+00> : vector<1000x128xf32>
    %dot_general3A_5 = tpu.matmul %get3A_1, %get3A_4, %dot_general3A {dimension_numbers = #tpu.dot_dimension_numbers<[1], [1], [0], [0], [0, 0, 1, 0], [], []>, transpose_lhs_hint = false} : vector<1000x128xf32>, vector<128x128xf32>, vector<1000x128xf32> -> vector<1000x128xf32>
    %get3A_6 = arith.constant 0 : index
    %get3A_7 = arith.constant 0 : index
    %get3A_8 = vector.load %arg3[%get3A_6, %get3A_7] : memref<1x128xf32, #tpu.memory_space<vmem>>, vector<1x128xf32>
    %add3A = vector.broadcast %get3A_8 : vector<1x128xf32> to vector<1000x128xf32>
    %add3A_9 = arith.addf %dot_general3A_5, %add3A : vector<1000x128xf32>
    %swap3A = arith.constant 0 : index
    %swap3A_10 = arith.constant 0 : index
    %swap3A_11 = vector.load %arg5[%swap3A, %swap3A_10] : memref<1000x128xf32, #tpu.memory_space<vmem>>, vector<1000x128xf32>
    tpu.vector_store %arg5[%swap3A, %swap3A_10], %add3A_9 {strides = array<i32>} : memref<1000x128xf32, #tpu.memory_space<vmem>>, vector<1000x128xf32>,
    %get3A_12 = arith.constant 0 : index
    %get3A_13 = arith.constant 0 : index
    %get3A_14 = vector.load %arg4[%get3A_12, %get3A_13] : memref<128x128xf32, #tpu.memory_space<vmem>>, vector<128x128xf32>
    %dot_general3A_15 = arith.constant dense<0.000000e+00> : vector<1000x128xf32>
    %dot_general3A_16 = tpu.matmul %add3A_9, %get3A_14, %dot_general3A_15 {dimension_numbers = #tpu.dot_dimension_numbers<[1], [1], [0], [0], [0, 0, 1, 0], [], []>, transpose_lhs_hint = false} : vector<1000x128xf32>, vector<128x128xf32>, vector<1000x128xf32> -> vector<1000x128xf32>
    %slice3A = vector.extract_strided_slice %dot_general3A_16 {offsets = [0, 0], sizes = [1000, 64], strides = [1, 1]} : vector<1000x128xf32> to vector<1000x64xf32>
    %swap3A_17 = arith.constant 0 : index
    %swap3A_18 = arith.constant 0 : index
    %swap3A_19 = arith.constant 0 : index
    %swap3A_20 = vector.load %arg6[%swap3A_17, %swap3A_18, %swap3A_19] : memref<2x1000x64xf32, #tpu.memory_space<vmem>>, vector<1x1000x64xf32>
    %swap3A_21 = vector.shape_cast %swap3A_20 : vector<1x1000x64xf32> to vector<1000x64xf32>
    %swap3A_22 = vector.shape_cast %slice3A : vector<1000x64xf32> to vector<1x1000x64xf32>
    tpu.vector_store %arg6[%swap3A_17, %swap3A_18, %swap3A_19], %swap3A_22 {strides = array<i32>} : memref<2x1000x64xf32, #tpu.memory_space<vmem>>, vector<1x1000x64xf32>,
    %slice3A_23 = vector.extract_strided_slice %dot_general3A_16 {offsets = [0, 64], sizes = [1000, 64], strides = [1, 1]} : vector<1000x128xf32> to vector<1000x64xf32>
    %swap3A_24 = arith.constant 1 : index
    %swap3A_25 = arith.constant 0 : index
    %swap3A_26 = arith.constant 0 : index
    %swap3A_27 = vector.load %arg6[%swap3A_24, %swap3A_25, %swap3A_26] : memref<2x1000x64xf32, #tpu.memory_space<vmem>>, vector<1x1000x64xf32>
    %swap3A_28 = vector.shape_cast %swap3A_27 : vector<1x1000x64xf32> to vector<1000x64xf32>
    %swap3A_29 = vector.shape_cast %slice3A_23 : vector<1000x64xf32> to vector<1x1000x64xf32>
    tpu.vector_store %arg6[%swap3A_24, %swap3A_25, %swap3A_26], %swap3A_29 {strides = array<i32>} : memref<2x1000x64xf32, #tpu.memory_space<vmem>>, vector<1x1000x64xf32>,
    return
  }
  func.func @transform_0(%arg0: i32) -> (i32, i32) {
    %c0_i32 = arith.constant 0 : i32
    %c0_i32_0 = arith.constant 0 : i32
    return %arg0, %c0_i32 : i32, i32
  }
  func.func @transform_1(%arg0: i32) -> (i32, i32) {
    %c0_i32 = arith.constant 0 : i32
    %c0_i32_0 = arith.constant 0 : i32
    %c0_i32_1 = arith.constant 0 : i32
    return %c0_i32, %c0_i32_0 : i32, i32
  }
  func.func @transform_2(%arg0: i32) -> (i32, i32) {
    %c0_i32 = arith.constant 0 : i32
    %c0_i32_0 = arith.constant 0 : i32
    %c0_i32_1 = arith.constant 0 : i32
    return %c0_i32, %c0_i32_0 : i32, i32
  }
  func.func @transform_3(%arg0: i32) -> (i32, i32) {
    %c0_i32 = arith.constant 0 : i32
    %c0_i32_0 = arith.constant 0 : i32
    %c0_i32_1 = arith.constant 0 : i32
    return %c0_i32, %c0_i32_0 : i32, i32
  }
  func.func @transform_4(%arg0: i32) -> (i32, i32) {
    %c0_i32 = arith.constant 0 : i32
    %c0_i32_0 = arith.constant 0 : i32
    return %arg0, %c0_i32 : i32, i32
  }
  func.func @transform_5(%arg0: i32) -> (i32, i32, i32) {
    %c0_i32 = arith.constant 0 : i32
    %c0_i32_0 = arith.constant 0 : i32
    %c0_i32_1 = arith.constant 0 : i32
    return %c0_i32, %arg0, %c0_i32_0 : i32, i32, i32
  }
}

module attributes {stable_mosaic.version = 14 : i64} {
  func.func @body(%arg0: i32, %arg1: memref<2x1000x64xf32, #tpu.memory_space<vmem>>, %arg2: memref<1000x16xf32, #tpu.memory_space<vmem>>, %arg3: memref<1000x128xf32, #tpu.memory_space<vmem>>, %arg4: memref<128x128xf32, #tpu.memory_space<vmem>>, %arg5: memref<1x128xf32, #tpu.memory_space<vmem>>, %arg6: memref<128x128xf32, #tpu.memory_space<vmem>>, %arg7: memref<1000x128xf32, #tpu.memory_space<vmem>>, %arg8: memref<2x1000x64xf32, #tpu.memory_space<vmem>>) attributes {dimension_semantics = [#tpu.dimension_semantics<arbitrary>], iteration_bounds = array<i64: 10>, scalar_prefetch = 0 : i64, scratch_operands = 0 : i64, tpu.core_type = #tpu.core_type<tc>, window_params = [{transform_indices = @transform_0, window_bounds = array<i64: 2, 1000, 64>}, {transform_indices = @transform_1, window_bounds = array<i64: 1000, 16>}, {transform_indices = @transform_2, window_bounds = array<i64: 1000, 128>}, {pipeline_mode = #tpu.pipeline_mode<synchronous>, transform_indices = @transform_3, window_bounds = array<i64: 128, 128>}, {pipeline_mode = #tpu.pipeline_mode<synchronous>, transform_indices = @transform_4, window_bounds = array<i64: 1, 128>}, {pipeline_mode = #tpu.pipeline_mode<synchronous>, transform_indices = @transform_5, window_bounds = array<i64: 128, 128>}, {transform_indices = @transform_6, window_bounds = array<i64: 1000, 128>}, {transform_indices = @transform_7, window_bounds = array<i64: 2, 1000, 64>}]} {
    %get3A = arith.constant 0 : index
    %get3A_0 = arith.constant 0 : index
    %get3A_1 = vector.load %arg2[%get3A, %get3A_0] : memref<1000x16xf32, #tpu.memory_space<vmem>>, vector<1000x1xf32>
    %get3A_2 = vector.shape_cast %get3A_1 : vector<1000x1xf32> to vector<1000xf32>
    %max3A = arith.constant 1.000000e+00 : f32
    %max3A_3 = vector.broadcast %max3A : f32 to vector<1000xf32>
    %max3A_4 = arith.maximumf %get3A_2, %max3A_3 : vector<1000xf32>
    %div3A = arith.constant 1.000000e+00 : f32
    %div3A_5 = vector.broadcast %div3A : f32 to vector<1000xf32>
    %div3A_6 = arith.divf %div3A_5, %max3A_4 : vector<1000xf32>
    %get3A_7 = arith.constant 0 : index
    %get3A_8 = arith.constant 0 : index
    %get3A_9 = arith.constant 0 : index
    %get3A_10 = vector.load %arg1[%get3A_7, %get3A_8, %get3A_9] : memref<2x1000x64xf32, #tpu.memory_space<vmem>>, vector<1x1000x64xf32>
    %get3A_11 = vector.shape_cast %get3A_10 : vector<1x1000x64xf32> to vector<1000x64xf32>
    %get3A_12 = arith.constant 1 : index
    %get3A_13 = arith.constant 0 : index
    %get3A_14 = arith.constant 0 : index
    %get3A_15 = vector.load %arg1[%get3A_12, %get3A_13, %get3A_14] : memref<2x1000x64xf32, #tpu.memory_space<vmem>>, vector<1x1000x64xf32>
    %get3A_16 = vector.shape_cast %get3A_15 : vector<1x1000x64xf32> to vector<1000x64xf32>
    %concatenate3A = tpu.concatenate %get3A_11, %get3A_16 in 1 : vector<1000x64xf32>, vector<1000x64xf32> -> vector<1000x128xf32>
    %broadcast_in_dim3A = vector.shape_cast %div3A_6 : vector<1000xf32> to vector<1000x1xf32>
    %mul3A = vector.broadcast %broadcast_in_dim3A : vector<1000x1xf32> to vector<1000x128xf32>
    %mul3A_17 = arith.mulf %concatenate3A, %mul3A : vector<1000x128xf32>
    %get3A_18 = arith.constant 0 : index
    %get3A_19 = arith.constant 0 : index
    %get3A_20 = vector.load %arg3[%get3A_18, %get3A_19] : memref<1000x128xf32, #tpu.memory_space<vmem>>, vector<1000x128xf32>
    %get3A_21 = arith.constant 0 : index
    %get3A_22 = arith.constant 0 : index
    %get3A_23 = vector.load %arg4[%get3A_21, %get3A_22] : memref<128x128xf32, #tpu.memory_space<vmem>>, vector<128x128xf32>
    %dot_general3A = arith.constant dense<0.000000e+00> : vector<1000x128xf32>
    %dot_general3A_24 = tpu.matmul %get3A_20, %get3A_23, %dot_general3A {dimension_numbers = #tpu.dot_dimension_numbers<[1], [1], [0], [0], [0, 0, 1, 0], [], []>, transpose_lhs_hint = false} : vector<1000x128xf32>, vector<128x128xf32>, vector<1000x128xf32> -> vector<1000x128xf32>
    %add3A = arith.addf %mul3A_17, %dot_general3A_24 : vector<1000x128xf32>
    %get3A_25 = arith.constant 0 : index
    %get3A_26 = arith.constant 0 : index
    %get3A_27 = vector.load %arg5[%get3A_25, %get3A_26] : memref<1x128xf32, #tpu.memory_space<vmem>>, vector<1x128xf32>
    %add3A_28 = vector.broadcast %get3A_27 : vector<1x128xf32> to vector<1000x128xf32>
    %add3A_29 = arith.addf %add3A, %add3A_28 : vector<1000x128xf32>
    %max3A_30 = arith.constant 0.000000e+00 : f32
    %max3A_31 = vector.broadcast %max3A_30 : f32 to vector<1000x128xf32>
    %max3A_32 = arith.maximumf %add3A_29, %max3A_31 : vector<1000x128xf32>
    %swap3A = arith.constant 0 : index
    %swap3A_33 = arith.constant 0 : index
    %swap3A_34 = vector.load %arg7[%swap3A, %swap3A_33] : memref<1000x128xf32, #tpu.memory_space<vmem>>, vector<1000x128xf32>
    tpu.vector_store %arg7[%swap3A, %swap3A_33], %max3A_32 {strides = array<i32>} : memref<1000x128xf32, #tpu.memory_space<vmem>>, vector<1000x128xf32>,
    %get3A_35 = arith.constant 0 : index
    %get3A_36 = arith.constant 0 : index
    %get3A_37 = vector.load %arg6[%get3A_35, %get3A_36] : memref<128x128xf32, #tpu.memory_space<vmem>>, vector<128x128xf32>
    %dot_general3A_38 = arith.constant dense<0.000000e+00> : vector<1000x128xf32>
    %dot_general3A_39 = tpu.matmul %max3A_32, %get3A_37, %dot_general3A_38 {dimension_numbers = #tpu.dot_dimension_numbers<[1], [1], [0], [0], [0, 0, 1, 0], [], []>, transpose_lhs_hint = false} : vector<1000x128xf32>, vector<128x128xf32>, vector<1000x128xf32> -> vector<1000x128xf32>
    %slice3A = vector.extract_strided_slice %dot_general3A_39 {offsets = [0, 0], sizes = [1000, 64], strides = [1, 1]} : vector<1000x128xf32> to vector<1000x64xf32>
    %swap3A_40 = arith.constant 0 : index
    %swap3A_41 = arith.constant 0 : index
    %swap3A_42 = arith.constant 0 : index
    %swap3A_43 = vector.load %arg8[%swap3A_40, %swap3A_41, %swap3A_42] : memref<2x1000x64xf32, #tpu.memory_space<vmem>>, vector<1x1000x64xf32>
    %swap3A_44 = vector.shape_cast %swap3A_43 : vector<1x1000x64xf32> to vector<1000x64xf32>
    %swap3A_45 = vector.shape_cast %slice3A : vector<1000x64xf32> to vector<1x1000x64xf32>
    tpu.vector_store %arg8[%swap3A_40, %swap3A_41, %swap3A_42], %swap3A_45 {strides = array<i32>} : memref<2x1000x64xf32, #tpu.memory_space<vmem>>, vector<1x1000x64xf32>,
    %slice3A_46 = vector.extract_strided_slice %dot_general3A_39 {offsets = [0, 64], sizes = [1000, 64], strides = [1, 1]} : vector<1000x128xf32> to vector<1000x64xf32>
    %swap3A_47 = arith.constant 1 : index
    %swap3A_48 = arith.constant 0 : index
    %swap3A_49 = arith.constant 0 : index
    %swap3A_50 = vector.load %arg8[%swap3A_47, %swap3A_48, %swap3A_49] : memref<2x1000x64xf32, #tpu.memory_space<vmem>>, vector<1x1000x64xf32>
    %swap3A_51 = vector.shape_cast %swap3A_50 : vector<1x1000x64xf32> to vector<1000x64xf32>
    %swap3A_52 = vector.shape_cast %slice3A_46 : vector<1000x64xf32> to vector<1x1000x64xf32>
    tpu.vector_store %arg8[%swap3A_47, %swap3A_48, %swap3A_49], %swap3A_52 {strides = array<i32>} : memref<2x1000x64xf32, #tpu.memory_space<vmem>>, vector<1x1000x64xf32>,
    return
  }
  func.func @transform_0(%arg0: i32) -> (i32, i32, i32) {
    %c0_i32 = arith.constant 0 : i32
    %c0_i32_0 = arith.constant 0 : i32
    %c0_i32_1 = arith.constant 0 : i32
    return %c0_i32, %arg0, %c0_i32_0 : i32, i32, i32
  }
  func.func @transform_1(%arg0: i32) -> (i32, i32) {
    %c0_i32 = arith.constant 0 : i32
    %c0_i32_0 = arith.constant 0 : i32
    return %arg0, %c0_i32 : i32, i32
  }
  func.func @transform_2(%arg0: i32) -> (i32, i32) {
    %c0_i32 = arith.constant 0 : i32
    %c0_i32_0 = arith.constant 0 : i32
    return %arg0, %c0_i32 : i32, i32
  }
  func.func @transform_3(%arg0: i32) -> (i32, i32) {
    %c0_i32 = arith.constant 0 : i32
    %c0_i32_0 = arith.constant 0 : i32
    %c0_i32_1 = arith.constant 0 : i32
    return %c0_i32, %c0_i32_0 : i32, i32
  }
  func.func @transform_4(%arg0: i32) -> (i32, i32) {
    %c0_i32 = arith.constant 0 : i32
    %c0_i32_0 = arith.constant 0 : i32
    %c0_i32_1 = arith.constant 0 : i32
    return %c0_i32, %c0_i32_0 : i32, i32
  }
  func.func @transform_5(%arg0: i32) -> (i32, i32) {
    %c0_i32 = arith.constant 0 : i32
    %c0_i32_0 = arith.constant 0 : i32
    %c0_i32_1 = arith.constant 0 : i32
    return %c0_i32, %c0_i32_0 : i32, i32
  }
  func.func @transform_6(%arg0: i32) -> (i32, i32) {
    %c0_i32 = arith.constant 0 : i32
    %c0_i32_0 = arith.constant 0 : i32
    return %arg0, %c0_i32 : i32, i32
  }
  func.func @transform_7(%arg0: i32) -> (i32, i32, i32) {
    %c0_i32 = arith.constant 0 : i32
    %c0_i32_0 = arith.constant 0 : i32
    %c0_i32_1 = arith.constant 0 : i32
    return %c0_i32, %arg0, %c0_i32_0 : i32, i32, i32
  }
}

module attributes {stable_mosaic.version = 14 : i64} {
  func.func @body(%arg0: i32, %arg1: memref<2x1000x64xf32, #tpu.memory_space<vmem>>, %arg2: memref<1000x16xf32, #tpu.memory_space<vmem>>, %arg3: memref<1000x128xf32, #tpu.memory_space<vmem>>, %arg4: memref<128x128xf32, #tpu.memory_space<vmem>>, %arg5: memref<1x128xf32, #tpu.memory_space<vmem>>, %arg6: memref<1000x128xf32, #tpu.memory_space<vmem>>) attributes {dimension_semantics = [#tpu.dimension_semantics<arbitrary>], iteration_bounds = array<i64: 10>, scalar_prefetch = 0 : i64, scratch_operands = 0 : i64, tpu.core_type = #tpu.core_type<tc>, window_params = [{transform_indices = @transform_0, window_bounds = array<i64: 2, 1000, 64>}, {transform_indices = @transform_1, window_bounds = array<i64: 1000, 16>}, {transform_indices = @transform_2, window_bounds = array<i64: 1000, 128>}, {pipeline_mode = #tpu.pipeline_mode<synchronous>, transform_indices = @transform_3, window_bounds = array<i64: 128, 128>}, {pipeline_mode = #tpu.pipeline_mode<synchronous>, transform_indices = @transform_4, window_bounds = array<i64: 1, 128>}, {transform_indices = @transform_5, window_bounds = array<i64: 1000, 128>}]} {
    %get3A = arith.constant 0 : index
    %get3A_0 = arith.constant 0 : index
    %get3A_1 = vector.load %arg2[%get3A, %get3A_0] : memref<1000x16xf32, #tpu.memory_space<vmem>>, vector<1000x1xf32>
    %get3A_2 = vector.shape_cast %get3A_1 : vector<1000x1xf32> to vector<1000xf32>
    %max3A = arith.constant 1.000000e+00 : f32
    %max3A_3 = vector.broadcast %max3A : f32 to vector<1000xf32>
    %max3A_4 = arith.maximumf %get3A_2, %max3A_3 : vector<1000xf32>
    %div3A = arith.constant 1.000000e+00 : f32
    %div3A_5 = vector.broadcast %div3A : f32 to vector<1000xf32>
    %div3A_6 = arith.divf %div3A_5, %max3A_4 : vector<1000xf32>
    %get3A_7 = arith.constant 0 : index
    %get3A_8 = arith.constant 0 : index
    %get3A_9 = arith.constant 0 : index
    %get3A_10 = vector.load %arg1[%get3A_7, %get3A_8, %get3A_9] : memref<2x1000x64xf32, #tpu.memory_space<vmem>>, vector<1x1000x64xf32>
    %get3A_11 = vector.shape_cast %get3A_10 : vector<1x1000x64xf32> to vector<1000x64xf32>
    %get3A_12 = arith.constant 1 : index
    %get3A_13 = arith.constant 0 : index
    %get3A_14 = arith.constant 0 : index
    %get3A_15 = vector.load %arg1[%get3A_12, %get3A_13, %get3A_14] : memref<2x1000x64xf32, #tpu.memory_space<vmem>>, vector<1x1000x64xf32>
    %get3A_16 = vector.shape_cast %get3A_15 : vector<1x1000x64xf32> to vector<1000x64xf32>
    %concatenate3A = tpu.concatenate %get3A_11, %get3A_16 in 1 : vector<1000x64xf32>, vector<1000x64xf32> -> vector<1000x128xf32>
    %broadcast_in_dim3A = vector.shape_cast %div3A_6 : vector<1000xf32> to vector<1000x1xf32>
    %mul3A = vector.broadcast %broadcast_in_dim3A : vector<1000x1xf32> to vector<1000x128xf32>
    %mul3A_17 = arith.mulf %concatenate3A, %mul3A : vector<1000x128xf32>
    %get3A_18 = arith.constant 0 : index
    %get3A_19 = arith.constant 0 : index
    %get3A_20 = vector.load %arg3[%get3A_18, %get3A_19] : memref<1000x128xf32, #tpu.memory_space<vmem>>, vector<1000x128xf32>
    %get3A_21 = arith.constant 0 : index
    %get3A_22 = arith.constant 0 : index
    %get3A_23 = vector.load %arg4[%get3A_21, %get3A_22] : memref<128x128xf32, #tpu.memory_space<vmem>>, vector<128x128xf32>
    %dot_general3A = arith.constant dense<0.000000e+00> : vector<1000x128xf32>
    %dot_general3A_24 = tpu.matmul %get3A_20, %get3A_23, %dot_general3A {dimension_numbers = #tpu.dot_dimension_numbers<[1], [1], [0], [0], [0, 0, 1, 0], [], []>, transpose_lhs_hint = false} : vector<1000x128xf32>, vector<128x128xf32>, vector<1000x128xf32> -> vector<1000x128xf32>
    %add3A = arith.addf %mul3A_17, %dot_general3A_24 : vector<1000x128xf32>
    %get3A_25 = arith.constant 0 : index
    %get3A_26 = arith.constant 0 : index
    %get3A_27 = vector.load %arg5[%get3A_25, %get3A_26] : memref<1x128xf32, #tpu.memory_space<vmem>>, vector<1x128xf32>
    %add3A_28 = vector.broadcast %get3A_27 : vector<1x128xf32> to vector<1000x128xf32>
    %add3A_29 = arith.addf %add3A, %add3A_28 : vector<1000x128xf32>
    %swap3A = arith.constant 0 : index
    %swap3A_30 = arith.constant 0 : index
    %swap3A_31 = vector.load %arg6[%swap3A, %swap3A_30] : memref<1000x128xf32, #tpu.memory_space<vmem>>, vector<1000x128xf32>
    tpu.vector_store %arg6[%swap3A, %swap3A_30], %add3A_29 {strides = array<i32>} : memref<1000x128xf32, #tpu.memory_space<vmem>>, vector<1000x128xf32>,
    return
  }
  func.func @transform_0(%arg0: i32) -> (i32, i32, i32) {
    %c0_i32 = arith.constant 0 : i32
    %c0_i32_0 = arith.constant 0 : i32
    %c0_i32_1 = arith.constant 0 : i32
    return %c0_i32, %arg0, %c0_i32_0 : i32, i32, i32
  }
  func.func @transform_1(%arg0: i32) -> (i32, i32) {
    %c0_i32 = arith.constant 0 : i32
    %c0_i32_0 = arith.constant 0 : i32
    return %arg0, %c0_i32 : i32, i32
  }
  func.func @transform_2(%arg0: i32) -> (i32, i32) {
    %c0_i32 = arith.constant 0 : i32
    %c0_i32_0 = arith.constant 0 : i32
    return %arg0, %c0_i32 : i32, i32
  }
  func.func @transform_3(%arg0: i32) -> (i32, i32) {
    %c0_i32 = arith.constant 0 : i32
    %c0_i32_0 = arith.constant 0 : i32
    %c0_i32_1 = arith.constant 0 : i32
    return %c0_i32, %c0_i32_0 : i32, i32
  }
  func.func @transform_4(%arg0: i32) -> (i32, i32) {
    %c0_i32 = arith.constant 0 : i32
    %c0_i32_0 = arith.constant 0 : i32
    %c0_i32_1 = arith.constant 0 : i32
    return %c0_i32, %c0_i32_0 : i32, i32
  }
  func.func @transform_5(%arg0: i32) -> (i32, i32) {
    %c0_i32 = arith.constant 0 : i32
    %c0_i32_0 = arith.constant 0 : i32
    return %arg0, %c0_i32 : i32, i32
  }
}

</mosaic_0001>

<sc_bundles>
// kernel: kernel.12.cloned.1.call-start
scs
__scs_entry_jumppad:
0x0: {  	(pc) =	sbr.rel $0x88, $3  }
0x1: {  	(tag) =	ssettag $0x0;
	lr =	simm.s32 $0x1  }
0x2: {  	[smem:$0x3F94] =	sst lr;
	_ =	strace $0xD0000000  }
0x3: {  	_ = 	snop  }
0x4: {  	_ = 	snop  }
0x5: {  	_ = 	snop  }
0x6: {  	_ = 	snop  }
0x7: {  	_ = 	snop  }
__scs_overlays_trampoline_lowered:
0x8: {  	[smem:$0x3FA3] =	sst s0  }
0x9: {  	[smem:$0x3FA4] =	sst s1  }
0xa: {  	[smem:$0x3FA5] =	sst s2  }
0xb: {  	[smem:$0x3FA6] =	sst s3  }
0xc: {  	[smem:$0x3FA7] =	sst s4  }
0xd: {  	[smem:$0x3FA8] =	sst s5  }
0xe: {  	[smem:$0x3FA9] =	sst s6  }
0xf: {  	[smem:$0x3FAA] =	sst s7  }
0x10: {  	[smem:$0x3FAB] =	sst s8  }
0x11: {  	[smem:$0x3FAC] =	sst s9;
	s0 =	simm.s32 @!p0 $0x0  }
0x12: {  	s1 =	sld [smem:$0x3F92];
	s0 =	simm.s32 @p0 $0x1  }
0x13: {  	[smem:$0x3FAD] =	sst s0;
	s0 =	simm.s32 @!p1 $0x0  }
0x14: {  	s2 =	sld [smem:$0x3F91];
	s0 =	simm.s32 @p1 $0x1  }
0x15: {  	[smem:$0x3FAE] =	sst s0;
	s0 =	simm.s32 @!p2 $0x0  }
0x16: {  	s3 =	sld [smem:$0x3FDB];
	s0 =	simm.s32 @p2 $0x1  }
0x17: {  	s4 =	simm.s32 $0x1BF5;
	[smem:$0x3FB0] =	sst s0  }
0x18: {  	s0 =	sld [smem:$0x3F93];
	_ =	swait.ge [sflag:s4], $0x0  }
0x19: {  	s7 =	sld [smem:$0x3F94]  }
0x1a: {  	s8 =	sadd.s32 $0xFFFFE003, lr  }
0x1b: {  	s9 =	sadd.s32 $0xFFFFFEF7, lr;
	s5 =	simm.s32 $0xFFFFFFFF;
	p2 =	slt.u32 s8, $0xFFFFF086  }
0x1c: {  	p1 =	slt.u32 s9, $0xF7A;
	s5 =	simm.s32 @!p2 $0x0  }
0x1d: {  	s5 =	simm.s32 @p1 $0x1;
	p0 =	seq.s32 s7, s2  }
0x1e: {  	s7 =	smul.u32 @!p0 $0xF7A, s2;
	p2 =	seq.s32 @!p0 s5, $0x0  }
0x1f: {  	s9 =	smul.u32 $0xF7A, s1;
	s8 =	simm.s32 @!p0 $0x1BF5;
	p2 =	por !p2, p0  }
0x20: {  	[sflag:s8] =	ssyncset.s32 @!p0 $0xFFFFF086;
	s6 =	sadd.s32 @!p0 s3, s7;
	s7 =	simm.s32 @!p0 $0x108  }
0x21: {  	s3 =	sadd.s32 s3, s9;
	s6 =	sadd.s32 @!p0 $0x88, s6;
	s7 =	simm.s32 @p2 $0x1082  }
0x22: {  	[simem:s7], [sflag:s8] =	dma.local @!p0 [hbm:s6], $0xF7A  }
0x23: {  	s9 =	sor.u32 $0xD0000000, s2;
	s6 =	simm.s32 $0x108;
	_ =	swait.ge @!p0 [sflag:s8], $0x0  }
0x24: {  	s3 =	sadd.s32 $0x88, s3;
	s6 =	simm.s32 @!p1 $0x1082;
	[sflag:s4] =	ssyncset.s32 $0xFFFFF086  }
0x25: {  	[simem:s6], [sflag:s4] =	dma.local [hbm:s3], $0xF7A  }
0x26: {  	[smem:$0x3F94] =	sst s1;
	(tag) =	ssettag s2;
	_ =	strace s9  }
0x27: {  	s1 =	sld [smem:$0x3FA4]  }
0x28: {  	s2 =	sld [smem:$0x3FA5]  }
0x29: {  	s4 =	sld [smem:$0x3FA7]  }
0x2a: {  	p0 =	seq.s32 s5, $0x0;
	s5 =	sld [smem:$0x3FA8]  }
0x2b: {  	s6 =	sld [smem:$0x3FA9]  }
0x2c: {  	s7 =	sld [smem:$0x3FAA]  }
0x2d: {  	s3 =	simm.s32 $0x108;
	s8 =	sld [smem:$0x3FAB]  }
0x2e: {  	s3 =	simm.s32 @!p0 $0x1082;
	s9 =	sld [smem:$0x3FAC]  }
0x2f: {  	lr =	sadd.s32 s0, s3;
	s0 =	sld [smem:$0x3FA3]  }
0x30: {  	s3 =	sld [smem:$0x3FA6]  }
0x31: {  	[smem:$0x3FAF] =	sst s10  }
0x32: {  	s10 =	sld [smem:$0x3FAD];
	_ =	sdelay $0x3  }
0x33: {  	p0 =	seq.s32 s10, $0x1;
	s10 =	sld [smem:$0x3FAF];
	_ =	sdelay $0x3  }
0x34: {  	[smem:$0x3FAF] =	sst s10  }
0x35: {  	s10 =	sld [smem:$0x3FAE];
	_ =	sdelay $0x3  }
0x36: {  	p1 =	seq.s32 s10, $0x1;
	s10 =	sld [smem:$0x3FAF];
	_ =	sdelay $0x3  }
0x37: {  	[smem:$0x3FAF] =	sst s10  }
0x38: {  	s10 =	sld [smem:$0x3FB0]  }
0x39: {  	_ = 	snop;
	(pc) =	sbr.ind lr, $3  }
0x3a: {  	_ = 	snop  }
0x3b: {  	_ = 	snop  }
0x3c: {  	p2 =	seq.s32 s10, $0x1;
	s10 =	sld [smem:$0x3FAF]  }
0x3d: {  	_ =	shalt  }
0x3e: {  	_ =	shalt  }
0x3f: {  	_ =	shalt  }
0x40: {  	_ =	shalt  }
0x41: {  	_ =	shalt  }
0x42: {  	_ =	shalt  }
0x43: {  	_ =	shalt  }
0x44: {  	_ =	shalt  }
0x45: {  	_ =	shalt  }
0x46: {  	_ =	shalt  }
0x47: {  	_ =	shalt  }
0x48: {  	_ =	shalt  }
0x49: {  	_ =	shalt  }
0x4a: {  	_ =	shalt  }
0x4b: {  	_ =	shalt  }
0x4c: {  	_ =	shalt  }
0x4d: {  	_ =	shalt  }
0x4e: {  	_ =	shalt  }
0x4f: {  	_ =	shalt  }
0x50: {  	_ =	shalt  }
0x51: {  	_ =	shalt  }
0x52: {  	_ =	shalt  }
0x53: {  	_ =	shalt  }
0x54: {  	_ =	shalt  }
0x55: {  	_ =	shalt  }
0x56: {  	_ =	shalt  }
0x57: {  	_ =	shalt  }
0x58: {  	_ =	shalt  }
0x59: {  	_ =	shalt  }
0x5a: {  	_ =	shalt  }
0x5b: {  	_ =	shalt  }
0x5c: {  	_ =	shalt  }
0x5d: {  	_ =	shalt  }
0x5e: {  	_ =	shalt  }
0x5f: {  	_ =	shalt  }
0x60: {  	_ =	shalt  }
0x61: {  	_ =	shalt  }
0x62: {  	_ =	shalt  }
0x63: {  	_ =	shalt  }
0x64: {  	_ =	shalt  }
0x65: {  	_ =	shalt  }
0x66: {  	_ =	shalt  }
0x67: {  	_ =	shalt  }
0x68: {  	_ =	shalt  }
0x69: {  	_ =	shalt  }
0x6a: {  	_ =	shalt  }
0x6b: {  	_ =	shalt  }
0x6c: {  	_ =	shalt  }
0x6d: {  	_ =	shalt  }
0x6e: {  	_ =	shalt  }
0x6f: {  	_ =	shalt  }
0x70: {  	_ =	shalt  }
0x71: {  	_ =	shalt  }
0x72: {  	_ =	shalt  }
0x73: {  	_ =	shalt  }
0x74: {  	_ =	shalt  }
0x75: {  	_ =	shalt  }
0x76: {  	_ =	shalt  }
0x77: {  	_ =	shalt  }
0x78: {  	_ =	shalt  }
0x79: {  	_ =	shalt  }
0x7a: {  	_ =	shalt  }
0x7b: {  	_ =	shalt  }
0x7c: {  	_ =	shalt  }
0x7d: {  	_ =	shalt  }
0x7e: {  	_ =	shalt  }
0x7f: {  	_ =	shalt  }
0x80: {  	_ =	shalt  }
0x81: {  	_ =	shalt  }
0x82: {  	_ =	shalt  }
0x83: {  	_ =	shalt  }
0x84: {  	_ =	shalt  }
0x85: {  	_ =	shalt  }
0x86: {  	_ =	shalt  }
0x87: {  	_ =	shalt  }
.Lfunc_end0:
.L_simem_size_0:
called_computation.1_lowered:
.L_overlay_start_0:
0x88: {  	s2 =	sld [smem:$0x3FD9]  }
0x89: {  	s3 =	sld [smem:$0x3FFE];
	_ =	sdelay $0x1  }
0x8a: {  	s1 =	srdreg.scid  }
0x8b: {  	s0 =	sand.u32 $0x1, s1  }
0x8c: {  	s17 =	sshll.u32 s0, $0xA;
	s2 =	sadd.s32 s3, s2  }
0x8d: {  	s2 =	sadd.s32 s2, s17  }
0x8e: {  	[smem:$0x3FBB] =	sst s2  }
0x8f: {  	_ = 	snop  }
0x90: {  	s2 =	sld [smem:$0x3FD0];
	(tm) =	ssettm $0x1  }
0x91: {  	s18 =	sld [smem:$0x3FFB];
	_ =	sdelay $0x3  }
0x92: {  	_ =	strace s18  }
0x93: {  	s3 =	sld [smem:$0x3FFC];
	_ =	sdelay $0x3  }
0x94: {  	_ =	strace s3  }
0x95: {  	s3 =	sld [smem:$0x3FFD];
	_ =	sdelay $0x3  }
0x96: {  	_ =	strace s3  }
0x97: {  	_ =	strace $0x8FFFFFFF  }
0x98: {  	s19 =	sld [smem:$0x3FDB];
	_ =	sdelay $0x1  }
0x99: {  	s4 =	simm.s32 $_scs_section_size  }
0x9a: {  	s5 =	simm.s32 $_size__tile_overlayer_lowered;
	s6 =	simm.s32 $_tile_overlayer_lowered  }
0x9b: {  	s22 =	simm.s32 $0x1BFF;
	s21 =	sshll.u32 s6, $0x1;
	s3 =	sadd.s32 s4, s19  }
0x9c: {  	s7 =	simm.s32 $0x0;
	s20 =	sshll.u32 s5, $0x1;
	s5 =	sadd.s32 s21, s3  }
0x9d: {  	[timem:s7], [sflag:s22] =	dma.local [hbm:s5], s20  }
0x9e: {  	_ =	swait.ge [sflag:s22], s20  }
0x9f: {  	s4 =	ssub.s32 $0x0, s20;
	[sflag:s22] =	ssyncset.done $0x0  }
0xa0: {  	[sflag:s22] =	ssyncadd.s32 s4;
	_ =	sdelay $0x1  }
0xa1: {  	s23 =	simm.s32 $0x1B8B  }
0xa2: {  	_ =	swait.ge [sflag:s23], $0x1  }
0xa3: {  	[sflag:s23] =	ssyncset.done $0x0  }
0xa4: {  	s25 =	simm.s32 $0x1B8E;
	s24 =	sld [smem:$0x3FFE];
	[sflag:s23] =	ssyncadd.s32 $0xFFFFFFFF  }
0xa5: {  	s26 =	simm.s32 $execute0_lowered;
	[smem:$0x3FD2] =	sst s25  }
0xa6: {  	s5 =	sshll.u32 s26, $0x1;
	_ =	strace $0x80000049;
	[dreg:$0x1] =	wrdreg $0xFFFFFFFF  }
0xa7: {  	s28 =	simm.s32 $_size_execute0_lowered;
	s3 =	sadd.s32 s3, s5;
	[dreg:$0x0] =	wrdreg $0x0  }
0xa8: {  	s5 =	sshll.u32 s28, $0x1;
	[dreg:$0x2] =	wrdreg s3  }
0xa9: {  	[dreg:$0x3] =	wrdreg s5  }
0xaa: {  	[dreg:$0x4] =	wrdreg $0xC0  }
0xab: {  	_ =	task [dreg:s7], $0x5FFFF  }
0xac: {  	[dreg:$0x1] =	wrdreg $0xFFFFFFFF  }
0xad: {  	[dreg:$0x0] =	wrdreg $0x60  }
0xae: {  	[dreg:$0x2] =	wrdreg s2  }
0xaf: {  	[dreg:$0x3] =	wrdreg s24  }
0xb0: {  	[dreg:$0x4] =	wrdreg $0x11A800  }
0xb1: {  	[dreg:$0x5] =	wrdreg $0x9  }
0xb2: {  	_ =	task.clear_ibuf [dreg:s7], $0x6FFFF;
	_ =	strace $0x90000049  }
0xb3: {  	s29 =	simm.s32 $0x9;
	_ =	strace $0x8000004B  }
0xb4: {  	_ =	swait.ge [sflag:s29], $0x1  }
0xb5: {  	[sflag:s29] =	ssyncadd.s32 $0xFFFFFFFF  }
0xb6: {  	_ =	strace $0x9000004B  }
0xb7: {  	_ =	sfence  }
0xb8: {  	s30 =	sld [smem:$0x0];
	_ =	sdelay $0x2  }
0xb9: {  	s31 =	sshll.u32 s1, $0xD;
	s1 =	sshrl.u32 s1, $0x2  }
0xba: {  	s3 =	sand.u32 $0x4000, s31;
	s1 =	sadd.s32 s1, s30  }
0xbb: {  	s0 =	sor.u32 s3, s0;
	s1 =	sshll.u32 s1, $0x11  }
0xbc: {  	s0 =	sor.u32 s1, s0  }
0xbd: {  	s0 =	sadd.s32 $0x8F2B, s0  }
0xbe: {  	[sflag:s0] =	ssyncadd.remote.s32 $0x1  }
0xbf: {  	_ =	sfence.sel $0xFFFF  }
0xc0: {  	[dreg:$0x0] =	wrdreg $0xFFFFFFFF;
	(pc) =	sbr.abs _section_cstart, $3  }
0xc1: {  	[dreg:$0x1] =	wrdreg $0xFFFFFFFF  }
0xc2: {  	_ =	task.clear_ibuf [dreg:s7], $0x2FFFF;
	_ =	strace $0x9FFFFFFF  }
0xc3: {  	(tm) =	ssettm $0x7FFFFFFF  }
tec
execute0_lowered:
.L_overlay_start_1:
0x0: {  	(tag) =	ssettag $0x1  }
0x1: {  	s0 =	rddreg [dreg:$0x0];
	s8 =	stileid.u32  }
0x2: {  	s1 =	srdreg.scid;
	s3 =	rddreg [dreg:$0x1]  }
0x3: {  	s2 =	rddreg [dreg:$0x2];
	s6 =	simm.s32 $0x0;
	s18 =	simm.s32 $0x10680  }
0x4: {  	s19 =	simm.s32 $0xA;
	s28 =	simm.s32 $0xD480;
	s4 =	smul.u32 $0xA28, s8  }
0x5: {  	s30 =	simm.s32 $0xED80;
	s31 =	simm.s32 $0x1;
	s7 =	smul.u32 $0xA000, s8  }
0x6: {  	s17 =	simm.s32 $0x4;
	s1 =	sand.u32 $0x1, s1;
	s8 =	smul.u32 $0x28000, s8  }
0x7: {  	s29 =	simm.s32 $0x7;
	[smem:$0x7FF] =	sst s6;
	s5 =	smul.u32 $0xA0000, s1  }
0x8: {  	_ =	strace $0x8000004A;
	s20 =	ssub.s32 $0x2, s1;
	s1 =	smul.u32 $0x13880, s1  }
0x9: {  	s4 =	sadd.s32 s4, s3;
	s21 =	sshrl.u32 s20, $0x1;
	s24 =	sshrl.u32 s8, $0x2  }
0xa: {  	s25 =	sadd.s32 s7, s2;
	s5 =	sadd.s32 s7, s5;
	s22 =	sadd.s32 $0xD200, s4  }
0xb: {  	s4 =	sadd.s32 $0x2E00, s4;
	s6 =	sadd.s32 s0, s1;
	s9 =	sadd.s32 s24, s2  }
0xc: {  	s24 =	simm.s32 $0xBB80;
	s25 =	sshrl.u32 s25, $0x3;
	s1 =	simm.s32 $0x2  }
0xd: {  	s0 =	simm.s32 $0x3;
	s5 =	sshrl.u32 s5, $0x3;
	[dreg:$0x4] =	wrdreg s22  }
0xe: {  	[dreg:$0x5] =	wrdreg s4;
	s10 =	sadd.s32 $0x1400, s9;
	s11 =	sadd.s32 $0x2800, s9  }
0xf: {  	s12 =	sadd.s32 $0x3C00, s9;
	s13 =	sadd.s32 $0x5000, s9;
	s14 =	sadd.s32 $0x6400, s9  }
0x10: {  	s15 =	sadd.s32 $0x7800, s9;
	s16 =	sadd.s32 $0x8C00, s9;
	s22 =	simm.s32 $0xA280  }
0x11: {  	s4 =	simm.s32 $0x0;
	s3 =	sadd.s32 s5, s3;
	s5 =	ssub.s32 s20, s21  }
0x12: {  	s20 =	simm.s32 $0x9;
	s21 =	simm.s32 $0x64;
	s23 =	sadd.s32 $0x17600, s3  }
0x13: {  	s26 =	smax.u32 s5, $0x1;
	s3 =	simm.s32 $0x8;
	[dreg:$0x6] =	wrdreg s23  }
0x14: {  	v0 =	vimm.f32 $0.0e+00;
	[dreg:$0x7] =	wrdreg s26;
	s23 =	simm.s32 $0x5;
	s26 =	simm.s32 $0x6  }
.LBB2_1:
0x15: {  	s5 =	simm.s32 $0x0;
	s7 =	rddreg [dreg:$0x4]  }
0x16: {  	[tilespmem:s5], [sflag:$0x9] =	stream.linear.gather [hbm4b:s7+s5], $0x5140, $0x38;
	[tilespmem:$0x1BA80] =	vst v63  }
0x17: {  	s8 =	simm.s32 $0x5140;
	s7 =	rddreg [dreg:$0x5]  }
0x18: {  	[tilespmem:s8], [sflag:$0x9] =	stream.linear.gather [hbm4b:s7+s5], $0x5140, $0x38;
	[tilespmem:$0x1BA80] =	vst v63  }
0x19: {  	s7 =	simm.s32 $0x100;
	s5 =	simm.s32 $0x0  }
.LBB2_2:
0x1a: {  	p0 =	sne.s32 s7, $0x4F00;
	[tilespmem:s5+$0x106B0] =	vst v0;
	s8 =	smov.u32 s7;
	s7 =	sadd.s32 $0x100, s7  }
.Ltmp0:
0x1b: {  	[tilespmem:s5+$0x106A0] =	vst v0;
	(pc) =	sbr.rel @p0 .LBB2_2-.Ltmp0, $3  }
0x1c: {  	[tilespmem:s5+$0x10680] =	vst v0  }
0x1d: {  	[tilespmem:s5+$0x10690] =	vst v0;
	_ =	sdelay $0x1  }
0x1e: {  	s5 =	sshra.s32 s8, $0x2  }
0x1f: {  	[tilespmem:s5+$0x106B0] =	vst v0  }
0x20: {  	[tilespmem:s5+$0x106A0] =	vst v0  }
0x21: {  	[tilespmem:s5+$0x10680] =	vst v0  }
0x22: {  	[tilespmem:s5+$0x10690] =	vst v0  }
0x23: {  	[spmem:s9] =	stream.linear.scatter [tilespmem:s18], [sflag:$0xA], $0x1400, $0x38;
	[tilespmem:$0x1BA80] =	vst v63  }
0x24: {  	_ =	swait.ge [sflag:s19], $0x1400  }
0x25: {  	[sflag:s19] =	ssyncset.done $0x0  }
0x26: {  	[sflag:s19] =	ssyncadd.s32 $0xFFFFEC00  }
0x27: {  	[spmem:s10] =	stream.linear.scatter [tilespmem:s18], [sflag:$0xA], $0x1400, $0x38;
	[tilespmem:$0x1BA80] =	vst v63  }
0x28: {  	_ =	swait.ge [sflag:s19], $0x1400  }
0x29: {  	[sflag:s19] =	ssyncset.done $0x0  }
0x2a: {  	[sflag:s19] =	ssyncadd.s32 $0xFFFFEC00  }
0x2b: {  	[spmem:s11] =	stream.linear.scatter [tilespmem:s18], [sflag:$0xA], $0x1400, $0x38;
	[tilespmem:$0x1BA80] =	vst v63  }
0x2c: {  	_ =	swait.ge [sflag:s19], $0x1400  }
0x2d: {  	[sflag:s19] =	ssyncset.done $0x0  }
0x2e: {  	[sflag:s19] =	ssyncadd.s32 $0xFFFFEC00  }
0x2f: {  	[spmem:s12] =	stream.linear.scatter [tilespmem:s18], [sflag:$0xA], $0x1400, $0x38;
	[tilespmem:$0x1BA80] =	vst v63  }
0x30: {  	_ =	swait.ge [sflag:s19], $0x1400  }
0x31: {  	[sflag:s19] =	ssyncset.done $0x0  }
0x32: {  	[sflag:s19] =	ssyncadd.s32 $0xFFFFEC00  }
0x33: {  	[spmem:s13] =	stream.linear.scatter [tilespmem:s18], [sflag:$0xA], $0x1400, $0x38;
	[tilespmem:$0x1BA80] =	vst v63  }
0x34: {  	_ =	swait.ge [sflag:s19], $0x1400  }
0x35: {  	[sflag:s19] =	ssyncset.done $0x0  }
0x36: {  	[sflag:s19] =	ssyncadd.s32 $0xFFFFEC00  }
0x37: {  	[spmem:s14] =	stream.linear.scatter [tilespmem:s18], [sflag:$0xA], $0x1400, $0x38;
	[tilespmem:$0x1BA80] =	vst v63  }
0x38: {  	_ =	swait.ge [sflag:s19], $0x1400  }
0x39: {  	[sflag:s19] =	ssyncset.done $0x0  }
0x3a: {  	[sflag:s19] =	ssyncadd.s32 $0xFFFFEC00  }
0x3b: {  	[spmem:s15] =	stream.linear.scatter [tilespmem:s18], [sflag:$0xA], $0x1400, $0x38;
	[tilespmem:$0x1BA80] =	vst v63  }
0x3c: {  	_ =	swait.ge [sflag:s19], $0x1400  }
0x3d: {  	[sflag:s19] =	ssyncset.done $0x0  }
0x3e: {  	[sflag:s19] =	ssyncadd.s32 $0xFFFFEC00  }
0x3f: {  	[spmem:s16] =	stream.linear.scatter [tilespmem:s18], [sflag:$0xA], $0x1400, $0x38;
	[tilespmem:$0x1BA80] =	vst v63  }
0x40: {  	_ =	swait.ge [sflag:s19], $0x1400  }
0x41: {  	[sflag:s19] =	ssyncset.done $0x0  }
0x42: {  	[sflag:s19] =	ssyncadd.s32 $0xFFFFEC00  }
0x43: {  	_ =	swait.ge [sflag:s20], $0x5140  }
0x44: {  	[sflag:s20] =	ssyncset.done $0x0  }
0x45: {  	[sflag:s20] =	ssyncadd.s32 $0xFFFFAEC0  }
0x46: {  	_ =	swait.ge [sflag:s20], $0x5140  }
0x47: {  	[sflag:s20] =	ssyncset.done $0x0  }
0x48: {  	[sflag:s20] =	ssyncadd.s32 $0xFFFFAEC0  }
0x49: {  	s8 =	simm.s32 $0x0;
	[bflag:$0x0] =	sbarrier.arrive $0xFFFF  }
0x4a: {  	[tilespmem:s22], [sflag:$0x1] =	stream.indirect.gather [hbm4b:s6+s21], $0x40, s8, s21, $0xb8;
	[tilespmem:$0x1BA80] =	vst v63  }
0x4b: {  	s7 =	simm.s32 $0x68  }
0x4c: {  	[tilespmem:s24], [sflag:$0x2] =	stream.indirect.gather [hbm4b:s6+s21], $0x40, s7, s21, $0xb8;
	[tilespmem:$0x1BA80] =	vst v63  }
0x4d: {  	s8 =	simm.s32 $0xD0  }
0x4e: {  	[tilespmem:s28], [sflag:$0x3] =	stream.indirect.gather [hbm4b:s6+s21], $0x40, s8, s21, $0xb8;
	[tilespmem:$0x1BA80] =	vst v63  }
0x4f: {  	s7 =	simm.s32 $0x138  }
0x50: {  	[tilespmem:s30], [sflag:$0x4] =	stream.indirect.gather [hbm4b:s6+s21], $0x40, s7, s21, $0xb8;
	[tilespmem:$0x1BA80] =	vst v63  }
0x51: {  	_ =	swait.ge [sflag:s31], $0x1900  }
0x52: {  	[sflag:s31] =	ssyncset.done $0x0  }
0x53: {  	s8 =	simm.s32 $0x5140;
	[sflag:s31] =	ssyncadd.s32 $0xFFFFE700  }
0x54: {  	[spmem:s2] =	stream.indirect.scatter.add.f32 [tilespmem:s22], [sflag:$0x5], $0x40, s8, s21, $0xb8;
	[tilespmem:$0x1BA80] =	vst v63  }
0x55: {  	_ =	swait.ge [sflag:s1], $0x1900  }
0x56: {  	[sflag:s1] =	ssyncset.done $0x0  }
0x57: {  	s7 =	simm.s32 $0x51A8;
	[sflag:s1] =	ssyncadd.s32 $0xFFFFE700  }
0x58: {  	[spmem:s2] =	stream.indirect.scatter.add.f32 [tilespmem:s24], [sflag:$0x6], $0x40, s7, s21, $0xb8;
	[tilespmem:$0x1BA80] =	vst v63  }
0x59: {  	_ =	swait.ge [sflag:s0], $0x1900  }
0x5a: {  	[sflag:s0] =	ssyncset.done $0x0  }
0x5b: {  	s8 =	simm.s32 $0x5210;
	[sflag:s0] =	ssyncadd.s32 $0xFFFFE700  }
0x5c: {  	[spmem:s2] =	stream.indirect.scatter.add.f32 [tilespmem:s28], [sflag:$0x7], $0x40, s8, s21, $0xb8;
	[tilespmem:$0x1BA80] =	vst v63  }
0x5d: {  	_ =	swait.ge [sflag:s17], $0x1900  }
0x5e: {  	[sflag:s17] =	ssyncset.done $0x0  }
0x5f: {  	s7 =	simm.s32 $0x5278;
	[sflag:s17] =	ssyncadd.s32 $0xFFFFE700  }
0x60: {  	[spmem:s2] =	stream.indirect.scatter.add.f32 [tilespmem:s30], [sflag:$0x8], $0x40, s7, s21, $0xb8;
	[tilespmem:$0x1BA80] =	vst v63  }
0x61: {  	_ =	swait.ge [sflag:s23], $0x1900  }
0x62: {  	[sflag:s23] =	ssyncset.done $0x0  }
0x63: {  	s8 =	simm.s32 $0x1A0;
	[sflag:s23] =	ssyncadd.s32 $0xFFFFE700  }
0x64: {  	[tilespmem:s22], [sflag:$0x1] =	stream.indirect.gather [hbm4b:s6+s21], $0x40, s8, s21, $0xb8;
	[tilespmem:$0x1BA80] =	vst v63  }
0x65: {  	_ =	swait.ge [sflag:s26], $0x1900  }
0x66: {  	[sflag:s26] =	ssyncset.done $0x0  }
0x67: {  	s7 =	simm.s32 $0x208;
	[sflag:s26] =	ssyncadd.s32 $0xFFFFE700  }
0x68: {  	[tilespmem:s24], [sflag:$0x2] =	stream.indirect.gather [hbm4b:s6+s21], $0x40, s7, s21, $0xb8;
	[tilespmem:$0x1BA80] =	vst v63  }
0x69: {  	_ =	swait.ge [sflag:s29], $0x1900  }
0x6a: {  	[sflag:s29] =	ssyncset.done $0x0  }
0x6b: {  	s8 =	simm.s32 $0x270;
	[sflag:s29] =	ssyncadd.s32 $0xFFFFE700  }
0x6c: {  	[tilespmem:s28], [sflag:$0x3] =	stream.indirect.gather [hbm4b:s6+s21], $0x40, s8, s21, $0xb8;
	[tilespmem:$0x1BA80] =	vst v63  }
0x6d: {  	_ =	swait.ge [sflag:s3], $0x1900  }
0x6e: {  	[sflag:s3] =	ssyncset.done $0x0  }
0x6f: {  	s5 =	simm.s32 $0x680;
	s7 =	simm.s32 $0x2D8;
	[sflag:s3] =	ssyncadd.s32 $0xFFFFE700  }
.LBB2_4:
0x70: {  	[tilespmem:s30], [sflag:$0x4] =	stream.indirect.gather [hbm4b:s6+s21], $0x40, s7, s21, $0xb8;
	[tilespmem:$0x1BA80] =	vst v63  }
0x71: {  	s7 =	smov.u32 s5  }
0x72: {  	p0 =	sne.s32 s5, $0x13800;
	s5 =	sadd.s32 $0x680, s5;
	_ =	swait.ge [sflag:s31], $0x1900  }
0x73: {  	s7 =	sshra.s32 s7, $0x2;
	[sflag:s31] =	ssyncset.done $0x0  }
0x74: {  	s8 =	sadd.s32 $0x5140, s7;
	[sflag:s31] =	ssyncadd.s32 $0xFFFFE700  }
0x75: {  	[spmem:s2] =	stream.indirect.scatter.add.f32 [tilespmem:s22], [sflag:$0x5], $0x40, s8, s21, $0xb8;
	[tilespmem:$0x1BA80] =	vst v63  }
0x76: {  	_ =	swait.ge [sflag:s1], $0x1900  }
0x77: {  	[sflag:s1] =	ssyncset.done $0x0  }
0x78: {  	s8 =	sadd.s32 $0x51A8, s7;
	[sflag:s1] =	ssyncadd.s32 $0xFFFFE700  }
0x79: {  	[spmem:s2] =	stream.indirect.scatter.add.f32 [tilespmem:s24], [sflag:$0x6], $0x40, s8, s21, $0xb8;
	[tilespmem:$0x1BA80] =	vst v63  }
0x7a: {  	_ =	swait.ge [sflag:s0], $0x1900  }
0x7b: {  	[sflag:s0] =	ssyncset.done $0x0  }
0x7c: {  	s8 =	sadd.s32 $0x5210, s7;
	[sflag:s0] =	ssyncadd.s32 $0xFFFFE700  }
0x7d: {  	[spmem:s2] =	stream.indirect.scatter.add.f32 [tilespmem:s28], [sflag:$0x7], $0x40, s8, s21, $0xb8;
	[tilespmem:$0x1BA80] =	vst v63  }
0x7e: {  	_ =	swait.ge [sflag:s17], $0x1900  }
0x7f: {  	[sflag:s17] =	ssyncset.done $0x0  }
0x80: {  	s8 =	sadd.s32 $0x5278, s7;
	[sflag:s17] =	ssyncadd.s32 $0xFFFFE700  }
0x81: {  	[spmem:s2] =	stream.indirect.scatter.add.f32 [tilespmem:s30], [sflag:$0x8], $0x40, s8, s21, $0xb8;
	[tilespmem:$0x1BA80] =	vst v63  }
0x82: {  	_ =	swait.ge [sflag:s23], $0x1900  }
0x83: {  	[sflag:s23] =	ssyncset.done $0x0  }
0x84: {  	s8 =	sadd.s32 $0x1A0, s7;
	[sflag:s23] =	ssyncadd.s32 $0xFFFFE700  }
0x85: {  	[tilespmem:s22], [sflag:$0x1] =	stream.indirect.gather [hbm4b:s6+s21], $0x40, s8, s21, $0xb8;
	[tilespmem:$0x1BA80] =	vst v63  }
0x86: {  	_ =	swait.ge [sflag:s26], $0x1900  }
0x87: {  	[sflag:s26] =	ssyncset.done $0x0  }
0x88: {  	s8 =	sadd.s32 $0x208, s7;
	[sflag:s26] =	ssyncadd.s32 $0xFFFFE700  }
0x89: {  	[tilespmem:s24], [sflag:$0x2] =	stream.indirect.gather [hbm4b:s6+s21], $0x40, s8, s21, $0xb8;
	[tilespmem:$0x1BA80] =	vst v63  }
0x8a: {  	_ =	swait.ge [sflag:s29], $0x1900  }
0x8b: {  	[sflag:s29] =	ssyncset.done $0x0  }
.Ltmp1:
0x8c: {  	s8 =	sadd.s32 $0x270, s7;
	[sflag:s29] =	ssyncadd.s32 $0xFFFFE700;
	(pc) =	sbr.rel @p0 .LBB2_4-.Ltmp1, $4  }
0x8d: {  	[tilespmem:s28], [sflag:$0x3] =	stream.indirect.gather [hbm4b:s6+s21], $0x40, s8, s21, $0xb8;
	[tilespmem:$0x1BA80] =	vst v63  }
0x8e: {  	_ =	swait.ge [sflag:s3], $0x1900  }
0x8f: {  	[sflag:s3] =	ssyncset.done $0x0  }
0x90: {  	s7 =	sadd.s32 $0x2D8, s7;
	[sflag:s3] =	ssyncadd.s32 $0xFFFFE700  }
0x91: {  	[tilespmem:s30], [sflag:$0x4] =	stream.indirect.gather [hbm4b:s6+s21], $0x40, s7, s21, $0xb8;
	[tilespmem:$0x1BA80] =	vst v63  }
0x92: {  	_ =	swait.ge [sflag:s31], $0x1900  }
0x93: {  	[sflag:s31] =	ssyncset.done $0x0  }
0x94: {  	s5 =	simm.s32 $0xA0E0;
	[sflag:s31] =	ssyncadd.s32 $0xFFFFE700  }
0x95: {  	[spmem:s2] =	stream.indirect.scatter.add.f32 [tilespmem:s22], [sflag:$0x5], $0x40, s5, s21, $0xb8;
	[tilespmem:$0x1BA80] =	vst v63  }
0x96: {  	_ =	swait.ge [sflag:s1], $0x1900  }
0x97: {  	[sflag:s1] =	ssyncset.done $0x0  }
0x98: {  	s8 =	simm.s32 $0xA148;
	[sflag:s1] =	ssyncadd.s32 $0xFFFFE700  }
0x99: {  	[spmem:s2] =	stream.indirect.scatter.add.f32 [tilespmem:s24], [sflag:$0x6], $0x40, s8, s21, $0xb8;
	[tilespmem:$0x1BA80] =	vst v63  }
0x9a: {  	_ =	swait.ge [sflag:s0], $0x1900  }
0x9b: {  	[sflag:s0] =	ssyncset.done $0x0  }
0x9c: {  	s7 =	simm.s32 $0xA1B0;
	[sflag:s0] =	ssyncadd.s32 $0xFFFFE700  }
0x9d: {  	[spmem:s2] =	stream.indirect.scatter.add.f32 [tilespmem:s28], [sflag:$0x7], $0x40, s7, s21, $0xb8;
	[tilespmem:$0x1BA80] =	vst v63  }
0x9e: {  	_ =	swait.ge [sflag:s17], $0x1900  }
0x9f: {  	[sflag:s17] =	ssyncset.done $0x0  }
0xa0: {  	s8 =	simm.s32 $0xA218;
	[sflag:s17] =	ssyncadd.s32 $0xFFFFE700  }
0xa1: {  	[spmem:s2] =	stream.indirect.scatter.add.f32 [tilespmem:s30], [sflag:$0x8], $0x40, s8, s21, $0xb8;
	[tilespmem:$0x1BA80] =	vst v63  }
0xa2: {  	_ =	swait.ge [sflag:s23], $0x1900  }
0xa3: {  	[sflag:s23] =	ssyncset.done $0x0  }
0xa4: {  	[sflag:s23] =	ssyncadd.s32 $0xFFFFE700  }
0xa5: {  	_ =	swait.ge [sflag:s26], $0x1900  }
0xa6: {  	[sflag:s26] =	ssyncset.done $0x0  }
0xa7: {  	[sflag:s26] =	ssyncadd.s32 $0xFFFFE700  }
0xa8: {  	_ =	swait.ge [sflag:s29], $0x1900  }
0xa9: {  	[sflag:s29] =	ssyncset.done $0x0  }
0xaa: {  	[sflag:s29] =	ssyncadd.s32 $0xFFFFE700  }
0xab: {  	_ =	swait.ge [sflag:s3], $0x1900  }
0xac: {  	[sflag:s3] =	ssyncset.done $0x0  }
0xad: {  	s7 =	stileid.u32;
	[sflag:s3] =	ssyncadd.s32 $0xFFFFE700  }
0xae: {  	s5 =	sshll.u32 s7, $0x6;
	[bflag:$0x0] =	sbarrier.arrive $0xFFFF  }
0xaf: {  	s5 =	sor.u32 $0x1C0A, s5;
	s8 =	rddreg [dreg:$0x6]  }
0xb0: {  	[hbm:s8], [sflag:s5] =	dma.local [spmem:s25], $0x1400  }
0xb1: {  	_ =	swait.ge [sflag:s19], $0x1400  }
0xb2: {  	s4 =	sadd.s32 $0x1, s4;
	s8 =	rddreg [dreg:$0x7]  }
0xb3: {  	p0 =	sne.s32 s4, s8  }
.Ltmp2:
0xb4: {  	_ = 	snop;
	(pc) =	sbr.rel @p0 .LBB2_1-.Ltmp2, $3  }
0xb5: {  	_ =	sdelay $0x1  }
0xb6: {  	[sflag:s19] =	ssyncset.done $0x0  }
0xb7: {  	[sflag:s19] =	ssyncadd.s32 $0xFFFFEC00  }
0xb8: {  	_ =	sfence.sel $0x180000  }
0xb9: {  	[bflag:$0x0] =	sbarrier.arrive $0xFFFF  }
0xba: {  	_ =	strace $0x9000004A  }
0xbb: {  	s0 =	stileid.u32;
	[bflag:$0x2] =	sbarrier.arrive $0xFFFF  }
0xbc: {  	p0 =	sne.s32 s0, $0x0;
	s0 =	rddreg [dreg:$0x3]  }
0xbd: {  	s0 =	sadd.s32 @!p0 $0x100000, s0  }
0xbe: {  	[sflag:s0] =	ssyncadd.tile.s32 @!p0 $0x1;
	_ =	shalt  }
.Lfunc_end2:
_tile_overlayer_lowered:
.L_overlay_start_2:
0xbf: {  	(tag) =	ssettag $0x2  }
0xc0: {  	s0 =	rddreg [dreg:$0x0];
	s2 =	stileid.u32  }
0xc1: {  	s1 =	rddreg [dreg:$0x1];
	p0 =	sne.s32 s2, $0x0  }
0xc2: {  	s3 =	rddreg [dreg:$0x2];
	[bflag:$0x3] =	sbarrier.arrive $0xFFFF;
	s2 =	simm.s32 @!p0 $0x1C0A  }
0xc3: {  	[timem:s3], [sflag:s2] =	dma.local @!p0 [hbm:s0], s1  }
0xc4: {  	s0 =	simm.s32 @!p0 $0xA  }
0xc5: {  	_ =	swait.ge @!p0 [sflag:s0], s1  }
0xc6: {  	s1 =	ssub.s32 @!p0 $0x0, s1;
	[sflag:s0] =	ssyncset.done @!p0 $0x0  }
0xc7: {  	[sflag:s0] =	ssyncadd.s32 @!p0 s1  }
0xc8: {  	[bflag:$0x3] =	sbarrier.arrive $0xFFFF  }
0xc9: {  	_ =	shalt  }

// kernel: kernel.15.cloned.1.call-start
scs
__scs_entry_jumppad:
0x0: {  	(pc) =	sbr.rel $0x88, $3  }
0x1: {  	(tag) =	ssettag $0x0;
	lr =	simm.s32 $0x1  }
0x2: {  	[smem:$0x3F94] =	sst lr;
	_ =	strace $0xD0000000  }
0x3: {  	_ = 	snop  }
0x4: {  	_ = 	snop  }
0x5: {  	_ = 	snop  }
0x6: {  	_ = 	snop  }
0x7: {  	_ = 	snop  }
__scs_overlays_trampoline_lowered:
0x8: {  	[smem:$0x3FA3] =	sst s0  }
0x9: {  	[smem:$0x3FA4] =	sst s1  }
0xa: {  	[smem:$0x3FA5] =	sst s2  }
0xb: {  	[smem:$0x3FA6] =	sst s3  }
0xc: {  	[smem:$0x3FA7] =	sst s4  }
0xd: {  	[smem:$0x3FA8] =	sst s5  }
0xe: {  	[smem:$0x3FA9] =	sst s6  }
0xf: {  	[smem:$0x3FAA] =	sst s7  }
0x10: {  	[smem:$0x3FAB] =	sst s8  }
0x11: {  	[smem:$0x3FAC] =	sst s9;
	s0 =	simm.s32 @!p0 $0x0  }
0x12: {  	s1 =	sld [smem:$0x3F92];
	s0 =	simm.s32 @p0 $0x1  }
0x13: {  	[smem:$0x3FAD] =	sst s0;
	s0 =	simm.s32 @!p1 $0x0  }
0x14: {  	s2 =	sld [smem:$0x3F91];
	s0 =	simm.s32 @p1 $0x1  }
0x15: {  	[smem:$0x3FAE] =	sst s0;
	s0 =	simm.s32 @!p2 $0x0  }
0x16: {  	s3 =	sld [smem:$0x3FDB];
	s0 =	simm.s32 @p2 $0x1  }
0x17: {  	s4 =	simm.s32 $0x1BF5;
	[smem:$0x3FB0] =	sst s0  }
0x18: {  	s0 =	sld [smem:$0x3F93];
	_ =	swait.ge [sflag:s4], $0x0  }
0x19: {  	s7 =	sld [smem:$0x3F94]  }
0x1a: {  	s8 =	sadd.s32 $0xFFFFE003, lr  }
0x1b: {  	s9 =	sadd.s32 $0xFFFFFEF7, lr;
	s5 =	simm.s32 $0xFFFFFFFF;
	p2 =	slt.u32 s8, $0xFFFFF086  }
0x1c: {  	p1 =	slt.u32 s9, $0xF7A;
	s5 =	simm.s32 @!p2 $0x0  }
0x1d: {  	s5 =	simm.s32 @p1 $0x1;
	p0 =	seq.s32 s7, s2  }
0x1e: {  	s7 =	smul.u32 @!p0 $0xF7A, s2;
	p2 =	seq.s32 @!p0 s5, $0x0  }
0x1f: {  	s9 =	smul.u32 $0xF7A, s1;
	s8 =	simm.s32 @!p0 $0x1BF5;
	p2 =	por !p2, p0  }
0x20: {  	[sflag:s8] =	ssyncset.s32 @!p0 $0xFFFFF086;
	s6 =	sadd.s32 @!p0 s3, s7;
	s7 =	simm.s32 @!p0 $0x108  }
0x21: {  	s3 =	sadd.s32 s3, s9;
	s6 =	sadd.s32 @!p0 $0x88, s6;
	s7 =	simm.s32 @p2 $0x1082  }
0x22: {  	[simem:s7], [sflag:s8] =	dma.local @!p0 [hbm:s6], $0xF7A  }
0x23: {  	s9 =	sor.u32 $0xD0000000, s2;
	s6 =	simm.s32 $0x108;
	_ =	swait.ge @!p0 [sflag:s8], $0x0  }
0x24: {  	s3 =	sadd.s32 $0x88, s3;
	s6 =	simm.s32 @!p1 $0x1082;
	[sflag:s4] =	ssyncset.s32 $0xFFFFF086  }
0x25: {  	[simem:s6], [sflag:s4] =	dma.local [hbm:s3], $0xF7A  }
0x26: {  	[smem:$0x3F94] =	sst s1;
	(tag) =	ssettag s2;
	_ =	strace s9  }
0x27: {  	s1 =	sld [smem:$0x3FA4]  }
0x28: {  	s2 =	sld [smem:$0x3FA5]  }
0x29: {  	s4 =	sld [smem:$0x3FA7]  }
0x2a: {  	p0 =	seq.s32 s5, $0x0;
	s5 =	sld [smem:$0x3FA8]  }
0x2b: {  	s6 =	sld [smem:$0x3FA9]  }
0x2c: {  	s7 =	sld [smem:$0x3FAA]  }
0x2d: {  	s3 =	simm.s32 $0x108;
	s8 =	sld [smem:$0x3FAB]  }
0x2e: {  	s3 =	simm.s32 @!p0 $0x1082;
	s9 =	sld [smem:$0x3FAC]  }
0x2f: {  	lr =	sadd.s32 s0, s3;
	s0 =	sld [smem:$0x3FA3]  }
0x30: {  	s3 =	sld [smem:$0x3FA6]  }
0x31: {  	[smem:$0x3FAF] =	sst s10  }
0x32: {  	s10 =	sld [smem:$0x3FAD];
	_ =	sdelay $0x3  }
0x33: {  	p0 =	seq.s32 s10, $0x1;
	s10 =	sld [smem:$0x3FAF];
	_ =	sdelay $0x3  }
0x34: {  	[smem:$0x3FAF] =	sst s10  }
0x35: {  	s10 =	sld [smem:$0x3FAE];
	_ =	sdelay $0x3  }
0x36: {  	p1 =	seq.s32 s10, $0x1;
	s10 =	sld [smem:$0x3FAF];
	_ =	sdelay $0x3  }
0x37: {  	[smem:$0x3FAF] =	sst s10  }
0x38: {  	s10 =	sld [smem:$0x3FB0]  }
0x39: {  	_ = 	snop;
	(pc) =	sbr.ind lr, $3  }
0x3a: {  	_ = 	snop  }
0x3b: {  	_ = 	snop  }
0x3c: {  	p2 =	seq.s32 s10, $0x1;
	s10 =	sld [smem:$0x3FAF]  }
0x3d: {  	_ =	shalt  }
0x3e: {  	_ =	shalt  }
0x3f: {  	_ =	shalt  }
0x40: {  	_ =	shalt  }
0x41: {  	_ =	shalt  }
0x42: {  	_ =	shalt  }
0x43: {  	_ =	shalt  }
0x44: {  	_ =	shalt  }
0x45: {  	_ =	shalt  }
0x46: {  	_ =	shalt  }
0x47: {  	_ =	shalt  }
0x48: {  	_ =	shalt  }
0x49: {  	_ =	shalt  }
0x4a: {  	_ =	shalt  }
0x4b: {  	_ =	shalt  }
0x4c: {  	_ =	shalt  }
0x4d: {  	_ =	shalt  }
0x4e: {  	_ =	shalt  }
0x4f: {  	_ =	shalt  }
0x50: {  	_ =	shalt  }
0x51: {  	_ =	shalt  }
0x52: {  	_ =	shalt  }
0x53: {  	_ =	shalt  }
0x54: {  	_ =	shalt  }
0x55: {  	_ =	shalt  }
0x56: {  	_ =	shalt  }
0x57: {  	_ =	shalt  }
0x58: {  	_ =	shalt  }
0x59: {  	_ =	shalt  }
0x5a: {  	_ =	shalt  }
0x5b: {  	_ =	shalt  }
0x5c: {  	_ =	shalt  }
0x5d: {  	_ =	shalt  }
0x5e: {  	_ =	shalt  }
0x5f: {  	_ =	shalt  }
0x60: {  	_ =	shalt  }
0x61: {  	_ =	shalt  }
0x62: {  	_ =	shalt  }
0x63: {  	_ =	shalt  }
0x64: {  	_ =	shalt  }
0x65: {  	_ =	shalt  }
0x66: {  	_ =	shalt  }
0x67: {  	_ =	shalt  }
0x68: {  	_ =	shalt  }
0x69: {  	_ =	shalt  }
0x6a: {  	_ =	shalt  }
0x6b: {  	_ =	shalt  }
0x6c: {  	_ =	shalt  }
0x6d: {  	_ =	shalt  }
0x6e: {  	_ =	shalt  }
0x6f: {  	_ =	shalt  }
0x70: {  	_ =	shalt  }
0x71: {  	_ =	shalt  }
0x72: {  	_ =	shalt  }
0x73: {  	_ =	shalt  }
0x74: {  	_ =	shalt  }
0x75: {  	_ =	shalt  }
0x76: {  	_ =	shalt  }
0x77: {  	_ =	shalt  }
0x78: {  	_ =	shalt  }
0x79: {  	_ =	shalt  }
0x7a: {  	_ =	shalt  }
0x7b: {  	_ =	shalt  }
0x7c: {  	_ =	shalt  }
0x7d: {  	_ =	shalt  }
0x7e: {  	_ =	shalt  }
0x7f: {  	_ =	shalt  }
0x80: {  	_ =	shalt  }
0x81: {  	_ =	shalt  }
0x82: {  	_ =	shalt  }
0x83: {  	_ =	shalt  }
0x84: {  	_ =	shalt  }
0x85: {  	_ =	shalt  }
0x86: {  	_ =	shalt  }
0x87: {  	_ =	shalt  }
.Lfunc_end0:
.L_simem_size_0:
called_computation.2_lowered:
.L_overlay_start_0:
0x88: {  	s2 =	sld [smem:$0x3FD9]  }
0x89: {  	s3 =	sld [smem:$0x3FFE];
	_ =	sdelay $0x1  }
0x8a: {  	s1 =	srdreg.scid  }
0x8b: {  	s0 =	sand.u32 $0x1, s1  }
0x8c: {  	s17 =	sshll.u32 s0, $0xA;
	s2 =	sadd.s32 s3, s2  }
0x8d: {  	s2 =	sadd.s32 s2, s17  }
0x8e: {  	[smem:$0x3FBB] =	sst s2  }
0x8f: {  	_ = 	snop  }
0x90: {  	s2 =	sld [smem:$0x3FD0];
	(tm) =	ssettm $0x1  }
0x91: {  	s18 =	sld [smem:$0x3FFB];
	_ =	sdelay $0x3  }
0x92: {  	_ =	strace s18  }
0x93: {  	s3 =	sld [smem:$0x3FFC];
	_ =	sdelay $0x3  }
0x94: {  	_ =	strace s3  }
0x95: {  	s3 =	sld [smem:$0x3FFD];
	_ =	sdelay $0x3  }
0x96: {  	_ =	strace s3  }
0x97: {  	_ =	strace $0x8FFFFFFF  }
0x98: {  	s19 =	sld [smem:$0x3FDB];
	_ =	sdelay $0x1  }
0x99: {  	s4 =	simm.s32 $_scs_section_size  }
0x9a: {  	s5 =	simm.s32 $_size__tile_overlayer_lowered;
	s6 =	simm.s32 $_tile_overlayer_lowered  }
0x9b: {  	s22 =	simm.s32 $0x1BFF;
	s21 =	sshll.u32 s6, $0x1;
	s3 =	sadd.s32 s4, s19  }
0x9c: {  	s7 =	simm.s32 $0x0;
	s20 =	sshll.u32 s5, $0x1;
	s5 =	sadd.s32 s21, s3  }
0x9d: {  	[timem:s7], [sflag:s22] =	dma.local [hbm:s5], s20  }
0x9e: {  	_ =	swait.ge [sflag:s22], s20  }
0x9f: {  	s4 =	ssub.s32 $0x0, s20;
	[sflag:s22] =	ssyncset.done $0x0  }
0xa0: {  	[sflag:s22] =	ssyncadd.s32 s4;
	_ =	sdelay $0x1  }
0xa1: {  	s23 =	simm.s32 $0x1B8B  }
0xa2: {  	_ =	swait.ge [sflag:s23], $0x1  }
0xa3: {  	[sflag:s23] =	ssyncset.done $0x0  }
0xa4: {  	s25 =	simm.s32 $0x1B8E;
	s24 =	sld [smem:$0x3FFE];
	[sflag:s23] =	ssyncadd.s32 $0xFFFFFFFF  }
0xa5: {  	s26 =	simm.s32 $execute0_lowered;
	[smem:$0x3FD2] =	sst s25  }
0xa6: {  	s5 =	sshll.u32 s26, $0x1;
	_ =	strace $0x8000004C;
	[dreg:$0x1] =	wrdreg $0xFFFFFFFF  }
0xa7: {  	s28 =	simm.s32 $_size_execute0_lowered;
	s3 =	sadd.s32 s3, s5;
	[dreg:$0x0] =	wrdreg $0x0  }
0xa8: {  	s5 =	sshll.u32 s28, $0x1;
	[dreg:$0x2] =	wrdreg s3  }
0xa9: {  	[dreg:$0x3] =	wrdreg s5  }
0xaa: {  	[dreg:$0x4] =	wrdreg $0xC0  }
0xab: {  	_ =	task [dreg:s7], $0x5FFFF  }
0xac: {  	[dreg:$0x1] =	wrdreg $0xFFFFFFFF  }
0xad: {  	[dreg:$0x0] =	wrdreg $0x60  }
0xae: {  	[dreg:$0x2] =	wrdreg s2  }
0xaf: {  	[dreg:$0x3] =	wrdreg s24  }
0xb0: {  	[dreg:$0x4] =	wrdreg $0x11A800  }
0xb1: {  	[dreg:$0x5] =	wrdreg $0x9  }
0xb2: {  	_ =	task.clear_ibuf [dreg:s7], $0x6FFFF;
	_ =	strace $0x9000004C  }
0xb3: {  	s29 =	simm.s32 $0x9;
	_ =	strace $0x8000004E  }
0xb4: {  	_ =	swait.ge [sflag:s29], $0x1  }
0xb5: {  	[sflag:s29] =	ssyncadd.s32 $0xFFFFFFFF  }
0xb6: {  	_ =	strace $0x9000004E  }
0xb7: {  	_ =	sfence  }
0xb8: {  	s30 =	sld [smem:$0x0];
	_ =	sdelay $0x2  }
0xb9: {  	s31 =	sshll.u32 s1, $0xD;
	s1 =	sshrl.u32 s1, $0x2  }
0xba: {  	s3 =	sand.u32 $0x4000, s31;
	s1 =	sadd.s32 s1, s30  }
0xbb: {  	s0 =	sor.u32 s3, s0;
	s1 =	sshll.u32 s1, $0x11  }
0xbc: {  	s0 =	sor.u32 s1, s0  }
0xbd: {  	s0 =	sadd.s32 $0x8F2B, s0  }
0xbe: {  	[sflag:s0] =	ssyncadd.remote.s32 $0x1  }
0xbf: {  	_ =	sfence.sel $0xFFFF  }
0xc0: {  	[dreg:$0x0] =	wrdreg $0xFFFFFFFF;
	(pc) =	sbr.abs _section_cstart, $3  }
0xc1: {  	[dreg:$0x1] =	wrdreg $0xFFFFFFFF  }
0xc2: {  	_ =	task.clear_ibuf [dreg:s7], $0x2FFFF;
	_ =	strace $0x9FFFFFFF  }
0xc3: {  	(tm) =	ssettm $0x7FFFFFFF  }
tec
execute0_lowered:
.L_overlay_start_1:
0x0: {  	(tag) =	ssettag $0x1  }
0x1: {  	s0 =	rddreg [dreg:$0x0];
	s8 =	stileid.u32  }
0x2: {  	s1 =	srdreg.scid;
	s3 =	rddreg [dreg:$0x1]  }
0x3: {  	s2 =	rddreg [dreg:$0x2];
	s6 =	simm.s32 $0x0;
	s18 =	simm.s32 $0x10680  }
0x4: {  	s19 =	simm.s32 $0xA;
	s28 =	simm.s32 $0xD480;
	s4 =	smul.u32 $0xA28, s8  }
0x5: {  	s30 =	simm.s32 $0xED80;
	s31 =	simm.s32 $0x1;
	s7 =	smul.u32 $0xA000, s8  }
0x6: {  	s17 =	simm.s32 $0x4;
	s1 =	sand.u32 $0x1, s1;
	s8 =	smul.u32 $0x28000, s8  }
0x7: {  	s29 =	simm.s32 $0x7;
	[smem:$0x7FF] =	sst s6;
	s5 =	smul.u32 $0xA0000, s1  }
0x8: {  	_ =	strace $0x8000004D;
	s20 =	ssub.s32 $0x2, s1;
	s1 =	smul.u32 $0x13880, s1  }
0x9: {  	s4 =	sadd.s32 s4, s3;
	s21 =	sshrl.u32 s20, $0x1;
	s24 =	sshrl.u32 s8, $0x2  }
0xa: {  	s25 =	sadd.s32 s7, s2;
	s5 =	sadd.s32 s7, s5;
	s22 =	sadd.s32 $0xD200, s4  }
0xb: {  	s4 =	sadd.s32 $0x2E00, s4;
	s6 =	sadd.s32 s0, s1;
	s9 =	sadd.s32 s24, s2  }
0xc: {  	s24 =	simm.s32 $0xBB80;
	s25 =	sshrl.u32 s25, $0x3;
	s1 =	simm.s32 $0x2  }
0xd: {  	s0 =	simm.s32 $0x3;
	s5 =	sshrl.u32 s5, $0x3;
	[dreg:$0x4] =	wrdreg s22  }
0xe: {  	[dreg:$0x5] =	wrdreg s4;
	s10 =	sadd.s32 $0x1400, s9;
	s11 =	sadd.s32 $0x2800, s9  }
0xf: {  	s12 =	sadd.s32 $0x3C00, s9;
	s13 =	sadd.s32 $0x5000, s9;
	s14 =	sadd.s32 $0x6400, s9  }
0x10: {  	s15 =	sadd.s32 $0x7800, s9;
	s16 =	sadd.s32 $0x8C00, s9;
	s22 =	simm.s32 $0xA280  }
0x11: {  	s4 =	simm.s32 $0x0;
	s3 =	sadd.s32 s5, s3;
	s5 =	ssub.s32 s20, s21  }
0x12: {  	s20 =	simm.s32 $0x9;
	s21 =	simm.s32 $0x64;
	s23 =	sadd.s32 $0x17600, s3  }
0x13: {  	s26 =	smax.u32 s5, $0x1;
	s3 =	simm.s32 $0x8;
	[dreg:$0x6] =	wrdreg s23  }
0x14: {  	v0 =	vimm.f32 $0.0e+00;
	[dreg:$0x7] =	wrdreg s26;
	s23 =	simm.s32 $0x5;
	s26 =	simm.s32 $0x6  }
.LBB2_1:
0x15: {  	s5 =	simm.s32 $0x0;
	s7 =	rddreg [dreg:$0x4]  }
0x16: {  	[tilespmem:s5], [sflag:$0x9] =	stream.linear.gather [hbm4b:s7+s5], $0x5140, $0x38;
	[tilespmem:$0x1BA80] =	vst v63  }
0x17: {  	s8 =	simm.s32 $0x5140;
	s7 =	rddreg [dreg:$0x5]  }
0x18: {  	[tilespmem:s8], [sflag:$0x9] =	stream.linear.gather [hbm4b:s7+s5], $0x5140, $0x38;
	[tilespmem:$0x1BA80] =	vst v63  }
0x19: {  	s7 =	simm.s32 $0x100;
	s5 =	simm.s32 $0x0  }
.LBB2_2:
0x1a: {  	p0 =	sne.s32 s7, $0x4F00;
	[tilespmem:s5+$0x106B0] =	vst v0;
	s8 =	smov.u32 s7;
	s7 =	sadd.s32 $0x100, s7  }
.Ltmp0:
0x1b: {  	[tilespmem:s5+$0x106A0] =	vst v0;
	(pc) =	sbr.rel @p0 .LBB2_2-.Ltmp0, $3  }
0x1c: {  	[tilespmem:s5+$0x10680] =	vst v0  }
0x1d: {  	[tilespmem:s5+$0x10690] =	vst v0;
	_ =	sdelay $0x1  }
0x1e: {  	s5 =	sshra.s32 s8, $0x2  }
0x1f: {  	[tilespmem:s5+$0x106B0] =	vst v0  }
0x20: {  	[tilespmem:s5+$0x106A0] =	vst v0  }
0x21: {  	[tilespmem:s5+$0x10680] =	vst v0  }
0x22: {  	[tilespmem:s5+$0x10690] =	vst v0  }
0x23: {  	[spmem:s9] =	stream.linear.scatter [tilespmem:s18], [sflag:$0xA], $0x1400, $0x38;
	[tilespmem:$0x1BA80] =	vst v63  }
0x24: {  	_ =	swait.ge [sflag:s19], $0x1400  }
0x25: {  	[sflag:s19] =	ssyncset.done $0x0  }
0x26: {  	[sflag:s19] =	ssyncadd.s32 $0xFFFFEC00  }
0x27: {  	[spmem:s10] =	stream.linear.scatter [tilespmem:s18], [sflag:$0xA], $0x1400, $0x38;
	[tilespmem:$0x1BA80] =	vst v63  }
0x28: {  	_ =	swait.ge [sflag:s19], $0x1400  }
0x29: {  	[sflag:s19] =	ssyncset.done $0x0  }
0x2a: {  	[sflag:s19] =	ssyncadd.s32 $0xFFFFEC00  }
0x2b: {  	[spmem:s11] =	stream.linear.scatter [tilespmem:s18], [sflag:$0xA], $0x1400, $0x38;
	[tilespmem:$0x1BA80] =	vst v63  }
0x2c: {  	_ =	swait.ge [sflag:s19], $0x1400  }
0x2d: {  	[sflag:s19] =	ssyncset.done $0x0  }
0x2e: {  	[sflag:s19] =	ssyncadd.s32 $0xFFFFEC00  }
0x2f: {  	[spmem:s12] =	stream.linear.scatter [tilespmem:s18], [sflag:$0xA], $0x1400, $0x38;
	[tilespmem:$0x1BA80] =	vst v63  }
0x30: {  	_ =	swait.ge [sflag:s19], $0x1400  }
0x31: {  	[sflag:s19] =	ssyncset.done $0x0  }
0x32: {  	[sflag:s19] =	ssyncadd.s32 $0xFFFFEC00  }
0x33: {  	[spmem:s13] =	stream.linear.scatter [tilespmem:s18], [sflag:$0xA], $0x1400, $0x38;
	[tilespmem:$0x1BA80] =	vst v63  }
0x34: {  	_ =	swait.ge [sflag:s19], $0x1400  }
0x35: {  	[sflag:s19] =	ssyncset.done $0x0  }
0x36: {  	[sflag:s19] =	ssyncadd.s32 $0xFFFFEC00  }
0x37: {  	[spmem:s14] =	stream.linear.scatter [tilespmem:s18], [sflag:$0xA], $0x1400, $0x38;
	[tilespmem:$0x1BA80] =	vst v63  }
0x38: {  	_ =	swait.ge [sflag:s19], $0x1400  }
0x39: {  	[sflag:s19] =	ssyncset.done $0x0  }
0x3a: {  	[sflag:s19] =	ssyncadd.s32 $0xFFFFEC00  }
0x3b: {  	[spmem:s15] =	stream.linear.scatter [tilespmem:s18], [sflag:$0xA], $0x1400, $0x38;
	[tilespmem:$0x1BA80] =	vst v63  }
0x3c: {  	_ =	swait.ge [sflag:s19], $0x1400  }
0x3d: {  	[sflag:s19] =	ssyncset.done $0x0  }
0x3e: {  	[sflag:s19] =	ssyncadd.s32 $0xFFFFEC00  }
0x3f: {  	[spmem:s16] =	stream.linear.scatter [tilespmem:s18], [sflag:$0xA], $0x1400, $0x38;
	[tilespmem:$0x1BA80] =	vst v63  }
0x40: {  	_ =	swait.ge [sflag:s19], $0x1400  }
0x41: {  	[sflag:s19] =	ssyncset.done $0x0  }
0x42: {  	[sflag:s19] =	ssyncadd.s32 $0xFFFFEC00  }
0x43: {  	_ =	swait.ge [sflag:s20], $0x5140  }
0x44: {  	[sflag:s20] =	ssyncset.done $0x0  }
0x45: {  	[sflag:s20] =	ssyncadd.s32 $0xFFFFAEC0  }
0x46: {  	_ =	swait.ge [sflag:s20], $0x5140  }
0x47: {  	[sflag:s20] =	ssyncset.done $0x0  }
0x48: {  	[sflag:s20] =	ssyncadd.s32 $0xFFFFAEC0  }
0x49: {  	s8 =	simm.s32 $0x0;
	[bflag:$0x0] =	sbarrier.arrive $0xFFFF  }
0x4a: {  	[tilespmem:s22], [sflag:$0x1] =	stream.indirect.gather [hbm4b:s6+s21], $0x40, s8, s21, $0xb8;
	[tilespmem:$0x1BA80] =	vst v63  }
0x4b: {  	s7 =	simm.s32 $0x68  }
0x4c: {  	[tilespmem:s24], [sflag:$0x2] =	stream.indirect.gather [hbm4b:s6+s21], $0x40, s7, s21, $0xb8;
	[tilespmem:$0x1BA80] =	vst v63  }
0x4d: {  	s8 =	simm.s32 $0xD0  }
0x4e: {  	[tilespmem:s28], [sflag:$0x3] =	stream.indirect.gather [hbm4b:s6+s21], $0x40, s8, s21, $0xb8;
	[tilespmem:$0x1BA80] =	vst v63  }
0x4f: {  	s7 =	simm.s32 $0x138  }
0x50: {  	[tilespmem:s30], [sflag:$0x4] =	stream.indirect.gather [hbm4b:s6+s21], $0x40, s7, s21, $0xb8;
	[tilespmem:$0x1BA80] =	vst v63  }
0x51: {  	_ =	swait.ge [sflag:s31], $0x1900  }
0x52: {  	[sflag:s31] =	ssyncset.done $0x0  }
0x53: {  	s8 =	simm.s32 $0x5140;
	[sflag:s31] =	ssyncadd.s32 $0xFFFFE700  }
0x54: {  	[spmem:s2] =	stream.indirect.scatter.add.f32 [tilespmem:s22], [sflag:$0x5], $0x40, s8, s21, $0xb8;
	[tilespmem:$0x1BA80] =	vst v63  }
0x55: {  	_ =	swait.ge [sflag:s1], $0x1900  }
0x56: {  	[sflag:s1] =	ssyncset.done $0x0  }
0x57: {  	s7 =	simm.s32 $0x51A8;
	[sflag:s1] =	ssyncadd.s32 $0xFFFFE700  }
0x58: {  	[spmem:s2] =	stream.indirect.scatter.add.f32 [tilespmem:s24], [sflag:$0x6], $0x40, s7, s21, $0xb8;
	[tilespmem:$0x1BA80] =	vst v63  }
0x59: {  	_ =	swait.ge [sflag:s0], $0x1900  }
0x5a: {  	[sflag:s0] =	ssyncset.done $0x0  }
0x5b: {  	s8 =	simm.s32 $0x5210;
	[sflag:s0] =	ssyncadd.s32 $0xFFFFE700  }
0x5c: {  	[spmem:s2] =	stream.indirect.scatter.add.f32 [tilespmem:s28], [sflag:$0x7], $0x40, s8, s21, $0xb8;
	[tilespmem:$0x1BA80] =	vst v63  }
0x5d: {  	_ =	swait.ge [sflag:s17], $0x1900  }
0x5e: {  	[sflag:s17] =	ssyncset.done $0x0  }
0x5f: {  	s7 =	simm.s32 $0x5278;
	[sflag:s17] =	ssyncadd.s32 $0xFFFFE700  }
0x60: {  	[spmem:s2] =	stream.indirect.scatter.add.f32 [tilespmem:s30], [sflag:$0x8], $0x40, s7, s21, $0xb8;
	[tilespmem:$0x1BA80] =	vst v63  }
0x61: {  	_ =	swait.ge [sflag:s23], $0x1900  }
0x62: {  	[sflag:s23] =	ssyncset.done $0x0  }
0x63: {  	s8 =	simm.s32 $0x1A0;
	[sflag:s23] =	ssyncadd.s32 $0xFFFFE700  }
0x64: {  	[tilespmem:s22], [sflag:$0x1] =	stream.indirect.gather [hbm4b:s6+s21], $0x40, s8, s21, $0xb8;
	[tilespmem:$0x1BA80] =	vst v63  }
0x65: {  	_ =	swait.ge [sflag:s26], $0x1900  }
0x66: {  	[sflag:s26] =	ssyncset.done $0x0  }
0x67: {  	s7 =	simm.s32 $0x208;
	[sflag:s26] =	ssyncadd.s32 $0xFFFFE700  }
0x68: {  	[tilespmem:s24], [sflag:$0x2] =	stream.indirect.gather [hbm4b:s6+s21], $0x40, s7, s21, $0xb8;
	[tilespmem:$0x1BA80] =	vst v63  }
0x69: {  	_ =	swait.ge [sflag:s29], $0x1900  }
0x6a: {  	[sflag:s29] =	ssyncset.done $0x0  }
0x6b: {  	s8 =	simm.s32 $0x270;
	[sflag:s29] =	ssyncadd.s32 $0xFFFFE700  }
0x6c: {  	[tilespmem:s28], [sflag:$0x3] =	stream.indirect.gather [hbm4b:s6+s21], $0x40, s8, s21, $0xb8;
	[tilespmem:$0x1BA80] =	vst v63  }
0x6d: {  	_ =	swait.ge [sflag:s3], $0x1900  }
0x6e: {  	[sflag:s3] =	ssyncset.done $0x0  }
0x6f: {  	s5 =	simm.s32 $0x680;
	s7 =	simm.s32 $0x2D8;
	[sflag:s3] =	ssyncadd.s32 $0xFFFFE700  }
.LBB2_4:
0x70: {  	[tilespmem:s30], [sflag:$0x4] =	stream.indirect.gather [hbm4b:s6+s21], $0x40, s7, s21, $0xb8;
	[tilespmem:$0x1BA80] =	vst v63  }
0x71: {  	s7 =	smov.u32 s5  }
0x72: {  	p0 =	sne.s32 s5, $0x13800;
	s5 =	sadd.s32 $0x680, s5;
	_ =	swait.ge [sflag:s31], $0x1900  }
0x73: {  	s7 =	sshra.s32 s7, $0x2;
	[sflag:s31] =	ssyncset.done $0x0  }
0x74: {  	s8 =	sadd.s32 $0x5140, s7;
	[sflag:s31] =	ssyncadd.s32 $0xFFFFE700  }
0x75: {  	[spmem:s2] =	stream.indirect.scatter.add.f32 [tilespmem:s22], [sflag:$0x5], $0x40, s8, s21, $0xb8;
	[tilespmem:$0x1BA80] =	vst v63  }
0x76: {  	_ =	swait.ge [sflag:s1], $0x1900  }
0x77: {  	[sflag:s1] =	ssyncset.done $0x0  }
0x78: {  	s8 =	sadd.s32 $0x51A8, s7;
	[sflag:s1] =	ssyncadd.s32 $0xFFFFE700  }
0x79: {  	[spmem:s2] =	stream.indirect.scatter.add.f32 [tilespmem:s24], [sflag:$0x6], $0x40, s8, s21, $0xb8;
	[tilespmem:$0x1BA80] =	vst v63  }
0x7a: {  	_ =	swait.ge [sflag:s0], $0x1900  }
0x7b: {  	[sflag:s0] =	ssyncset.done $0x0  }
0x7c: {  	s8 =	sadd.s32 $0x5210, s7;
	[sflag:s0] =	ssyncadd.s32 $0xFFFFE700  }
0x7d: {  	[spmem:s2] =	stream.indirect.scatter.add.f32 [tilespmem:s28], [sflag:$0x7], $0x40, s8, s21, $0xb8;
	[tilespmem:$0x1BA80] =	vst v63  }
0x7e: {  	_ =	swait.ge [sflag:s17], $0x1900  }
0x7f: {  	[sflag:s17] =	ssyncset.done $0x0  }
0x80: {  	s8 =	sadd.s32 $0x5278, s7;
	[sflag:s17] =	ssyncadd.s32 $0xFFFFE700  }
0x81: {  	[spmem:s2] =	stream.indirect.scatter.add.f32 [tilespmem:s30], [sflag:$0x8], $0x40, s8, s21, $0xb8;
	[tilespmem:$0x1BA80] =	vst v63  }
0x82: {  	_ =	swait.ge [sflag:s23], $0x1900  }
0x83: {  	[sflag:s23] =	ssyncset.done $0x0  }
0x84: {  	s8 =	sadd.s32 $0x1A0, s7;
	[sflag:s23] =	ssyncadd.s32 $0xFFFFE700  }
0x85: {  	[tilespmem:s22], [sflag:$0x1] =	stream.indirect.gather [hbm4b:s6+s21], $0x40, s8, s21, $0xb8;
	[tilespmem:$0x1BA80] =	vst v63  }
0x86: {  	_ =	swait.ge [sflag:s26], $0x1900  }
0x87: {  	[sflag:s26] =	ssyncset.done $0x0  }
0x88: {  	s8 =	sadd.s32 $0x208, s7;
	[sflag:s26] =	ssyncadd.s32 $0xFFFFE700  }
0x89: {  	[tilespmem:s24], [sflag:$0x2] =	stream.indirect.gather [hbm4b:s6+s21], $0x40, s8, s21, $0xb8;
	[tilespmem:$0x1BA80] =	vst v63  }
0x8a: {  	_ =	swait.ge [sflag:s29], $0x1900  }
0x8b: {  	[sflag:s29] =	ssyncset.done $0x0  }
.Ltmp1:
0x8c: {  	s8 =	sadd.s32 $0x270, s7;
	[sflag:s29] =	ssyncadd.s32 $0xFFFFE700;
	(pc) =	sbr.rel @p0 .LBB2_4-.Ltmp1, $4  }
0x8d: {  	[tilespmem:s28], [sflag:$0x3] =	stream.indirect.gather [hbm4b:s6+s21], $0x40, s8, s21, $0xb8;
	[tilespmem:$0x1BA80] =	vst v63  }
0x8e: {  	_ =	swait.ge [sflag:s3], $0x1900  }
0x8f: {  	[sflag:s3] =	ssyncset.done $0x0  }
0x90: {  	s7 =	sadd.s32 $0x2D8, s7;
	[sflag:s3] =	ssyncadd.s32 $0xFFFFE700  }
0x91: {  	[tilespmem:s30], [sflag:$0x4] =	stream.indirect.gather [hbm4b:s6+s21], $0x40, s7, s21, $0xb8;
	[tilespmem:$0x1BA80] =	vst v63  }
0x92: {  	_ =	swait.ge [sflag:s31], $0x1900  }
0x93: {  	[sflag:s31] =	ssyncset.done $0x0  }
0x94: {  	s5 =	simm.s32 $0xA0E0;
	[sflag:s31] =	ssyncadd.s32 $0xFFFFE700  }
0x95: {  	[spmem:s2] =	stream.indirect.scatter.add.f32 [tilespmem:s22], [sflag:$0x5], $0x40, s5, s21, $0xb8;
	[tilespmem:$0x1BA80] =	vst v63  }
0x96: {  	_ =	swait.ge [sflag:s1], $0x1900  }
0x97: {  	[sflag:s1] =	ssyncset.done $0x0  }
0x98: {  	s8 =	simm.s32 $0xA148;
	[sflag:s1] =	ssyncadd.s32 $0xFFFFE700  }
0x99: {  	[spmem:s2] =	stream.indirect.scatter.add.f32 [tilespmem:s24], [sflag:$0x6], $0x40, s8, s21, $0xb8;
	[tilespmem:$0x1BA80] =	vst v63  }
0x9a: {  	_ =	swait.ge [sflag:s0], $0x1900  }
0x9b: {  	[sflag:s0] =	ssyncset.done $0x0  }
0x9c: {  	s7 =	simm.s32 $0xA1B0;
	[sflag:s0] =	ssyncadd.s32 $0xFFFFE700  }
0x9d: {  	[spmem:s2] =	stream.indirect.scatter.add.f32 [tilespmem:s28], [sflag:$0x7], $0x40, s7, s21, $0xb8;
	[tilespmem:$0x1BA80] =	vst v63  }
0x9e: {  	_ =	swait.ge [sflag:s17], $0x1900  }
0x9f: {  	[sflag:s17] =	ssyncset.done $0x0  }
0xa0: {  	s8 =	simm.s32 $0xA218;
	[sflag:s17] =	ssyncadd.s32 $0xFFFFE700  }
0xa1: {  	[spmem:s2] =	stream.indirect.scatter.add.f32 [tilespmem:s30], [sflag:$0x8], $0x40, s8, s21, $0xb8;
	[tilespmem:$0x1BA80] =	vst v63  }
0xa2: {  	_ =	swait.ge [sflag:s23], $0x1900  }
0xa3: {  	[sflag:s23] =	ssyncset.done $0x0  }
0xa4: {  	[sflag:s23] =	ssyncadd.s32 $0xFFFFE700  }
0xa5: {  	_ =	swait.ge [sflag:s26], $0x1900  }
0xa6: {  	[sflag:s26] =	ssyncset.done $0x0  }
0xa7: {  	[sflag:s26] =	ssyncadd.s32 $0xFFFFE700  }
0xa8: {  	_ =	swait.ge [sflag:s29], $0x1900  }
0xa9: {  	[sflag:s29] =	ssyncset.done $0x0  }
0xaa: {  	[sflag:s29] =	ssyncadd.s32 $0xFFFFE700  }
0xab: {  	_ =	swait.ge [sflag:s3], $0x1900  }
0xac: {  	[sflag:s3] =	ssyncset.done $0x0  }
0xad: {  	s7 =	stileid.u32;
	[sflag:s3] =	ssyncadd.s32 $0xFFFFE700  }
0xae: {  	s5 =	sshll.u32 s7, $0x6;
	[bflag:$0x0] =	sbarrier.arrive $0xFFFF  }
0xaf: {  	s5 =	sor.u32 $0x1C0A, s5;
	s8 =	rddreg [dreg:$0x6]  }
0xb0: {  	[hbm:s8], [sflag:s5] =	dma.local [spmem:s25], $0x1400  }
0xb1: {  	_ =	swait.ge [sflag:s19], $0x1400  }
0xb2: {  	s4 =	sadd.s32 $0x1, s4;
	s8 =	rddreg [dreg:$0x7]  }
0xb3: {  	p0 =	sne.s32 s4, s8  }
.Ltmp2:
0xb4: {  	_ = 	snop;
	(pc) =	sbr.rel @p0 .LBB2_1-.Ltmp2, $3  }
0xb5: {  	_ =	sdelay $0x1  }
0xb6: {  	[sflag:s19] =	ssyncset.done $0x0  }
0xb7: {  	[sflag:s19] =	ssyncadd.s32 $0xFFFFEC00  }
0xb8: {  	_ =	sfence.sel $0x180000  }
0xb9: {  	[bflag:$0x0] =	sbarrier.arrive $0xFFFF  }
0xba: {  	_ =	strace $0x9000004D  }
0xbb: {  	s0 =	stileid.u32;
	[bflag:$0x2] =	sbarrier.arrive $0xFFFF  }
0xbc: {  	p0 =	sne.s32 s0, $0x0;
	s0 =	rddreg [dreg:$0x3]  }
0xbd: {  	s0 =	sadd.s32 @!p0 $0x100000, s0  }
0xbe: {  	[sflag:s0] =	ssyncadd.tile.s32 @!p0 $0x1;
	_ =	shalt  }
.Lfunc_end2:
_tile_overlayer_lowered:
.L_overlay_start_2:
0xbf: {  	(tag) =	ssettag $0x2  }
0xc0: {  	s0 =	rddreg [dreg:$0x0];
	s2 =	stileid.u32  }
0xc1: {  	s1 =	rddreg [dreg:$0x1];
	p0 =	sne.s32 s2, $0x0  }
0xc2: {  	s3 =	rddreg [dreg:$0x2];
	[bflag:$0x3] =	sbarrier.arrive $0xFFFF;
	s2 =	simm.s32 @!p0 $0x1C0A  }
0xc3: {  	[timem:s3], [sflag:s2] =	dma.local @!p0 [hbm:s0], s1  }
0xc4: {  	s0 =	simm.s32 @!p0 $0xA  }
0xc5: {  	_ =	swait.ge @!p0 [sflag:s0], s1  }
0xc6: {  	s1 =	ssub.s32 @!p0 $0x0, s1;
	[sflag:s0] =	ssyncset.done @!p0 $0x0  }
0xc7: {  	[sflag:s0] =	ssyncadd.s32 @!p0 s1  }
0xc8: {  	[bflag:$0x3] =	sbarrier.arrive $0xFFFF  }
0xc9: {  	_ =	shalt  }

// kernel: kernel.9.cloned.1.call-start
scs
__scs_entry_jumppad:
0x0: {  	(pc) =	sbr.rel $0x88, $3  }
0x1: {  	(tag) =	ssettag $0x0;
	lr =	simm.s32 $0x1  }
0x2: {  	[smem:$0x3F94] =	sst lr;
	_ =	strace $0xD0000000  }
0x3: {  	_ = 	snop  }
0x4: {  	_ = 	snop  }
0x5: {  	_ = 	snop  }
0x6: {  	_ = 	snop  }
0x7: {  	_ = 	snop  }
__scs_overlays_trampoline_lowered:
0x8: {  	[smem:$0x3FA3] =	sst s0  }
0x9: {  	[smem:$0x3FA4] =	sst s1  }
0xa: {  	[smem:$0x3FA5] =	sst s2  }
0xb: {  	[smem:$0x3FA6] =	sst s3  }
0xc: {  	[smem:$0x3FA7] =	sst s4  }
0xd: {  	[smem:$0x3FA8] =	sst s5  }
0xe: {  	[smem:$0x3FA9] =	sst s6  }
0xf: {  	[smem:$0x3FAA] =	sst s7  }
0x10: {  	[smem:$0x3FAB] =	sst s8  }
0x11: {  	[smem:$0x3FAC] =	sst s9;
	s0 =	simm.s32 @!p0 $0x0  }
0x12: {  	s1 =	sld [smem:$0x3F92];
	s0 =	simm.s32 @p0 $0x1  }
0x13: {  	[smem:$0x3FAD] =	sst s0;
	s0 =	simm.s32 @!p1 $0x0  }
0x14: {  	s2 =	sld [smem:$0x3F91];
	s0 =	simm.s32 @p1 $0x1  }
0x15: {  	[smem:$0x3FAE] =	sst s0;
	s0 =	simm.s32 @!p2 $0x0  }
0x16: {  	s3 =	sld [smem:$0x3FDB];
	s0 =	simm.s32 @p2 $0x1  }
0x17: {  	s4 =	simm.s32 $0x1BF5;
	[smem:$0x3FB0] =	sst s0  }
0x18: {  	s0 =	sld [smem:$0x3F93];
	_ =	swait.ge [sflag:s4], $0x0  }
0x19: {  	s7 =	sld [smem:$0x3F94]  }
0x1a: {  	s8 =	sadd.s32 $0xFFFFE003, lr  }
0x1b: {  	s9 =	sadd.s32 $0xFFFFFEF7, lr;
	s5 =	simm.s32 $0xFFFFFFFF;
	p2 =	slt.u32 s8, $0xFFFFF086  }
0x1c: {  	p1 =	slt.u32 s9, $0xF7A;
	s5 =	simm.s32 @!p2 $0x0  }
0x1d: {  	s5 =	simm.s32 @p1 $0x1;
	p0 =	seq.s32 s7, s2  }
0x1e: {  	s7 =	smul.u32 @!p0 $0xF7A, s2;
	p2 =	seq.s32 @!p0 s5, $0x0  }
0x1f: {  	s9 =	smul.u32 $0xF7A, s1;
	s8 =	simm.s32 @!p0 $0x1BF5;
	p2 =	por !p2, p0  }
0x20: {  	[sflag:s8] =	ssyncset.s32 @!p0 $0xFFFFF086;
	s6 =	sadd.s32 @!p0 s3, s7;
	s7 =	simm.s32 @!p0 $0x108  }
0x21: {  	s3 =	sadd.s32 s3, s9;
	s6 =	sadd.s32 @!p0 $0x88, s6;
	s7 =	simm.s32 @p2 $0x1082  }
0x22: {  	[simem:s7], [sflag:s8] =	dma.local @!p0 [hbm:s6], $0xF7A  }
0x23: {  	s9 =	sor.u32 $0xD0000000, s2;
	s6 =	simm.s32 $0x108;
	_ =	swait.ge @!p0 [sflag:s8], $0x0  }
0x24: {  	s3 =	sadd.s32 $0x88, s3;
	s6 =	simm.s32 @!p1 $0x1082;
	[sflag:s4] =	ssyncset.s32 $0xFFFFF086  }
0x25: {  	[simem:s6], [sflag:s4] =	dma.local [hbm:s3], $0xF7A  }
0x26: {  	[smem:$0x3F94] =	sst s1;
	(tag) =	ssettag s2;
	_ =	strace s9  }
0x27: {  	s1 =	sld [smem:$0x3FA4]  }
0x28: {  	s2 =	sld [smem:$0x3FA5]  }
0x29: {  	s4 =	sld [smem:$0x3FA7]  }
0x2a: {  	p0 =	seq.s32 s5, $0x0;
	s5 =	sld [smem:$0x3FA8]  }
0x2b: {  	s6 =	sld [smem:$0x3FA9]  }
0x2c: {  	s7 =	sld [smem:$0x3FAA]  }
0x2d: {  	s3 =	simm.s32 $0x108;
	s8 =	sld [smem:$0x3FAB]  }
0x2e: {  	s3 =	simm.s32 @!p0 $0x1082;
	s9 =	sld [smem:$0x3FAC]  }
0x2f: {  	lr =	sadd.s32 s0, s3;
	s0 =	sld [smem:$0x3FA3]  }
0x30: {  	s3 =	sld [smem:$0x3FA6]  }
0x31: {  	[smem:$0x3FAF] =	sst s10  }
0x32: {  	s10 =	sld [smem:$0x3FAD];
	_ =	sdelay $0x3  }
0x33: {  	p0 =	seq.s32 s10, $0x1;
	s10 =	sld [smem:$0x3FAF];
	_ =	sdelay $0x3  }
0x34: {  	[smem:$0x3FAF] =	sst s10  }
0x35: {  	s10 =	sld [smem:$0x3FAE];
	_ =	sdelay $0x3  }
0x36: {  	p1 =	seq.s32 s10, $0x1;
	s10 =	sld [smem:$0x3FAF];
	_ =	sdelay $0x3  }
0x37: {  	[smem:$0x3FAF] =	sst s10  }
0x38: {  	s10 =	sld [smem:$0x3FB0]  }
0x39: {  	_ = 	snop;
	(pc) =	sbr.ind lr, $3  }
0x3a: {  	_ = 	snop  }
0x3b: {  	_ = 	snop  }
0x3c: {  	p2 =	seq.s32 s10, $0x1;
	s10 =	sld [smem:$0x3FAF]  }
0x3d: {  	_ =	shalt  }
0x3e: {  	_ =	shalt  }
0x3f: {  	_ =	shalt  }
0x40: {  	_ =	shalt  }
0x41: {  	_ =	shalt  }
0x42: {  	_ =	shalt  }
0x43: {  	_ =	shalt  }
0x44: {  	_ =	shalt  }
0x45: {  	_ =	shalt  }
0x46: {  	_ =	shalt  }
0x47: {  	_ =	shalt  }
0x48: {  	_ =	shalt  }
0x49: {  	_ =	shalt  }
0x4a: {  	_ =	shalt  }
0x4b: {  	_ =	shalt  }
0x4c: {  	_ =	shalt  }
0x4d: {  	_ =	shalt  }
0x4e: {  	_ =	shalt  }
0x4f: {  	_ =	shalt  }
0x50: {  	_ =	shalt  }
0x51: {  	_ =	shalt  }
0x52: {  	_ =	shalt  }
0x53: {  	_ =	shalt  }
0x54: {  	_ =	shalt  }
0x55: {  	_ =	shalt  }
0x56: {  	_ =	shalt  }
0x57: {  	_ =	shalt  }
0x58: {  	_ =	shalt  }
0x59: {  	_ =	shalt  }
0x5a: {  	_ =	shalt  }
0x5b: {  	_ =	shalt  }
0x5c: {  	_ =	shalt  }
0x5d: {  	_ =	shalt  }
0x5e: {  	_ =	shalt  }
0x5f: {  	_ =	shalt  }
0x60: {  	_ =	shalt  }
0x61: {  	_ =	shalt  }
0x62: {  	_ =	shalt  }
0x63: {  	_ =	shalt  }
0x64: {  	_ =	shalt  }
0x65: {  	_ =	shalt  }
0x66: {  	_ =	shalt  }
0x67: {  	_ =	shalt  }
0x68: {  	_ =	shalt  }
0x69: {  	_ =	shalt  }
0x6a: {  	_ =	shalt  }
0x6b: {  	_ =	shalt  }
0x6c: {  	_ =	shalt  }
0x6d: {  	_ =	shalt  }
0x6e: {  	_ =	shalt  }
0x6f: {  	_ =	shalt  }
0x70: {  	_ =	shalt  }
0x71: {  	_ =	shalt  }
0x72: {  	_ =	shalt  }
0x73: {  	_ =	shalt  }
0x74: {  	_ =	shalt  }
0x75: {  	_ =	shalt  }
0x76: {  	_ =	shalt  }
0x77: {  	_ =	shalt  }
0x78: {  	_ =	shalt  }
0x79: {  	_ =	shalt  }
0x7a: {  	_ =	shalt  }
0x7b: {  	_ =	shalt  }
0x7c: {  	_ =	shalt  }
0x7d: {  	_ =	shalt  }
0x7e: {  	_ =	shalt  }
0x7f: {  	_ =	shalt  }
0x80: {  	_ =	shalt  }
0x81: {  	_ =	shalt  }
0x82: {  	_ =	shalt  }
0x83: {  	_ =	shalt  }
0x84: {  	_ =	shalt  }
0x85: {  	_ =	shalt  }
0x86: {  	_ =	shalt  }
0x87: {  	_ =	shalt  }
.Lfunc_end0:
.L_simem_size_0:
called_computation_lowered:
.L_overlay_start_0:
0x88: {  	s2 =	sld [smem:$0x3FD9]  }
0x89: {  	s3 =	sld [smem:$0x3FFE];
	_ =	sdelay $0x1  }
0x8a: {  	s1 =	srdreg.scid  }
0x8b: {  	s0 =	sand.u32 $0x1, s1  }
0x8c: {  	s17 =	sshll.u32 s0, $0xA;
	s2 =	sadd.s32 s3, s2  }
0x8d: {  	s2 =	sadd.s32 s2, s17  }
0x8e: {  	[smem:$0x3FBB] =	sst s2  }
0x8f: {  	_ = 	snop  }
0x90: {  	s2 =	sld [smem:$0x3FD0];
	(tm) =	ssettm $0x1  }
0x91: {  	s18 =	sld [smem:$0x3FFB];
	_ =	sdelay $0x3  }
0x92: {  	_ =	strace s18  }
0x93: {  	s3 =	sld [smem:$0x3FFC];
	_ =	sdelay $0x3  }
0x94: {  	_ =	strace s3  }
0x95: {  	s3 =	sld [smem:$0x3FFD];
	_ =	sdelay $0x3  }
0x96: {  	_ =	strace s3  }
0x97: {  	_ =	strace $0x8FFFFFFF  }
0x98: {  	s19 =	sld [smem:$0x3FDB];
	_ =	sdelay $0x1  }
0x99: {  	s4 =	simm.s32 $_scs_section_size  }
0x9a: {  	s5 =	simm.s32 $_size__tile_overlayer_lowered;
	s6 =	simm.s32 $_tile_overlayer_lowered  }
0x9b: {  	s22 =	simm.s32 $0x1BFF;
	s21 =	sshll.u32 s6, $0x1;
	s3 =	sadd.s32 s4, s19  }
0x9c: {  	s7 =	simm.s32 $0x0;
	s20 =	sshll.u32 s5, $0x1;
	s5 =	sadd.s32 s21, s3  }
0x9d: {  	[timem:s7], [sflag:s22] =	dma.local [hbm:s5], s20  }
0x9e: {  	_ =	swait.ge [sflag:s22], s20  }
0x9f: {  	s4 =	ssub.s32 $0x0, s20;
	[sflag:s22] =	ssyncset.done $0x0  }
0xa0: {  	[sflag:s22] =	ssyncadd.s32 s4;
	_ =	sdelay $0x1  }
0xa1: {  	s23 =	simm.s32 $0x1B8B  }
0xa2: {  	_ =	swait.ge [sflag:s23], $0x1  }
0xa3: {  	[sflag:s23] =	ssyncset.done $0x0  }
0xa4: {  	s25 =	simm.s32 $0x1B8E;
	s24 =	sld [smem:$0x3FFE];
	[sflag:s23] =	ssyncadd.s32 $0xFFFFFFFF  }
0xa5: {  	s26 =	simm.s32 $execute0_lowered;
	[smem:$0x3FD2] =	sst s25  }
0xa6: {  	s5 =	sshll.u32 s26, $0x1;
	_ =	strace $0x80000046;
	[dreg:$0x1] =	wrdreg $0xFFFFFFFF  }
0xa7: {  	s28 =	simm.s32 $_size_execute0_lowered;
	s3 =	sadd.s32 s3, s5;
	[dreg:$0x0] =	wrdreg $0x0  }
0xa8: {  	s5 =	sshll.u32 s28, $0x1;
	[dreg:$0x2] =	wrdreg s3  }
0xa9: {  	[dreg:$0x3] =	wrdreg s5  }
0xaa: {  	[dreg:$0x4] =	wrdreg $0xC0  }
0xab: {  	_ =	task [dreg:s7], $0x5FFFF  }
0xac: {  	[dreg:$0x1] =	wrdreg $0xFFFFFFFF  }
0xad: {  	[dreg:$0x0] =	wrdreg $0x60  }
0xae: {  	[dreg:$0x2] =	wrdreg s2  }
0xaf: {  	[dreg:$0x3] =	wrdreg s24  }
0xb0: {  	[dreg:$0x4] =	wrdreg $0x125C00  }
0xb1: {  	[dreg:$0x5] =	wrdreg $0x1C5C00  }
0xb2: {  	[dreg:$0x6] =	wrdreg $0x9  }
0xb3: {  	_ =	task.clear_ibuf [dreg:s7], $0x7FFFF;
	_ =	strace $0x90000046  }
0xb4: {  	s29 =	simm.s32 $0x9;
	_ =	strace $0x80000048  }
0xb5: {  	_ =	swait.ge [sflag:s29], $0x1  }
0xb6: {  	[sflag:s29] =	ssyncadd.s32 $0xFFFFFFFF  }
0xb7: {  	_ =	strace $0x90000048  }
0xb8: {  	_ =	sfence  }
0xb9: {  	s30 =	sld [smem:$0x0];
	_ =	sdelay $0x2  }
0xba: {  	s31 =	sshll.u32 s1, $0xD;
	s1 =	sshrl.u32 s1, $0x2  }
0xbb: {  	s3 =	sand.u32 $0x4000, s31;
	s1 =	sadd.s32 s1, s30  }
0xbc: {  	s0 =	sor.u32 s3, s0;
	s1 =	sshll.u32 s1, $0x11  }
0xbd: {  	s0 =	sor.u32 s1, s0  }
0xbe: {  	s0 =	sadd.s32 $0x8F2B, s0  }
0xbf: {  	[sflag:s0] =	ssyncadd.remote.s32 $0x1  }
0xc0: {  	_ =	sfence.sel $0xFFFF  }
0xc1: {  	[dreg:$0x0] =	wrdreg $0xFFFFFFFF;
	(pc) =	sbr.abs _section_cstart, $3  }
0xc2: {  	[dreg:$0x1] =	wrdreg $0xFFFFFFFF  }
0xc3: {  	_ =	task.clear_ibuf [dreg:s7], $0x2FFFF;
	_ =	strace $0x9FFFFFFF  }
0xc4: {  	(tm) =	ssettm $0x7FFFFFFF  }
0xc5: {  	_ =	shalt  }
tec
execute0_lowered:
.L_overlay_start_1:
0x0: {  	(tag) =	ssettag $0x1  }
0x1: {  	s0 =	rddreg [dreg:$0x0];
	s12 =	stileid.u32  }
0x2: {  	s1 =	rddreg [dreg:$0x1];
	s6 =	smul.u32 $0xA000, s12  }
0x3: {  	s20 =	rddreg [dreg:$0x2];
	s23 =	smul.u32 $0xA28, s12  }
0x4: {  	s4 =	srdreg.scid;
	s8 =	smul.u32 $0x2800, s12  }
0x5: {  	s3 =	rddreg [dreg:$0x3];
	s26 =	smul.u32 $0x280, s12  }
0x6: {  	s7 =	simm.s32 $0x0;
	s4 =	sand.u32 $0x1, s4;
	s30 =	smul.u32 $0x28000, s12  }
0x7: {  	s29 =	simm.s32 $0x1;
	[smem:$0x7FF] =	sst s7;
	s5 =	smul.u32 $0xA0000, s4  }
0x8: {  	_ =	strace $0x80000047;
	s9 =	ssub.s32 $0x2, s4;
	s24 =	smul.u32 $0x13880, s4  }
0x9: {  	p0 =	sne.s32 s4, $0x0;
	s7 =	sadd.s32 s23, s1;
	s10 =	sshrl.u32 s8, $0x3  }
0xa: {  	s11 =	sshrl.u32 s9, $0x1;
	s13 =	sadd.s32 $0xF0, s26;
	s15 =	sadd.s32 $0x140, s26  }
0xb: {  	s21 =	sadd.s32 $0x190, s26;
	s23 =	sadd.s32 $0x1E0, s26;
	s5 =	sadd.s32 s6, s5  }
0xc: {  	s9 =	ssub.s32 s9, s11;
	s25 =	sadd.s32 $0xD200, s7;
	s7 =	sadd.s32 $0x2E00, s7  }
0xd: {  	s14 =	sshll.u32 s13, $0x6;
	s16 =	sshll.u32 s13, $0x4;
	s17 =	sshll.u32 s15, $0x6  }
0xe: {  	s19 =	sshll.u32 s15, $0x4;
	s22 =	sshll.u32 s21, $0x6;
	s13 =	simm.s32 $0xA280  }
0xf: {  	s11 =	simm.s32 $0x8;
	s5 =	sshrl.u32 s5, $0x3;
	[dreg:$0x5] =	wrdreg s25  }
0x10: {  	[dreg:$0x6] =	wrdreg s7;
	s7 =	sadd.s32 s0, s24;
	s31 =	smax.u32 s9, $0x1  }
0x11: {  	s0 =	sshrl.u32 s30, $0x2;
	s18 =	sadd.s32 s17, s20;
	[dreg:$0x9] =	wrdreg s31  }
0x12: {  	s9 =	sadd.s32 $0xA0, s26;
	s4 =	sadd.s32 s22, s20;
	[dreg:$0x12] =	wrdreg s18  }
0x13: {  	s5 =	sadd.s32 s5, s1;
	s0 =	sadd.s32 s0, s20;
	[dreg:$0x14] =	wrdreg s4  }
0x14: {  	s1 =	sadd.s32 s10, s1;
	s28 =	sadd.s32 $0x1C600, s5;
	[dreg:$0xa] =	wrdreg s0  }
0x15: {  	s24 =	sshll.u32 s23, $0x6;
	s1 =	sadd.s32 $0x17600, s1;
	[dreg:$0x7] =	wrdreg s28  }
0x16: {  	s5 =	sadd.s32 s6, s20;
	s6 =	sshrl.u32 s6, $0x2;
	[dreg:$0x8] =	wrdreg s1  }
0x17: {  	s1 =	sadd.s32 s8, s3;
	s2 =	sadd.s32 s6, s3;
	s6 =	sor.u32 $0x50, s26  }
0x18: {  	s31 =	sshrl.u32 s5, $0x3;
	[dreg:$0xb] =	wrdreg s2;
	s8 =	sshll.u32 s6, $0x6  }
0x19: {  	s0 =	sshll.u32 s6, $0x4;
	[dreg:$0x1a] =	wrdreg s31;
	s6 =	sadd.s32 s8, s20  }
0x1a: {  	s10 =	sshll.u32 s9, $0x6;
	s0 =	sadd.s32 s0, s3;
	[dreg:$0xc] =	wrdreg s6  }
0x1b: {  	s12 =	sshll.u32 s9, $0x4;
	[dreg:$0xd] =	wrdreg s0;
	s0 =	sadd.s32 s10, s20  }
0x1c: {  	s25 =	sshll.u32 s23, $0x4;
	[dreg:$0xe] =	wrdreg s0;
	s0 =	sadd.s32 s12, s3  }
0x1d: {  	s9 =	simm.s32 $0xD480;
	[dreg:$0xf] =	wrdreg s0;
	s0 =	sadd.s32 s14, s20  }
0x1e: {  	s26 =	sadd.s32 $0x230, s26;
	[dreg:$0x10] =	wrdreg s0;
	s0 =	sadd.s32 s16, s3  }
0x1f: {  	s4 =	sshll.u32 s26, $0x4;
	[dreg:$0x11] =	wrdreg s0;
	s0 =	sadd.s32 s19, s3  }
0x20: {  	s30 =	sadd.s32 s4, s3;
	[dreg:$0x13] =	wrdreg s0;
	s0 =	sshll.u32 s21, $0x4  }
0x21: {  	s18 =	simm.s32 $0xD480;
	[dreg:$0x19] =	wrdreg s30;
	s0 =	sadd.s32 s0, s3  }
0x22: {  	s5 =	simm.s32 $0x0;
	[dreg:$0x15] =	wrdreg s0;
	s0 =	sadd.s32 s24, s20  }
0x23: {  	s28 =	sshll.u32 s26, $0x6;
	[dreg:$0x16] =	wrdreg s0;
	s0 =	sadd.s32 s25, s3  }
0x24: {  	s4 =	simm.s32 $0x64;
	[dreg:$0x17] =	wrdreg s0;
	s0 =	sadd.s32 s28, s20  }
0x25: {  	s6 =	simm.s32 $0xE;
	[dreg:$0x18] =	wrdreg s0;
	s0 =	sshrl.u32 @!p0 s1, $0x3  }
0x26: {  	v0 =	vimm.f32 $0.0e+00;
	v1 =	vimm.f32 $1.000000000e+00;
	s10 =	simm.s32 $0x6;
	s21 =	simm.s32 $0xED80;
	[dreg:$0x1b] =	wrdreg s0  }
.LBB2_1:
0x27: {  	s0 =	simm.s32 $0x0;
	s1 =	rddreg [dreg:$0x5]  }
0x28: {  	[tilespmem:s0], [sflag:$0x9] =	stream.linear.gather [hbm4b:s1+s0], $0x5140, $0x38;
	[tilespmem:$0x1EDC0] =	vst v63  }
0x29: {  	s30 =	rddreg [dreg:$0x6];
	s31 =	simm.s32 $0x5140  }
0x2a: {  	[tilespmem:s31], [sflag:$0x9] =	stream.linear.gather [hbm4b:s30+s0], $0x5140, $0x38;
	[tilespmem:$0x1EDC0] =	vst v63  }
0x2b: {  	[dreg:$0x1c] =	wrdreg s5;
	s1 =	simm.s32 $0x100;
	s0 =	simm.s32 $0x0  }
.LBB2_2:
0x2c: {  	p1 =	sne.s32 s1, $0x4F00;
	[tilespmem:s0+$0x106B0] =	vst v0;
	s8 =	smov.u32 s1;
	s1 =	sadd.s32 $0x100, s1  }
.Ltmp0:
0x2d: {  	[tilespmem:s0+$0x106A0] =	vst v0;
	(pc) =	sbr.rel @p1 .LBB2_2-.Ltmp0, $3  }
0x2e: {  	[tilespmem:s0+$0x10680] =	vst v0  }
0x2f: {  	[tilespmem:s0+$0x10690] =	vst v0;
	_ =	sdelay $0x1  }
0x30: {  	s0 =	sshra.s32 s8, $0x2  }
0x31: {  	[tilespmem:s0+$0x106B0] =	vst v0  }
0x32: {  	[tilespmem:s0+$0x106A0] =	vst v0  }
0x33: {  	[tilespmem:s0+$0x10680] =	vst v0  }
0x34: {  	[tilespmem:s0+$0x10690] =	vst v0;
	s0 =	simm.s32 $0x40;
	s1 =	simm.s32 $0x0  }
.LBB2_4:
0x35: {  	p1 =	sne.s32 s0, $0x18C0;
	[tilespmem:s1+$0x11A80] =	vst v1;
	s1 =	smov.u32 s0;
	s0 =	sadd.s32 $0x40, s0  }
.Ltmp1:
0x36: {  	(pc) =	sbr.rel @p1 .LBB2_4-.Ltmp1, $2  }
0x37: {  	_ =	sdelay $0x2  }
0x38: {  	s1 =	sshra.s32 s1, $0x2  }
0x39: {  	[tilespmem:s1+$0x11A80] =	vst v1;
	s0 =	simm.s32 $0x40;
	s1 =	simm.s32 $0x0;
	s8 =	simm.s32 $0x3  }
.LBB2_6:
0x3a: {  	p1 =	sne.s32 s0, $0x13C0;
	[tilespmem:s1+$0x120C0] =	vst v0;
	s1 =	smov.u32 s0;
	s0 =	sadd.s32 $0x40, s0  }
.Ltmp2:
0x3b: {  	(pc) =	sbr.rel @p1 .LBB2_6-.Ltmp2, $2  }
0x3c: {  	_ =	sdelay $0x2  }
0x3d: {  	s1 =	sshra.s32 s1, $0x2  }
0x3e: {  	[tilespmem:s1+$0x120C0] =	vst v0;
	s0 =	rddreg [dreg:$0xa];
	s1 =	simm.s32 $0x10680  }
0x3f: {  	[spmem:s0] =	stream.linear.scatter [tilespmem:s1], [sflag:$0xE], $0x1400, $0x38;
	[tilespmem:$0x1EDC0] =	vst v63  }
0x40: {  	_ =	swait.ge [sflag:s6], $0x1400  }
0x41: {  	[sflag:s6] =	ssyncset.done $0x0  }
0x42: {  	s5 =	simm.s32 $0x120C0;
	s25 =	rddreg [dreg:$0xb];
	[sflag:s6] =	ssyncadd.s32 $0xFFFFEC00  }
0x43: {  	[spmem:s25] =	stream.linear.scatter [tilespmem:s5], [sflag:$0xE], $0x500, $0x38;
	[tilespmem:$0x1EDC0] =	vst v63  }
0x44: {  	_ =	swait.ge [sflag:s6], $0x500  }
0x45: {  	[sflag:s6] =	ssyncset.done $0x0  }
0x46: {  	s26 =	rddreg [dreg:$0xc];
	[sflag:s6] =	ssyncadd.s32 $0xFFFFFB00  }
0x47: {  	[spmem:s26] =	stream.linear.scatter [tilespmem:s1], [sflag:$0xE], $0x1400, $0x38;
	[tilespmem:$0x1EDC0] =	vst v63  }
0x48: {  	_ =	swait.ge [sflag:s6], $0x1400  }
0x49: {  	[sflag:s6] =	ssyncset.done $0x0  }
0x4a: {  	s2 =	rddreg [dreg:$0xd];
	[sflag:s6] =	ssyncadd.s32 $0xFFFFEC00  }
0x4b: {  	[spmem:s2] =	stream.linear.scatter [tilespmem:s5], [sflag:$0xE], $0x500, $0x38;
	[tilespmem:$0x1EDC0] =	vst v63  }
0x4c: {  	_ =	swait.ge [sflag:s6], $0x500  }
0x4d: {  	[sflag:s6] =	ssyncset.done $0x0  }
0x4e: {  	s12 =	rddreg [dreg:$0xe];
	[sflag:s6] =	ssyncadd.s32 $0xFFFFFB00  }
0x4f: {  	[spmem:s12] =	stream.linear.scatter [tilespmem:s1], [sflag:$0xE], $0x1400, $0x38;
	[tilespmem:$0x1EDC0] =	vst v63  }
0x50: {  	_ =	swait.ge [sflag:s6], $0x1400  }
0x51: {  	[sflag:s6] =	ssyncset.done $0x0  }
0x52: {  	s14 =	rddreg [dreg:$0xf];
	[sflag:s6] =	ssyncadd.s32 $0xFFFFEC00  }
0x53: {  	[spmem:s14] =	stream.linear.scatter [tilespmem:s5], [sflag:$0xE], $0x500, $0x38;
	[tilespmem:$0x1EDC0] =	vst v63  }
0x54: {  	_ =	swait.ge [sflag:s6], $0x500  }
0x55: {  	[sflag:s6] =	ssyncset.done $0x0  }
0x56: {  	s15 =	rddreg [dreg:$0x10];
	[sflag:s6] =	ssyncadd.s32 $0xFFFFFB00  }
0x57: {  	[spmem:s15] =	stream.linear.scatter [tilespmem:s1], [sflag:$0xE], $0x1400, $0x38;
	[tilespmem:$0x1EDC0] =	vst v63  }
0x58: {  	_ =	swait.ge [sflag:s6], $0x1400  }
0x59: {  	[sflag:s6] =	ssyncset.done $0x0  }
0x5a: {  	s16 =	rddreg [dreg:$0x11];
	[sflag:s6] =	ssyncadd.s32 $0xFFFFEC00  }
0x5b: {  	[spmem:s16] =	stream.linear.scatter [tilespmem:s5], [sflag:$0xE], $0x500, $0x38;
	[tilespmem:$0x1EDC0] =	vst v63  }
0x5c: {  	_ =	swait.ge [sflag:s6], $0x500  }
0x5d: {  	[sflag:s6] =	ssyncset.done $0x0  }
0x5e: {  	s17 =	rddreg [dreg:$0x12];
	[sflag:s6] =	ssyncadd.s32 $0xFFFFFB00  }
0x5f: {  	[spmem:s17] =	stream.linear.scatter [tilespmem:s1], [sflag:$0xE], $0x1400, $0x38;
	[tilespmem:$0x1EDC0] =	vst v63  }
0x60: {  	_ =	swait.ge [sflag:s6], $0x1400  }
0x61: {  	[sflag:s6] =	ssyncset.done $0x0  }
0x62: {  	s19 =	rddreg [dreg:$0x13];
	[sflag:s6] =	ssyncadd.s32 $0xFFFFEC00  }
0x63: {  	[spmem:s19] =	stream.linear.scatter [tilespmem:s5], [sflag:$0xE], $0x500, $0x38;
	[tilespmem:$0x1EDC0] =	vst v63  }
0x64: {  	_ =	swait.ge [sflag:s6], $0x500  }
0x65: {  	[sflag:s6] =	ssyncset.done $0x0  }
0x66: {  	s22 =	rddreg [dreg:$0x14];
	[sflag:s6] =	ssyncadd.s32 $0xFFFFFB00  }
0x67: {  	[spmem:s22] =	stream.linear.scatter [tilespmem:s1], [sflag:$0xE], $0x1400, $0x38;
	[tilespmem:$0x1EDC0] =	vst v63  }
0x68: {  	_ =	swait.ge [sflag:s6], $0x1400  }
0x69: {  	[sflag:s6] =	ssyncset.done $0x0  }
0x6a: {  	s23 =	rddreg [dreg:$0x15];
	[sflag:s6] =	ssyncadd.s32 $0xFFFFEC00  }
0x6b: {  	[spmem:s23] =	stream.linear.scatter [tilespmem:s5], [sflag:$0xE], $0x500, $0x38;
	[tilespmem:$0x1EDC0] =	vst v63  }
0x6c: {  	_ =	swait.ge [sflag:s6], $0x500  }
0x6d: {  	[sflag:s6] =	ssyncset.done $0x0  }
0x6e: {  	s24 =	rddreg [dreg:$0x16];
	[sflag:s6] =	ssyncadd.s32 $0xFFFFFB00  }
0x6f: {  	[spmem:s24] =	stream.linear.scatter [tilespmem:s1], [sflag:$0xE], $0x1400, $0x38;
	[tilespmem:$0x1EDC0] =	vst v63  }
0x70: {  	_ =	swait.ge [sflag:s6], $0x1400  }
0x71: {  	[sflag:s6] =	ssyncset.done $0x0  }
0x72: {  	s25 =	rddreg [dreg:$0x17];
	[sflag:s6] =	ssyncadd.s32 $0xFFFFEC00  }
0x73: {  	[spmem:s25] =	stream.linear.scatter [tilespmem:s5], [sflag:$0xE], $0x500, $0x38;
	[tilespmem:$0x1EDC0] =	vst v63  }
0x74: {  	_ =	swait.ge [sflag:s6], $0x500  }
0x75: {  	[sflag:s6] =	ssyncset.done $0x0  }
0x76: {  	s26 =	rddreg [dreg:$0x18];
	[sflag:s6] =	ssyncadd.s32 $0xFFFFFB00  }
0x77: {  	[spmem:s26] =	stream.linear.scatter [tilespmem:s1], [sflag:$0xE], $0x1400, $0x38;
	[tilespmem:$0x1EDC0] =	vst v63  }
0x78: {  	_ =	swait.ge [sflag:s6], $0x1400  }
0x79: {  	[sflag:s6] =	ssyncset.done $0x0  }
0x7a: {  	s2 =	rddreg [dreg:$0x19];
	[sflag:s6] =	ssyncadd.s32 $0xFFFFEC00  }
0x7b: {  	[spmem:s2] =	stream.linear.scatter [tilespmem:s5], [sflag:$0xE], $0x500, $0x38;
	[tilespmem:$0x1EDC0] =	vst v63  }
0x7c: {  	_ =	swait.ge [sflag:s6], $0x500  }
0x7d: {  	[sflag:s6] =	ssyncset.done $0x0  }
0x7e: {  	s5 =	simm.s32 $0x9;
	[sflag:s6] =	ssyncadd.s32 $0xFFFFFB00  }
0x7f: {  	_ =	swait.ge [sflag:s5], $0x5140  }
0x80: {  	[sflag:s5] =	ssyncset.done $0x0  }
0x81: {  	[sflag:s5] =	ssyncadd.s32 $0xFFFFAEC0  }
0x82: {  	_ =	swait.ge [sflag:s5], $0x5140  }
0x83: {  	[sflag:s5] =	ssyncset.done $0x0  }
0x84: {  	[sflag:s5] =	ssyncadd.s32 $0xFFFFAEC0  }
0x85: {  	s6 =	simm.s32 $0x0;
	[bflag:$0x0] =	sbarrier.arrive $0xFFFF  }
0x86: {  	[tilespmem:s13], [sflag:$0x1] =	stream.indirect.gather [hbm4b:s7+s4], $0x40, s6, s4, $0xb8;
	[tilespmem:$0x1EDC0] =	vst v63  }
0x87: {  	s12 =	simm.s32 $0x68;
	s14 =	simm.s32 $0xBB80  }
0x88: {  	[tilespmem:s14], [sflag:$0x2] =	stream.indirect.gather [hbm4b:s7+s4], $0x40, s12, s4, $0xb8;
	[tilespmem:$0x1EDC0] =	vst v63  }
0x89: {  	s15 =	simm.s32 $0xD0  }
0x8a: {  	[tilespmem:s9], [sflag:$0x3] =	stream.indirect.gather [hbm4b:s7+s4], $0x40, s15, s4, $0xb8;
	[tilespmem:$0x1EDC0] =	vst v63  }
0x8b: {  	s16 =	simm.s32 $0x138  }
0x8c: {  	[tilespmem:s21], [sflag:$0x4] =	stream.indirect.gather [hbm4b:s7+s4], $0x40, s16, s4, $0xb8;
	[tilespmem:$0x1EDC0] =	vst v63  }
0x8d: {  	_ =	swait.ge [sflag:s29], $0x1900  }
0x8e: {  	[sflag:s29] =	ssyncset.done $0x0  }
0x8f: {  	s0 =	simm.s32 $0x5140;
	s1 =	simm.s32 @p0 $0x2;
	[sflag:s29] =	ssyncadd.s32 $0xFFFFE700  }
0x90: {  	[spmem:s20] =	stream.indirect.scatter.add.f32 [tilespmem:s13], [sflag:$0x5], $0x40, s0, s4, $0xb8;
	[tilespmem:$0x1EDC0] =	vst v63  }
0x91: {  	_ =	swait.ge @p0 [sflag:s1], $0x1900  }
0x92: {  	s5 =	simm.s32 @p0 $0xBB80;
	[sflag:s1] =	ssyncset.done @p0 $0x0  }
0x93: {  	s12 =	simm.s32 @p0 $0x64;
	[sflag:s1] =	ssyncadd.s32 @p0 $0xFFFFE700;
	s1 =	simm.s32 @p0 $0x51A8  }
0x94: {  	[spmem:s20] =	stream.indirect.scatter.add.f32 @p0 [tilespmem:s5], [sflag:$0x6], $0x40, s1, s12, $0xb8;
	[tilespmem:$0x1EDC0] =	vst v63  }
0x95: {  	s23 =	simm.s32 @!p0 $0x2;
	s14 =	simm.s32 @!p0 $0x64;
	s15 =	simm.s32 @!p0 $0x11A80  }
0x96: {  	[spmem:s3] =	stream.indirect.scatter.add.f32 @!p0 [tilespmem:s15], [sflag:$0xA], $0x10, s0, s14, $0xb8;
	[tilespmem:$0x1EDC0] =	vst v63  }
0x97: {  	_ =	swait.ge @!p0 [sflag:s23], $0x1900  }
0x98: {  	[sflag:s23] =	ssyncset.done @!p0 $0x0  }
0x99: {  	s4 =	simm.s32 @!p0 $0xBB80;
	s0 =	simm.s32 @!p0 $0x51A8;
	[sflag:s23] =	ssyncadd.s32 @!p0 $0xFFFFE700  }
0x9a: {  	[spmem:s20] =	stream.indirect.scatter.add.f32 @!p0 [tilespmem:s4], [sflag:$0x6], $0x40, s0, s14, $0xb8;
	[tilespmem:$0x1EDC0] =	vst v63  }
0x9b: {  	_ = 	snop  }
0x9c: {  	[spmem:s3] =	stream.indirect.scatter.add.f32 @!p0 [tilespmem:s15], [sflag:$0xB], $0x10, s0, s14, $0xb8;
	[tilespmem:$0x1EDC0] =	vst v63  }
0x9d: {  	_ =	swait.ge [sflag:s8], $0x1900  }
0x9e: {  	s25 =	simm.s32 @p0 $0x4;
	[sflag:s8] =	ssyncset.done $0x0  }
0x9f: {  	s2 =	simm.s32 $0x64;
	s0 =	simm.s32 $0x5210;
	[sflag:s8] =	ssyncadd.s32 $0xFFFFE700  }
0xa0: {  	[spmem:s20] =	stream.indirect.scatter.add.f32 [tilespmem:s9], [sflag:$0x7], $0x40, s0, s2, $0xb8;
	[tilespmem:$0x1EDC0] =	vst v63  }
0xa1: {  	_ =	swait.ge @p0 [sflag:s25], $0x1900  }
0xa2: {  	s24 =	simm.s32 @p0 $0x5;
	[sflag:s25] =	ssyncset.done @p0 $0x0  }
0xa3: {  	s6 =	simm.s32 @p0 $0xED80;
	s1 =	simm.s32 @p0 $0x5278;
	[sflag:s25] =	ssyncadd.s32 @p0 $0xFFFFE700  }
0xa4: {  	[spmem:s20] =	stream.indirect.scatter.add.f32 @p0 [tilespmem:s6], [sflag:$0x8], $0x40, s1, s12, $0xb8;
	[tilespmem:$0x1EDC0] =	vst v63  }
0xa5: {  	_ =	swait.ge @p0 [sflag:s24], $0x1900  }
0xa6: {  	[sflag:s24] =	ssyncset.done @p0 $0x0  }
0xa7: {  	s1 =	simm.s32 @!p0 $0x4;
	[sflag:s24] =	ssyncadd.s32 @p0 $0xFFFFE700  }
0xa8: {  	[spmem:s3] =	stream.indirect.scatter.add.f32 @!p0 [tilespmem:s15], [sflag:$0xC], $0x10, s0, s14, $0xb8;
	[tilespmem:$0x1EDC0] =	vst v63  }
0xa9: {  	_ =	swait.ge @!p0 [sflag:s1], $0x1900  }
0xaa: {  	[sflag:s1] =	ssyncset.done @!p0 $0x0  }
0xab: {  	s0 =	simm.s32 @!p0 $0x5278;
	[sflag:s1] =	ssyncadd.s32 @!p0 $0xFFFFE700;
	s1 =	simm.s32 @!p0 $0xED80  }
0xac: {  	[spmem:s20] =	stream.indirect.scatter.add.f32 @!p0 [tilespmem:s1], [sflag:$0x8], $0x40, s0, s14, $0xb8;
	[tilespmem:$0x1EDC0] =	vst v63  }
0xad: {  	s19 =	simm.s32 @!p0 $0x5  }
0xae: {  	[spmem:s3] =	stream.indirect.scatter.add.f32 @!p0 [tilespmem:s15], [sflag:$0xD], $0x10, s0, s14, $0xb8;
	[tilespmem:$0x1EDC0] =	vst v63  }
0xaf: {  	_ =	swait.ge @!p0 [sflag:s19], $0x1900  }
0xb0: {  	[sflag:s19] =	ssyncset.done @!p0 $0x0  }
0xb1: {  	s22 =	simm.s32 @!p0 $0xA;
	[sflag:s19] =	ssyncadd.s32 @!p0 $0xFFFFE700  }
0xb2: {  	_ =	swait.ge @!p0 [sflag:s22], $0x640  }
0xb3: {  	[sflag:s22] =	ssyncset.done @!p0 $0x0  }
0xb4: {  	s17 =	simm.s32 $0x1A0;
	[sflag:s22] =	ssyncadd.s32 @!p0 $0xFFFFF9C0  }
0xb5: {  	[tilespmem:s13], [sflag:$0x1] =	stream.indirect.gather [hbm4b:s7+s2], $0x40, s17, s2, $0xb8;
	[tilespmem:$0x1EDC0] =	vst v63  }
0xb6: {  	_ =	swait.ge [sflag:s10], $0x1900  }
0xb7: {  	[sflag:s10] =	ssyncset.done $0x0  }
0xb8: {  	s0 =	simm.s32 @p0 $0x208;
	s13 =	simm.s32 @p0 $0x7;
	[sflag:s10] =	ssyncadd.s32 $0xFFFFE700  }
0xb9: {  	[tilespmem:s5], [sflag:$0x2] =	stream.indirect.gather @p0 [hbm4b:s7+s12], $0x40, s0, s12, $0xb8;
	[tilespmem:$0x1EDC0] =	vst v63  }
0xba: {  	_ =	swait.ge @p0 [sflag:s13], $0x1900  }
0xbb: {  	[sflag:s13] =	ssyncset.done @p0 $0x0  }
0xbc: {  	s28 =	simm.s32 @!p0 $0xB;
	[sflag:s13] =	ssyncadd.s32 @p0 $0xFFFFE700  }
0xbd: {  	_ =	swait.ge @!p0 [sflag:s28], $0x640  }
0xbe: {  	[sflag:s28] =	ssyncset.done @!p0 $0x0  }
0xbf: {  	s1 =	simm.s32 @!p0 $0x7;
	s0 =	simm.s32 @!p0 $0x208;
	[sflag:s28] =	ssyncadd.s32 @!p0 $0xFFFFF9C0  }
0xc0: {  	[tilespmem:s4], [sflag:$0x2] =	stream.indirect.gather @!p0 [hbm4b:s7+s14], $0x40, s0, s14, $0xb8;
	[tilespmem:$0x1EDC0] =	vst v63  }
0xc1: {  	_ =	swait.ge @!p0 [sflag:s1], $0x1900  }
0xc2: {  	[sflag:s1] =	ssyncset.done @!p0 $0x0  }
0xc3: {  	s31 =	simm.s32 @!p0 $0xC;
	[sflag:s1] =	ssyncadd.s32 @!p0 $0xFFFFE700  }
0xc4: {  	_ =	swait.ge @!p0 [sflag:s31], $0x640  }
0xc5: {  	[sflag:s31] =	ssyncset.done @!p0 $0x0  }
0xc6: {  	s26 =	simm.s32 $0x270;
	s4 =	simm.s32 $0x64;
	[sflag:s31] =	ssyncadd.s32 @!p0 $0xFFFFF9C0  }
0xc7: {  	[tilespmem:s9], [sflag:$0x3] =	stream.indirect.gather [hbm4b:s7+s4], $0x40, s26, s4, $0xb8;
	[tilespmem:$0x1EDC0] =	vst v63  }
0xc8: {  	_ =	swait.ge [sflag:s11], $0x1900  }
0xc9: {  	[sflag:s11] =	ssyncset.done $0x0  }
0xca: {  	s30 =	simm.s32 @!p0 $0xD;
	[sflag:s11] =	ssyncadd.s32 $0xFFFFE700  }
0xcb: {  	s8 =	simm.s32 $0x2D8;
	s10 =	simm.s32 $0x8;
	_ =	swait.ge @!p0 [sflag:s30], $0x640  }
0xcc: {  	s12 =	simm.s32 $0x6;
	s0 =	simm.s32 $0x680;
	[sflag:s30] =	ssyncset.done @!p0 $0x0  }
0xcd: {  	s9 =	simm.s32 $0xA280;
	s11 =	simm.s32 $0x3;
	[sflag:s30] =	ssyncadd.s32 @!p0 $0xFFFFF9C0  }
.LBB2_8:
0xce: {  	[tilespmem:s21], [sflag:$0x4] =	stream.indirect.gather [hbm4b:s7+s4], $0x40, s8, s4, $0xb8;
	[tilespmem:$0x1EDC0] =	vst v63  }
0xcf: {  	s21 =	smov.u32 s0;
	s0 =	sadd.s32 $0x680, s0;
	_ =	swait.ge [sflag:s29], $0x1900  }
0xd0: {  	s8 =	sshra.s32 s21, $0x2;
	p1 =	sne.s32 s0, $0x13E80;
	[sflag:s29] =	ssyncset.done $0x0  }
0xd1: {  	s2 =	simm.s32 @p0 $0x2;
	s5 =	sadd.s32 $0x5140, s8;
	[sflag:s29] =	ssyncadd.s32 $0xFFFFE700  }
0xd2: {  	[spmem:s20] =	stream.indirect.scatter.add.f32 [tilespmem:s9], [sflag:$0x5], $0x40, s5, s4, $0xb8;
	[tilespmem:$0x1EDC0] =	vst v63  }
0xd3: {  	_ =	swait.ge @p0 [sflag:s2], $0x1900  }
0xd4: {  	s26 =	simm.s32 @p0 $0xBB80;
	s29 =	sshra.s32 @p0 s21, $0x2;
	[sflag:s2] =	ssyncset.done @p0 $0x0  }
0xd5: {  	s17 =	simm.s32 @p0 $0x64;
	s6 =	sadd.s32 @p0 $0x51A8, s29;
	[sflag:s2] =	ssyncadd.s32 @p0 $0xFFFFE700  }
0xd6: {  	[spmem:s20] =	stream.indirect.scatter.add.f32 @p0 [tilespmem:s26], [sflag:$0x6], $0x40, s6, s17, $0xb8;
	[tilespmem:$0x1EDC0] =	vst v63  }
0xd7: {  	_ = 	snop  }
0xd8: {  	[spmem:s3] =	stream.indirect.scatter.add.f32 @!p0 [tilespmem:s15], [sflag:$0xA], $0x10, s5, s14, $0xb8;
	[tilespmem:$0x1EDC0] =	vst v63  }
0xd9: {  	_ =	swait.ge @!p0 [sflag:s23], $0x1900  }
0xda: {  	s21 =	sshra.s32 @!p0 s21, $0x2;
	s4 =	simm.s32 @!p0 $0xBB80;
	[sflag:s23] =	ssyncset.done @!p0 $0x0  }
0xdb: {  	s2 =	simm.s32 $0x64;
	s5 =	sadd.s32 @!p0 $0x51A8, s21;
	[sflag:s23] =	ssyncadd.s32 @!p0 $0xFFFFE700  }
0xdc: {  	[spmem:s20] =	stream.indirect.scatter.add.f32 @!p0 [tilespmem:s4], [sflag:$0x6], $0x40, s5, s14, $0xb8;
	[tilespmem:$0x1EDC0] =	vst v63  }
0xdd: {  	_ = 	snop  }
0xde: {  	[spmem:s3] =	stream.indirect.scatter.add.f32 @!p0 [tilespmem:s15], [sflag:$0xB], $0x10, s5, s14, $0xb8;
	[tilespmem:$0x1EDC0] =	vst v63  }
0xdf: {  	_ =	swait.ge [sflag:s11], $0x1900  }
0xe0: {  	[sflag:s11] =	ssyncset.done $0x0  }
0xe1: {  	s5 =	sadd.s32 $0x5210, s8;
	[sflag:s11] =	ssyncadd.s32 $0xFFFFE700  }
0xe2: {  	[spmem:s20] =	stream.indirect.scatter.add.f32 [tilespmem:s18], [sflag:$0x7], $0x40, s5, s2, $0xb8;
	[tilespmem:$0x1EDC0] =	vst v63  }
0xe3: {  	_ =	swait.ge @p0 [sflag:s25], $0x1900  }
0xe4: {  	[sflag:s25] =	ssyncset.done @p0 $0x0  }
0xe5: {  	s16 =	simm.s32 @p0 $0xED80;
	s6 =	sadd.s32 @p0 $0x5278, s29;
	[sflag:s25] =	ssyncadd.s32 @p0 $0xFFFFE700  }
0xe6: {  	[spmem:s20] =	stream.indirect.scatter.add.f32 @p0 [tilespmem:s16], [sflag:$0x8], $0x40, s6, s17, $0xb8;
	[tilespmem:$0x1EDC0] =	vst v63  }
0xe7: {  	_ =	swait.ge @p0 [sflag:s24], $0x1900  }
0xe8: {  	[sflag:s24] =	ssyncset.done @p0 $0x0  }
0xe9: {  	[sflag:s24] =	ssyncadd.s32 @p0 $0xFFFFE700  }
0xea: {  	[spmem:s3] =	stream.indirect.scatter.add.f32 @!p0 [tilespmem:s15], [sflag:$0xC], $0x10, s5, s14, $0xb8;
	[tilespmem:$0x1EDC0] =	vst v63  }
0xeb: {  	s5 =	simm.s32 @!p0 $0x4  }
0xec: {  	_ =	swait.ge @!p0 [sflag:s5], $0x1900  }
0xed: {  	[sflag:s5] =	ssyncset.done @!p0 $0x0  }
0xee: {  	s6 =	simm.s32 @!p0 $0xED80;
	[sflag:s5] =	ssyncadd.s32 @!p0 $0xFFFFE700;
	s5 =	sadd.s32 @!p0 $0x5278, s21  }
0xef: {  	[spmem:s20] =	stream.indirect.scatter.add.f32 @!p0 [tilespmem:s6], [sflag:$0x8], $0x40, s5, s14, $0xb8;
	[tilespmem:$0x1EDC0] =	vst v63  }
0xf0: {  	_ = 	snop  }
0xf1: {  	[spmem:s3] =	stream.indirect.scatter.add.f32 @!p0 [tilespmem:s15], [sflag:$0xD], $0x10, s5, s14, $0xb8;
	[tilespmem:$0x1EDC0] =	vst v63  }
0xf2: {  	_ =	swait.ge @!p0 [sflag:s19], $0x1900  }
0xf3: {  	[sflag:s19] =	ssyncset.done @!p0 $0x0  }
0xf4: {  	[sflag:s19] =	ssyncadd.s32 @!p0 $0xFFFFE700  }
0xf5: {  	_ =	swait.ge @!p0 [sflag:s22], $0x640  }
0xf6: {  	[sflag:s22] =	ssyncset.done @!p0 $0x0  }
0xf7: {  	s5 =	sadd.s32 $0x1A0, s8;
	[sflag:s22] =	ssyncadd.s32 @!p0 $0xFFFFF9C0  }
0xf8: {  	[tilespmem:s9], [sflag:$0x1] =	stream.indirect.gather [hbm4b:s7+s2], $0x40, s5, s2, $0xb8;
	[tilespmem:$0x1EDC0] =	vst v63  }
0xf9: {  	_ =	swait.ge [sflag:s12], $0x1900  }
0xfa: {  	s6 =	simm.s32 @p0 $0xBB80;
	[sflag:s12] =	ssyncset.done $0x0  }
0xfb: {  	s5 =	sadd.s32 @p0 $0x208, s29;
	s29 =	simm.s32 $0x1;
	[sflag:s12] =	ssyncadd.s32 $0xFFFFE700  }
0xfc: {  	[tilespmem:s26], [sflag:$0x2] =	stream.indirect.gather @p0 [hbm4b:s7+s17], $0x40, s5, s17, $0xb8;
	[tilespmem:$0x1EDC0] =	vst v63  }
0xfd: {  	_ =	swait.ge @p0 [sflag:s13], $0x1900  }
0xfe: {  	[sflag:s13] =	ssyncset.done @p0 $0x0  }
0xff: {  	[sflag:s13] =	ssyncadd.s32 @p0 $0xFFFFE700  }
0x100: {  	_ =	swait.ge @!p0 [sflag:s28], $0x640  }
0x101: {  	[sflag:s28] =	ssyncset.done @!p0 $0x0  }
0x102: {  	s5 =	sadd.s32 @!p0 $0x208, s21;
	s21 =	simm.s32 $0xED80;
	[sflag:s28] =	ssyncadd.s32 @!p0 $0xFFFFF9C0  }
0x103: {  	[tilespmem:s4], [sflag:$0x2] =	stream.indirect.gather @!p0 [hbm4b:s7+s14], $0x40, s5, s14, $0xb8;
	[tilespmem:$0x1EDC0] =	vst v63  }
0x104: {  	s26 =	simm.s32 @!p0 $0xBB80;
	s4 =	simm.s32 $0x64  }
0x105: {  	_ =	swait.ge @!p0 [sflag:s1], $0x1900  }
0x106: {  	[sflag:s1] =	ssyncset.done @!p0 $0x0  }
0x107: {  	[sflag:s1] =	ssyncadd.s32 @!p0 $0xFFFFE700  }
0x108: {  	_ =	swait.ge @!p0 [sflag:s31], $0x640  }
0x109: {  	[sflag:s31] =	ssyncset.done @!p0 $0x0  }
0x10a: {  	s2 =	simm.s32 $0xD480;
	s5 =	sadd.s32 $0x270, s8;
	[sflag:s31] =	ssyncadd.s32 @!p0 $0xFFFFF9C0  }
0x10b: {  	[tilespmem:s18], [sflag:$0x3] =	stream.indirect.gather [hbm4b:s7+s4], $0x40, s5, s4, $0xb8;
	[tilespmem:$0x1EDC0] =	vst v63  }
0x10c: {  	_ =	swait.ge [sflag:s10], $0x1900  }
.Ltmp3:
0x10d: {  	[sflag:s10] =	ssyncset.done $0x0;
	(pc) =	sbr.rel @p1 .LBB2_8-.Ltmp3, $4  }
0x10e: {  	[sflag:s10] =	ssyncadd.s32 $0xFFFFE700  }
0x10f: {  	_ =	swait.ge @!p0 [sflag:s30], $0x640  }
0x110: {  	[sflag:s30] =	ssyncset.done @!p0 $0x0  }
0x111: {  	s8 =	sadd.s32 $0x2D8, s8;
	[sflag:s30] =	ssyncadd.s32 @!p0 $0xFFFFF9C0  }
0x112: {  	[tilespmem:s21], [sflag:$0x4] =	stream.indirect.gather [hbm4b:s7+s4], $0x40, s8, s4, $0xb8;
	[tilespmem:$0x1EDC0] =	vst v63  }
0x113: {  	_ =	swait.ge [sflag:s29], $0x1900  }
0x114: {  	[sflag:s29] =	ssyncset.done $0x0  }
0x115: {  	s0 =	simm.s32 $0xA0E0;
	[sflag:s29] =	ssyncadd.s32 $0xFFFFE700  }
0x116: {  	[spmem:s20] =	stream.indirect.scatter.add.f32 [tilespmem:s9], [sflag:$0x5], $0x40, s0, s4, $0xb8;
	[tilespmem:$0x1EDC0] =	vst v63  }
0x117: {  	s0 =	simm.s32 @p0 $0x2  }
0x118: {  	_ =	swait.ge @p0 [sflag:s0], $0x1900  }
0x119: {  	[sflag:s0] =	ssyncset.done @p0 $0x0  }
0x11a: {  	s5 =	simm.s32 @p0 $0x64;
	[sflag:s0] =	ssyncadd.s32 @p0 $0xFFFFE700;
	s0 =	simm.s32 @p0 $0xA148  }
0x11b: {  	[spmem:s20] =	stream.indirect.scatter.add.f32 @p0 [tilespmem:s6], [sflag:$0x6], $0x40, s0, s5, $0xb8;
	[tilespmem:$0x1EDC0] =	vst v63  }
0x11c: {  	s0 =	simm.s32 @!p0 $0xA0E0  }
0x11d: {  	[spmem:s3] =	stream.indirect.scatter.add.f32 @!p0 [tilespmem:s15], [sflag:$0xA], $0x10, s0, s14, $0xb8;
	[tilespmem:$0x1EDC0] =	vst v63  }
0x11e: {  	_ =	swait.ge @!p0 [sflag:s23], $0x1900  }
0x11f: {  	[sflag:s23] =	ssyncset.done @!p0 $0x0  }
0x120: {  	s0 =	simm.s32 @!p0 $0xA148;
	[sflag:s23] =	ssyncadd.s32 @!p0 $0xFFFFE700  }
0x121: {  	[spmem:s20] =	stream.indirect.scatter.add.f32 @!p0 [tilespmem:s26], [sflag:$0x6], $0x40, s0, s14, $0xb8;
	[tilespmem:$0x1EDC0] =	vst v63  }
0x122: {  	_ = 	snop  }
0x123: {  	[spmem:s3] =	stream.indirect.scatter.add.f32 @!p0 [tilespmem:s15], [sflag:$0xB], $0x10, s0, s14, $0xb8;
	[tilespmem:$0x1EDC0] =	vst v63  }
0x124: {  	_ =	swait.ge [sflag:s11], $0x1900  }
0x125: {  	[sflag:s11] =	ssyncset.done $0x0  }
0x126: {  	s23 =	simm.s32 $0xA1B0;
	[sflag:s11] =	ssyncadd.s32 $0xFFFFE700  }
0x127: {  	[spmem:s20] =	stream.indirect.scatter.add.f32 [tilespmem:s2], [sflag:$0x7], $0x40, s23, s4, $0xb8;
	[tilespmem:$0x1EDC0] =	vst v63  }
0x128: {  	_ =	swait.ge @p0 [sflag:s25], $0x1900  }
0x129: {  	[sflag:s25] =	ssyncset.done @p0 $0x0  }
0x12a: {  	s0 =	simm.s32 @p0 $0xA218;
	s2 =	simm.s32 @p0 $0xED80;
	[sflag:s25] =	ssyncadd.s32 @p0 $0xFFFFE700  }
0x12b: {  	[spmem:s20] =	stream.indirect.scatter.add.f32 @p0 [tilespmem:s2], [sflag:$0x8], $0x40, s0, s5, $0xb8;
	[tilespmem:$0x1EDC0] =	vst v63  }
0x12c: {  	_ =	swait.ge @p0 [sflag:s24], $0x1900  }
0x12d: {  	[sflag:s24] =	ssyncset.done @p0 $0x0  }
0x12e: {  	s0 =	simm.s32 @p0 $0x6;
	[sflag:s24] =	ssyncadd.s32 @p0 $0xFFFFE700  }
0x12f: {  	_ =	swait.ge @p0 [sflag:s0], $0x1900  }
0x130: {  	[sflag:s0] =	ssyncset.done @p0 $0x0  }
0x131: {  	[sflag:s0] =	ssyncadd.s32 @p0 $0xFFFFE700  }
0x132: {  	_ =	swait.ge @p0 [sflag:s13], $0x1900  }
0x133: {  	[sflag:s13] =	ssyncset.done @p0 $0x0  }
0x134: {  	s0 =	simm.s32 @p0 $0x8;
	[sflag:s13] =	ssyncadd.s32 @p0 $0xFFFFE700  }
0x135: {  	_ =	swait.ge @p0 [sflag:s0], $0x1900  }
0x136: {  	[sflag:s0] =	ssyncset.done @p0 $0x0  }
0x137: {  	[sflag:s0] =	ssyncadd.s32 @p0 $0xFFFFE700;
	s0 =	simm.s32 @!p0 $0xA1B0  }
0x138: {  	[spmem:s3] =	stream.indirect.scatter.add.f32 @!p0 [tilespmem:s15], [sflag:$0xC], $0x10, s0, s14, $0xb8;
	[tilespmem:$0x1EDC0] =	vst v63  }
0x139: {  	s0 =	simm.s32 @!p0 $0x4  }
0x13a: {  	_ =	swait.ge @!p0 [sflag:s0], $0x1900  }
0x13b: {  	[sflag:s0] =	ssyncset.done @!p0 $0x0  }
0x13c: {  	s5 =	simm.s32 @!p0 $0xED80;
	[sflag:s0] =	ssyncadd.s32 @!p0 $0xFFFFE700;
	s0 =	simm.s32 @!p0 $0xA218  }
0x13d: {  	[spmem:s20] =	stream.indirect.scatter.add.f32 @!p0 [tilespmem:s5], [sflag:$0x8], $0x40, s0, s14, $0xb8;
	[tilespmem:$0x1EDC0] =	vst v63  }
0x13e: {  	_ = 	snop  }
0x13f: {  	[spmem:s3] =	stream.indirect.scatter.add.f32 @!p0 [tilespmem:s15], [sflag:$0xD], $0x10, s0, s14, $0xb8;
	[tilespmem:$0x1EDC0] =	vst v63  }
0x140: {  	_ =	swait.ge @!p0 [sflag:s19], $0x1900  }
0x141: {  	[sflag:s19] =	ssyncset.done @!p0 $0x0  }
0x142: {  	[sflag:s19] =	ssyncadd.s32 @!p0 $0xFFFFE700  }
0x143: {  	_ =	swait.ge @!p0 [sflag:s22], $0x640  }
0x144: {  	[sflag:s22] =	ssyncset.done @!p0 $0x0  }
0x145: {  	s0 =	simm.s32 @!p0 $0x6;
	[sflag:s22] =	ssyncadd.s32 @!p0 $0xFFFFF9C0  }
0x146: {  	_ =	swait.ge @!p0 [sflag:s0], $0x1900  }
0x147: {  	[sflag:s0] =	ssyncset.done @!p0 $0x0  }
0x148: {  	[sflag:s0] =	ssyncadd.s32 @!p0 $0xFFFFE700  }
0x149: {  	_ =	swait.ge @!p0 [sflag:s28], $0x640  }
0x14a: {  	[sflag:s28] =	ssyncset.done @!p0 $0x0  }
0x14b: {  	[sflag:s28] =	ssyncadd.s32 @!p0 $0xFFFFF9C0  }
0x14c: {  	_ =	swait.ge @!p0 [sflag:s1], $0x1900  }
0x14d: {  	[sflag:s1] =	ssyncset.done @!p0 $0x0  }
0x14e: {  	[sflag:s1] =	ssyncadd.s32 @!p0 $0xFFFFE700  }
0x14f: {  	_ =	swait.ge @!p0 [sflag:s31], $0x640  }
0x150: {  	[sflag:s31] =	ssyncset.done @!p0 $0x0  }
0x151: {  	s0 =	simm.s32 @!p0 $0x8;
	[sflag:s31] =	ssyncadd.s32 @!p0 $0xFFFFF9C0  }
0x152: {  	_ =	swait.ge @!p0 [sflag:s0], $0x1900  }
0x153: {  	[sflag:s0] =	ssyncset.done @!p0 $0x0  }
0x154: {  	[sflag:s0] =	ssyncadd.s32 @!p0 $0xFFFFE700  }
0x155: {  	_ =	swait.ge @!p0 [sflag:s30], $0x640  }
0x156: {  	[sflag:s30] =	ssyncset.done @!p0 $0x0  }
0x157: {  	[sflag:s30] =	ssyncadd.s32 @!p0 $0xFFFFF9C0  }
0x158: {  	s25 =	stileid.u32;
	[bflag:$0x0] =	sbarrier.arrive $0xFFFF  }
0x159: {  	s0 =	sshll.u32 s25, $0x6;
	s26 =	rddreg [dreg:$0x7]  }
0x15a: {  	s6 =	simm.s32 $0xE;
	s0 =	sor.u32 $0x1C0E, s0;
	s28 =	rddreg [dreg:$0x1a]  }
0x15b: {  	[hbm:s26], [sflag:s0] =	dma.local [spmem:s28], $0x1400  }
0x15c: {  	_ =	swait.ge [sflag:s6], $0x1400  }
0x15d: {  	[sflag:s6] =	ssyncset.done $0x0;
	s1 =	rddreg [dreg:$0x8]  }
0x15e: {  	s5 =	rddreg [dreg:$0x1b];
	[sflag:s6] =	ssyncadd.s32 $0xFFFFEC00  }
0x15f: {  	[hbm:s1], [sflag:s0] =	dma.local @!p0 [spmem:s5], $0x500  }
0x160: {  	s0 =	simm.s32 @!p0 $0xE  }
0x161: {  	_ =	swait.ge @!p0 [sflag:s0], $0x500  }
0x162: {  	s30 =	rddreg [dreg:$0x1c]  }
0x163: {  	s31 =	rddreg [dreg:$0x9];
	s5 =	sadd.s32 $0x1, s30  }
0x164: {  	p1 =	sne.s32 s5, s31  }
.Ltmp4:
0x165: {  	_ = 	snop;
	(pc) =	sbr.rel @p1 .LBB2_1-.Ltmp4, $3  }
0x166: {  	_ =	sdelay $0x1  }
0x167: {  	s10 =	simm.s32 $0x6;
	s9 =	simm.s32 $0xD480;
	[sflag:s0] =	ssyncset.done @!p0 $0x0  }
0x168: {  	s11 =	simm.s32 $0x8;
	s13 =	simm.s32 $0xA280;
	[sflag:s0] =	ssyncadd.s32 @!p0 $0xFFFFFB00  }
0x169: {  	_ =	sfence.sel $0x180000  }
0x16a: {  	[bflag:$0x0] =	sbarrier.arrive $0xFFFF  }
0x16b: {  	_ =	strace $0x90000047  }
0x16c: {  	s0 =	stileid.u32;
	[bflag:$0x2] =	sbarrier.arrive $0xFFFF  }
0x16d: {  	p0 =	sne.s32 s0, $0x0;
	s0 =	rddreg [dreg:$0x4]  }
0x16e: {  	s0 =	sadd.s32 @!p0 $0x100000, s0  }
0x16f: {  	[sflag:s0] =	ssyncadd.tile.s32 @!p0 $0x1;
	_ =	shalt  }
.Lfunc_end2:
_tile_overlayer_lowered:
.L_overlay_start_2:
0x170: {  	(tag) =	ssettag $0x2  }
0x171: {  	s0 =	rddreg [dreg:$0x0];
	s2 =	stileid.u32  }
0x172: {  	s1 =	rddreg [dreg:$0x1];
	p0 =	sne.s32 s2, $0x0  }
0x173: {  	s3 =	rddreg [dreg:$0x2];
	[bflag:$0x3] =	sbarrier.arrive $0xFFFF;
	s2 =	simm.s32 @!p0 $0x1C0E  }
0x174: {  	[timem:s3], [sflag:s2] =	dma.local @!p0 [hbm:s0], s1  }
0x175: {  	s0 =	simm.s32 @!p0 $0xE  }
0x176: {  	_ =	swait.ge @!p0 [sflag:s0], s1  }
0x177: {  	s1 =	ssub.s32 @!p0 $0x0, s1;
	[sflag:s0] =	ssyncset.done @!p0 $0x0  }
0x178: {  	[sflag:s0] =	ssyncadd.s32 @!p0 s1  }
0x179: {  	[bflag:$0x3] =	sbarrier.arrive $0xFFFF  }
0x17a: {  	_ =	shalt  }

</sc_bundles>
